<compile_context>
chip_gen: v7x
topology: tpu7x:2x2x1
jax: 0.10.2.dev20260603
libtpu: 0.0.44.dev20260713+nightly
codegen_flags: <defaults>
</compile_context>

<pallas_src>
import functools

import jax
import jax.numpy as jnp
from jax import lax
from jax.experimental import pallas as pl
from jax.experimental.pallas import tpu as pltpu
from jax.experimental.pallas import tpu_sc as plsc

N_NODES = 100000
D = 128
P = 200000
NEG_NUM = 20
NEG_PAD = 32
Q = 10.0

NW = 32
W = 6272
PPAD = NW * W
C = 112
NCHUNK = W // C
ROWS2D = PPAD // 128


def _sc_scores_body(table, node_h, pos_h, neg_h, out_pos, out_neg,
                    idx_n, idx_p, rows_n0, rows_p0, rows_n1, rows_p1,
                    nidx_v, nrows_v, ns_smem, sc_pos, sc_neg,
                    semn0, semp0, semn1, semp1, sem):
    wid = lax.axis_index("s") * 2 + lax.axis_index("c")
    base = wid * W

    cpn = pltpu.async_copy(node_h.at[pl.ds(base, W)], idx_n, semn0)
    cpp = pltpu.async_copy(pos_h.at[pl.ds(base, W)], idx_p, semp0)

    pltpu.sync_copy(neg_h, nidx_v)
    pltpu.async_copy(table.at[nidx_v], nrows_v, sem).wait()
    for k in range(D // 16):
        acc = nrows_v[0, pl.ds(k * 16, 16)]
        for j in range(1, NEG_NUM):
            acc = acc + nrows_v[j, pl.ds(k * 16, 16)]
        for j in range(16):
            ns_smem[k * 16 + j] = acc[j]
    cpn.wait()
    cpp.wait()

    rows_n = (rows_n0, rows_n1)
    rows_p = (rows_p0, rows_p1)
    semn = (semn0, semn1)
    semp = (semp0, semp1)

    def issue(c, b):
        off = c * C
        pltpu.async_copy(table.at[idx_n.at[pl.ds(off, C)]], rows_n[b],
                         semn[b])
        pltpu.async_copy(table.at[idx_p.at[pl.ds(off, C)]], rows_p[b],
                         semp[b])

    issue(0, 0)
    issue(1, 1)

    iota16 = lax.iota(jnp.int32, 16)

    def compute(c, b):
        pltpu.make_async_copy(table.at[idx_n.at[pl.ds(0, C)]], rows_n[b],
                              semn[b]).wait()
        pltpu.make_async_copy(table.at[idx_p.at[pl.ds(0, C)]], rows_p[b],
                              semp[b]).wait()
        rn, rp = rows_n[b], rows_p[b]
        for g in range(C // 16):
            rowv = iota16 + (g * 16)
            zf = jnp.zeros((16,), jnp.float32)

            def dbody(d, carry):
                colv, accp, accn = carry
                a = plsc.load_gather(rn, [rowv, colv])
                bb = plsc.load_gather(rp, [rowv, colv])
                nsd = ns_smem[d]
                accp = accp + a * bb
                accn = accn + a * nsd
                return (colv + 1, accp, accn)

            _, accp, accn = lax.fori_loop(
                0, D, dbody, (jnp.zeros((16,), jnp.int32), zf, zf),
                unroll=8)
            sc_pos[pl.ds(c * C + g * 16, 16)] = accp
            sc_neg[pl.ds(c * C + g * 16, 16)] = accn

    def pair_body(i2, carry):
        for b in range(2):
            c = i2 * 2 + b
            compute(c, b)

            @pl.when(c + 2 < NCHUNK)
            def _():
                issue(c + 2, b)
        return carry

    lax.fori_loop(0, NCHUNK // 2, pair_body, 0)

    pltpu.sync_copy(sc_pos, out_pos.at[pl.ds(base, W)])
    pltpu.sync_copy(sc_neg, out_neg.at[pl.ds(base, W)])


_sc_scores = functools.partial(
    pl.kernel,
    out_type=(jax.ShapeDtypeStruct((PPAD,), jnp.float32),
              jax.ShapeDtypeStruct((PPAD,), jnp.float32)),
    mesh=plsc.VectorSubcoreMesh(core_axis_name="c", subcore_axis_name="s"),
    compiler_params=pltpu.CompilerParams(needs_layout_passes=False),
    scratch_types=[
        pltpu.VMEM((W,), jnp.int32),
        pltpu.VMEM((W,), jnp.int32),
        pltpu.VMEM((C, D), jnp.float32),
        pltpu.VMEM((C, D), jnp.float32),
        pltpu.VMEM((C, D), jnp.float32),
        pltpu.VMEM((C, D), jnp.float32),
        pltpu.VMEM((NEG_PAD,), jnp.int32),
        pltpu.VMEM((NEG_PAD, D), jnp.float32),
        pltpu.SMEM((D,), jnp.float32),
        pltpu.VMEM((W,), jnp.float32),
        pltpu.VMEM((W,), jnp.float32),
        pltpu.SemaphoreType.DMA,
        pltpu.SemaphoreType.DMA,
        pltpu.SemaphoreType.DMA,
        pltpu.SemaphoreType.DMA,
        pltpu.SemaphoreType.DMA,
    ],
)(_sc_scores_body)


def _tc_loss_body(p_ref, n_ref, o_ref):
    x = p_ref[...]
    y = n_ref[...]
    rows = lax.broadcasted_iota(jnp.int32, (ROWS2D, 128), 0)
    cols = lax.broadcasted_iota(jnp.int32, (ROWS2D, 128), 1)
    valid = (rows * 128 + cols) < P

    def sp_neg(t):
        return jnp.maximum(-t, 0.0) + jnp.log1p(jnp.exp(-jnp.abs(t)))

    lp = jnp.where(valid, sp_neg(x), 0.0)
    ln = jnp.where(valid, sp_neg(y), 0.0)
    o_ref[0, 0] = jnp.sum(lp) / P + Q * (jnp.sum(ln) / P)


def _tc_loss(sp, sn):
    return pl.pallas_call(
        _tc_loss_body,
        out_shape=jax.ShapeDtypeStruct((1, 1), jnp.float32),
        out_specs=pl.BlockSpec(memory_space=pltpu.SMEM),
    )(sp, sn)


def kernel(embedding_mat, node_idxs, pos_idxs, neg_idxs):
    pad = jnp.zeros((PPAD - P,), jnp.int32)
    node_pad = jnp.concatenate([node_idxs, pad])
    pos_pad = jnp.concatenate([pos_idxs, pad])
    neg_pad = jnp.concatenate(
        [neg_idxs, jnp.zeros((NEG_PAD - NEG_NUM,), jnp.int32)])
    sp, sn = _sc_scores(embedding_mat, node_pad, pos_pad, neg_pad)
    loss = _tc_loss(sp.reshape(ROWS2D, 128), sn.reshape(ROWS2D, 128))
    return loss.reshape(1)

# --- scband reference (transcript-rebuilt; emitter-appended) ---
"""Pipeline reference for scband-main-loss-3951369912997 (READ-ONLY COPY).

The authoritative reference and input builder live on the scoring server;
editing this copy changes nothing except your own understanding.
"""

import jax, jax.numpy as jnp
import numpy as np

N_NODES = 100000
D = 128
P = 200000
NEG_NUM = 20
Q = 10.0


def _softplus(x):
    # numerically stable log(1 + exp(x)), matches BCEWithLogitsLoss internals
    return jnp.logaddexp(x, 0.0)


def setup_inputs(seed: int = 0) -> dict:
    key = jax.random.key(seed)
    k1, k2, k3, k4 = jax.random.split(key, 4)
    embedding_mat = jax.random.normal(k1, (N_NODES, D), dtype=jnp.float32)
    node_idxs = jax.random.randint(k2, (P,), 0, N_NODES, dtype=jnp.int32)
    pos_idxs = jax.random.randint(k3, (P,), 0, N_NODES, dtype=jnp.int32)
    neg_idxs = jax.random.randint(k4, (NEG_NUM,), 0, N_NODES, dtype=jnp.int32)
    return {
        "embedding_mat": embedding_mat,
        "node_idxs": node_idxs,
        "pos_idxs": pos_idxs,
        "neg_idxs": neg_idxs,
    }


def reference(embedding_mat, node_idxs, pos_idxs, neg_idxs):
    # single-timestamp instantiation of MainLoss.forward with the Python-side
    # neighbor/negative sampling precomputed into flat index tensors
    src = jnp.take(embedding_mat, node_idxs, axis=0)            # [P, D] gather
    pos = jnp.take(embedding_mat, pos_idxs, axis=0)             # [P, D] gather
    neg = jnp.take(embedding_mat, neg_idxs, axis=0)             # [NEG_NUM, D] gather

    pos_score = jnp.sum(src * pos, axis=1)                      # [P]
    neg_score = -1.0 * jnp.sum(src @ neg.T, axis=1)             # [P]

    # BCEWithLogitsLoss(x, 1) = softplus(-x); BCEWithLogitsLoss(x, 0) = softplus(x)
    loss_val = jnp.mean(_softplus(-pos_score)) + Q * jnp.mean(_softplus(neg_score))
    loss_val_sum = jnp.reshape(loss_val, (1,))                  # torch returns shape [1]
    return loss_val_sum

if __name__ == "__main__":
    import jax
    _d = setup_inputs()
    print(jax.jit(kernel)(*tuple(_d.values())))

</pallas_src>

<mosaic_0001>
#map = affine_map<(d0, d1) -> (0, 0)>
#map1 = affine_map<(d0, d1) -> (0)>
module attributes {stable_mosaic.version = 14 : i64} {
  func.func @_sc_scores_body(%arg0: i32, %arg1: i32, %arg2: memref<100000x128xf32, #tpu.memory_space<hbm>>, %arg3: memref<200704xi32, #tpu.memory_space<hbm>>, %arg4: memref<200704xi32, #tpu.memory_space<hbm>>, %arg5: memref<32xi32, #tpu.memory_space<hbm>>, %arg6: memref<200704xf32, #tpu.memory_space<hbm>>, %arg7: memref<200704xf32, #tpu.memory_space<hbm>>, %arg8: memref<6272xi32, #tpu.memory_space<vmem>>, %arg9: memref<6272xi32, #tpu.memory_space<vmem>>, %arg10: memref<112x128xf32, #tpu.memory_space<vmem>>, %arg11: memref<112x128xf32, #tpu.memory_space<vmem>>, %arg12: memref<112x128xf32, #tpu.memory_space<vmem>>, %arg13: memref<112x128xf32, #tpu.memory_space<vmem>>, %arg14: memref<32xi32, #tpu.memory_space<vmem>>, %arg15: memref<32x128xf32, #tpu.memory_space<vmem>>, %arg16: memref<128xf32, #tpu.memory_space<smem>>, %arg17: memref<6272xf32, #tpu.memory_space<vmem>>, %arg18: memref<6272xf32, #tpu.memory_space<vmem>>, %arg19: memref<!tpu.dma_semaphore, #tpu.memory_space<semaphore_mem>>, %arg20: memref<!tpu.dma_semaphore, #tpu.memory_space<semaphore_mem>>, %arg21: memref<!tpu.dma_semaphore, #tpu.memory_space<semaphore_mem>>, %arg22: memref<!tpu.dma_semaphore, #tpu.memory_space<semaphore_mem>>, %arg23: memref<!tpu.dma_semaphore, #tpu.memory_space<semaphore_mem>>) attributes {dimension_semantics = [#tpu.dimension_semantics<core_parallel>, #tpu.dimension_semantics<subcore_parallel>], iteration_bounds = array<i64: 2, 16>, scalar_prefetch = 0 : i64, scratch_operands = 16 : i64, tpu.core_type = #tpu.core_type<sc_vector_subcore>, window_params = [{transform_indices = #map}, {transform_indices = #map1}, {transform_indices = #map1}, {transform_indices = #map1}, {transform_indices = #map1}, {transform_indices = #map1}]} {
    %mul3A = arith.constant 2 : i32
    %mul3A_0 = arith.muli %arg1, %mul3A : i32
    %add3A = arith.addi %mul3A_0, %arg0 : i32
    %mul3A_1 = arith.constant 6272 : i32
    %mul3A_2 = arith.muli %add3A, %mul3A_1 : i32
    %dma_start3A = tpu.memref_slice %arg3[%mul3A_2] : memref<200704xi32, #tpu.memory_space<hbm>> -> memref<6272xi32, #tpu.memory_space<hbm>>
    %dma_start3A_3 = tpu.memref_slice %arg3[%mul3A_2] : memref<200704xi32, #tpu.memory_space<hbm>> -> memref<6272xi32, #tpu.memory_space<hbm>>
    tpu.enqueue_dma source(%dma_start3A_3 : memref<6272xi32, #tpu.memory_space<hbm>>) target(%arg8 : memref<6272xi32, #tpu.memory_space<vmem>>) target_semaphore(%arg19 : memref<!tpu.dma_semaphore, #tpu.memory_space<semaphore_mem>>)
    %dma_start3A_4 = tpu.memref_slice %arg4[%mul3A_2] : memref<200704xi32, #tpu.memory_space<hbm>> -> memref<6272xi32, #tpu.memory_space<hbm>>
    %dma_start3A_5 = tpu.memref_slice %arg4[%mul3A_2] : memref<200704xi32, #tpu.memory_space<hbm>> -> memref<6272xi32, #tpu.memory_space<hbm>>
    tpu.enqueue_dma source(%dma_start3A_5 : memref<6272xi32, #tpu.memory_space<hbm>>) target(%arg9 : memref<6272xi32, #tpu.memory_space<vmem>>) target_semaphore(%arg20 : memref<!tpu.dma_semaphore, #tpu.memory_space<semaphore_mem>>)
    "tpu.region"() ({
      %run_scoped3A = tpu.sem_alloc : memref<!tpu.dma_semaphore, #tpu.memory_space<semaphore_mem>>
      tpu.enqueue_dma source(%arg5 : memref<32xi32, #tpu.memory_space<hbm>>) target(%arg14 : memref<32xi32, #tpu.memory_space<vmem>>) target_semaphore(%run_scoped3A : memref<!tpu.dma_semaphore, #tpu.memory_space<semaphore_mem>>)
      tpu.wait_dma2 semaphore(%run_scoped3A : memref<!tpu.dma_semaphore, #tpu.memory_space<semaphore_mem>>) src(%arg5 : memref<32xi32, #tpu.memory_space<hbm>>) dst(%arg14 : memref<32xi32, #tpu.memory_space<vmem>>)
      tpu.yield
    }) : () -> ()
    %dma_start3A_6 = arith.constant 0 : i32
    %dma_start3A_7 = arith.constant 0 : i32
    %dma_start3A_8 = tpu.memref_slice %arg2[%dma_start3A_6, %dma_start3A_7] : memref<100000x128xf32, #tpu.memory_space<hbm>> -> memref<100000x128xf32, #tpu.memory_space<hbm>>
    tpu.enqueue_indirect_dma source(%dma_start3A_8 : memref<100000x128xf32, #tpu.memory_space<hbm>>) target(%arg15 : memref<32x128xf32, #tpu.memory_space<vmem>>) offsets(%arg14 : memref<32xi32, #tpu.memory_space<vmem>>) semaphore(%arg23 : memref<!tpu.dma_semaphore, #tpu.memory_space<semaphore_mem>>)
    %dma_wait3A = arith.constant 0 : i32
    %dma_wait3A_9 = arith.constant 0 : i32
    %dma_wait3A_10 = tpu.memref_slice %arg2[%dma_wait3A, %dma_wait3A_9] : memref<100000x128xf32, #tpu.memory_space<hbm>> -> memref<100000x128xf32, #tpu.memory_space<hbm>>
    tpu.wait_indirect_dma semaphore(%arg23 : memref<!tpu.dma_semaphore, #tpu.memory_space<semaphore_mem>>) src(%dma_wait3A_10 : memref<100000x128xf32, #tpu.memory_space<hbm>>) dst(%arg15 : memref<32x128xf32, #tpu.memory_space<vmem>>)
    %get3A = arith.constant 0 : i32
    %get3A_11 = arith.index_cast %get3A : i32 to index
    %get3A_12 = arith.constant 0 : index
    %get3A_13 = tpu.vector_load %arg15[%get3A_11, %get3A_12] {strides = array<i32>} : memref<32x128xf32, #tpu.memory_space<vmem>>, vector<16xf32>,
    %get3A_14 = arith.constant 1 : i32
    %get3A_15 = arith.index_cast %get3A_14 : i32 to index
    %get3A_16 = arith.constant 0 : index
    %get3A_17 = tpu.vector_load %arg15[%get3A_15, %get3A_16] {strides = array<i32>} : memref<32x128xf32, #tpu.memory_space<vmem>>, vector<16xf32>,
    %add3A_18 = arith.addf %get3A_13, %get3A_17 : vector<16xf32>
    %get3A_19 = arith.constant 2 : i32
    %get3A_20 = arith.index_cast %get3A_19 : i32 to index
    %get3A_21 = arith.constant 0 : index
    %get3A_22 = tpu.vector_load %arg15[%get3A_20, %get3A_21] {strides = array<i32>} : memref<32x128xf32, #tpu.memory_space<vmem>>, vector<16xf32>,
    %add3A_23 = arith.addf %add3A_18, %get3A_22 : vector<16xf32>
    %get3A_24 = arith.constant 3 : i32
    %get3A_25 = arith.index_cast %get3A_24 : i32 to index
    %get3A_26 = arith.constant 0 : index
    %get3A_27 = tpu.vector_load %arg15[%get3A_25, %get3A_26] {strides = array<i32>} : memref<32x128xf32, #tpu.memory_space<vmem>>, vector<16xf32>,
    %add3A_28 = arith.addf %add3A_23, %get3A_27 : vector<16xf32>
    %get3A_29 = arith.constant 4 : i32
    %get3A_30 = arith.index_cast %get3A_29 : i32 to index
    %get3A_31 = arith.constant 0 : index
    %get3A_32 = tpu.vector_load %arg15[%get3A_30, %get3A_31] {strides = array<i32>} : memref<32x128xf32, #tpu.memory_space<vmem>>, vector<16xf32>,
    %add3A_33 = arith.addf %add3A_28, %get3A_32 : vector<16xf32>
    %get3A_34 = arith.constant 5 : i32
    %get3A_35 = arith.index_cast %get3A_34 : i32 to index
    %get3A_36 = arith.constant 0 : index
    %get3A_37 = tpu.vector_load %arg15[%get3A_35, %get3A_36] {strides = array<i32>} : memref<32x128xf32, #tpu.memory_space<vmem>>, vector<16xf32>,
    %add3A_38 = arith.addf %add3A_33, %get3A_37 : vector<16xf32>
    %get3A_39 = arith.constant 6 : i32
    %get3A_40 = arith.index_cast %get3A_39 : i32 to index
    %get3A_41 = arith.constant 0 : index
    %get3A_42 = tpu.vector_load %arg15[%get3A_40, %get3A_41] {strides = array<i32>} : memref<32x128xf32, #tpu.memory_space<vmem>>, vector<16xf32>,
    %add3A_43 = arith.addf %add3A_38, %get3A_42 : vector<16xf32>
    %get3A_44 = arith.constant 7 : i32
    %get3A_45 = arith.index_cast %get3A_44 : i32 to index
    %get3A_46 = arith.constant 0 : index
    %get3A_47 = tpu.vector_load %arg15[%get3A_45, %get3A_46] {strides = array<i32>} : memref<32x128xf32, #tpu.memory_space<vmem>>, vector<16xf32>,
    %add3A_48 = arith.addf %add3A_43, %get3A_47 : vector<16xf32>
    %get3A_49 = arith.constant 8 : i32
    %get3A_50 = arith.index_cast %get3A_49 : i32 to index
    %get3A_51 = arith.constant 0 : index
    %get3A_52 = tpu.vector_load %arg15[%get3A_50, %get3A_51] {strides = array<i32>} : memref<32x128xf32, #tpu.memory_space<vmem>>, vector<16xf32>,
    %add3A_53 = arith.addf %add3A_48, %get3A_52 : vector<16xf32>
    %get3A_54 = arith.constant 9 : i32
    %get3A_55 = arith.index_cast %get3A_54 : i32 to index
    %get3A_56 = arith.constant 0 : index
    %get3A_57 = tpu.vector_load %arg15[%get3A_55, %get3A_56] {strides = array<i32>} : memref<32x128xf32, #tpu.memory_space<vmem>>, vector<16xf32>,
    %add3A_58 = arith.addf %add3A_53, %get3A_57 : vector<16xf32>
    %get3A_59 = arith.constant 10 : i32
    %get3A_60 = arith.index_cast %get3A_59 : i32 to index
    %get3A_61 = arith.constant 0 : index
    %get3A_62 = tpu.vector_load %arg15[%get3A_60, %get3A_61] {strides = array<i32>} : memref<32x128xf32, #tpu.memory_space<vmem>>, vector<16xf32>,
    %add3A_63 = arith.addf %add3A_58, %get3A_62 : vector<16xf32>
    %get3A_64 = arith.constant 11 : i32
    %get3A_65 = arith.index_cast %get3A_64 : i32 to index
    %get3A_66 = arith.constant 0 : index
    %get3A_67 = tpu.vector_load %arg15[%get3A_65, %get3A_66] {strides = array<i32>} : memref<32x128xf32, #tpu.memory_space<vmem>>, vector<16xf32>,
    %add3A_68 = arith.addf %add3A_63, %get3A_67 : vector<16xf32>
    %get3A_69 = arith.constant 12 : i32
    %get3A_70 = arith.index_cast %get3A_69 : i32 to index
    %get3A_71 = arith.constant 0 : index
    %get3A_72 = tpu.vector_load %arg15[%get3A_70, %get3A_71] {strides = array<i32>} : memref<32x128xf32, #tpu.memory_space<vmem>>, vector<16xf32>,
    %add3A_73 = arith.addf %add3A_68, %get3A_72 : vector<16xf32>
    %get3A_74 = arith.constant 13 : i32
    %get3A_75 = arith.index_cast %get3A_74 : i32 to index
    %get3A_76 = arith.constant 0 : index
    %get3A_77 = tpu.vector_load %arg15[%get3A_75, %get3A_76] {strides = array<i32>} : memref<32x128xf32, #tpu.memory_space<vmem>>, vector<16xf32>,
    %add3A_78 = arith.addf %add3A_73, %get3A_77 : vector<16xf32>
    %get3A_79 = arith.constant 14 : i32
    %get3A_80 = arith.index_cast %get3A_79 : i32 to index
    %get3A_81 = arith.constant 0 : index
    %get3A_82 = tpu.vector_load %arg15[%get3A_80, %get3A_81] {strides = array<i32>} : memref<32x128xf32, #tpu.memory_space<vmem>>, vector<16xf32>,
    %add3A_83 = arith.addf %add3A_78, %get3A_82 : vector<16xf32>
    %get3A_84 = arith.constant 15 : i32
    %get3A_85 = arith.index_cast %get3A_84 : i32 to index
    %get3A_86 = arith.constant 0 : index
    %get3A_87 = tpu.vector_load %arg15[%get3A_85, %get3A_86] {strides = array<i32>} : memref<32x128xf32, #tpu.memory_space<vmem>>, vector<16xf32>,
    %add3A_88 = arith.addf %add3A_83, %get3A_87 : vector<16xf32>
    %get3A_89 = arith.constant 16 : i32
    %get3A_90 = arith.index_cast %get3A_89 : i32 to index
    %get3A_91 = arith.constant 0 : index
    %get3A_92 = tpu.vector_load %arg15[%get3A_90, %get3A_91] {strides = array<i32>} : memref<32x128xf32, #tpu.memory_space<vmem>>, vector<16xf32>,
    %add3A_93 = arith.addf %add3A_88, %get3A_92 : vector<16xf32>
    %get3A_94 = arith.constant 17 : i32
    %get3A_95 = arith.index_cast %get3A_94 : i32 to index
    %get3A_96 = arith.constant 0 : index
    %get3A_97 = tpu.vector_load %arg15[%get3A_95, %get3A_96] {strides = array<i32>} : memref<32x128xf32, #tpu.memory_space<vmem>>, vector<16xf32>,
    %add3A_98 = arith.addf %add3A_93, %get3A_97 : vector<16xf32>
    %get3A_99 = arith.constant 18 : i32
    %get3A_100 = arith.index_cast %get3A_99 : i32 to index
    %get3A_101 = arith.constant 0 : index
    %get3A_102 = tpu.vector_load %arg15[%get3A_100, %get3A_101] {strides = array<i32>} : memref<32x128xf32, #tpu.memory_space<vmem>>, vector<16xf32>,
    %add3A_103 = arith.addf %add3A_98, %get3A_102 : vector<16xf32>
    %get3A_104 = arith.constant 19 : i32
    %get3A_105 = arith.index_cast %get3A_104 : i32 to index
    %get3A_106 = arith.constant 0 : index
    %get3A_107 = tpu.vector_load %arg15[%get3A_105, %get3A_106] {strides = array<i32>} : memref<32x128xf32, #tpu.memory_space<vmem>>, vector<16xf32>,
    %add3A_108 = arith.addf %add3A_103, %get3A_107 : vector<16xf32>
    %slice3A = vector.extract_strided_slice %add3A_108 {offsets = [0], sizes = [1], strides = [1]} : vector<16xf32> to vector<1xf32>
    %squeeze3A = vector.extract %slice3A[0] : f32 from vector<1xf32>
    %swap3A = arith.constant 0 : i32
    %swap3A_109 = arith.index_cast %swap3A : i32 to index
    %swap3A_110 = memref.load %arg16[%swap3A_109] : memref<128xf32, #tpu.memory_space<smem>>
    memref.store %squeeze3A, %arg16[%swap3A_109] : memref<128xf32, #tpu.memory_space<smem>>
    %slice3A_111 = vector.extract_strided_slice %add3A_108 {offsets = [1], sizes = [1], strides = [1]} : vector<16xf32> to vector<1xf32>
    %squeeze3A_112 = vector.extract %slice3A_111[0] : f32 from vector<1xf32>
    %swap3A_113 = arith.constant 1 : i32
    %swap3A_114 = arith.index_cast %swap3A_113 : i32 to index
    %swap3A_115 = memref.load %arg16[%swap3A_114] : memref<128xf32, #tpu.memory_space<smem>>
    memref.store %squeeze3A_112, %arg16[%swap3A_114] : memref<128xf32, #tpu.memory_space<smem>>
    %slice3A_116 = vector.extract_strided_slice %add3A_108 {offsets = [2], sizes = [1], strides = [1]} : vector<16xf32> to vector<1xf32>
    %squeeze3A_117 = vector.extract %slice3A_116[0] : f32 from vector<1xf32>
    %swap3A_118 = arith.constant 2 : i32
    %swap3A_119 = arith.index_cast %swap3A_118 : i32 to index
    %swap3A_120 = memref.load %arg16[%swap3A_119] : memref<128xf32, #tpu.memory_space<smem>>
    memref.store %squeeze3A_117, %arg16[%swap3A_119] : memref<128xf32, #tpu.memory_space<smem>>
    %slice3A_121 = vector.extract_strided_slice %add3A_108 {offsets = [3], sizes = [1], strides = [1]} : vector<16xf32> to vector<1xf32>
    %squeeze3A_122 = vector.extract %slice3A_121[0] : f32 from vector<1xf32>
    %swap3A_123 = arith.constant 3 : i32
    %swap3A_124 = arith.index_cast %swap3A_123 : i32 to index
    %swap3A_125 = memref.load %arg16[%swap3A_124] : memref<128xf32, #tpu.memory_space<smem>>
    memref.store %squeeze3A_122, %arg16[%swap3A_124] : memref<128xf32, #tpu.memory_space<smem>>
    %slice3A_126 = vector.extract_strided_slice %add3A_108 {offsets = [4], sizes = [1], strides = [1]} : vector<16xf32> to vector<1xf32>
    %squeeze3A_127 = vector.extract %slice3A_126[0] : f32 from vector<1xf32>
    %swap3A_128 = arith.constant 4 : i32
    %swap3A_129 = arith.index_cast %swap3A_128 : i32 to index
    %swap3A_130 = memref.load %arg16[%swap3A_129] : memref<128xf32, #tpu.memory_space<smem>>
    memref.store %squeeze3A_127, %arg16[%swap3A_129] : memref<128xf32, #tpu.memory_space<smem>>
    %slice3A_131 = vector.extract_strided_slice %add3A_108 {offsets = [5], sizes = [1], strides = [1]} : vector<16xf32> to vector<1xf32>
    %squeeze3A_132 = vector.extract %slice3A_131[0] : f32 from vector<1xf32>
    %swap3A_133 = arith.constant 5 : i32
    %swap3A_134 = arith.index_cast %swap3A_133 : i32 to index
    %swap3A_135 = memref.load %arg16[%swap3A_134] : memref<128xf32, #tpu.memory_space<smem>>
    memref.store %squeeze3A_132, %arg16[%swap3A_134] : memref<128xf32, #tpu.memory_space<smem>>
    %slice3A_136 = vector.extract_strided_slice %add3A_108 {offsets = [6], sizes = [1], strides = [1]} : vector<16xf32> to vector<1xf32>
    %squeeze3A_137 = vector.extract %slice3A_136[0] : f32 from vector<1xf32>
    %swap3A_138 = arith.constant 6 : i32
    %swap3A_139 = arith.index_cast %swap3A_138 : i32 to index
    %swap3A_140 = memref.load %arg16[%swap3A_139] : memref<128xf32, #tpu.memory_space<smem>>
    memref.store %squeeze3A_137, %arg16[%swap3A_139] : memref<128xf32, #tpu.memory_space<smem>>
    %slice3A_141 = vector.extract_strided_slice %add3A_108 {offsets = [7], sizes = [1], strides = [1]} : vector<16xf32> to vector<1xf32>
    %squeeze3A_142 = vector.extract %slice3A_141[0] : f32 from vector<1xf32>
    %swap3A_143 = arith.constant 7 : i32
    %swap3A_144 = arith.index_cast %swap3A_143 : i32 to index
    %swap3A_145 = memref.load %arg16[%swap3A_144] : memref<128xf32, #tpu.memory_space<smem>>
    memref.store %squeeze3A_142, %arg16[%swap3A_144] : memref<128xf32, #tpu.memory_space<smem>>
    %slice3A_146 = vector.extract_strided_slice %add3A_108 {offsets = [8], sizes = [1], strides = [1]} : vector<16xf32> to vector<1xf32>
    %squeeze3A_147 = vector.extract %slice3A_146[0] : f32 from vector<1xf32>
    %swap3A_148 = arith.constant 8 : i32
    %swap3A_149 = arith.index_cast %swap3A_148 : i32 to index
    %swap3A_150 = memref.load %arg16[%swap3A_149] : memref<128xf32, #tpu.memory_space<smem>>
    memref.store %squeeze3A_147, %arg16[%swap3A_149] : memref<128xf32, #tpu.memory_space<smem>>
    %slice3A_151 = vector.extract_strided_slice %add3A_108 {offsets = [9], sizes = [1], strides = [1]} : vector<16xf32> to vector<1xf32>
    %squeeze3A_152 = vector.extract %slice3A_151[0] : f32 from vector<1xf32>
    %swap3A_153 = arith.constant 9 : i32
    %swap3A_154 = arith.index_cast %swap3A_153 : i32 to index
    %swap3A_155 = memref.load %arg16[%swap3A_154] : memref<128xf32, #tpu.memory_space<smem>>
    memref.store %squeeze3A_152, %arg16[%swap3A_154] : memref<128xf32, #tpu.memory_space<smem>>
    %slice3A_156 = vector.extract_strided_slice %add3A_108 {offsets = [10], sizes = [1], strides = [1]} : vector<16xf32> to vector<1xf32>
    %squeeze3A_157 = vector.extract %slice3A_156[0] : f32 from vector<1xf32>
    %swap3A_158 = arith.constant 10 : i32
    %swap3A_159 = arith.index_cast %swap3A_158 : i32 to index
    %swap3A_160 = memref.load %arg16[%swap3A_159] : memref<128xf32, #tpu.memory_space<smem>>
    memref.store %squeeze3A_157, %arg16[%swap3A_159] : memref<128xf32, #tpu.memory_space<smem>>
    %slice3A_161 = vector.extract_strided_slice %add3A_108 {offsets = [11], sizes = [1], strides = [1]} : vector<16xf32> to vector<1xf32>
    %squeeze3A_162 = vector.extract %slice3A_161[0] : f32 from vector<1xf32>
    %swap3A_163 = arith.constant 11 : i32
    %swap3A_164 = arith.index_cast %swap3A_163 : i32 to index
    %swap3A_165 = memref.load %arg16[%swap3A_164] : memref<128xf32, #tpu.memory_space<smem>>
    memref.store %squeeze3A_162, %arg16[%swap3A_164] : memref<128xf32, #tpu.memory_space<smem>>
    %slice3A_166 = vector.extract_strided_slice %add3A_108 {offsets = [12], sizes = [1], strides = [1]} : vector<16xf32> to vector<1xf32>
    %squeeze3A_167 = vector.extract %slice3A_166[0] : f32 from vector<1xf32>
    %swap3A_168 = arith.constant 12 : i32
    %swap3A_169 = arith.index_cast %swap3A_168 : i32 to index
    %swap3A_170 = memref.load %arg16[%swap3A_169] : memref<128xf32, #tpu.memory_space<smem>>
    memref.store %squeeze3A_167, %arg16[%swap3A_169] : memref<128xf32, #tpu.memory_space<smem>>
    %slice3A_171 = vector.extract_strided_slice %add3A_108 {offsets = [13], sizes = [1], strides = [1]} : vector<16xf32> to vector<1xf32>
    %squeeze3A_172 = vector.extract %slice3A_171[0] : f32 from vector<1xf32>
    %swap3A_173 = arith.constant 13 : i32
    %swap3A_174 = arith.index_cast %swap3A_173 : i32 to index
    %swap3A_175 = memref.load %arg16[%swap3A_174] : memref<128xf32, #tpu.memory_space<smem>>
    memref.store %squeeze3A_172, %arg16[%swap3A_174] : memref<128xf32, #tpu.memory_space<smem>>
    %slice3A_176 = vector.extract_strided_slice %add3A_108 {offsets = [14], sizes = [1], strides = [1]} : vector<16xf32> to vector<1xf32>
    %squeeze3A_177 = vector.extract %slice3A_176[0] : f32 from vector<1xf32>
    %swap3A_178 = arith.constant 14 : i32
    %swap3A_179 = arith.index_cast %swap3A_178 : i32 to index
    %swap3A_180 = memref.load %arg16[%swap3A_179] : memref<128xf32, #tpu.memory_space<smem>>
    memref.store %squeeze3A_177, %arg16[%swap3A_179] : memref<128xf32, #tpu.memory_space<smem>>
    %slice3A_181 = vector.extract_strided_slice %add3A_108 {offsets = [15], sizes = [1], strides = [1]} : vector<16xf32> to vector<1xf32>
    %squeeze3A_182 = vector.extract %slice3A_181[0] : f32 from vector<1xf32>
    %swap3A_183 = arith.constant 15 : i32
    %swap3A_184 = arith.index_cast %swap3A_183 : i32 to index
    %swap3A_185 = memref.load %arg16[%swap3A_184] : memref<128xf32, #tpu.memory_space<smem>>
    memref.store %squeeze3A_182, %arg16[%swap3A_184] : memref<128xf32, #tpu.memory_space<smem>>
    %get3A_186 = arith.constant 0 : i32
    %get3A_187 = arith.index_cast %get3A_186 : i32 to index
    %get3A_188 = arith.constant 16 : index
    %get3A_189 = tpu.vector_load %arg15[%get3A_187, %get3A_188] {strides = array<i32>} : memref<32x128xf32, #tpu.memory_space<vmem>>, vector<16xf32>,
    %get3A_190 = arith.constant 1 : i32
    %get3A_191 = arith.index_cast %get3A_190 : i32 to index
    %get3A_192 = arith.constant 16 : index
    %get3A_193 = tpu.vector_load %arg15[%get3A_191, %get3A_192] {strides = array<i32>} : memref<32x128xf32, #tpu.memory_space<vmem>>, vector<16xf32>,
    %add3A_194 = arith.addf %get3A_189, %get3A_193 : vector<16xf32>
    %get3A_195 = arith.constant 2 : i32
    %get3A_196 = arith.index_cast %get3A_195 : i32 to index
    %get3A_197 = arith.constant 16 : index
    %get3A_198 = tpu.vector_load %arg15[%get3A_196, %get3A_197] {strides = array<i32>} : memref<32x128xf32, #tpu.memory_space<vmem>>, vector<16xf32>,
    %add3A_199 = arith.addf %add3A_194, %get3A_198 : vector<16xf32>
    %get3A_200 = arith.constant 3 : i32
    %get3A_201 = arith.index_cast %get3A_200 : i32 to index
    %get3A_202 = arith.constant 16 : index
    %get3A_203 = tpu.vector_load %arg15[%get3A_201, %get3A_202] {strides = array<i32>} : memref<32x128xf32, #tpu.memory_space<vmem>>, vector<16xf32>,
    %add3A_204 = arith.addf %add3A_199, %get3A_203 : vector<16xf32>
    %get3A_205 = arith.constant 4 : i32
    %get3A_206 = arith.index_cast %get3A_205 : i32 to index
    %get3A_207 = arith.constant 16 : index
    %get3A_208 = tpu.vector_load %arg15[%get3A_206, %get3A_207] {strides = array<i32>} : memref<32x128xf32, #tpu.memory_space<vmem>>, vector<16xf32>,
    %add3A_209 = arith.addf %add3A_204, %get3A_208 : vector<16xf32>
    %get3A_210 = arith.constant 5 : i32
    %get3A_211 = arith.index_cast %get3A_210 : i32 to index
    %get3A_212 = arith.constant 16 : index
    %get3A_213 = tpu.vector_load %arg15[%get3A_211, %get3A_212] {strides = array<i32>} : memref<32x128xf32, #tpu.memory_space<vmem>>, vector<16xf32>,
    %add3A_214 = arith.addf %add3A_209, %get3A_213 : vector<16xf32>
    %get3A_215 = arith.constant 6 : i32
    %get3A_216 = arith.index_cast %get3A_215 : i32 to index
    %get3A_217 = arith.constant 16 : index
    %get3A_218 = tpu.vector_load %arg15[%get3A_216, %get3A_217] {strides = array<i32>} : memref<32x128xf32, #tpu.memory_space<vmem>>, vector<16xf32>,
    %add3A_219 = arith.addf %add3A_214, %get3A_218 : vector<16xf32>
    %get3A_220 = arith.constant 7 : i32
    %get3A_221 = arith.index_cast %get3A_220 : i32 to index
    %get3A_222 = arith.constant 16 : index
    %get3A_223 = tpu.vector_load %arg15[%get3A_221, %get3A_222] {strides = array<i32>} : memref<32x128xf32, #tpu.memory_space<vmem>>, vector<16xf32>,
    %add3A_224 = arith.addf %add3A_219, %get3A_223 : vector<16xf32>
    %get3A_225 = arith.constant 8 : i32
    %get3A_226 = arith.index_cast %get3A_225 : i32 to index
    %get3A_227 = arith.constant 16 : index
    %get3A_228 = tpu.vector_load %arg15[%get3A_226, %get3A_227] {strides = array<i32>} : memref<32x128xf32, #tpu.memory_space<vmem>>, vector<16xf32>,
    %add3A_229 = arith.addf %add3A_224, %get3A_228 : vector<16xf32>
    %get3A_230 = arith.constant 9 : i32
    %get3A_231 = arith.index_cast %get3A_230 : i32 to index
    %get3A_232 = arith.constant 16 : index
    %get3A_233 = tpu.vector_load %arg15[%get3A_231, %get3A_232] {strides = array<i32>} : memref<32x128xf32, #tpu.memory_space<vmem>>, vector<16xf32>,
    %add3A_234 = arith.addf %add3A_229, %get3A_233 : vector<16xf32>
    %get3A_235 = arith.constant 10 : i32
    %get3A_236 = arith.index_cast %get3A_235 : i32 to index
    %get3A_237 = arith.constant 16 : index
    %get3A_238 = tpu.vector_load %arg15[%get3A_236, %get3A_237] {strides = array<i32>} : memref<32x128xf32, #tpu.memory_space<vmem>>, vector<16xf32>,
    %add3A_239 = arith.addf %add3A_234, %get3A_238 : vector<16xf32>
    %get3A_240 = arith.constant 11 : i32
    %get3A_241 = arith.index_cast %get3A_240 : i32 to index
    %get3A_242 = arith.constant 16 : index
    %get3A_243 = tpu.vector_load %arg15[%get3A_241, %get3A_242] {strides = array<i32>} : memref<32x128xf32, #tpu.memory_space<vmem>>, vector<16xf32>,
    %add3A_244 = arith.addf %add3A_239, %get3A_243 : vector<16xf32>
    %get3A_245 = arith.constant 12 : i32
    %get3A_246 = arith.index_cast %get3A_245 : i32 to index
    %get3A_247 = arith.constant 16 : index
    %get3A_248 = tpu.vector_load %arg15[%get3A_246, %get3A_247] {strides = array<i32>} : memref<32x128xf32, #tpu.memory_space<vmem>>, vector<16xf32>,
    %add3A_249 = arith.addf %add3A_244, %get3A_248 : vector<16xf32>
    %get3A_250 = arith.constant 13 : i32
    %get3A_251 = arith.index_cast %get3A_250 : i32 to index
    %get3A_252 = arith.constant 16 : index
    %get3A_253 = tpu.vector_load %arg15[%get3A_251, %get3A_252] {strides = array<i32>} : memref<32x128xf32, #tpu.memory_space<vmem>>, vector<16xf32>,
    %add3A_254 = arith.addf %add3A_249, %get3A_253 : vector<16xf32>
    %get3A_255 = arith.constant 14 : i32
    %get3A_256 = arith.index_cast %get3A_255 : i32 to index
    %get3A_257 = arith.constant 16 : index
    %get3A_258 = tpu.vector_load %arg15[%get3A_256, %get3A_257] {strides = array<i32>} : memref<32x128xf32, #tpu.memory_space<vmem>>, vector<16xf32>,
    %add3A_259 = arith.addf %add3A_254, %get3A_258 : vector<16xf32>
    %get3A_260 = arith.constant 15 : i32
    %get3A_261 = arith.index_cast %get3A_260 : i32 to index
    %get3A_262 = arith.constant 16 : index
    %get3A_263 = tpu.vector_load %arg15[%get3A_261, %get3A_262] {strides = array<i32>} : memref<32x128xf32, #tpu.memory_space<vmem>>, vector<16xf32>,
    %add3A_264 = arith.addf %add3A_259, %get3A_263 : vector<16xf32>
    %get3A_265 = arith.constant 16 : i32
    %get3A_266 = arith.index_cast %get3A_265 : i32 to index
    %get3A_267 = arith.constant 16 : index
    %get3A_268 = tpu.vector_load %arg15[%get3A_266, %get3A_267] {strides = array<i32>} : memref<32x128xf32, #tpu.memory_space<vmem>>, vector<16xf32>,
    %add3A_269 = arith.addf %add3A_264, %get3A_268 : vector<16xf32>
    %get3A_270 = arith.constant 17 : i32
    %get3A_271 = arith.index_cast %get3A_270 : i32 to index
    %get3A_272 = arith.constant 16 : index
    %get3A_273 = tpu.vector_load %arg15[%get3A_271, %get3A_272] {strides = array<i32>} : memref<32x128xf32, #tpu.memory_space<vmem>>, vector<16xf32>,
    %add3A_274 = arith.addf %add3A_269, %get3A_273 : vector<16xf32>
    %get3A_275 = arith.constant 18 : i32
    %get3A_276 = arith.index_cast %get3A_275 : i32 to index
    %get3A_277 = arith.constant 16 : index
    %get3A_278 = tpu.vector_load %arg15[%get3A_276, %get3A_277] {strides = array<i32>} : memref<32x128xf32, #tpu.memory_space<vmem>>, vector<16xf32>,
    %add3A_279 = arith.addf %add3A_274, %get3A_278 : vector<16xf32>
    %get3A_280 = arith.constant 19 : i32
    %get3A_281 = arith.index_cast %get3A_280 : i32 to index
    %get3A_282 = arith.constant 16 : index
    %get3A_283 = tpu.vector_load %arg15[%get3A_281, %get3A_282] {strides = array<i32>} : memref<32x128xf32, #tpu.memory_space<vmem>>, vector<16xf32>,
    %add3A_284 = arith.addf %add3A_279, %get3A_283 : vector<16xf32>
    %slice3A_285 = vector.extract_strided_slice %add3A_284 {offsets = [0], sizes = [1], strides = [1]} : vector<16xf32> to vector<1xf32>
    %squeeze3A_286 = vector.extract %slice3A_285[0] : f32 from vector<1xf32>
    %swap3A_287 = arith.constant 16 : i32
    %swap3A_288 = arith.index_cast %swap3A_287 : i32 to index
    %swap3A_289 = memref.load %arg16[%swap3A_288] : memref<128xf32, #tpu.memory_space<smem>>
    memref.store %squeeze3A_286, %arg16[%swap3A_288] : memref<128xf32, #tpu.memory_space<smem>>
    %slice3A_290 = vector.extract_strided_slice %add3A_284 {offsets = [1], sizes = [1], strides = [1]} : vector<16xf32> to vector<1xf32>
    %squeeze3A_291 = vector.extract %slice3A_290[0] : f32 from vector<1xf32>
    %swap3A_292 = arith.constant 17 : i32
    %swap3A_293 = arith.index_cast %swap3A_292 : i32 to index
    %swap3A_294 = memref.load %arg16[%swap3A_293] : memref<128xf32, #tpu.memory_space<smem>>
    memref.store %squeeze3A_291, %arg16[%swap3A_293] : memref<128xf32, #tpu.memory_space<smem>>
    %slice3A_295 = vector.extract_strided_slice %add3A_284 {offsets = [2], sizes = [1], strides = [1]} : vector<16xf32> to vector<1xf32>
    %squeeze3A_296 = vector.extract %slice3A_295[0] : f32 from vector<1xf32>
    %swap3A_297 = arith.constant 18 : i32
    %swap3A_298 = arith.index_cast %swap3A_297 : i32 to index
    %swap3A_299 = memref.load %arg16[%swap3A_298] : memref<128xf32, #tpu.memory_space<smem>>
    memref.store %squeeze3A_296, %arg16[%swap3A_298] : memref<128xf32, #tpu.memory_space<smem>>
    %slice3A_300 = vector.extract_strided_slice %add3A_284 {offsets = [3], sizes = [1], strides = [1]} : vector<16xf32> to vector<1xf32>
    %squeeze3A_301 = vector.extract %slice3A_300[0] : f32 from vector<1xf32>
    %swap3A_302 = arith.constant 19 : i32
    %swap3A_303 = arith.index_cast %swap3A_302 : i32 to index
    %swap3A_304 = memref.load %arg16[%swap3A_303] : memref<128xf32, #tpu.memory_space<smem>>
    memref.store %squeeze3A_301, %arg16[%swap3A_303] : memref<128xf32, #tpu.memory_space<smem>>
    %slice3A_305 = vector.extract_strided_slice %add3A_284 {offsets = [4], sizes = [1], strides = [1]} : vector<16xf32> to vector<1xf32>
    %squeeze3A_306 = vector.extract %slice3A_305[0] : f32 from vector<1xf32>
    %swap3A_307 = arith.constant 20 : i32
    %swap3A_308 = arith.index_cast %swap3A_307 : i32 to index
    %swap3A_309 = memref.load %arg16[%swap3A_308] : memref<128xf32, #tpu.memory_space<smem>>
    memref.store %squeeze3A_306, %arg16[%swap3A_308] : memref<128xf32, #tpu.memory_space<smem>>
    %slice3A_310 = vector.extract_strided_slice %add3A_284 {offsets = [5], sizes = [1], strides = [1]} : vector<16xf32> to vector<1xf32>
    %squeeze3A_311 = vector.extract %slice3A_310[0] : f32 from vector<1xf32>
    %swap3A_312 = arith.constant 21 : i32
    %swap3A_313 = arith.index_cast %swap3A_312 : i32 to index
    %swap3A_314 = memref.load %arg16[%swap3A_313] : memref<128xf32, #tpu.memory_space<smem>>
    memref.store %squeeze3A_311, %arg16[%swap3A_313] : memref<128xf32, #tpu.memory_space<smem>>
    %slice3A_315 = vector.extract_strided_slice %add3A_284 {offsets = [6], sizes = [1], strides = [1]} : vector<16xf32> to vector<1xf32>
    %squeeze3A_316 = vector.extract %slice3A_315[0] : f32 from vector<1xf32>
    %swap3A_317 = arith.constant 22 : i32
    %swap3A_318 = arith.index_cast %swap3A_317 : i32 to index
    %swap3A_319 = memref.load %arg16[%swap3A_318] : memref<128xf32, #tpu.memory_space<smem>>
    memref.store %squeeze3A_316, %arg16[%swap3A_318] : memref<128xf32, #tpu.memory_space<smem>>
    %slice3A_320 = vector.extract_strided_slice %add3A_284 {offsets = [7], sizes = [1], strides = [1]} : vector<16xf32> to vector<1xf32>
    %squeeze3A_321 = vector.extract %slice3A_320[0] : f32 from vector<1xf32>
    %swap3A_322 = arith.constant 23 : i32
    %swap3A_323 = arith.index_cast %swap3A_322 : i32 to index
    %swap3A_324 = memref.load %arg16[%swap3A_323] : memref<128xf32, #tpu.memory_space<smem>>
    memref.store %squeeze3A_321, %arg16[%swap3A_323] : memref<128xf32, #tpu.memory_space<smem>>
    %slice3A_325 = vector.extract_strided_slice %add3A_284 {offsets = [8], sizes = [1], strides = [1]} : vector<16xf32> to vector<1xf32>
    %squeeze3A_326 = vector.extract %slice3A_325[0] : f32 from vector<1xf32>
    %swap3A_327 = arith.constant 24 : i32
    %swap3A_328 = arith.index_cast %swap3A_327 : i32 to index
    %swap3A_329 = memref.load %arg16[%swap3A_328] : memref<128xf32, #tpu.memory_space<smem>>
    memref.store %squeeze3A_326, %arg16[%swap3A_328] : memref<128xf32, #tpu.memory_space<smem>>
    %slice3A_330 = vector.extract_strided_slice %add3A_284 {offsets = [9], sizes = [1], strides = [1]} : vector<16xf32> to vector<1xf32>
    %squeeze3A_331 = vector.extract %slice3A_330[0] : f32 from vector<1xf32>
    %swap3A_332 = arith.constant 25 : i32
    %swap3A_333 = arith.index_cast %swap3A_332 : i32 to index
    %swap3A_334 = memref.load %arg16[%swap3A_333] : memref<128xf32, #tpu.memory_space<smem>>
    memref.store %squeeze3A_331, %arg16[%swap3A_333] : memref<128xf32, #tpu.memory_space<smem>>
    %slice3A_335 = vector.extract_strided_slice %add3A_284 {offsets = [10], sizes = [1], strides = [1]} : vector<16xf32> to vector<1xf32>
    %squeeze3A_336 = vector.extract %slice3A_335[0] : f32 from vector<1xf32>
    %swap3A_337 = arith.constant 26 : i32
    %swap3A_338 = arith.index_cast %swap3A_337 : i32 to index
    %swap3A_339 = memref.load %arg16[%swap3A_338] : memref<128xf32, #tpu.memory_space<smem>>
    memref.store %squeeze3A_336, %arg16[%swap3A_338] : memref<128xf32, #tpu.memory_space<smem>>
    %slice3A_340 = vector.extract_strided_slice %add3A_284 {offsets = [11], sizes = [1], strides = [1]} : vector<16xf32> to vector<1xf32>
    %squeeze3A_341 = vector.extract %slice3A_340[0] : f32 from vector<1xf32>
    %swap3A_342 = arith.constant 27 : i32
    %swap3A_343 = arith.index_cast %swap3A_342 : i32 to index
    %swap3A_344 = memref.load %arg16[%swap3A_343] : memref<128xf32, #tpu.memory_space<smem>>
    memref.store %squeeze3A_341, %arg16[%swap3A_343] : memref<128xf32, #tpu.memory_space<smem>>
    %slice3A_345 = vector.extract_strided_slice %add3A_284 {offsets = [12], sizes = [1], strides = [1]} : vector<16xf32> to vector<1xf32>
    %squeeze3A_346 = vector.extract %slice3A_345[0] : f32 from vector<1xf32>
    %swap3A_347 = arith.constant 28 : i32
    %swap3A_348 = arith.index_cast %swap3A_347 : i32 to index
    %swap3A_349 = memref.load %arg16[%swap3A_348] : memref<128xf32, #tpu.memory_space<smem>>
    memref.store %squeeze3A_346, %arg16[%swap3A_348] : memref<128xf32, #tpu.memory_space<smem>>
    %slice3A_350 = vector.extract_strided_slice %add3A_284 {offsets = [13], sizes = [1], strides = [1]} : vector<16xf32> to vector<1xf32>
    %squeeze3A_351 = vector.extract %slice3A_350[0] : f32 from vector<1xf32>
    %swap3A_352 = arith.constant 29 : i32
    %swap3A_353 = arith.index_cast %swap3A_352 : i32 to index
    %swap3A_354 = memref.load %arg16[%swap3A_353] : memref<128xf32, #tpu.memory_space<smem>>
    memref.store %squeeze3A_351, %arg16[%swap3A_353] : memref<128xf32, #tpu.memory_space<smem>>
    %slice3A_355 = vector.extract_strided_slice %add3A_284 {offsets = [14], sizes = [1], strides = [1]} : vector<16xf32> to vector<1xf32>
    %squeeze3A_356 = vector.extract %slice3A_355[0] : f32 from vector<1xf32>
    %swap3A_357 = arith.constant 30 : i32
    %swap3A_358 = arith.index_cast %swap3A_357 : i32 to index
    %swap3A_359 = memref.load %arg16[%swap3A_358] : memref<128xf32, #tpu.memory_space<smem>>
    memref.store %squeeze3A_356, %arg16[%swap3A_358] : memref<128xf32, #tpu.memory_space<smem>>
    %slice3A_360 = vector.extract_strided_slice %add3A_284 {offsets = [15], sizes = [1], strides = [1]} : vector<16xf32> to vector<1xf32>
    %squeeze3A_361 = vector.extract %slice3A_360[0] : f32 from vector<1xf32>
    %swap3A_362 = arith.constant 31 : i32
    %swap3A_363 = arith.index_cast %swap3A_362 : i32 to index
    %swap3A_364 = memref.load %arg16[%swap3A_363] : memref<128xf32, #tpu.memory_space<smem>>
    memref.store %squeeze3A_361, %arg16[%swap3A_363] : memref<128xf32, #tpu.memory_space<smem>>
    %get3A_365 = arith.constant 0 : i32
    %get3A_366 = arith.index_cast %get3A_365 : i32 to index
    %get3A_367 = arith.constant 32 : index
    %get3A_368 = tpu.vector_load %arg15[%get3A_366, %get3A_367] {strides = array<i32>} : memref<32x128xf32, #tpu.memory_space<vmem>>, vector<16xf32>,
    %get3A_369 = arith.constant 1 : i32
    %get3A_370 = arith.index_cast %get3A_369 : i32 to index
    %get3A_371 = arith.constant 32 : index
    %get3A_372 = tpu.vector_load %arg15[%get3A_370, %get3A_371] {strides = array<i32>} : memref<32x128xf32, #tpu.memory_space<vmem>>, vector<16xf32>,
    %add3A_373 = arith.addf %get3A_368, %get3A_372 : vector<16xf32>
    %get3A_374 = arith.constant 2 : i32
    %get3A_375 = arith.index_cast %get3A_374 : i32 to index
    %get3A_376 = arith.constant 32 : index
    %get3A_377 = tpu.vector_load %arg15[%get3A_375, %get3A_376] {strides = array<i32>} : memref<32x128xf32, #tpu.memory_space<vmem>>, vector<16xf32>,
    %add3A_378 = arith.addf %add3A_373, %get3A_377 : vector<16xf32>
    %get3A_379 = arith.constant 3 : i32
    %get3A_380 = arith.index_cast %get3A_379 : i32 to index
    %get3A_381 = arith.constant 32 : index
    %get3A_382 = tpu.vector_load %arg15[%get3A_380, %get3A_381] {strides = array<i32>} : memref<32x128xf32, #tpu.memory_space<vmem>>, vector<16xf32>,
    %add3A_383 = arith.addf %add3A_378, %get3A_382 : vector<16xf32>
    %get3A_384 = arith.constant 4 : i32
    %get3A_385 = arith.index_cast %get3A_384 : i32 to index
    %get3A_386 = arith.constant 32 : index
    %get3A_387 = tpu.vector_load %arg15[%get3A_385, %get3A_386] {strides = array<i32>} : memref<32x128xf32, #tpu.memory_space<vmem>>, vector<16xf32>,
    %add3A_388 = arith.addf %add3A_383, %get3A_387 : vector<16xf32>
    %get3A_389 = arith.constant 5 : i32
    %get3A_390 = arith.index_cast %get3A_389 : i32 to index
    %get3A_391 = arith.constant 32 : index
    %get3A_392 = tpu.vector_load %arg15[%get3A_390, %get3A_391] {strides = array<i32>} : memref<32x128xf32, #tpu.memory_space<vmem>>, vector<16xf32>,
    %add3A_393 = arith.addf %add3A_388, %get3A_392 : vector<16xf32>
    %get3A_394 = arith.constant 6 : i32
    %get3A_395 = arith.index_cast %get3A_394 : i32 to index
    %get3A_396 = arith.constant 32 : index
    %get3A_397 = tpu.vector_load %arg15[%get3A_395, %get3A_396] {strides = array<i32>} : memref<32x128xf32, #tpu.memory_space<vmem>>, vector<16xf32>,
    %add3A_398 = arith.addf %add3A_393, %get3A_397 : vector<16xf32>
    %get3A_399 = arith.constant 7 : i32
    %get3A_400 = arith.index_cast %get3A_399 : i32 to index
    %get3A_401 = arith.constant 32 : index
    %get3A_402 = tpu.vector_load %arg15[%get3A_400, %get3A_401] {strides = array<i32>} : memref<32x128xf32, #tpu.memory_space<vmem>>, vector<16xf32>,
    %add3A_403 = arith.addf %add3A_398, %get3A_402 : vector<16xf32>
    %get3A_404 = arith.constant 8 : i32
    %get3A_405 = arith.index_cast %get3A_404 : i32 to index
    %get3A_406 = arith.constant 32 : index
    %get3A_407 = tpu.vector_load %arg15[%get3A_405, %get3A_406] {strides = array<i32>} : memref<32x128xf32, #tpu.memory_space<vmem>>, vector<16xf32>,
    %add3A_408 = arith.addf %add3A_403, %get3A_407 : vector<16xf32>
    %get3A_409 = arith.constant 9 : i32
    %get3A_410 = arith.index_cast %get3A_409 : i32 to index
    %get3A_411 = arith.constant 32 : index
    %get3A_412 = tpu.vector_load %arg15[%get3A_410, %get3A_411] {strides = array<i32>} : memref<32x128xf32, #tpu.memory_space<vmem>>, vector<16xf32>,
    %add3A_413 = arith.addf %add3A_408, %get3A_412 : vector<16xf32>
    %get3A_414 = arith.constant 10 : i32
    %get3A_415 = arith.index_cast %get3A_414 : i32 to index
    %get3A_416 = arith.constant 32 : index
    %get3A_417 = tpu.vector_load %arg15[%get3A_415, %get3A_416] {strides = array<i32>} : memref<32x128xf32, #tpu.memory_space<vmem>>, vector<16xf32>,
    %add3A_418 = arith.addf %add3A_413, %get3A_417 : vector<16xf32>
    %get3A_419 = arith.constant 11 : i32
    %get3A_420 = arith.index_cast %get3A_419 : i32 to index
    %get3A_421 = arith.constant 32 : index
    %get3A_422 = tpu.vector_load %arg15[%get3A_420, %get3A_421] {strides = array<i32>} : memref<32x128xf32, #tpu.memory_space<vmem>>, vector<16xf32>,
    %add3A_423 = arith.addf %add3A_418, %get3A_422 : vector<16xf32>
    %get3A_424 = arith.constant 12 : i32
    %get3A_425 = arith.index_cast %get3A_424 : i32 to index
    %get3A_426 = arith.constant 32 : index
    %get3A_427 = tpu.vector_load %arg15[%get3A_425, %get3A_426] {strides = array<i32>} : memref<32x128xf32, #tpu.memory_space<vmem>>, vector<16xf32>,
    %add3A_428 = arith.addf %add3A_423, %get3A_427 : vector<16xf32>
    %get3A_429 = arith.constant 13 : i32
    %get3A_430 = arith.index_cast %get3A_429 : i32 to index
    %get3A_431 = arith.constant 32 : index
    %get3A_432 = tpu.vector_load %arg15[%get3A_430, %get3A_431] {strides = array<i32>} : memref<32x128xf32, #tpu.memory_space<vmem>>, vector<16xf32>,
    %add3A_433 = arith.addf %add3A_428, %get3A_432 : vector<16xf32>
    %get3A_434 = arith.constant 14 : i32
    %get3A_435 = arith.index_cast %get3A_434 : i32 to index
    %get3A_436 = arith.constant 32 : index
    %get3A_437 = tpu.vector_load %arg15[%get3A_435, %get3A_436] {strides = array<i32>} : memref<32x128xf32, #tpu.memory_space<vmem>>, vector<16xf32>,
    %add3A_438 = arith.addf %add3A_433, %get3A_437 : vector<16xf32>
    %get3A_439 = arith.constant 15 : i32
    %get3A_440 = arith.index_cast %get3A_439 : i32 to index
    %get3A_441 = arith.constant 32 : index
    %get3A_442 = tpu.vector_load %arg15[%get3A_440, %get3A_441] {strides = array<i32>} : memref<32x128xf32, #tpu.memory_space<vmem>>, vector<16xf32>,
    %add3A_443 = arith.addf %add3A_438, %get3A_442 : vector<16xf32>
    %get3A_444 = arith.constant 16 : i32
    %get3A_445 = arith.index_cast %get3A_444 : i32 to index
    %get3A_446 = arith.constant 32 : index
    %get3A_447 = tpu.vector_load %arg15[%get3A_445, %get3A_446] {strides = array<i32>} : memref<32x128xf32, #tpu.memory_space<vmem>>, vector<16xf32>,
    %add3A_448 = arith.addf %add3A_443, %get3A_447 : vector<16xf32>
    %get3A_449 = arith.constant 17 : i32
    %get3A_450 = arith.index_cast %get3A_449 : i32 to index
    %get3A_451 = arith.constant 32 : index
    %get3A_452 = tpu.vector_load %arg15[%get3A_450, %get3A_451] {strides = array<i32>} : memref<32x128xf32, #tpu.memory_space<vmem>>, vector<16xf32>,
    %add3A_453 = arith.addf %add3A_448, %get3A_452 : vector<16xf32>
    %get3A_454 = arith.constant 18 : i32
    %get3A_455 = arith.index_cast %get3A_454 : i32 to index
    %get3A_456 = arith.constant 32 : index
    %get3A_457 = tpu.vector_load %arg15[%get3A_455, %get3A_456] {strides = array<i32>} : memref<32x128xf32, #tpu.memory_space<vmem>>, vector<16xf32>,
    %add3A_458 = arith.addf %add3A_453, %get3A_457 : vector<16xf32>
    %get3A_459 = arith.constant 19 : i32
    %get3A_460 = arith.index_cast %get3A_459 : i32 to index
    %get3A_461 = arith.constant 32 : index
    %get3A_462 = tpu.vector_load %arg15[%get3A_460, %get3A_461] {strides = array<i32>} : memref<32x128xf32, #tpu.memory_space<vmem>>, vector<16xf32>,
    %add3A_463 = arith.addf %add3A_458, %get3A_462 : vector<16xf32>
    %slice3A_464 = vector.extract_strided_slice %add3A_463 {offsets = [0], sizes = [1], strides = [1]} : vector<16xf32> to vector<1xf32>
    %squeeze3A_465 = vector.extract %slice3A_464[0] : f32 from vector<1xf32>
    %swap3A_466 = arith.constant 32 : i32
    %swap3A_467 = arith.index_cast %swap3A_466 : i32 to index
    %swap3A_468 = memref.load %arg16[%swap3A_467] : memref<128xf32, #tpu.memory_space<smem>>
    memref.store %squeeze3A_465, %arg16[%swap3A_467] : memref<128xf32, #tpu.memory_space<smem>>
    %slice3A_469 = vector.extract_strided_slice %add3A_463 {offsets = [1], sizes = [1], strides = [1]} : vector<16xf32> to vector<1xf32>
    %squeeze3A_470 = vector.extract %slice3A_469[0] : f32 from vector<1xf32>
    %swap3A_471 = arith.constant 33 : i32
    %swap3A_472 = arith.index_cast %swap3A_471 : i32 to index
    %swap3A_473 = memref.load %arg16[%swap3A_472] : memref<128xf32, #tpu.memory_space<smem>>
    memref.store %squeeze3A_470, %arg16[%swap3A_472] : memref<128xf32, #tpu.memory_space<smem>>
    %slice3A_474 = vector.extract_strided_slice %add3A_463 {offsets = [2], sizes = [1], strides = [1]} : vector<16xf32> to vector<1xf32>
    %squeeze3A_475 = vector.extract %slice3A_474[0] : f32 from vector<1xf32>
    %swap3A_476 = arith.constant 34 : i32
    %swap3A_477 = arith.index_cast %swap3A_476 : i32 to index
    %swap3A_478 = memref.load %arg16[%swap3A_477] : memref<128xf32, #tpu.memory_space<smem>>
    memref.store %squeeze3A_475, %arg16[%swap3A_477] : memref<128xf32, #tpu.memory_space<smem>>
    %slice3A_479 = vector.extract_strided_slice %add3A_463 {offsets = [3], sizes = [1], strides = [1]} : vector<16xf32> to vector<1xf32>
    %squeeze3A_480 = vector.extract %slice3A_479[0] : f32 from vector<1xf32>
    %swap3A_481 = arith.constant 35 : i32
    %swap3A_482 = arith.index_cast %swap3A_481 : i32 to index
    %swap3A_483 = memref.load %arg16[%swap3A_482] : memref<128xf32, #tpu.memory_space<smem>>
    memref.store %squeeze3A_480, %arg16[%swap3A_482] : memref<128xf32, #tpu.memory_space<smem>>
    %slice3A_484 = vector.extract_strided_slice %add3A_463 {offsets = [4], sizes = [1], strides = [1]} : vector<16xf32> to vector<1xf32>
    %squeeze3A_485 = vector.extract %slice3A_484[0] : f32 from vector<1xf32>
    %swap3A_486 = arith.constant 36 : i32
    %swap3A_487 = arith.index_cast %swap3A_486 : i32 to index
    %swap3A_488 = memref.load %arg16[%swap3A_487] : memref<128xf32, #tpu.memory_space<smem>>
    memref.store %squeeze3A_485, %arg16[%swap3A_487] : memref<128xf32, #tpu.memory_space<smem>>
    %slice3A_489 = vector.extract_strided_slice %add3A_463 {offsets = [5], sizes = [1], strides = [1]} : vector<16xf32> to vector<1xf32>
    %squeeze3A_490 = vector.extract %slice3A_489[0] : f32 from vector<1xf32>
    %swap3A_491 = arith.constant 37 : i32
    %swap3A_492 = arith.index_cast %swap3A_491 : i32 to index
    %swap3A_493 = memref.load %arg16[%swap3A_492] : memref<128xf32, #tpu.memory_space<smem>>
    memref.store %squeeze3A_490, %arg16[%swap3A_492] : memref<128xf32, #tpu.memory_space<smem>>
    %slice3A_494 = vector.extract_strided_slice %add3A_463 {offsets = [6], sizes = [1], strides = [1]} : vector<16xf32> to vector<1xf32>
    %squeeze3A_495 = vector.extract %slice3A_494[0] : f32 from vector<1xf32>
    %swap3A_496 = arith.constant 38 : i32
    %swap3A_497 = arith.index_cast %swap3A_496 : i32 to index
    %swap3A_498 = memref.load %arg16[%swap3A_497] : memref<128xf32, #tpu.memory_space<smem>>
    memref.store %squeeze3A_495, %arg16[%swap3A_497] : memref<128xf32, #tpu.memory_space<smem>>
    %slice3A_499 = vector.extract_strided_slice %add3A_463 {offsets = [7], sizes = [1], strides = [1]} : vector<16xf32> to vector<1xf32>
    %squeeze3A_500 = vector.extract %slice3A_499[0] : f32 from vector<1xf32>
    %swap3A_501 = arith.constant 39 : i32
    %swap3A_502 = arith.index_cast %swap3A_501 : i32 to index
    %swap3A_503 = memref.load %arg16[%swap3A_502] : memref<128xf32, #tpu.memory_space<smem>>
    memref.store %squeeze3A_500, %arg16[%swap3A_502] : memref<128xf32, #tpu.memory_space<smem>>
    %slice3A_504 = vector.extract_strided_slice %add3A_463 {offsets = [8], sizes = [1], strides = [1]} : vector<16xf32> to vector<1xf32>
    %squeeze3A_505 = vector.extract %slice3A_504[0] : f32 from vector<1xf32>
    %swap3A_506 = arith.constant 40 : i32
    %swap3A_507 = arith.index_cast %swap3A_506 : i32 to index
    %swap3A_508 = memref.load %arg16[%swap3A_507] : memref<128xf32, #tpu.memory_space<smem>>
    memref.store %squeeze3A_505, %arg16[%swap3A_507] : memref<128xf32, #tpu.memory_space<smem>>
    %slice3A_509 = vector.extract_strided_slice %add3A_463 {offsets = [9], sizes = [1], strides = [1]} : vector<16xf32> to vector<1xf32>
    %squeeze3A_510 = vector.extract %slice3A_509[0] : f32 from vector<1xf32>
    %swap3A_511 = arith.constant 41 : i32
    %swap3A_512 = arith.index_cast %swap3A_511 : i32 to index
    %swap3A_513 = memref.load %arg16[%swap3A_512] : memref<128xf32, #tpu.memory_space<smem>>
    memref.store %squeeze3A_510, %arg16[%swap3A_512] : memref<128xf32, #tpu.memory_space<smem>>
    %slice3A_514 = vector.extract_strided_slice %add3A_463 {offsets = [10], sizes = [1], strides = [1]} : vector<16xf32> to vector<1xf32>
    %squeeze3A_515 = vector.extract %slice3A_514[0] : f32 from vector<1xf32>
    %swap3A_516 = arith.constant 42 : i32
    %swap3A_517 = arith.index_cast %swap3A_516 : i32 to index
    %swap3A_518 = memref.load %arg16[%swap3A_517] : memref<128xf32, #tpu.memory_space<smem>>
    memref.store %squeeze3A_515, %arg16[%swap3A_517] : memref<128xf32, #tpu.memory_space<smem>>
    %slice3A_519 = vector.extract_strided_slice %add3A_463 {offsets = [11], sizes = [1], strides = [1]} : vector<16xf32> to vector<1xf32>
    %squeeze3A_520 = vector.extract %slice3A_519[0] : f32 from vector<1xf32>
    %swap3A_521 = arith.constant 43 : i32
    %swap3A_522 = arith.index_cast %swap3A_521 : i32 to index
    %swap3A_523 = memref.load %arg16[%swap3A_522] : memref<128xf32, #tpu.memory_space<smem>>
    memref.store %squeeze3A_520, %arg16[%swap3A_522] : memref<128xf32, #tpu.memory_space<smem>>
    %slice3A_524 = vector.extract_strided_slice %add3A_463 {offsets = [12], sizes = [1], strides = [1]} : vector<16xf32> to vector<1xf32>
    %squeeze3A_525 = vector.extract %slice3A_524[0] : f32 from vector<1xf32>
    %swap3A_526 = arith.constant 44 : i32
    %swap3A_527 = arith.index_cast %swap3A_526 : i32 to index
    %swap3A_528 = memref.load %arg16[%swap3A_527] : memref<128xf32, #tpu.memory_space<smem>>
    memref.store %squeeze3A_525, %arg16[%swap3A_527] : memref<128xf32, #tpu.memory_space<smem>>
    %slice3A_529 = vector.extract_strided_slice %add3A_463 {offsets = [13], sizes = [1], strides = [1]} : vector<16xf32> to vector<1xf32>
    %squeeze3A_530 = vector.extract %slice3A_529[0] : f32 from vector<1xf32>
    %swap3A_531 = arith.constant 45 : i32
    %swap3A_532 = arith.index_cast %swap3A_531 : i32 to index
    %swap3A_533 = memref.load %arg16[%swap3A_532] : memref<128xf32, #tpu.memory_space<smem>>
    memref.store %squeeze3A_530, %arg16[%swap3A_532] : memref<128xf32, #tpu.memory_space<smem>>
    %slice3A_534 = vector.extract_strided_slice %add3A_463 {offsets = [14], sizes = [1], strides = [1]} : vector<16xf32> to vector<1xf32>
    %squeeze3A_535 = vector.extract %slice3A_534[0] : f32 from vector<1xf32>
    %swap3A_536 = arith.constant 46 : i32
    %swap3A_537 = arith.index_cast %swap3A_536 : i32 to index
    %swap3A_538 = memref.load %arg16[%swap3A_537] : memref<128xf32, #tpu.memory_space<smem>>
    memref.store %squeeze3A_535, %arg16[%swap3A_537] : memref<128xf32, #tpu.memory_space<smem>>
    %slice3A_539 = vector.extract_strided_slice %add3A_463 {offsets = [15], sizes = [1], strides = [1]} : vector<16xf32> to vector<1xf32>
    %squeeze3A_540 = vector.extract %slice3A_539[0] : f32 from vector<1xf32>
    %swap3A_541 = arith.constant 47 : i32
    %swap3A_542 = arith.index_cast %swap3A_541 : i32 to index
    %swap3A_543 = memref.load %arg16[%swap3A_542] : memref<128xf32, #tpu.memory_space<smem>>
    memref.store %squeeze3A_540, %arg16[%swap3A_542] : memref<128xf32, #tpu.memory_space<smem>>
    %get3A_544 = arith.constant 0 : i32
    %get3A_545 = arith.index_cast %get3A_544 : i32 to index
    %get3A_546 = arith.constant 48 : index
    %get3A_547 = tpu.vector_load %arg15[%get3A_545, %get3A_546] {strides = array<i32>} : memref<32x128xf32, #tpu.memory_space<vmem>>, vector<16xf32>,
    %get3A_548 = arith.constant 1 : i32
    %get3A_549 = arith.index_cast %get3A_548 : i32 to index
    %get3A_550 = arith.constant 48 : index
    %get3A_551 = tpu.vector_load %arg15[%get3A_549, %get3A_550] {strides = array<i32>} : memref<32x128xf32, #tpu.memory_space<vmem>>, vector<16xf32>,
    %add3A_552 = arith.addf %get3A_547, %get3A_551 : vector<16xf32>
    %get3A_553 = arith.constant 2 : i32
    %get3A_554 = arith.index_cast %get3A_553 : i32 to index
    %get3A_555 = arith.constant 48 : index
    %get3A_556 = tpu.vector_load %arg15[%get3A_554, %get3A_555] {strides = array<i32>} : memref<32x128xf32, #tpu.memory_space<vmem>>, vector<16xf32>,
    %add3A_557 = arith.addf %add3A_552, %get3A_556 : vector<16xf32>
    %get3A_558 = arith.constant 3 : i32
    %get3A_559 = arith.index_cast %get3A_558 : i32 to index
    %get3A_560 = arith.constant 48 : index
    %get3A_561 = tpu.vector_load %arg15[%get3A_559, %get3A_560] {strides = array<i32>} : memref<32x128xf32, #tpu.memory_space<vmem>>, vector<16xf32>,
    %add3A_562 = arith.addf %add3A_557, %get3A_561 : vector<16xf32>
    %get3A_563 = arith.constant 4 : i32
    %get3A_564 = arith.index_cast %get3A_563 : i32 to index
    %get3A_565 = arith.constant 48 : index
    %get3A_566 = tpu.vector_load %arg15[%get3A_564, %get3A_565] {strides = array<i32>} : memref<32x128xf32, #tpu.memory_space<vmem>>, vector<16xf32>,
    %add3A_567 = arith.addf %add3A_562, %get3A_566 : vector<16xf32>
    %get3A_568 = arith.constant 5 : i32
    %get3A_569 = arith.index_cast %get3A_568 : i32 to index
    %get3A_570 = arith.constant 48 : index
    %get3A_571 = tpu.vector_load %arg15[%get3A_569, %get3A_570] {strides = array<i32>} : memref<32x128xf32, #tpu.memory_space<vmem>>, vector<16xf32>,
    %add3A_572 = arith.addf %add3A_567, %get3A_571 : vector<16xf32>
    %get3A_573 = arith.constant 6 : i32
    %get3A_574 = arith.index_cast %get3A_573 : i32 to index
    %get3A_575 = arith.constant 48 : index
    %get3A_576 = tpu.vector_load %arg15[%get3A_574, %get3A_575] {strides = array<i32>} : memref<32x128xf32, #tpu.memory_space<vmem>>, vector<16xf32>,
    %add3A_577 = arith.addf %add3A_572, %get3A_576 : vector<16xf32>
    %get3A_578 = arith.constant 7 : i32
    %get3A_579 = arith.index_cast %get3A_578 : i32 to index
    %get3A_580 = arith.constant 48 : index
    %get3A_581 = tpu.vector_load %arg15[%get3A_579, %get3A_580] {strides = array<i32>} : memref<32x128xf32, #tpu.memory_space<vmem>>, vector<16xf32>,
    %add3A_582 = arith.addf %add3A_577, %get3A_581 : vector<16xf32>
    %get3A_583 = arith.constant 8 : i32
    %get3A_584 = arith.index_cast %get3A_583 : i32 to index
    %get3A_585 = arith.constant 48 : index
    %get3A_586 = tpu.vector_load %arg15[%get3A_584, %get3A_585] {strides = array<i32>} : memref<32x128xf32, #tpu.memory_space<vmem>>, vector<16xf32>,
    %add3A_587 = arith.addf %add3A_582, %get3A_586 : vector<16xf32>
    %get3A_588 = arith.constant 9 : i32
    %get3A_589 = arith.index_cast %get3A_588 : i32 to index
    %get3A_590 = arith.constant 48 : index
    %get3A_591 = tpu.vector_load %arg15[%get3A_589, %get3A_590] {strides = array<i32>} : memref<32x128xf32, #tpu.memory_space<vmem>>, vector<16xf32>,
    %add3A_592 = arith.addf %add3A_587, %get3A_591 : vector<16xf32>
    %get3A_593 = arith.constant 10 : i32
    %get3A_594 = arith.index_cast %get3A_593 : i32 to index
    %get3A_595 = arith.constant 48 : index
    %get3A_596 = tpu.vector_load %arg15[%get3A_594, %get3A_595] {strides = array<i32>} : memref<32x128xf32, #tpu.memory_space<vmem>>, vector<16xf32>,
    %add3A_597 = arith.addf %add3A_592, %get3A_596 : vector<16xf32>
    %get3A_598 = arith.constant 11 : i32
    %get3A_599 = arith.index_cast %get3A_598 : i32 to index
    %get3A_600 = arith.constant 48 : index
    %get3A_601 = tpu.vector_load %arg15[%get3A_599, %get3A_600] {strides = array<i32>} : memref<32x128xf32, #tpu.memory_space<vmem>>, vector<16xf32>,
    %add3A_602 = arith.addf %add3A_597, %get3A_601 : vector<16xf32>
    %get3A_603 = arith.constant 12 : i32
    %get3A_604 = arith.index_cast %get3A_603 : i32 to index
    %get3A_605 = arith.constant 48 : index
    %get3A_606 = tpu.vector_load %arg15[%get3A_604, %get3A_605] {strides = array<i32>} : memref<32x128xf32, #tpu.memory_space<vmem>>, vector<16xf32>,
    %add3A_607 = arith.addf %add3A_602, %get3A_606 : vector<16xf32>
    %get3A_608 = arith.constant 13 : i32
    %get3A_609 = arith.index_cast %get3A_608 : i32 to index
    %get3A_610 = arith.constant 48 : index
    %get3A_611 = tpu.vector_load %arg15[%get3A_609, %get3A_610] {strides = array<i32>} : memref<32x128xf32, #tpu.memory_space<vmem>>, vector<16xf32>,
    %add3A_612 = arith.addf %add3A_607, %get3A_611 : vector<16xf32>
    %get3A_613 = arith.constant 14 : i32
    %get3A_614 = arith.index_cast %get3A_613 : i32 to index
    %get3A_615 = arith.constant 48 : index
    %get3A_616 = tpu.vector_load %arg15[%get3A_614, %get3A_615] {strides = array<i32>} : memref<32x128xf32, #tpu.memory_space<vmem>>, vector<16xf32>,
    %add3A_617 = arith.addf %add3A_612, %get3A_616 : vector<16xf32>
    %get3A_618 = arith.constant 15 : i32
    %get3A_619 = arith.index_cast %get3A_618 : i32 to index
    %get3A_620 = arith.constant 48 : index
    %get3A_621 = tpu.vector_load %arg15[%get3A_619, %get3A_620] {strides = array<i32>} : memref<32x128xf32, #tpu.memory_space<vmem>>, vector<16xf32>,
    %add3A_622 = arith.addf %add3A_617, %get3A_621 : vector<16xf32>
    %get3A_623 = arith.constant 16 : i32
    %get3A_624 = arith.index_cast %get3A_623 : i32 to index
    %get3A_625 = arith.constant 48 : index
    %get3A_626 = tpu.vector_load %arg15[%get3A_624, %get3A_625] {strides = array<i32>} : memref<32x128xf32, #tpu.memory_space<vmem>>, vector<16xf32>,
    %add3A_627 = arith.addf %add3A_622, %get3A_626 : vector<16xf32>
    %get3A_628 = arith.constant 17 : i32
    %get3A_629 = arith.index_cast %get3A_628 : i32 to index
    %get3A_630 = arith.constant 48 : index
    %get3A_631 = tpu.vector_load %arg15[%get3A_629, %get3A_630] {strides = array<i32>} : memref<32x128xf32, #tpu.memory_space<vmem>>, vector<16xf32>,
    %add3A_632 = arith.addf %add3A_627, %get3A_631 : vector<16xf32>
    %get3A_633 = arith.constant 18 : i32
    %get3A_634 = arith.index_cast %get3A_633 : i32 to index
    %get3A_635 = arith.constant 48 : index
    %get3A_636 = tpu.vector_load %arg15[%get3A_634, %get3A_635] {strides = array<i32>} : memref<32x128xf32, #tpu.memory_space<vmem>>, vector<16xf32>,
    %add3A_637 = arith.addf %add3A_632, %get3A_636 : vector<16xf32>
    %get3A_638 = arith.constant 19 : i32
    %get3A_639 = arith.index_cast %get3A_638 : i32 to index
    %get3A_640 = arith.constant 48 : index
    %get3A_641 = tpu.vector_load %arg15[%get3A_639, %get3A_640] {strides = array<i32>} : memref<32x128xf32, #tpu.memory_space<vmem>>, vector<16xf32>,
    %add3A_642 = arith.addf %add3A_637, %get3A_641 : vector<16xf32>
    %slice3A_643 = vector.extract_strided_slice %add3A_642 {offsets = [0], sizes = [1], strides = [1]} : vector<16xf32> to vector<1xf32>
    %squeeze3A_644 = vector.extract %slice3A_643[0] : f32 from vector<1xf32>
    %swap3A_645 = arith.constant 48 : i32
    %swap3A_646 = arith.index_cast %swap3A_645 : i32 to index
    %swap3A_647 = memref.load %arg16[%swap3A_646] : memref<128xf32, #tpu.memory_space<smem>>
    memref.store %squeeze3A_644, %arg16[%swap3A_646] : memref<128xf32, #tpu.memory_space<smem>>
    %slice3A_648 = vector.extract_strided_slice %add3A_642 {offsets = [1], sizes = [1], strides = [1]} : vector<16xf32> to vector<1xf32>
    %squeeze3A_649 = vector.extract %slice3A_648[0] : f32 from vector<1xf32>
    %swap3A_650 = arith.constant 49 : i32
    %swap3A_651 = arith.index_cast %swap3A_650 : i32 to index
    %swap3A_652 = memref.load %arg16[%swap3A_651] : memref<128xf32, #tpu.memory_space<smem>>
    memref.store %squeeze3A_649, %arg16[%swap3A_651] : memref<128xf32, #tpu.memory_space<smem>>
    %slice3A_653 = vector.extract_strided_slice %add3A_642 {offsets = [2], sizes = [1], strides = [1]} : vector<16xf32> to vector<1xf32>
    %squeeze3A_654 = vector.extract %slice3A_653[0] : f32 from vector<1xf32>
    %swap3A_655 = arith.constant 50 : i32
    %swap3A_656 = arith.index_cast %swap3A_655 : i32 to index
    %swap3A_657 = memref.load %arg16[%swap3A_656] : memref<128xf32, #tpu.memory_space<smem>>
    memref.store %squeeze3A_654, %arg16[%swap3A_656] : memref<128xf32, #tpu.memory_space<smem>>
    %slice3A_658 = vector.extract_strided_slice %add3A_642 {offsets = [3], sizes = [1], strides = [1]} : vector<16xf32> to vector<1xf32>
    %squeeze3A_659 = vector.extract %slice3A_658[0] : f32 from vector<1xf32>
    %swap3A_660 = arith.constant 51 : i32
    %swap3A_661 = arith.index_cast %swap3A_660 : i32 to index
    %swap3A_662 = memref.load %arg16[%swap3A_661] : memref<128xf32, #tpu.memory_space<smem>>
    memref.store %squeeze3A_659, %arg16[%swap3A_661] : memref<128xf32, #tpu.memory_space<smem>>
    %slice3A_663 = vector.extract_strided_slice %add3A_642 {offsets = [4], sizes = [1], strides = [1]} : vector<16xf32> to vector<1xf32>
    %squeeze3A_664 = vector.extract %slice3A_663[0] : f32 from vector<1xf32>
    %swap3A_665 = arith.constant 52 : i32
    %swap3A_666 = arith.index_cast %swap3A_665 : i32 to index
    %swap3A_667 = memref.load %arg16[%swap3A_666] : memref<128xf32, #tpu.memory_space<smem>>
    memref.store %squeeze3A_664, %arg16[%swap3A_666] : memref<128xf32, #tpu.memory_space<smem>>
    %slice3A_668 = vector.extract_strided_slice %add3A_642 {offsets = [5], sizes = [1], strides = [1]} : vector<16xf32> to vector<1xf32>
    %squeeze3A_669 = vector.extract %slice3A_668[0] : f32 from vector<1xf32>
    %swap3A_670 = arith.constant 53 : i32
    %swap3A_671 = arith.index_cast %swap3A_670 : i32 to index
    %swap3A_672 = memref.load %arg16[%swap3A_671] : memref<128xf32, #tpu.memory_space<smem>>
    memref.store %squeeze3A_669, %arg16[%swap3A_671] : memref<128xf32, #tpu.memory_space<smem>>
    %slice3A_673 = vector.extract_strided_slice %add3A_642 {offsets = [6], sizes = [1], strides = [1]} : vector<16xf32> to vector<1xf32>
    %squeeze3A_674 = vector.extract %slice3A_673[0] : f32 from vector<1xf32>
    %swap3A_675 = arith.constant 54 : i32
    %swap3A_676 = arith.index_cast %swap3A_675 : i32 to index
    %swap3A_677 = memref.load %arg16[%swap3A_676] : memref<128xf32, #tpu.memory_space<smem>>
    memref.store %squeeze3A_674, %arg16[%swap3A_676] : memref<128xf32, #tpu.memory_space<smem>>
    %slice3A_678 = vector.extract_strided_slice %add3A_642 {offsets = [7], sizes = [1], strides = [1]} : vector<16xf32> to vector<1xf32>
    %squeeze3A_679 = vector.extract %slice3A_678[0] : f32 from vector<1xf32>
    %swap3A_680 = arith.constant 55 : i32
    %swap3A_681 = arith.index_cast %swap3A_680 : i32 to index
    %swap3A_682 = memref.load %arg16[%swap3A_681] : memref<128xf32, #tpu.memory_space<smem>>
    memref.store %squeeze3A_679, %arg16[%swap3A_681] : memref<128xf32, #tpu.memory_space<smem>>
    %slice3A_683 = vector.extract_strided_slice %add3A_642 {offsets = [8], sizes = [1], strides = [1]} : vector<16xf32> to vector<1xf32>
    %squeeze3A_684 = vector.extract %slice3A_683[0] : f32 from vector<1xf32>
    %swap3A_685 = arith.constant 56 : i32
    %swap3A_686 = arith.index_cast %swap3A_685 : i32 to index
    %swap3A_687 = memref.load %arg16[%swap3A_686] : memref<128xf32, #tpu.memory_space<smem>>
    memref.store %squeeze3A_684, %arg16[%swap3A_686] : memref<128xf32, #tpu.memory_space<smem>>
    %slice3A_688 = vector.extract_strided_slice %add3A_642 {offsets = [9], sizes = [1], strides = [1]} : vector<16xf32> to vector<1xf32>
    %squeeze3A_689 = vector.extract %slice3A_688[0] : f32 from vector<1xf32>
    %swap3A_690 = arith.constant 57 : i32
    %swap3A_691 = arith.index_cast %swap3A_690 : i32 to index
    %swap3A_692 = memref.load %arg16[%swap3A_691] : memref<128xf32, #tpu.memory_space<smem>>
    memref.store %squeeze3A_689, %arg16[%swap3A_691] : memref<128xf32, #tpu.memory_space<smem>>
    %slice3A_693 = vector.extract_strided_slice %add3A_642 {offsets = [10], sizes = [1], strides = [1]} : vector<16xf32> to vector<1xf32>
    %squeeze3A_694 = vector.extract %slice3A_693[0] : f32 from vector<1xf32>
    %swap3A_695 = arith.constant 58 : i32
    %swap3A_696 = arith.index_cast %swap3A_695 : i32 to index
    %swap3A_697 = memref.load %arg16[%swap3A_696] : memref<128xf32, #tpu.memory_space<smem>>
    memref.store %squeeze3A_694, %arg16[%swap3A_696] : memref<128xf32, #tpu.memory_space<smem>>
    %slice3A_698 = vector.extract_strided_slice %add3A_642 {offsets = [11], sizes = [1], strides = [1]} : vector<16xf32> to vector<1xf32>
    %squeeze3A_699 = vector.extract %slice3A_698[0] : f32 from vector<1xf32>
    %swap3A_700 = arith.constant 59 : i32
    %swap3A_701 = arith.index_cast %swap3A_700 : i32 to index
    %swap3A_702 = memref.load %arg16[%swap3A_701] : memref<128xf32, #tpu.memory_space<smem>>
    memref.store %squeeze3A_699, %arg16[%swap3A_701] : memref<128xf32, #tpu.memory_space<smem>>
    %slice3A_703 = vector.extract_strided_slice %add3A_642 {offsets = [12], sizes = [1], strides = [1]} : vector<16xf32> to vector<1xf32>
    %squeeze3A_704 = vector.extract %slice3A_703[0] : f32 from vector<1xf32>
    %swap3A_705 = arith.constant 60 : i32
    %swap3A_706 = arith.index_cast %swap3A_705 : i32 to index
    %swap3A_707 = memref.load %arg16[%swap3A_706] : memref<128xf32, #tpu.memory_space<smem>>
    memref.store %squeeze3A_704, %arg16[%swap3A_706] : memref<128xf32, #tpu.memory_space<smem>>
    %slice3A_708 = vector.extract_strided_slice %add3A_642 {offsets = [13], sizes = [1], strides = [1]} : vector<16xf32> to vector<1xf32>
    %squeeze3A_709 = vector.extract %slice3A_708[0] : f32 from vector<1xf32>
    %swap3A_710 = arith.constant 61 : i32
    %swap3A_711 = arith.index_cast %swap3A_710 : i32 to index
    %swap3A_712 = memref.load %arg16[%swap3A_711] : memref<128xf32, #tpu.memory_space<smem>>
    memref.store %squeeze3A_709, %arg16[%swap3A_711] : memref<128xf32, #tpu.memory_space<smem>>
    %slice3A_713 = vector.extract_strided_slice %add3A_642 {offsets = [14], sizes = [1], strides = [1]} : vector<16xf32> to vector<1xf32>
    %squeeze3A_714 = vector.extract %slice3A_713[0] : f32 from vector<1xf32>
    %swap3A_715 = arith.constant 62 : i32
    %swap3A_716 = arith.index_cast %swap3A_715 : i32 to index
    %swap3A_717 = memref.load %arg16[%swap3A_716] : memref<128xf32, #tpu.memory_space<smem>>
    memref.store %squeeze3A_714, %arg16[%swap3A_716] : memref<128xf32, #tpu.memory_space<smem>>
    %slice3A_718 = vector.extract_strided_slice %add3A_642 {offsets = [15], sizes = [1], strides = [1]} : vector<16xf32> to vector<1xf32>
    %squeeze3A_719 = vector.extract %slice3A_718[0] : f32 from vector<1xf32>
    %swap3A_720 = arith.constant 63 : i32
    %swap3A_721 = arith.index_cast %swap3A_720 : i32 to index
    %swap3A_722 = memref.load %arg16[%swap3A_721] : memref<128xf32, #tpu.memory_space<smem>>
    memref.store %squeeze3A_719, %arg16[%swap3A_721] : memref<128xf32, #tpu.memory_space<smem>>
    %get3A_723 = arith.constant 0 : i32
    %get3A_724 = arith.index_cast %get3A_723 : i32 to index
    %get3A_725 = arith.constant 64 : index
    %get3A_726 = tpu.vector_load %arg15[%get3A_724, %get3A_725] {strides = array<i32>} : memref<32x128xf32, #tpu.memory_space<vmem>>, vector<16xf32>,
    %get3A_727 = arith.constant 1 : i32
    %get3A_728 = arith.index_cast %get3A_727 : i32 to index
    %get3A_729 = arith.constant 64 : index
    %get3A_730 = tpu.vector_load %arg15[%get3A_728, %get3A_729] {strides = array<i32>} : memref<32x128xf32, #tpu.memory_space<vmem>>, vector<16xf32>,
    %add3A_731 = arith.addf %get3A_726, %get3A_730 : vector<16xf32>
    %get3A_732 = arith.constant 2 : i32
    %get3A_733 = arith.index_cast %get3A_732 : i32 to index
    %get3A_734 = arith.constant 64 : index
    %get3A_735 = tpu.vector_load %arg15[%get3A_733, %get3A_734] {strides = array<i32>} : memref<32x128xf32, #tpu.memory_space<vmem>>, vector<16xf32>,
    %add3A_736 = arith.addf %add3A_731, %get3A_735 : vector<16xf32>
    %get3A_737 = arith.constant 3 : i32
    %get3A_738 = arith.index_cast %get3A_737 : i32 to index
    %get3A_739 = arith.constant 64 : index
    %get3A_740 = tpu.vector_load %arg15[%get3A_738, %get3A_739] {strides = array<i32>} : memref<32x128xf32, #tpu.memory_space<vmem>>, vector<16xf32>,
    %add3A_741 = arith.addf %add3A_736, %get3A_740 : vector<16xf32>
    %get3A_742 = arith.constant 4 : i32
    %get3A_743 = arith.index_cast %get3A_742 : i32 to index
    %get3A_744 = arith.constant 64 : index
    %get3A_745 = tpu.vector_load %arg15[%get3A_743, %get3A_744] {strides = array<i32>} : memref<32x128xf32, #tpu.memory_space<vmem>>, vector<16xf32>,
    %add3A_746 = arith.addf %add3A_741, %get3A_745 : vector<16xf32>
    %get3A_747 = arith.constant 5 : i32
    %get3A_748 = arith.index_cast %get3A_747 : i32 to index
    %get3A_749 = arith.constant 64 : index
    %get3A_750 = tpu.vector_load %arg15[%get3A_748, %get3A_749] {strides = array<i32>} : memref<32x128xf32, #tpu.memory_space<vmem>>, vector<16xf32>,
    %add3A_751 = arith.addf %add3A_746, %get3A_750 : vector<16xf32>
    %get3A_752 = arith.constant 6 : i32
    %get3A_753 = arith.index_cast %get3A_752 : i32 to index
    %get3A_754 = arith.constant 64 : index
    %get3A_755 = tpu.vector_load %arg15[%get3A_753, %get3A_754] {strides = array<i32>} : memref<32x128xf32, #tpu.memory_space<vmem>>, vector<16xf32>,
    %add3A_756 = arith.addf %add3A_751, %get3A_755 : vector<16xf32>
    %get3A_757 = arith.constant 7 : i32
    %get3A_758 = arith.index_cast %get3A_757 : i32 to index
    %get3A_759 = arith.constant 64 : index
    %get3A_760 = tpu.vector_load %arg15[%get3A_758, %get3A_759] {strides = array<i32>} : memref<32x128xf32, #tpu.memory_space<vmem>>, vector<16xf32>,
    %add3A_761 = arith.addf %add3A_756, %get3A_760 : vector<16xf32>
    %get3A_762 = arith.constant 8 : i32
    %get3A_763 = arith.index_cast %get3A_762 : i32 to index
    %get3A_764 = arith.constant 64 : index
    %get3A_765 = tpu.vector_load %arg15[%get3A_763, %get3A_764] {strides = array<i32>} : memref<32x128xf32, #tpu.memory_space<vmem>>, vector<16xf32>,
    %add3A_766 = arith.addf %add3A_761, %get3A_765 : vector<16xf32>
    %get3A_767 = arith.constant 9 : i32
    %get3A_768 = arith.index_cast %get3A_767 : i32 to index
    %get3A_769 = arith.constant 64 : index
    %get3A_770 = tpu.vector_load %arg15[%get3A_768, %get3A_769] {strides = array<i32>} : memref<32x128xf32, #tpu.memory_space<vmem>>, vector<16xf32>,
    %add3A_771 = arith.addf %add3A_766, %get3A_770 : vector<16xf32>
    %get3A_772 = arith.constant 10 : i32
    %get3A_773 = arith.index_cast %get3A_772 : i32 to index
    %get3A_774 = arith.constant 64 : index
    %get3A_775 = tpu.vector_load %arg15[%get3A_773, %get3A_774] {strides = array<i32>} : memref<32x128xf32, #tpu.memory_space<vmem>>, vector<16xf32>,
    %add3A_776 = arith.addf %add3A_771, %get3A_775 : vector<16xf32>
    %get3A_777 = arith.constant 11 : i32
    %get3A_778 = arith.index_cast %get3A_777 : i32 to index
    %get3A_779 = arith.constant 64 : index
    %get3A_780 = tpu.vector_load %arg15[%get3A_778, %get3A_779] {strides = array<i32>} : memref<32x128xf32, #tpu.memory_space<vmem>>, vector<16xf32>,
    %add3A_781 = arith.addf %add3A_776, %get3A_780 : vector<16xf32>
    %get3A_782 = arith.constant 12 : i32
    %get3A_783 = arith.index_cast %get3A_782 : i32 to index
    %get3A_784 = arith.constant 64 : index
    %get3A_785 = tpu.vector_load %arg15[%get3A_783, %get3A_784] {strides = array<i32>} : memref<32x128xf32, #tpu.memory_space<vmem>>, vector<16xf32>,
    %add3A_786 = arith.addf %add3A_781, %get3A_785 : vector<16xf32>
    %get3A_787 = arith.constant 13 : i32
    %get3A_788 = arith.index_cast %get3A_787 : i32 to index
    %get3A_789 = arith.constant 64 : index
    %get3A_790 = tpu.vector_load %arg15[%get3A_788, %get3A_789] {strides = array<i32>} : memref<32x128xf32, #tpu.memory_space<vmem>>, vector<16xf32>,
    %add3A_791 = arith.addf %add3A_786, %get3A_790 : vector<16xf32>
    %get3A_792 = arith.constant 14 : i32
    %get3A_793 = arith.index_cast %get3A_792 : i32 to index
    %get3A_794 = arith.constant 64 : index
    %get3A_795 = tpu.vector_load %arg15[%get3A_793, %get3A_794] {strides = array<i32>} : memref<32x128xf32, #tpu.memory_space<vmem>>, vector<16xf32>,
    %add3A_796 = arith.addf %add3A_791, %get3A_795 : vector<16xf32>
    %get3A_797 = arith.constant 15 : i32
    %get3A_798 = arith.index_cast %get3A_797 : i32 to index
    %get3A_799 = arith.constant 64 : index
    %get3A_800 = tpu.vector_load %arg15[%get3A_798, %get3A_799] {strides = array<i32>} : memref<32x128xf32, #tpu.memory_space<vmem>>, vector<16xf32>,
    %add3A_801 = arith.addf %add3A_796, %get3A_800 : vector<16xf32>
    %get3A_802 = arith.constant 16 : i32
    %get3A_803 = arith.index_cast %get3A_802 : i32 to index
    %get3A_804 = arith.constant 64 : index
    %get3A_805 = tpu.vector_load %arg15[%get3A_803, %get3A_804] {strides = array<i32>} : memref<32x128xf32, #tpu.memory_space<vmem>>, vector<16xf32>,
    %add3A_806 = arith.addf %add3A_801, %get3A_805 : vector<16xf32>
    %get3A_807 = arith.constant 17 : i32
    %get3A_808 = arith.index_cast %get3A_807 : i32 to index
    %get3A_809 = arith.constant 64 : index
    %get3A_810 = tpu.vector_load %arg15[%get3A_808, %get3A_809] {strides = array<i32>} : memref<32x128xf32, #tpu.memory_space<vmem>>, vector<16xf32>,
    %add3A_811 = arith.addf %add3A_806, %get3A_810 : vector<16xf32>
    %get3A_812 = arith.constant 18 : i32
    %get3A_813 = arith.index_cast %get3A_812 : i32 to index
    %get3A_814 = arith.constant 64 : index
    %get3A_815 = tpu.vector_load %arg15[%get3A_813, %get3A_814] {strides = array<i32>} : memref<32x128xf32, #tpu.memory_space<vmem>>, vector<16xf32>,
    %add3A_816 = arith.addf %add3A_811, %get3A_815 : vector<16xf32>
    %get3A_817 = arith.constant 19 : i32
    %get3A_818 = arith.index_cast %get3A_817 : i32 to index
    %get3A_819 = arith.constant 64 : index
    %get3A_820 = tpu.vector_load %arg15[%get3A_818, %get3A_819] {strides = array<i32>} : memref<32x128xf32, #tpu.memory_space<vmem>>, vector<16xf32>,
    %add3A_821 = arith.addf %add3A_816, %get3A_820 : vector<16xf32>
    %slice3A_822 = vector.extract_strided_slice %add3A_821 {offsets = [0], sizes = [1], strides = [1]} : vector<16xf32> to vector<1xf32>
    %squeeze3A_823 = vector.extract %slice3A_822[0] : f32 from vector<1xf32>
    %swap3A_824 = arith.constant 64 : i32
    %swap3A_825 = arith.index_cast %swap3A_824 : i32 to index
    %swap3A_826 = memref.load %arg16[%swap3A_825] : memref<128xf32, #tpu.memory_space<smem>>
    memref.store %squeeze3A_823, %arg16[%swap3A_825] : memref<128xf32, #tpu.memory_space<smem>>
    %slice3A_827 = vector.extract_strided_slice %add3A_821 {offsets = [1], sizes = [1], strides = [1]} : vector<16xf32> to vector<1xf32>
    %squeeze3A_828 = vector.extract %slice3A_827[0] : f32 from vector<1xf32>
    %swap3A_829 = arith.constant 65 : i32
    %swap3A_830 = arith.index_cast %swap3A_829 : i32 to index
    %swap3A_831 = memref.load %arg16[%swap3A_830] : memref<128xf32, #tpu.memory_space<smem>>
    memref.store %squeeze3A_828, %arg16[%swap3A_830] : memref<128xf32, #tpu.memory_space<smem>>
    %slice3A_832 = vector.extract_strided_slice %add3A_821 {offsets = [2], sizes = [1], strides = [1]} : vector<16xf32> to vector<1xf32>
    %squeeze3A_833 = vector.extract %slice3A_832[0] : f32 from vector<1xf32>
    %swap3A_834 = arith.constant 66 : i32
    %swap3A_835 = arith.index_cast %swap3A_834 : i32 to index
    %swap3A_836 = memref.load %arg16[%swap3A_835] : memref<128xf32, #tpu.memory_space<smem>>
    memref.store %squeeze3A_833, %arg16[%swap3A_835] : memref<128xf32, #tpu.memory_space<smem>>
    %slice3A_837 = vector.extract_strided_slice %add3A_821 {offsets = [3], sizes = [1], strides = [1]} : vector<16xf32> to vector<1xf32>
    %squeeze3A_838 = vector.extract %slice3A_837[0] : f32 from vector<1xf32>
    %swap3A_839 = arith.constant 67 : i32
    %swap3A_840 = arith.index_cast %swap3A_839 : i32 to index
    %swap3A_841 = memref.load %arg16[%swap3A_840] : memref<128xf32, #tpu.memory_space<smem>>
    memref.store %squeeze3A_838, %arg16[%swap3A_840] : memref<128xf32, #tpu.memory_space<smem>>
    %slice3A_842 = vector.extract_strided_slice %add3A_821 {offsets = [4], sizes = [1], strides = [1]} : vector<16xf32> to vector<1xf32>
    %squeeze3A_843 = vector.extract %slice3A_842[0] : f32 from vector<1xf32>
    %swap3A_844 = arith.constant 68 : i32
    %swap3A_845 = arith.index_cast %swap3A_844 : i32 to index
    %swap3A_846 = memref.load %arg16[%swap3A_845] : memref<128xf32, #tpu.memory_space<smem>>
    memref.store %squeeze3A_843, %arg16[%swap3A_845] : memref<128xf32, #tpu.memory_space<smem>>
    %slice3A_847 = vector.extract_strided_slice %add3A_821 {offsets = [5], sizes = [1], strides = [1]} : vector<16xf32> to vector<1xf32>
    %squeeze3A_848 = vector.extract %slice3A_847[0] : f32 from vector<1xf32>
    %swap3A_849 = arith.constant 69 : i32
    %swap3A_850 = arith.index_cast %swap3A_849 : i32 to index
    %swap3A_851 = memref.load %arg16[%swap3A_850] : memref<128xf32, #tpu.memory_space<smem>>
    memref.store %squeeze3A_848, %arg16[%swap3A_850] : memref<128xf32, #tpu.memory_space<smem>>
    %slice3A_852 = vector.extract_strided_slice %add3A_821 {offsets = [6], sizes = [1], strides = [1]} : vector<16xf32> to vector<1xf32>
    %squeeze3A_853 = vector.extract %slice3A_852[0] : f32 from vector<1xf32>
    %swap3A_854 = arith.constant 70 : i32
    %swap3A_855 = arith.index_cast %swap3A_854 : i32 to index
    %swap3A_856 = memref.load %arg16[%swap3A_855] : memref<128xf32, #tpu.memory_space<smem>>
    memref.store %squeeze3A_853, %arg16[%swap3A_855] : memref<128xf32, #tpu.memory_space<smem>>
    %slice3A_857 = vector.extract_strided_slice %add3A_821 {offsets = [7], sizes = [1], strides = [1]} : vector<16xf32> to vector<1xf32>
    %squeeze3A_858 = vector.extract %slice3A_857[0] : f32 from vector<1xf32>
    %swap3A_859 = arith.constant 71 : i32
    %swap3A_860 = arith.index_cast %swap3A_859 : i32 to index
    %swap3A_861 = memref.load %arg16[%swap3A_860] : memref<128xf32, #tpu.memory_space<smem>>
    memref.store %squeeze3A_858, %arg16[%swap3A_860] : memref<128xf32, #tpu.memory_space<smem>>
    %slice3A_862 = vector.extract_strided_slice %add3A_821 {offsets = [8], sizes = [1], strides = [1]} : vector<16xf32> to vector<1xf32>
    %squeeze3A_863 = vector.extract %slice3A_862[0] : f32 from vector<1xf32>
    %swap3A_864 = arith.constant 72 : i32
    %swap3A_865 = arith.index_cast %swap3A_864 : i32 to index
    %swap3A_866 = memref.load %arg16[%swap3A_865] : memref<128xf32, #tpu.memory_space<smem>>
    memref.store %squeeze3A_863, %arg16[%swap3A_865] : memref<128xf32, #tpu.memory_space<smem>>
    %slice3A_867 = vector.extract_strided_slice %add3A_821 {offsets = [9], sizes = [1], strides = [1]} : vector<16xf32> to vector<1xf32>
    %squeeze3A_868 = vector.extract %slice3A_867[0] : f32 from vector<1xf32>
    %swap3A_869 = arith.constant 73 : i32
    %swap3A_870 = arith.index_cast %swap3A_869 : i32 to index
    %swap3A_871 = memref.load %arg16[%swap3A_870] : memref<128xf32, #tpu.memory_space<smem>>
    memref.store %squeeze3A_868, %arg16[%swap3A_870] : memref<128xf32, #tpu.memory_space<smem>>
    %slice3A_872 = vector.extract_strided_slice %add3A_821 {offsets = [10], sizes = [1], strides = [1]} : vector<16xf32> to vector<1xf32>
    %squeeze3A_873 = vector.extract %slice3A_872[0] : f32 from vector<1xf32>
    %swap3A_874 = arith.constant 74 : i32
    %swap3A_875 = arith.index_cast %swap3A_874 : i32 to index
    %swap3A_876 = memref.load %arg16[%swap3A_875] : memref<128xf32, #tpu.memory_space<smem>>
    memref.store %squeeze3A_873, %arg16[%swap3A_875] : memref<128xf32, #tpu.memory_space<smem>>
    %slice3A_877 = vector.extract_strided_slice %add3A_821 {offsets = [11], sizes = [1], strides = [1]} : vector<16xf32> to vector<1xf32>
    %squeeze3A_878 = vector.extract %slice3A_877[0] : f32 from vector<1xf32>
    %swap3A_879 = arith.constant 75 : i32
    %swap3A_880 = arith.index_cast %swap3A_879 : i32 to index
    %swap3A_881 = memref.load %arg16[%swap3A_880] : memref<128xf32, #tpu.memory_space<smem>>
    memref.store %squeeze3A_878, %arg16[%swap3A_880] : memref<128xf32, #tpu.memory_space<smem>>
    %slice3A_882 = vector.extract_strided_slice %add3A_821 {offsets = [12], sizes = [1], strides = [1]} : vector<16xf32> to vector<1xf32>
    %squeeze3A_883 = vector.extract %slice3A_882[0] : f32 from vector<1xf32>
    %swap3A_884 = arith.constant 76 : i32
    %swap3A_885 = arith.index_cast %swap3A_884 : i32 to index
    %swap3A_886 = memref.load %arg16[%swap3A_885] : memref<128xf32, #tpu.memory_space<smem>>
    memref.store %squeeze3A_883, %arg16[%swap3A_885] : memref<128xf32, #tpu.memory_space<smem>>
    %slice3A_887 = vector.extract_strided_slice %add3A_821 {offsets = [13], sizes = [1], strides = [1]} : vector<16xf32> to vector<1xf32>
    %squeeze3A_888 = vector.extract %slice3A_887[0] : f32 from vector<1xf32>
    %swap3A_889 = arith.constant 77 : i32
    %swap3A_890 = arith.index_cast %swap3A_889 : i32 to index
    %swap3A_891 = memref.load %arg16[%swap3A_890] : memref<128xf32, #tpu.memory_space<smem>>
    memref.store %squeeze3A_888, %arg16[%swap3A_890] : memref<128xf32, #tpu.memory_space<smem>>
    %slice3A_892 = vector.extract_strided_slice %add3A_821 {offsets = [14], sizes = [1], strides = [1]} : vector<16xf32> to vector<1xf32>
    %squeeze3A_893 = vector.extract %slice3A_892[0] : f32 from vector<1xf32>
    %swap3A_894 = arith.constant 78 : i32
    %swap3A_895 = arith.index_cast %swap3A_894 : i32 to index
    %swap3A_896 = memref.load %arg16[%swap3A_895] : memref<128xf32, #tpu.memory_space<smem>>
    memref.store %squeeze3A_893, %arg16[%swap3A_895] : memref<128xf32, #tpu.memory_space<smem>>
    %slice3A_897 = vector.extract_strided_slice %add3A_821 {offsets = [15], sizes = [1], strides = [1]} : vector<16xf32> to vector<1xf32>
    %squeeze3A_898 = vector.extract %slice3A_897[0] : f32 from vector<1xf32>
    %swap3A_899 = arith.constant 79 : i32
    %swap3A_900 = arith.index_cast %swap3A_899 : i32 to index
    %swap3A_901 = memref.load %arg16[%swap3A_900] : memref<128xf32, #tpu.memory_space<smem>>
    memref.store %squeeze3A_898, %arg16[%swap3A_900] : memref<128xf32, #tpu.memory_space<smem>>
    %get3A_902 = arith.constant 0 : i32
    %get3A_903 = arith.index_cast %get3A_902 : i32 to index
    %get3A_904 = arith.constant 80 : index
    %get3A_905 = tpu.vector_load %arg15[%get3A_903, %get3A_904] {strides = array<i32>} : memref<32x128xf32, #tpu.memory_space<vmem>>, vector<16xf32>,
    %get3A_906 = arith.constant 1 : i32
    %get3A_907 = arith.index_cast %get3A_906 : i32 to index
    %get3A_908 = arith.constant 80 : index
    %get3A_909 = tpu.vector_load %arg15[%get3A_907, %get3A_908] {strides = array<i32>} : memref<32x128xf32, #tpu.memory_space<vmem>>, vector<16xf32>,
    %add3A_910 = arith.addf %get3A_905, %get3A_909 : vector<16xf32>
    %get3A_911 = arith.constant 2 : i32
    %get3A_912 = arith.index_cast %get3A_911 : i32 to index
    %get3A_913 = arith.constant 80 : index
    %get3A_914 = tpu.vector_load %arg15[%get3A_912, %get3A_913] {strides = array<i32>} : memref<32x128xf32, #tpu.memory_space<vmem>>, vector<16xf32>,
    %add3A_915 = arith.addf %add3A_910, %get3A_914 : vector<16xf32>
    %get3A_916 = arith.constant 3 : i32
    %get3A_917 = arith.index_cast %get3A_916 : i32 to index
    %get3A_918 = arith.constant 80 : index
    %get3A_919 = tpu.vector_load %arg15[%get3A_917, %get3A_918] {strides = array<i32>} : memref<32x128xf32, #tpu.memory_space<vmem>>, vector<16xf32>,
    %add3A_920 = arith.addf %add3A_915, %get3A_919 : vector<16xf32>
    %get3A_921 = arith.constant 4 : i32
    %get3A_922 = arith.index_cast %get3A_921 : i32 to index
    %get3A_923 = arith.constant 80 : index
    %get3A_924 = tpu.vector_load %arg15[%get3A_922, %get3A_923] {strides = array<i32>} : memref<32x128xf32, #tpu.memory_space<vmem>>, vector<16xf32>,
    %add3A_925 = arith.addf %add3A_920, %get3A_924 : vector<16xf32>
    %get3A_926 = arith.constant 5 : i32
    %get3A_927 = arith.index_cast %get3A_926 : i32 to index
    %get3A_928 = arith.constant 80 : index
    %get3A_929 = tpu.vector_load %arg15[%get3A_927, %get3A_928] {strides = array<i32>} : memref<32x128xf32, #tpu.memory_space<vmem>>, vector<16xf32>,
    %add3A_930 = arith.addf %add3A_925, %get3A_929 : vector<16xf32>
    %get3A_931 = arith.constant 6 : i32
    %get3A_932 = arith.index_cast %get3A_931 : i32 to index
    %get3A_933 = arith.constant 80 : index
    %get3A_934 = tpu.vector_load %arg15[%get3A_932, %get3A_933] {strides = array<i32>} : memref<32x128xf32, #tpu.memory_space<vmem>>, vector<16xf32>,
    %add3A_935 = arith.addf %add3A_930, %get3A_934 : vector<16xf32>
    %get3A_936 = arith.constant 7 : i32
    %get3A_937 = arith.index_cast %get3A_936 : i32 to index
    %get3A_938 = arith.constant 80 : index
    %get3A_939 = tpu.vector_load %arg15[%get3A_937, %get3A_938] {strides = array<i32>} : memref<32x128xf32, #tpu.memory_space<vmem>>, vector<16xf32>,
    %add3A_940 = arith.addf %add3A_935, %get3A_939 : vector<16xf32>
    %get3A_941 = arith.constant 8 : i32
    %get3A_942 = arith.index_cast %get3A_941 : i32 to index
    %get3A_943 = arith.constant 80 : index
    %get3A_944 = tpu.vector_load %arg15[%get3A_942, %get3A_943] {strides = array<i32>} : memref<32x128xf32, #tpu.memory_space<vmem>>, vector<16xf32>,
    %add3A_945 = arith.addf %add3A_940, %get3A_944 : vector<16xf32>
    %get3A_946 = arith.constant 9 : i32
    %get3A_947 = arith.index_cast %get3A_946 : i32 to index
    %get3A_948 = arith.constant 80 : index
    %get3A_949 = tpu.vector_load %arg15[%get3A_947, %get3A_948] {strides = array<i32>} : memref<32x128xf32, #tpu.memory_space<vmem>>, vector<16xf32>,
    %add3A_950 = arith.addf %add3A_945, %get3A_949 : vector<16xf32>
    %get3A_951 = arith.constant 10 : i32
    %get3A_952 = arith.index_cast %get3A_951 : i32 to index
    %get3A_953 = arith.constant 80 : index
    %get3A_954 = tpu.vector_load %arg15[%get3A_952, %get3A_953] {strides = array<i32>} : memref<32x128xf32, #tpu.memory_space<vmem>>, vector<16xf32>,
    %add3A_955 = arith.addf %add3A_950, %get3A_954 : vector<16xf32>
    %get3A_956 = arith.constant 11 : i32
    %get3A_957 = arith.index_cast %get3A_956 : i32 to index
    %get3A_958 = arith.constant 80 : index
    %get3A_959 = tpu.vector_load %arg15[%get3A_957, %get3A_958] {strides = array<i32>} : memref<32x128xf32, #tpu.memory_space<vmem>>, vector<16xf32>,
    %add3A_960 = arith.addf %add3A_955, %get3A_959 : vector<16xf32>
    %get3A_961 = arith.constant 12 : i32
    %get3A_962 = arith.index_cast %get3A_961 : i32 to index
    %get3A_963 = arith.constant 80 : index
    %get3A_964 = tpu.vector_load %arg15[%get3A_962, %get3A_963] {strides = array<i32>} : memref<32x128xf32, #tpu.memory_space<vmem>>, vector<16xf32>,
    %add3A_965 = arith.addf %add3A_960, %get3A_964 : vector<16xf32>
    %get3A_966 = arith.constant 13 : i32
    %get3A_967 = arith.index_cast %get3A_966 : i32 to index
    %get3A_968 = arith.constant 80 : index
    %get3A_969 = tpu.vector_load %arg15[%get3A_967, %get3A_968] {strides = array<i32>} : memref<32x128xf32, #tpu.memory_space<vmem>>, vector<16xf32>,
    %add3A_970 = arith.addf %add3A_965, %get3A_969 : vector<16xf32>
    %get3A_971 = arith.constant 14 : i32
    %get3A_972 = arith.index_cast %get3A_971 : i32 to index
    %get3A_973 = arith.constant 80 : index
    %get3A_974 = tpu.vector_load %arg15[%get3A_972, %get3A_973] {strides = array<i32>} : memref<32x128xf32, #tpu.memory_space<vmem>>, vector<16xf32>,
    %add3A_975 = arith.addf %add3A_970, %get3A_974 : vector<16xf32>
    %get3A_976 = arith.constant 15 : i32
    %get3A_977 = arith.index_cast %get3A_976 : i32 to index
    %get3A_978 = arith.constant 80 : index
    %get3A_979 = tpu.vector_load %arg15[%get3A_977, %get3A_978] {strides = array<i32>} : memref<32x128xf32, #tpu.memory_space<vmem>>, vector<16xf32>,
    %add3A_980 = arith.addf %add3A_975, %get3A_979 : vector<16xf32>
    %get3A_981 = arith.constant 16 : i32
    %get3A_982 = arith.index_cast %get3A_981 : i32 to index
    %get3A_983 = arith.constant 80 : index
    %get3A_984 = tpu.vector_load %arg15[%get3A_982, %get3A_983] {strides = array<i32>} : memref<32x128xf32, #tpu.memory_space<vmem>>, vector<16xf32>,
    %add3A_985 = arith.addf %add3A_980, %get3A_984 : vector<16xf32>
    %get3A_986 = arith.constant 17 : i32
    %get3A_987 = arith.index_cast %get3A_986 : i32 to index
    %get3A_988 = arith.constant 80 : index
    %get3A_989 = tpu.vector_load %arg15[%get3A_987, %get3A_988] {strides = array<i32>} : memref<32x128xf32, #tpu.memory_space<vmem>>, vector<16xf32>,
    %add3A_990 = arith.addf %add3A_985, %get3A_989 : vector<16xf32>
    %get3A_991 = arith.constant 18 : i32
    %get3A_992 = arith.index_cast %get3A_991 : i32 to index
    %get3A_993 = arith.constant 80 : index
    %get3A_994 = tpu.vector_load %arg15[%get3A_992, %get3A_993] {strides = array<i32>} : memref<32x128xf32, #tpu.memory_space<vmem>>, vector<16xf32>,
    %add3A_995 = arith.addf %add3A_990, %get3A_994 : vector<16xf32>
    %get3A_996 = arith.constant 19 : i32
    %get3A_997 = arith.index_cast %get3A_996 : i32 to index
    %get3A_998 = arith.constant 80 : index
    %get3A_999 = tpu.vector_load %arg15[%get3A_997, %get3A_998] {strides = array<i32>} : memref<32x128xf32, #tpu.memory_space<vmem>>, vector<16xf32>,
    %add3A_1000 = arith.addf %add3A_995, %get3A_999 : vector<16xf32>
    %slice3A_1001 = vector.extract_strided_slice %add3A_1000 {offsets = [0], sizes = [1], strides = [1]} : vector<16xf32> to vector<1xf32>
    %squeeze3A_1002 = vector.extract %slice3A_1001[0] : f32 from vector<1xf32>
    %swap3A_1003 = arith.constant 80 : i32
    %swap3A_1004 = arith.index_cast %swap3A_1003 : i32 to index
    %swap3A_1005 = memref.load %arg16[%swap3A_1004] : memref<128xf32, #tpu.memory_space<smem>>
    memref.store %squeeze3A_1002, %arg16[%swap3A_1004] : memref<128xf32, #tpu.memory_space<smem>>
    %slice3A_1006 = vector.extract_strided_slice %add3A_1000 {offsets = [1], sizes = [1], strides = [1]} : vector<16xf32> to vector<1xf32>
    %squeeze3A_1007 = vector.extract %slice3A_1006[0] : f32 from vector<1xf32>
    %swap3A_1008 = arith.constant 81 : i32
    %swap3A_1009 = arith.index_cast %swap3A_1008 : i32 to index
    %swap3A_1010 = memref.load %arg16[%swap3A_1009] : memref<128xf32, #tpu.memory_space<smem>>
    memref.store %squeeze3A_1007, %arg16[%swap3A_1009] : memref<128xf32, #tpu.memory_space<smem>>
    %slice3A_1011 = vector.extract_strided_slice %add3A_1000 {offsets = [2], sizes = [1], strides = [1]} : vector<16xf32> to vector<1xf32>
    %squeeze3A_1012 = vector.extract %slice3A_1011[0] : f32 from vector<1xf32>
    %swap3A_1013 = arith.constant 82 : i32
    %swap3A_1014 = arith.index_cast %swap3A_1013 : i32 to index
    %swap3A_1015 = memref.load %arg16[%swap3A_1014] : memref<128xf32, #tpu.memory_space<smem>>
    memref.store %squeeze3A_1012, %arg16[%swap3A_1014] : memref<128xf32, #tpu.memory_space<smem>>
    %slice3A_1016 = vector.extract_strided_slice %add3A_1000 {offsets = [3], sizes = [1], strides = [1]} : vector<16xf32> to vector<1xf32>
    %squeeze3A_1017 = vector.extract %slice3A_1016[0] : f32 from vector<1xf32>
    %swap3A_1018 = arith.constant 83 : i32
    %swap3A_1019 = arith.index_cast %swap3A_1018 : i32 to index
    %swap3A_1020 = memref.load %arg16[%swap3A_1019] : memref<128xf32, #tpu.memory_space<smem>>
    memref.store %squeeze3A_1017, %arg16[%swap3A_1019] : memref<128xf32, #tpu.memory_space<smem>>
    %slice3A_1021 = vector.extract_strided_slice %add3A_1000 {offsets = [4], sizes = [1], strides = [1]} : vector<16xf32> to vector<1xf32>
    %squeeze3A_1022 = vector.extract %slice3A_1021[0] : f32 from vector<1xf32>
    %swap3A_1023 = arith.constant 84 : i32
    %swap3A_1024 = arith.index_cast %swap3A_1023 : i32 to index
    %swap3A_1025 = memref.load %arg16[%swap3A_1024] : memref<128xf32, #tpu.memory_space<smem>>
    memref.store %squeeze3A_1022, %arg16[%swap3A_1024] : memref<128xf32, #tpu.memory_space<smem>>
    %slice3A_1026 = vector.extract_strided_slice %add3A_1000 {offsets = [5], sizes = [1], strides = [1]} : vector<16xf32> to vector<1xf32>
    %squeeze3A_1027 = vector.extract %slice3A_1026[0] : f32 from vector<1xf32>
    %swap3A_1028 = arith.constant 85 : i32
    %swap3A_1029 = arith.index_cast %swap3A_1028 : i32 to index
    %swap3A_1030 = memref.load %arg16[%swap3A_1029] : memref<128xf32, #tpu.memory_space<smem>>
    memref.store %squeeze3A_1027, %arg16[%swap3A_1029] : memref<128xf32, #tpu.memory_space<smem>>
    %slice3A_1031 = vector.extract_strided_slice %add3A_1000 {offsets = [6], sizes = [1], strides = [1]} : vector<16xf32> to vector<1xf32>
    %squeeze3A_1032 = vector.extract %slice3A_1031[0] : f32 from vector<1xf32>
    %swap3A_1033 = arith.constant 86 : i32
    %swap3A_1034 = arith.index_cast %swap3A_1033 : i32 to index
    %swap3A_1035 = memref.load %arg16[%swap3A_1034] : memref<128xf32, #tpu.memory_space<smem>>
    memref.store %squeeze3A_1032, %arg16[%swap3A_1034] : memref<128xf32, #tpu.memory_space<smem>>
    %slice3A_1036 = vector.extract_strided_slice %add3A_1000 {offsets = [7], sizes = [1], strides = [1]} : vector<16xf32> to vector<1xf32>
    %squeeze3A_1037 = vector.extract %slice3A_1036[0] : f32 from vector<1xf32>
    %swap3A_1038 = arith.constant 87 : i32
    %swap3A_1039 = arith.index_cast %swap3A_1038 : i32 to index
    %swap3A_1040 = memref.load %arg16[%swap3A_1039] : memref<128xf32, #tpu.memory_space<smem>>
    memref.store %squeeze3A_1037, %arg16[%swap3A_1039] : memref<128xf32, #tpu.memory_space<smem>>
    %slice3A_1041 = vector.extract_strided_slice %add3A_1000 {offsets = [8], sizes = [1], strides = [1]} : vector<16xf32> to vector<1xf32>
    %squeeze3A_1042 = vector.extract %slice3A_1041[0] : f32 from vector<1xf32>
    %swap3A_1043 = arith.constant 88 : i32
    %swap3A_1044 = arith.index_cast %swap3A_1043 : i32 to index
    %swap3A_1045 = memref.load %arg16[%swap3A_1044] : memref<128xf32, #tpu.memory_space<smem>>
    memref.store %squeeze3A_1042, %arg16[%swap3A_1044] : memref<128xf32, #tpu.memory_space<smem>>
    %slice3A_1046 = vector.extract_strided_slice %add3A_1000 {offsets = [9], sizes = [1], strides = [1]} : vector<16xf32> to vector<1xf32>
    %squeeze3A_1047 = vector.extract %slice3A_1046[0] : f32 from vector<1xf32>
    %swap3A_1048 = arith.constant 89 : i32
    %swap3A_1049 = arith.index_cast %swap3A_1048 : i32 to index
    %swap3A_1050 = memref.load %arg16[%swap3A_1049] : memref<128xf32, #tpu.memory_space<smem>>
    memref.store %squeeze3A_1047, %arg16[%swap3A_1049] : memref<128xf32, #tpu.memory_space<smem>>
    %slice3A_1051 = vector.extract_strided_slice %add3A_1000 {offsets = [10], sizes = [1], strides = [1]} : vector<16xf32> to vector<1xf32>
    %squeeze3A_1052 = vector.extract %slice3A_1051[0] : f32 from vector<1xf32>
    %swap3A_1053 = arith.constant 90 : i32
    %swap3A_1054 = arith.index_cast %swap3A_1053 : i32 to index
    %swap3A_1055 = memref.load %arg16[%swap3A_1054] : memref<128xf32, #tpu.memory_space<smem>>
    memref.store %squeeze3A_1052, %arg16[%swap3A_1054] : memref<128xf32, #tpu.memory_space<smem>>
    %slice3A_1056 = vector.extract_strided_slice %add3A_1000 {offsets = [11], sizes = [1], strides = [1]} : vector<16xf32> to vector<1xf32>
    %squeeze3A_1057 = vector.extract %slice3A_1056[0] : f32 from vector<1xf32>
    %swap3A_1058 = arith.constant 91 : i32
    %swap3A_1059 = arith.index_cast %swap3A_1058 : i32 to index
    %swap3A_1060 = memref.load %arg16[%swap3A_1059] : memref<128xf32, #tpu.memory_space<smem>>
    memref.store %squeeze3A_1057, %arg16[%swap3A_1059] : memref<128xf32, #tpu.memory_space<smem>>
    %slice3A_1061 = vector.extract_strided_slice %add3A_1000 {offsets = [12], sizes = [1], strides = [1]} : vector<16xf32> to vector<1xf32>
    %squeeze3A_1062 = vector.extract %slice3A_1061[0] : f32 from vector<1xf32>
    %swap3A_1063 = arith.constant 92 : i32
    %swap3A_1064 = arith.index_cast %swap3A_1063 : i32 to index
    %swap3A_1065 = memref.load %arg16[%swap3A_1064] : memref<128xf32, #tpu.memory_space<smem>>
    memref.store %squeeze3A_1062, %arg16[%swap3A_1064] : memref<128xf32, #tpu.memory_space<smem>>
    %slice3A_1066 = vector.extract_strided_slice %add3A_1000 {offsets = [13], sizes = [1], strides = [1]} : vector<16xf32> to vector<1xf32>
    %squeeze3A_1067 = vector.extract %slice3A_1066[0] : f32 from vector<1xf32>
    %swap3A_1068 = arith.constant 93 : i32
    %swap3A_1069 = arith.index_cast %swap3A_1068 : i32 to index
    %swap3A_1070 = memref.load %arg16[%swap3A_1069] : memref<128xf32, #tpu.memory_space<smem>>
    memref.store %squeeze3A_1067, %arg16[%swap3A_1069] : memref<128xf32, #tpu.memory_space<smem>>
    %slice3A_1071 = vector.extract_strided_slice %add3A_1000 {offsets = [14], sizes = [1], strides = [1]} : vector<16xf32> to vector<1xf32>
    %squeeze3A_1072 = vector.extract %slice3A_1071[0] : f32 from vector<1xf32>
    %swap3A_1073 = arith.constant 94 : i32
    %swap3A_1074 = arith.index_cast %swap3A_1073 : i32 to index
    %swap3A_1075 = memref.load %arg16[%swap3A_1074] : memref<128xf32, #tpu.memory_space<smem>>
    memref.store %squeeze3A_1072, %arg16[%swap3A_1074] : memref<128xf32, #tpu.memory_space<smem>>
    %slice3A_1076 = vector.extract_strided_slice %add3A_1000 {offsets = [15], sizes = [1], strides = [1]} : vector<16xf32> to vector<1xf32>
    %squeeze3A_1077 = vector.extract %slice3A_1076[0] : f32 from vector<1xf32>
    %swap3A_1078 = arith.constant 95 : i32
    %swap3A_1079 = arith.index_cast %swap3A_1078 : i32 to index
    %swap3A_1080 = memref.load %arg16[%swap3A_1079] : memref<128xf32, #tpu.memory_space<smem>>
    memref.store %squeeze3A_1077, %arg16[%swap3A_1079] : memref<128xf32, #tpu.memory_space<smem>>
    %get3A_1081 = arith.constant 0 : i32
    %get3A_1082 = arith.index_cast %get3A_1081 : i32 to index
    %get3A_1083 = arith.constant 96 : index
    %get3A_1084 = tpu.vector_load %arg15[%get3A_1082, %get3A_1083] {strides = array<i32>} : memref<32x128xf32, #tpu.memory_space<vmem>>, vector<16xf32>,
    %get3A_1085 = arith.constant 1 : i32
    %get3A_1086 = arith.index_cast %get3A_1085 : i32 to index
    %get3A_1087 = arith.constant 96 : index
    %get3A_1088 = tpu.vector_load %arg15[%get3A_1086, %get3A_1087] {strides = array<i32>} : memref<32x128xf32, #tpu.memory_space<vmem>>, vector<16xf32>,
    %add3A_1089 = arith.addf %get3A_1084, %get3A_1088 : vector<16xf32>
    %get3A_1090 = arith.constant 2 : i32
    %get3A_1091 = arith.index_cast %get3A_1090 : i32 to index
    %get3A_1092 = arith.constant 96 : index
    %get3A_1093 = tpu.vector_load %arg15[%get3A_1091, %get3A_1092] {strides = array<i32>} : memref<32x128xf32, #tpu.memory_space<vmem>>, vector<16xf32>,
    %add3A_1094 = arith.addf %add3A_1089, %get3A_1093 : vector<16xf32>
    %get3A_1095 = arith.constant 3 : i32
    %get3A_1096 = arith.index_cast %get3A_1095 : i32 to index
    %get3A_1097 = arith.constant 96 : index
    %get3A_1098 = tpu.vector_load %arg15[%get3A_1096, %get3A_1097] {strides = array<i32>} : memref<32x128xf32, #tpu.memory_space<vmem>>, vector<16xf32>,
    %add3A_1099 = arith.addf %add3A_1094, %get3A_1098 : vector<16xf32>
    %get3A_1100 = arith.constant 4 : i32
    %get3A_1101 = arith.index_cast %get3A_1100 : i32 to index
    %get3A_1102 = arith.constant 96 : index
    %get3A_1103 = tpu.vector_load %arg15[%get3A_1101, %get3A_1102] {strides = array<i32>} : memref<32x128xf32, #tpu.memory_space<vmem>>, vector<16xf32>,
    %add3A_1104 = arith.addf %add3A_1099, %get3A_1103 : vector<16xf32>
    %get3A_1105 = arith.constant 5 : i32
    %get3A_1106 = arith.index_cast %get3A_1105 : i32 to index
    %get3A_1107 = arith.constant 96 : index
    %get3A_1108 = tpu.vector_load %arg15[%get3A_1106, %get3A_1107] {strides = array<i32>} : memref<32x128xf32, #tpu.memory_space<vmem>>, vector<16xf32>,
    %add3A_1109 = arith.addf %add3A_1104, %get3A_1108 : vector<16xf32>
    %get3A_1110 = arith.constant 6 : i32
    %get3A_1111 = arith.index_cast %get3A_1110 : i32 to index
    %get3A_1112 = arith.constant 96 : index
    %get3A_1113 = tpu.vector_load %arg15[%get3A_1111, %get3A_1112] {strides = array<i32>} : memref<32x128xf32, #tpu.memory_space<vmem>>, vector<16xf32>,
    %add3A_1114 = arith.addf %add3A_1109, %get3A_1113 : vector<16xf32>
    %get3A_1115 = arith.constant 7 : i32
    %get3A_1116 = arith.index_cast %get3A_1115 : i32 to index
    %get3A_1117 = arith.constant 96 : index
    %get3A_1118 = tpu.vector_load %arg15[%get3A_1116, %get3A_1117] {strides = array<i32>} : memref<32x128xf32, #tpu.memory_space<vmem>>, vector<16xf32>,
    %add3A_1119 = arith.addf %add3A_1114, %get3A_1118 : vector<16xf32>
    %get3A_1120 = arith.constant 8 : i32
    %get3A_1121 = arith.index_cast %get3A_1120 : i32 to index
    %get3A_1122 = arith.constant 96 : index
    %get3A_1123 = tpu.vector_load %arg15[%get3A_1121, %get3A_1122] {strides = array<i32>} : memref<32x128xf32, #tpu.memory_space<vmem>>, vector<16xf32>,
    %add3A_1124 = arith.addf %add3A_1119, %get3A_1123 : vector<16xf32>
    %get3A_1125 = arith.constant 9 : i32
    %get3A_1126 = arith.index_cast %get3A_1125 : i32 to index
    %get3A_1127 = arith.constant 96 : index
    %get3A_1128 = tpu.vector_load %arg15[%get3A_1126, %get3A_1127] {strides = array<i32>} : memref<32x128xf32, #tpu.memory_space<vmem>>, vector<16xf32>,
    %add3A_1129 = arith.addf %add3A_1124, %get3A_1128 : vector<16xf32>
    %get3A_1130 = arith.constant 10 : i32
    %get3A_1131 = arith.index_cast %get3A_1130 : i32 to index
    %get3A_1132 = arith.constant 96 : index
    %get3A_1133 = tpu.vector_load %arg15[%get3A_1131, %get3A_1132] {strides = array<i32>} : memref<32x128xf32, #tpu.memory_space<vmem>>, vector<16xf32>,
    %add3A_1134 = arith.addf %add3A_1129, %get3A_1133 : vector<16xf32>
    %get3A_1135 = arith.constant 11 : i32
    %get3A_1136 = arith.index_cast %get3A_1135 : i32 to index
    %get3A_1137 = arith.constant 96 : index
    %get3A_1138 = tpu.vector_load %arg15[%get3A_1136, %get3A_1137] {strides = array<i32>} : memref<32x128xf32, #tpu.memory_space<vmem>>, vector<16xf32>,
    %add3A_1139 = arith.addf %add3A_1134, %get3A_1138 : vector<16xf32>
    %get3A_1140 = arith.constant 12 : i32
    %get3A_1141 = arith.index_cast %get3A_1140 : i32 to index
    %get3A_1142 = arith.constant 96 : index
    %get3A_1143 = tpu.vector_load %arg15[%get3A_1141, %get3A_1142] {strides = array<i32>} : memref<32x128xf32, #tpu.memory_space<vmem>>, vector<16xf32>,
    %add3A_1144 = arith.addf %add3A_1139, %get3A_1143 : vector<16xf32>
    %get3A_1145 = arith.constant 13 : i32
    %get3A_1146 = arith.index_cast %get3A_1145 : i32 to index
    %get3A_1147 = arith.constant 96 : index
    %get3A_1148 = tpu.vector_load %arg15[%get3A_1146, %get3A_1147] {strides = array<i32>} : memref<32x128xf32, #tpu.memory_space<vmem>>, vector<16xf32>,
    %add3A_1149 = arith.addf %add3A_1144, %get3A_1148 : vector<16xf32>
    %get3A_1150 = arith.constant 14 : i32
    %get3A_1151 = arith.index_cast %get3A_1150 : i32 to index
    %get3A_1152 = arith.constant 96 : index
    %get3A_1153 = tpu.vector_load %arg15[%get3A_1151, %get3A_1152] {strides = array<i32>} : memref<32x128xf32, #tpu.memory_space<vmem>>, vector<16xf32>,
    %add3A_1154 = arith.addf %add3A_1149, %get3A_1153 : vector<16xf32>
    %get3A_1155 = arith.constant 15 : i32
    %get3A_1156 = arith.index_cast %get3A_1155 : i32 to index
    %get3A_1157 = arith.constant 96 : index
    %get3A_1158 = tpu.vector_load %arg15[%get3A_1156, %get3A_1157] {strides = array<i32>} : memref<32x128xf32, #tpu.memory_space<vmem>>, vector<16xf32>,
    %add3A_1159 = arith.addf %add3A_1154, %get3A_1158 : vector<16xf32>
    %get3A_1160 = arith.constant 16 : i32
    %get3A_1161 = arith.index_cast %get3A_1160 : i32 to index
    %get3A_1162 = arith.constant 96 : index
    %get3A_1163 = tpu.vector_load %arg15[%get3A_1161, %get3A_1162] {strides = array<i32>} : memref<32x128xf32, #tpu.memory_space<vmem>>, vector<16xf32>,
    %add3A_1164 = arith.addf %add3A_1159, %get3A_1163 : vector<16xf32>
    %get3A_1165 = arith.constant 17 : i32
    %get3A_1166 = arith.index_cast %get3A_1165 : i32 to index
    %get3A_1167 = arith.constant 96 : index
    %get3A_1168 = tpu.vector_load %arg15[%get3A_1166, %get3A_1167] {strides = array<i32>} : memref<32x128xf32, #tpu.memory_space<vmem>>, vector<16xf32>,
    %add3A_1169 = arith.addf %add3A_1164, %get3A_1168 : vector<16xf32>
    %get3A_1170 = arith.constant 18 : i32
    %get3A_1171 = arith.index_cast %get3A_1170 : i32 to index
    %get3A_1172 = arith.constant 96 : index
    %get3A_1173 = tpu.vector_load %arg15[%get3A_1171, %get3A_1172] {strides = array<i32>} : memref<32x128xf32, #tpu.memory_space<vmem>>, vector<16xf32>,
    %add3A_1174 = arith.addf %add3A_1169, %get3A_1173 : vector<16xf32>
    %get3A_1175 = arith.constant 19 : i32
    %get3A_1176 = arith.index_cast %get3A_1175 : i32 to index
    %get3A_1177 = arith.constant 96 : index
    %get3A_1178 = tpu.vector_load %arg15[%get3A_1176, %get3A_1177] {strides = array<i32>} : memref<32x128xf32, #tpu.memory_space<vmem>>, vector<16xf32>,
    %add3A_1179 = arith.addf %add3A_1174, %get3A_1178 : vector<16xf32>
    %slice3A_1180 = vector.extract_strided_slice %add3A_1179 {offsets = [0], sizes = [1], strides = [1]} : vector<16xf32> to vector<1xf32>
    %squeeze3A_1181 = vector.extract %slice3A_1180[0] : f32 from vector<1xf32>
    %swap3A_1182 = arith.constant 96 : i32
    %swap3A_1183 = arith.index_cast %swap3A_1182 : i32 to index
    %swap3A_1184 = memref.load %arg16[%swap3A_1183] : memref<128xf32, #tpu.memory_space<smem>>
    memref.store %squeeze3A_1181, %arg16[%swap3A_1183] : memref<128xf32, #tpu.memory_space<smem>>
    %slice3A_1185 = vector.extract_strided_slice %add3A_1179 {offsets = [1], sizes = [1], strides = [1]} : vector<16xf32> to vector<1xf32>
    %squeeze3A_1186 = vector.extract %slice3A_1185[0] : f32 from vector<1xf32>
    %swap3A_1187 = arith.constant 97 : i32
    %swap3A_1188 = arith.index_cast %swap3A_1187 : i32 to index
    %swap3A_1189 = memref.load %arg16[%swap3A_1188] : memref<128xf32, #tpu.memory_space<smem>>
    memref.store %squeeze3A_1186, %arg16[%swap3A_1188] : memref<128xf32, #tpu.memory_space<smem>>
    %slice3A_1190 = vector.extract_strided_slice %add3A_1179 {offsets = [2], sizes = [1], strides = [1]} : vector<16xf32> to vector<1xf32>
    %squeeze3A_1191 = vector.extract %slice3A_1190[0] : f32 from vector<1xf32>
    %swap3A_1192 = arith.constant 98 : i32
    %swap3A_1193 = arith.index_cast %swap3A_1192 : i32 to index
    %swap3A_1194 = memref.load %arg16[%swap3A_1193] : memref<128xf32, #tpu.memory_space<smem>>
    memref.store %squeeze3A_1191, %arg16[%swap3A_1193] : memref<128xf32, #tpu.memory_space<smem>>
    %slice3A_1195 = vector.extract_strided_slice %add3A_1179 {offsets = [3], sizes = [1], strides = [1]} : vector<16xf32> to vector<1xf32>
    %squeeze3A_1196 = vector.extract %slice3A_1195[0] : f32 from vector<1xf32>
    %swap3A_1197 = arith.constant 99 : i32
    %swap3A_1198 = arith.index_cast %swap3A_1197 : i32 to index
    %swap3A_1199 = memref.load %arg16[%swap3A_1198] : memref<128xf32, #tpu.memory_space<smem>>
    memref.store %squeeze3A_1196, %arg16[%swap3A_1198] : memref<128xf32, #tpu.memory_space<smem>>
    %slice3A_1200 = vector.extract_strided_slice %add3A_1179 {offsets = [4], sizes = [1], strides = [1]} : vector<16xf32> to vector<1xf32>
    %squeeze3A_1201 = vector.extract %slice3A_1200[0] : f32 from vector<1xf32>
    %swap3A_1202 = arith.constant 100 : i32
    %swap3A_1203 = arith.index_cast %swap3A_1202 : i32 to index
    %swap3A_1204 = memref.load %arg16[%swap3A_1203] : memref<128xf32, #tpu.memory_space<smem>>
    memref.store %squeeze3A_1201, %arg16[%swap3A_1203] : memref<128xf32, #tpu.memory_space<smem>>
    %slice3A_1205 = vector.extract_strided_slice %add3A_1179 {offsets = [5], sizes = [1], strides = [1]} : vector<16xf32> to vector<1xf32>
    %squeeze3A_1206 = vector.extract %slice3A_1205[0] : f32 from vector<1xf32>
    %swap3A_1207 = arith.constant 101 : i32
    %swap3A_1208 = arith.index_cast %swap3A_1207 : i32 to index
    %swap3A_1209 = memref.load %arg16[%swap3A_1208] : memref<128xf32, #tpu.memory_space<smem>>
    memref.store %squeeze3A_1206, %arg16[%swap3A_1208] : memref<128xf32, #tpu.memory_space<smem>>
    %slice3A_1210 = vector.extract_strided_slice %add3A_1179 {offsets = [6], sizes = [1], strides = [1]} : vector<16xf32> to vector<1xf32>
    %squeeze3A_1211 = vector.extract %slice3A_1210[0] : f32 from vector<1xf32>
    %swap3A_1212 = arith.constant 102 : i32
    %swap3A_1213 = arith.index_cast %swap3A_1212 : i32 to index
    %swap3A_1214 = memref.load %arg16[%swap3A_1213] : memref<128xf32, #tpu.memory_space<smem>>
    memref.store %squeeze3A_1211, %arg16[%swap3A_1213] : memref<128xf32, #tpu.memory_space<smem>>
    %slice3A_1215 = vector.extract_strided_slice %add3A_1179 {offsets = [7], sizes = [1], strides = [1]} : vector<16xf32> to vector<1xf32>
    %squeeze3A_1216 = vector.extract %slice3A_1215[0] : f32 from vector<1xf32>
    %swap3A_1217 = arith.constant 103 : i32
    %swap3A_1218 = arith.index_cast %swap3A_1217 : i32 to index
    %swap3A_1219 = memref.load %arg16[%swap3A_1218] : memref<128xf32, #tpu.memory_space<smem>>
    memref.store %squeeze3A_1216, %arg16[%swap3A_1218] : memref<128xf32, #tpu.memory_space<smem>>
    %slice3A_1220 = vector.extract_strided_slice %add3A_1179 {offsets = [8], sizes = [1], strides = [1]} : vector<16xf32> to vector<1xf32>
    %squeeze3A_1221 = vector.extract %slice3A_1220[0] : f32 from vector<1xf32>
    %swap3A_1222 = arith.constant 104 : i32
    %swap3A_1223 = arith.index_cast %swap3A_1222 : i32 to index
    %swap3A_1224 = memref.load %arg16[%swap3A_1223] : memref<128xf32, #tpu.memory_space<smem>>
    memref.store %squeeze3A_1221, %arg16[%swap3A_1223] : memref<128xf32, #tpu.memory_space<smem>>
    %slice3A_1225 = vector.extract_strided_slice %add3A_1179 {offsets = [9], sizes = [1], strides = [1]} : vector<16xf32> to vector<1xf32>
    %squeeze3A_1226 = vector.extract %slice3A_1225[0] : f32 from vector<1xf32>
    %swap3A_1227 = arith.constant 105 : i32
    %swap3A_1228 = arith.index_cast %swap3A_1227 : i32 to index
    %swap3A_1229 = memref.load %arg16[%swap3A_1228] : memref<128xf32, #tpu.memory_space<smem>>
    memref.store %squeeze3A_1226, %arg16[%swap3A_1228] : memref<128xf32, #tpu.memory_space<smem>>
    %slice3A_1230 = vector.extract_strided_slice %add3A_1179 {offsets = [10], sizes = [1], strides = [1]} : vector<16xf32> to vector<1xf32>
    %squeeze3A_1231 = vector.extract %slice3A_1230[0] : f32 from vector<1xf32>
    %swap3A_1232 = arith.constant 106 : i32
    %swap3A_1233 = arith.index_cast %swap3A_1232 : i32 to index
    %swap3A_1234 = memref.load %arg16[%swap3A_1233] : memref<128xf32, #tpu.memory_space<smem>>
    memref.store %squeeze3A_1231, %arg16[%swap3A_1233] : memref<128xf32, #tpu.memory_space<smem>>
    %slice3A_1235 = vector.extract_strided_slice %add3A_1179 {offsets = [11], sizes = [1], strides = [1]} : vector<16xf32> to vector<1xf32>
    %squeeze3A_1236 = vector.extract %slice3A_1235[0] : f32 from vector<1xf32>
    %swap3A_1237 = arith.constant 107 : i32
    %swap3A_1238 = arith.index_cast %swap3A_1237 : i32 to index
    %swap3A_1239 = memref.load %arg16[%swap3A_1238] : memref<128xf32, #tpu.memory_space<smem>>
    memref.store %squeeze3A_1236, %arg16[%swap3A_1238] : memref<128xf32, #tpu.memory_space<smem>>
    %slice3A_1240 = vector.extract_strided_slice %add3A_1179 {offsets = [12], sizes = [1], strides = [1]} : vector<16xf32> to vector<1xf32>
    %squeeze3A_1241 = vector.extract %slice3A_1240[0] : f32 from vector<1xf32>
    %swap3A_1242 = arith.constant 108 : i32
    %swap3A_1243 = arith.index_cast %swap3A_1242 : i32 to index
    %swap3A_1244 = memref.load %arg16[%swap3A_1243] : memref<128xf32, #tpu.memory_space<smem>>
    memref.store %squeeze3A_1241, %arg16[%swap3A_1243] : memref<128xf32, #tpu.memory_space<smem>>
    %slice3A_1245 = vector.extract_strided_slice %add3A_1179 {offsets = [13], sizes = [1], strides = [1]} : vector<16xf32> to vector<1xf32>
    %squeeze3A_1246 = vector.extract %slice3A_1245[0] : f32 from vector<1xf32>
    %swap3A_1247 = arith.constant 109 : i32
    %swap3A_1248 = arith.index_cast %swap3A_1247 : i32 to index
    %swap3A_1249 = memref.load %arg16[%swap3A_1248] : memref<128xf32, #tpu.memory_space<smem>>
    memref.store %squeeze3A_1246, %arg16[%swap3A_1248] : memref<128xf32, #tpu.memory_space<smem>>
    %slice3A_1250 = vector.extract_strided_slice %add3A_1179 {offsets = [14], sizes = [1], strides = [1]} : vector<16xf32> to vector<1xf32>
    %squeeze3A_1251 = vector.extract %slice3A_1250[0] : f32 from vector<1xf32>
    %swap3A_1252 = arith.constant 110 : i32
    %swap3A_1253 = arith.index_cast %swap3A_1252 : i32 to index
    %swap3A_1254 = memref.load %arg16[%swap3A_1253] : memref<128xf32, #tpu.memory_space<smem>>
    memref.store %squeeze3A_1251, %arg16[%swap3A_1253] : memref<128xf32, #tpu.memory_space<smem>>
    %slice3A_1255 = vector.extract_strided_slice %add3A_1179 {offsets = [15], sizes = [1], strides = [1]} : vector<16xf32> to vector<1xf32>
    %squeeze3A_1256 = vector.extract %slice3A_1255[0] : f32 from vector<1xf32>
    %swap3A_1257 = arith.constant 111 : i32
    %swap3A_1258 = arith.index_cast %swap3A_1257 : i32 to index
    %swap3A_1259 = memref.load %arg16[%swap3A_1258] : memref<128xf32, #tpu.memory_space<smem>>
    memref.store %squeeze3A_1256, %arg16[%swap3A_1258] : memref<128xf32, #tpu.memory_space<smem>>
    %get3A_1260 = arith.constant 0 : i32
    %get3A_1261 = arith.index_cast %get3A_1260 : i32 to index
    %get3A_1262 = arith.constant 112 : index
    %get3A_1263 = tpu.vector_load %arg15[%get3A_1261, %get3A_1262] {strides = array<i32>} : memref<32x128xf32, #tpu.memory_space<vmem>>, vector<16xf32>,
    %get3A_1264 = arith.constant 1 : i32
    %get3A_1265 = arith.index_cast %get3A_1264 : i32 to index
    %get3A_1266 = arith.constant 112 : index
    %get3A_1267 = tpu.vector_load %arg15[%get3A_1265, %get3A_1266] {strides = array<i32>} : memref<32x128xf32, #tpu.memory_space<vmem>>, vector<16xf32>,
    %add3A_1268 = arith.addf %get3A_1263, %get3A_1267 : vector<16xf32>
    %get3A_1269 = arith.constant 2 : i32
    %get3A_1270 = arith.index_cast %get3A_1269 : i32 to index
    %get3A_1271 = arith.constant 112 : index
    %get3A_1272 = tpu.vector_load %arg15[%get3A_1270, %get3A_1271] {strides = array<i32>} : memref<32x128xf32, #tpu.memory_space<vmem>>, vector<16xf32>,
    %add3A_1273 = arith.addf %add3A_1268, %get3A_1272 : vector<16xf32>
    %get3A_1274 = arith.constant 3 : i32
    %get3A_1275 = arith.index_cast %get3A_1274 : i32 to index
    %get3A_1276 = arith.constant 112 : index
    %get3A_1277 = tpu.vector_load %arg15[%get3A_1275, %get3A_1276] {strides = array<i32>} : memref<32x128xf32, #tpu.memory_space<vmem>>, vector<16xf32>,
    %add3A_1278 = arith.addf %add3A_1273, %get3A_1277 : vector<16xf32>
    %get3A_1279 = arith.constant 4 : i32
    %get3A_1280 = arith.index_cast %get3A_1279 : i32 to index
    %get3A_1281 = arith.constant 112 : index
    %get3A_1282 = tpu.vector_load %arg15[%get3A_1280, %get3A_1281] {strides = array<i32>} : memref<32x128xf32, #tpu.memory_space<vmem>>, vector<16xf32>,
    %add3A_1283 = arith.addf %add3A_1278, %get3A_1282 : vector<16xf32>
    %get3A_1284 = arith.constant 5 : i32
    %get3A_1285 = arith.index_cast %get3A_1284 : i32 to index
    %get3A_1286 = arith.constant 112 : index
    %get3A_1287 = tpu.vector_load %arg15[%get3A_1285, %get3A_1286] {strides = array<i32>} : memref<32x128xf32, #tpu.memory_space<vmem>>, vector<16xf32>,
    %add3A_1288 = arith.addf %add3A_1283, %get3A_1287 : vector<16xf32>
    %get3A_1289 = arith.constant 6 : i32
    %get3A_1290 = arith.index_cast %get3A_1289 : i32 to index
    %get3A_1291 = arith.constant 112 : index
    %get3A_1292 = tpu.vector_load %arg15[%get3A_1290, %get3A_1291] {strides = array<i32>} : memref<32x128xf32, #tpu.memory_space<vmem>>, vector<16xf32>,
    %add3A_1293 = arith.addf %add3A_1288, %get3A_1292 : vector<16xf32>
    %get3A_1294 = arith.constant 7 : i32
    %get3A_1295 = arith.index_cast %get3A_1294 : i32 to index
    %get3A_1296 = arith.constant 112 : index
    %get3A_1297 = tpu.vector_load %arg15[%get3A_1295, %get3A_1296] {strides = array<i32>} : memref<32x128xf32, #tpu.memory_space<vmem>>, vector<16xf32>,
    %add3A_1298 = arith.addf %add3A_1293, %get3A_1297 : vector<16xf32>
    %get3A_1299 = arith.constant 8 : i32
    %get3A_1300 = arith.index_cast %get3A_1299 : i32 to index
    %get3A_1301 = arith.constant 112 : index
    %get3A_1302 = tpu.vector_load %arg15[%get3A_1300, %get3A_1301] {strides = array<i32>} : memref<32x128xf32, #tpu.memory_space<vmem>>, vector<16xf32>,
    %add3A_1303 = arith.addf %add3A_1298, %get3A_1302 : vector<16xf32>
    %get3A_1304 = arith.constant 9 : i32
    %get3A_1305 = arith.index_cast %get3A_1304 : i32 to index
    %get3A_1306 = arith.constant 112 : index
    %get3A_1307 = tpu.vector_load %arg15[%get3A_1305, %get3A_1306] {strides = array<i32>} : memref<32x128xf32, #tpu.memory_space<vmem>>, vector<16xf32>,
    %add3A_1308 = arith.addf %add3A_1303, %get3A_1307 : vector<16xf32>
    %get3A_1309 = arith.constant 10 : i32
    %get3A_1310 = arith.index_cast %get3A_1309 : i32 to index
    %get3A_1311 = arith.constant 112 : index
    %get3A_1312 = tpu.vector_load %arg15[%get3A_1310, %get3A_1311] {strides = array<i32>} : memref<32x128xf32, #tpu.memory_space<vmem>>, vector<16xf32>,
    %add3A_1313 = arith.addf %add3A_1308, %get3A_1312 : vector<16xf32>
    %get3A_1314 = arith.constant 11 : i32
    %get3A_1315 = arith.index_cast %get3A_1314 : i32 to index
    %get3A_1316 = arith.constant 112 : index
    %get3A_1317 = tpu.vector_load %arg15[%get3A_1315, %get3A_1316] {strides = array<i32>} : memref<32x128xf32, #tpu.memory_space<vmem>>, vector<16xf32>,
    %add3A_1318 = arith.addf %add3A_1313, %get3A_1317 : vector<16xf32>
    %get3A_1319 = arith.constant 12 : i32
    %get3A_1320 = arith.index_cast %get3A_1319 : i32 to index
    %get3A_1321 = arith.constant 112 : index
    %get3A_1322 = tpu.vector_load %arg15[%get3A_1320, %get3A_1321] {strides = array<i32>} : memref<32x128xf32, #tpu.memory_space<vmem>>, vector<16xf32>,
    %add3A_1323 = arith.addf %add3A_1318, %get3A_1322 : vector<16xf32>
    %get3A_1324 = arith.constant 13 : i32
    %get3A_1325 = arith.index_cast %get3A_1324 : i32 to index
    %get3A_1326 = arith.constant 112 : index
    %get3A_1327 = tpu.vector_load %arg15[%get3A_1325, %get3A_1326] {strides = array<i32>} : memref<32x128xf32, #tpu.memory_space<vmem>>, vector<16xf32>,
    %add3A_1328 = arith.addf %add3A_1323, %get3A_1327 : vector<16xf32>
    %get3A_1329 = arith.constant 14 : i32
    %get3A_1330 = arith.index_cast %get3A_1329 : i32 to index
    %get3A_1331 = arith.constant 112 : index
    %get3A_1332 = tpu.vector_load %arg15[%get3A_1330, %get3A_1331] {strides = array<i32>} : memref<32x128xf32, #tpu.memory_space<vmem>>, vector<16xf32>,
    %add3A_1333 = arith.addf %add3A_1328, %get3A_1332 : vector<16xf32>
    %get3A_1334 = arith.constant 15 : i32
    %get3A_1335 = arith.index_cast %get3A_1334 : i32 to index
    %get3A_1336 = arith.constant 112 : index
    %get3A_1337 = tpu.vector_load %arg15[%get3A_1335, %get3A_1336] {strides = array<i32>} : memref<32x128xf32, #tpu.memory_space<vmem>>, vector<16xf32>,
    %add3A_1338 = arith.addf %add3A_1333, %get3A_1337 : vector<16xf32>
    %get3A_1339 = arith.constant 16 : i32
    %get3A_1340 = arith.index_cast %get3A_1339 : i32 to index
    %get3A_1341 = arith.constant 112 : index
    %get3A_1342 = tpu.vector_load %arg15[%get3A_1340, %get3A_1341] {strides = array<i32>} : memref<32x128xf32, #tpu.memory_space<vmem>>, vector<16xf32>,
    %add3A_1343 = arith.addf %add3A_1338, %get3A_1342 : vector<16xf32>
    %get3A_1344 = arith.constant 17 : i32
    %get3A_1345 = arith.index_cast %get3A_1344 : i32 to index
    %get3A_1346 = arith.constant 112 : index
    %get3A_1347 = tpu.vector_load %arg15[%get3A_1345, %get3A_1346] {strides = array<i32>} : memref<32x128xf32, #tpu.memory_space<vmem>>, vector<16xf32>,
    %add3A_1348 = arith.addf %add3A_1343, %get3A_1347 : vector<16xf32>
    %get3A_1349 = arith.constant 18 : i32
    %get3A_1350 = arith.index_cast %get3A_1349 : i32 to index
    %get3A_1351 = arith.constant 112 : index
    %get3A_1352 = tpu.vector_load %arg15[%get3A_1350, %get3A_1351] {strides = array<i32>} : memref<32x128xf32, #tpu.memory_space<vmem>>, vector<16xf32>,
    %add3A_1353 = arith.addf %add3A_1348, %get3A_1352 : vector<16xf32>
    %get3A_1354 = arith.constant 19 : i32
    %get3A_1355 = arith.index_cast %get3A_1354 : i32 to index
    %get3A_1356 = arith.constant 112 : index
    %get3A_1357 = tpu.vector_load %arg15[%get3A_1355, %get3A_1356] {strides = array<i32>} : memref<32x128xf32, #tpu.memory_space<vmem>>, vector<16xf32>,
    %add3A_1358 = arith.addf %add3A_1353, %get3A_1357 : vector<16xf32>
    %slice3A_1359 = vector.extract_strided_slice %add3A_1358 {offsets = [0], sizes = [1], strides = [1]} : vector<16xf32> to vector<1xf32>
    %squeeze3A_1360 = vector.extract %slice3A_1359[0] : f32 from vector<1xf32>
    %swap3A_1361 = arith.constant 112 : i32
    %swap3A_1362 = arith.index_cast %swap3A_1361 : i32 to index
    %swap3A_1363 = memref.load %arg16[%swap3A_1362] : memref<128xf32, #tpu.memory_space<smem>>
    memref.store %squeeze3A_1360, %arg16[%swap3A_1362] : memref<128xf32, #tpu.memory_space<smem>>
    %slice3A_1364 = vector.extract_strided_slice %add3A_1358 {offsets = [1], sizes = [1], strides = [1]} : vector<16xf32> to vector<1xf32>
    %squeeze3A_1365 = vector.extract %slice3A_1364[0] : f32 from vector<1xf32>
    %swap3A_1366 = arith.constant 113 : i32
    %swap3A_1367 = arith.index_cast %swap3A_1366 : i32 to index
    %swap3A_1368 = memref.load %arg16[%swap3A_1367] : memref<128xf32, #tpu.memory_space<smem>>
    memref.store %squeeze3A_1365, %arg16[%swap3A_1367] : memref<128xf32, #tpu.memory_space<smem>>
    %slice3A_1369 = vector.extract_strided_slice %add3A_1358 {offsets = [2], sizes = [1], strides = [1]} : vector<16xf32> to vector<1xf32>
    %squeeze3A_1370 = vector.extract %slice3A_1369[0] : f32 from vector<1xf32>
    %swap3A_1371 = arith.constant 114 : i32
    %swap3A_1372 = arith.index_cast %swap3A_1371 : i32 to index
    %swap3A_1373 = memref.load %arg16[%swap3A_1372] : memref<128xf32, #tpu.memory_space<smem>>
    memref.store %squeeze3A_1370, %arg16[%swap3A_1372] : memref<128xf32, #tpu.memory_space<smem>>
    %slice3A_1374 = vector.extract_strided_slice %add3A_1358 {offsets = [3], sizes = [1], strides = [1]} : vector<16xf32> to vector<1xf32>
    %squeeze3A_1375 = vector.extract %slice3A_1374[0] : f32 from vector<1xf32>
    %swap3A_1376 = arith.constant 115 : i32
    %swap3A_1377 = arith.index_cast %swap3A_1376 : i32 to index
    %swap3A_1378 = memref.load %arg16[%swap3A_1377] : memref<128xf32, #tpu.memory_space<smem>>
    memref.store %squeeze3A_1375, %arg16[%swap3A_1377] : memref<128xf32, #tpu.memory_space<smem>>
    %slice3A_1379 = vector.extract_strided_slice %add3A_1358 {offsets = [4], sizes = [1], strides = [1]} : vector<16xf32> to vector<1xf32>
    %squeeze3A_1380 = vector.extract %slice3A_1379[0] : f32 from vector<1xf32>
    %swap3A_1381 = arith.constant 116 : i32
    %swap3A_1382 = arith.index_cast %swap3A_1381 : i32 to index
    %swap3A_1383 = memref.load %arg16[%swap3A_1382] : memref<128xf32, #tpu.memory_space<smem>>
    memref.store %squeeze3A_1380, %arg16[%swap3A_1382] : memref<128xf32, #tpu.memory_space<smem>>
    %slice3A_1384 = vector.extract_strided_slice %add3A_1358 {offsets = [5], sizes = [1], strides = [1]} : vector<16xf32> to vector<1xf32>
    %squeeze3A_1385 = vector.extract %slice3A_1384[0] : f32 from vector<1xf32>
    %swap3A_1386 = arith.constant 117 : i32
    %swap3A_1387 = arith.index_cast %swap3A_1386 : i32 to index
    %swap3A_1388 = memref.load %arg16[%swap3A_1387] : memref<128xf32, #tpu.memory_space<smem>>
    memref.store %squeeze3A_1385, %arg16[%swap3A_1387] : memref<128xf32, #tpu.memory_space<smem>>
    %slice3A_1389 = vector.extract_strided_slice %add3A_1358 {offsets = [6], sizes = [1], strides = [1]} : vector<16xf32> to vector<1xf32>
    %squeeze3A_1390 = vector.extract %slice3A_1389[0] : f32 from vector<1xf32>
    %swap3A_1391 = arith.constant 118 : i32
    %swap3A_1392 = arith.index_cast %swap3A_1391 : i32 to index
    %swap3A_1393 = memref.load %arg16[%swap3A_1392] : memref<128xf32, #tpu.memory_space<smem>>
    memref.store %squeeze3A_1390, %arg16[%swap3A_1392] : memref<128xf32, #tpu.memory_space<smem>>
    %slice3A_1394 = vector.extract_strided_slice %add3A_1358 {offsets = [7], sizes = [1], strides = [1]} : vector<16xf32> to vector<1xf32>
    %squeeze3A_1395 = vector.extract %slice3A_1394[0] : f32 from vector<1xf32>
    %swap3A_1396 = arith.constant 119 : i32
    %swap3A_1397 = arith.index_cast %swap3A_1396 : i32 to index
    %swap3A_1398 = memref.load %arg16[%swap3A_1397] : memref<128xf32, #tpu.memory_space<smem>>
    memref.store %squeeze3A_1395, %arg16[%swap3A_1397] : memref<128xf32, #tpu.memory_space<smem>>
    %slice3A_1399 = vector.extract_strided_slice %add3A_1358 {offsets = [8], sizes = [1], strides = [1]} : vector<16xf32> to vector<1xf32>
    %squeeze3A_1400 = vector.extract %slice3A_1399[0] : f32 from vector<1xf32>
    %swap3A_1401 = arith.constant 120 : i32
    %swap3A_1402 = arith.index_cast %swap3A_1401 : i32 to index
    %swap3A_1403 = memref.load %arg16[%swap3A_1402] : memref<128xf32, #tpu.memory_space<smem>>
    memref.store %squeeze3A_1400, %arg16[%swap3A_1402] : memref<128xf32, #tpu.memory_space<smem>>
    %slice3A_1404 = vector.extract_strided_slice %add3A_1358 {offsets = [9], sizes = [1], strides = [1]} : vector<16xf32> to vector<1xf32>
    %squeeze3A_1405 = vector.extract %slice3A_1404[0] : f32 from vector<1xf32>
    %swap3A_1406 = arith.constant 121 : i32
    %swap3A_1407 = arith.index_cast %swap3A_1406 : i32 to index
    %swap3A_1408 = memref.load %arg16[%swap3A_1407] : memref<128xf32, #tpu.memory_space<smem>>
    memref.store %squeeze3A_1405, %arg16[%swap3A_1407] : memref<128xf32, #tpu.memory_space<smem>>
    %slice3A_1409 = vector.extract_strided_slice %add3A_1358 {offsets = [10], sizes = [1], strides = [1]} : vector<16xf32> to vector<1xf32>
    %squeeze3A_1410 = vector.extract %slice3A_1409[0] : f32 from vector<1xf32>
    %swap3A_1411 = arith.constant 122 : i32
    %swap3A_1412 = arith.index_cast %swap3A_1411 : i32 to index
    %swap3A_1413 = memref.load %arg16[%swap3A_1412] : memref<128xf32, #tpu.memory_space<smem>>
    memref.store %squeeze3A_1410, %arg16[%swap3A_1412] : memref<128xf32, #tpu.memory_space<smem>>
    %slice3A_1414 = vector.extract_strided_slice %add3A_1358 {offsets = [11], sizes = [1], strides = [1]} : vector<16xf32> to vector<1xf32>
    %squeeze3A_1415 = vector.extract %slice3A_1414[0] : f32 from vector<1xf32>
    %swap3A_1416 = arith.constant 123 : i32
    %swap3A_1417 = arith.index_cast %swap3A_1416 : i32 to index
    %swap3A_1418 = memref.load %arg16[%swap3A_1417] : memref<128xf32, #tpu.memory_space<smem>>
    memref.store %squeeze3A_1415, %arg16[%swap3A_1417] : memref<128xf32, #tpu.memory_space<smem>>
    %slice3A_1419 = vector.extract_strided_slice %add3A_1358 {offsets = [12], sizes = [1], strides = [1]} : vector<16xf32> to vector<1xf32>
    %squeeze3A_1420 = vector.extract %slice3A_1419[0] : f32 from vector<1xf32>
    %swap3A_1421 = arith.constant 124 : i32
    %swap3A_1422 = arith.index_cast %swap3A_1421 : i32 to index
    %swap3A_1423 = memref.load %arg16[%swap3A_1422] : memref<128xf32, #tpu.memory_space<smem>>
    memref.store %squeeze3A_1420, %arg16[%swap3A_1422] : memref<128xf32, #tpu.memory_space<smem>>
    %slice3A_1424 = vector.extract_strided_slice %add3A_1358 {offsets = [13], sizes = [1], strides = [1]} : vector<16xf32> to vector<1xf32>
    %squeeze3A_1425 = vector.extract %slice3A_1424[0] : f32 from vector<1xf32>
    %swap3A_1426 = arith.constant 125 : i32
    %swap3A_1427 = arith.index_cast %swap3A_1426 : i32 to index
    %swap3A_1428 = memref.load %arg16[%swap3A_1427] : memref<128xf32, #tpu.memory_space<smem>>
    memref.store %squeeze3A_1425, %arg16[%swap3A_1427] : memref<128xf32, #tpu.memory_space<smem>>
    %slice3A_1429 = vector.extract_strided_slice %add3A_1358 {offsets = [14], sizes = [1], strides = [1]} : vector<16xf32> to vector<1xf32>
    %squeeze3A_1430 = vector.extract %slice3A_1429[0] : f32 from vector<1xf32>
    %swap3A_1431 = arith.constant 126 : i32
    %swap3A_1432 = arith.index_cast %swap3A_1431 : i32 to index
    %swap3A_1433 = memref.load %arg16[%swap3A_1432] : memref<128xf32, #tpu.memory_space<smem>>
    memref.store %squeeze3A_1430, %arg16[%swap3A_1432] : memref<128xf32, #tpu.memory_space<smem>>
    %slice3A_1434 = vector.extract_strided_slice %add3A_1358 {offsets = [15], sizes = [1], strides = [1]} : vector<16xf32> to vector<1xf32>
    %squeeze3A_1435 = vector.extract %slice3A_1434[0] : f32 from vector<1xf32>
    %swap3A_1436 = arith.constant 127 : i32
    %swap3A_1437 = arith.index_cast %swap3A_1436 : i32 to index
    %swap3A_1438 = memref.load %arg16[%swap3A_1437] : memref<128xf32, #tpu.memory_space<smem>>
    memref.store %squeeze3A_1435, %arg16[%swap3A_1437] : memref<128xf32, #tpu.memory_space<smem>>
    %dma_wait3A_1439 = tpu.memref_slice %arg3[%mul3A_2] : memref<200704xi32, #tpu.memory_space<hbm>> -> memref<6272xi32, #tpu.memory_space<hbm>>
    %dma_wait3A_1440 = tpu.memref_slice %arg3[%mul3A_2] : memref<200704xi32, #tpu.memory_space<hbm>> -> memref<6272xi32, #tpu.memory_space<hbm>>
    tpu.wait_dma2 semaphore(%arg19 : memref<!tpu.dma_semaphore, #tpu.memory_space<semaphore_mem>>) src(%dma_wait3A_1440 : memref<6272xi32, #tpu.memory_space<hbm>>) dst(%arg8 : memref<6272xi32, #tpu.memory_space<vmem>>)
    %dma_wait3A_1441 = tpu.memref_slice %arg4[%mul3A_2] : memref<200704xi32, #tpu.memory_space<hbm>> -> memref<6272xi32, #tpu.memory_space<hbm>>
    %dma_wait3A_1442 = tpu.memref_slice %arg4[%mul3A_2] : memref<200704xi32, #tpu.memory_space<hbm>> -> memref<6272xi32, #tpu.memory_space<hbm>>
    tpu.wait_dma2 semaphore(%arg20 : memref<!tpu.dma_semaphore, #tpu.memory_space<semaphore_mem>>) src(%dma_wait3A_1442 : memref<6272xi32, #tpu.memory_space<hbm>>) dst(%arg9 : memref<6272xi32, #tpu.memory_space<vmem>>)
    %dma_start3A_1443 = arith.constant 0 : i32
    %dma_start3A_1444 = tpu.memref_slice %arg8[%dma_start3A_1443] : memref<6272xi32, #tpu.memory_space<vmem>> -> memref<112xi32, #tpu.memory_space<vmem>>
    %dma_start3A_1445 = arith.constant 0 : i32
    %dma_start3A_1446 = arith.constant 0 : i32
    %dma_start3A_1447 = tpu.memref_slice %arg2[%dma_start3A_1445, %dma_start3A_1446] : memref<100000x128xf32, #tpu.memory_space<hbm>> -> memref<100000x128xf32, #tpu.memory_space<hbm>>
    tpu.enqueue_indirect_dma source(%dma_start3A_1447 : memref<100000x128xf32, #tpu.memory_space<hbm>>) target(%arg10 : memref<112x128xf32, #tpu.memory_space<vmem>>) offsets(%dma_start3A_1444 : memref<112xi32, #tpu.memory_space<vmem>>) semaphore(%arg19 : memref<!tpu.dma_semaphore, #tpu.memory_space<semaphore_mem>>)
    %dma_start3A_1448 = arith.constant 0 : i32
    %dma_start3A_1449 = tpu.memref_slice %arg9[%dma_start3A_1448] : memref<6272xi32, #tpu.memory_space<vmem>> -> memref<112xi32, #tpu.memory_space<vmem>>
    %dma_start3A_1450 = arith.constant 0 : i32
    %dma_start3A_1451 = arith.constant 0 : i32
    %dma_start3A_1452 = tpu.memref_slice %arg2[%dma_start3A_1450, %dma_start3A_1451] : memref<100000x128xf32, #tpu.memory_space<hbm>> -> memref<100000x128xf32, #tpu.memory_space<hbm>>
    tpu.enqueue_indirect_dma source(%dma_start3A_1452 : memref<100000x128xf32, #tpu.memory_space<hbm>>) target(%arg11 : memref<112x128xf32, #tpu.memory_space<vmem>>) offsets(%dma_start3A_1449 : memref<112xi32, #tpu.memory_space<vmem>>) semaphore(%arg20 : memref<!tpu.dma_semaphore, #tpu.memory_space<semaphore_mem>>)
    %dma_start3A_1453 = arith.constant 112 : i32
    %dma_start3A_1454 = tpu.memref_slice %arg8[%dma_start3A_1453] : memref<6272xi32, #tpu.memory_space<vmem>> -> memref<112xi32, #tpu.memory_space<vmem>>
    %dma_start3A_1455 = arith.constant 0 : i32
    %dma_start3A_1456 = arith.constant 0 : i32
    %dma_start3A_1457 = tpu.memref_slice %arg2[%dma_start3A_1455, %dma_start3A_1456] : memref<100000x128xf32, #tpu.memory_space<hbm>> -> memref<100000x128xf32, #tpu.memory_space<hbm>>
    tpu.enqueue_indirect_dma source(%dma_start3A_1457 : memref<100000x128xf32, #tpu.memory_space<hbm>>) target(%arg12 : memref<112x128xf32, #tpu.memory_space<vmem>>) offsets(%dma_start3A_1454 : memref<112xi32, #tpu.memory_space<vmem>>) semaphore(%arg21 : memref<!tpu.dma_semaphore, #tpu.memory_space<semaphore_mem>>)
    %dma_start3A_1458 = arith.constant 112 : i32
    %dma_start3A_1459 = tpu.memref_slice %arg9[%dma_start3A_1458] : memref<6272xi32, #tpu.memory_space<vmem>> -> memref<112xi32, #tpu.memory_space<vmem>>
    %dma_start3A_1460 = arith.constant 0 : i32
    %dma_start3A_1461 = arith.constant 0 : i32
    %dma_start3A_1462 = tpu.memref_slice %arg2[%dma_start3A_1460, %dma_start3A_1461] : memref<100000x128xf32, #tpu.memory_space<hbm>> -> memref<100000x128xf32, #tpu.memory_space<hbm>>
    tpu.enqueue_indirect_dma source(%dma_start3A_1462 : memref<100000x128xf32, #tpu.memory_space<hbm>>) target(%arg13 : memref<112x128xf32, #tpu.memory_space<vmem>>) offsets(%dma_start3A_1459 : memref<112xi32, #tpu.memory_space<vmem>>) semaphore(%arg22 : memref<!tpu.dma_semaphore, #tpu.memory_space<semaphore_mem>>)
    %iota3A = tpu.iota {dimensions = array<i32: 0>} : vector<16xi32>
    %scan3A = arith.constant 0 : i32
    %scan3A_1463 = arith.constant 0 : i32
    %scan3A_1464 = arith.constant 28 : i32
    %scan3A_1465 = arith.addi %scan3A_1463, %scan3A_1464 : i32
    %scan3A_1466 = arith.constant 1 : i32
    scf.for %scan3A_1468 = %scan3A_1463 to %scan3A_1465 step %scan3A_1466  : i32 {
      %mul3A_1469 = arith.constant 2 : i32
      %mul3A_1470 = arith.muli %scan3A_1468, %mul3A_1469 : i32
      %add3A_1471 = arith.constant 0 : i32
      %add3A_1472 = arith.addi %mul3A_1470, %add3A_1471 : i32
      %dma_wait3A_1473 = arith.constant 0 : i32
      %dma_wait3A_1474 = tpu.memref_slice %arg8[%dma_wait3A_1473] : memref<6272xi32, #tpu.memory_space<vmem>> -> memref<112xi32, #tpu.memory_space<vmem>>
      %dma_wait3A_1475 = arith.constant 0 : i32
      %dma_wait3A_1476 = arith.constant 0 : i32
      %dma_wait3A_1477 = tpu.memref_slice %arg2[%dma_wait3A_1475, %dma_wait3A_1476] : memref<100000x128xf32, #tpu.memory_space<hbm>> -> memref<100000x128xf32, #tpu.memory_space<hbm>>
      tpu.wait_indirect_dma semaphore(%arg19 : memref<!tpu.dma_semaphore, #tpu.memory_space<semaphore_mem>>) src(%dma_wait3A_1477 : memref<100000x128xf32, #tpu.memory_space<hbm>>) dst(%arg10 : memref<112x128xf32, #tpu.memory_space<vmem>>)
      %dma_wait3A_1478 = arith.constant 0 : i32
      %dma_wait3A_1479 = tpu.memref_slice %arg9[%dma_wait3A_1478] : memref<6272xi32, #tpu.memory_space<vmem>> -> memref<112xi32, #tpu.memory_space<vmem>>
      %dma_wait3A_1480 = arith.constant 0 : i32
      %dma_wait3A_1481 = arith.constant 0 : i32
      %dma_wait3A_1482 = tpu.memref_slice %arg2[%dma_wait3A_1480, %dma_wait3A_1481] : memref<100000x128xf32, #tpu.memory_space<hbm>> -> memref<100000x128xf32, #tpu.memory_space<hbm>>
      tpu.wait_indirect_dma semaphore(%arg20 : memref<!tpu.dma_semaphore, #tpu.memory_space<semaphore_mem>>) src(%dma_wait3A_1482 : memref<100000x128xf32, #tpu.memory_space<hbm>>) dst(%arg11 : memref<112x128xf32, #tpu.memory_space<vmem>>)
      %add3A_1483 = arith.constant 0 : i32
      %add3A_1484 = vector.broadcast %add3A_1483 : i32 to vector<16xi32>
      %add3A_1485 = arith.addi %iota3A, %add3A_1484 : vector<16xi32>
      %broadcast_in_dim3A = arith.constant 0.000000e+00 : f32
      %broadcast_in_dim3A_1486 = vector.broadcast %broadcast_in_dim3A : f32 to vector<16xf32>
      %broadcast_in_dim3A_1487 = arith.constant 0 : i32
      %broadcast_in_dim3A_1488 = vector.broadcast %broadcast_in_dim3A_1487 : i32 to vector<16xi32>
      %scan3A_1489 = arith.constant 0 : i32
      %scan3A_1490 = arith.constant 128 : i32
      %scan3A_1491 = arith.addi %scan3A_1489, %scan3A_1490 : i32
      %scan3A_1492 = arith.constant 8 : i32
      %scan3A_1493:3 = scf.for %scan3A_1857 = %scan3A_1489 to %scan3A_1491 step %scan3A_1492 iter_args(%scan3A_1858 = %broadcast_in_dim3A_1488, %scan3A_1859 = %broadcast_in_dim3A_1486, %scan3A_1860 = %broadcast_in_dim3A_1486) -> (vector<16xi32>, vector<16xf32>, vector<16xf32>)  : i32 {
        %gather3A = tpu.vector_load_idx %arg10[%add3A_1485, %scan3A_1858] : memref<112x128xf32, #tpu.memory_space<vmem>>[vector<16xi32>, vector<16xi32>], vector<16xf32>,
        %gather3A_1861 = tpu.vector_load_idx %arg11[%add3A_1485, %scan3A_1858] : memref<112x128xf32, #tpu.memory_space<vmem>>[vector<16xi32>, vector<16xi32>], vector<16xf32>,
        %get3A_1862 = arith.index_cast %scan3A_1857 : i32 to index
        %get3A_1863 = memref.load %arg16[%get3A_1862] : memref<128xf32, #tpu.memory_space<smem>>
        %mul3A_1864 = arith.mulf %gather3A, %gather3A_1861 : vector<16xf32>
        %add3A_1865 = arith.addf %scan3A_1859, %mul3A_1864 : vector<16xf32>
        %mul3A_1866 = vector.broadcast %get3A_1863 : f32 to vector<16xf32>
        %mul3A_1867 = arith.mulf %gather3A, %mul3A_1866 : vector<16xf32>
        %add3A_1868 = arith.addf %scan3A_1860, %mul3A_1867 : vector<16xf32>
        %add3A_1869 = arith.constant 1 : i32
        %add3A_1870 = vector.broadcast %add3A_1869 : i32 to vector<16xi32>
        %add3A_1871 = arith.addi %scan3A_1858, %add3A_1870 : vector<16xi32>
        %scan3A_1872 = arith.constant 1 : i32
        %scan3A_1873 = arith.addi %scan3A_1857, %scan3A_1872 : i32
        %gather3A_1874 = tpu.vector_load_idx %arg10[%add3A_1485, %add3A_1871] : memref<112x128xf32, #tpu.memory_space<vmem>>[vector<16xi32>, vector<16xi32>], vector<16xf32>,
        %gather3A_1875 = tpu.vector_load_idx %arg11[%add3A_1485, %add3A_1871] : memref<112x128xf32, #tpu.memory_space<vmem>>[vector<16xi32>, vector<16xi32>], vector<16xf32>,
        %get3A_1876 = arith.index_cast %scan3A_1873 : i32 to index
        %get3A_1877 = memref.load %arg16[%get3A_1876] : memref<128xf32, #tpu.memory_space<smem>>
        %mul3A_1878 = arith.mulf %gather3A_1874, %gather3A_1875 : vector<16xf32>
        %add3A_1879 = arith.addf %add3A_1865, %mul3A_1878 : vector<16xf32>
        %mul3A_1880 = vector.broadcast %get3A_1877 : f32 to vector<16xf32>
        %mul3A_1881 = arith.mulf %gather3A_1874, %mul3A_1880 : vector<16xf32>
        %add3A_1882 = arith.addf %add3A_1868, %mul3A_1881 : vector<16xf32>
        %add3A_1883 = arith.constant 1 : i32
        %add3A_1884 = vector.broadcast %add3A_1883 : i32 to vector<16xi32>
        %add3A_1885 = arith.addi %add3A_1871, %add3A_1884 : vector<16xi32>
        %scan3A_1886 = arith.constant 2 : i32
        %scan3A_1887 = arith.addi %scan3A_1857, %scan3A_1886 : i32
        %gather3A_1888 = tpu.vector_load_idx %arg10[%add3A_1485, %add3A_1885] : memref<112x128xf32, #tpu.memory_space<vmem>>[vector<16xi32>, vector<16xi32>], vector<16xf32>,
        %gather3A_1889 = tpu.vector_load_idx %arg11[%add3A_1485, %add3A_1885] : memref<112x128xf32, #tpu.memory_space<vmem>>[vector<16xi32>, vector<16xi32>], vector<16xf32>,
        %get3A_1890 = arith.index_cast %scan3A_1887 : i32 to index
        %get3A_1891 = memref.load %arg16[%get3A_1890] : memref<128xf32, #tpu.memory_space<smem>>
        %mul3A_1892 = arith.mulf %gather3A_1888, %gather3A_1889 : vector<16xf32>
        %add3A_1893 = arith.addf %add3A_1879, %mul3A_1892 : vector<16xf32>
        %mul3A_1894 = vector.broadcast %get3A_1891 : f32 to vector<16xf32>
        %mul3A_1895 = arith.mulf %gather3A_1888, %mul3A_1894 : vector<16xf32>
        %add3A_1896 = arith.addf %add3A_1882, %mul3A_1895 : vector<16xf32>
        %add3A_1897 = arith.constant 1 : i32
        %add3A_1898 = vector.broadcast %add3A_1897 : i32 to vector<16xi32>
        %add3A_1899 = arith.addi %add3A_1885, %add3A_1898 : vector<16xi32>
        %scan3A_1900 = arith.constant 3 : i32
        %scan3A_1901 = arith.addi %scan3A_1857, %scan3A_1900 : i32
        %gather3A_1902 = tpu.vector_load_idx %arg10[%add3A_1485, %add3A_1899] : memref<112x128xf32, #tpu.memory_space<vmem>>[vector<16xi32>, vector<16xi32>], vector<16xf32>,
        %gather3A_1903 = tpu.vector_load_idx %arg11[%add3A_1485, %add3A_1899] : memref<112x128xf32, #tpu.memory_space<vmem>>[vector<16xi32>, vector<16xi32>], vector<16xf32>,
        %get3A_1904 = arith.index_cast %scan3A_1901 : i32 to index
        %get3A_1905 = memref.load %arg16[%get3A_1904] : memref<128xf32, #tpu.memory_space<smem>>
        %mul3A_1906 = arith.mulf %gather3A_1902, %gather3A_1903 : vector<16xf32>
        %add3A_1907 = arith.addf %add3A_1893, %mul3A_1906 : vector<16xf32>
        %mul3A_1908 = vector.broadcast %get3A_1905 : f32 to vector<16xf32>
        %mul3A_1909 = arith.mulf %gather3A_1902, %mul3A_1908 : vector<16xf32>
        %add3A_1910 = arith.addf %add3A_1896, %mul3A_1909 : vector<16xf32>
        %add3A_1911 = arith.constant 1 : i32
        %add3A_1912 = vector.broadcast %add3A_1911 : i32 to vector<16xi32>
        %add3A_1913 = arith.addi %add3A_1899, %add3A_1912 : vector<16xi32>
        %scan3A_1914 = arith.constant 4 : i32
        %scan3A_1915 = arith.addi %scan3A_1857, %scan3A_1914 : i32
        %gather3A_1916 = tpu.vector_load_idx %arg10[%add3A_1485, %add3A_1913] : memref<112x128xf32, #tpu.memory_space<vmem>>[vector<16xi32>, vector<16xi32>], vector<16xf32>,
        %gather3A_1917 = tpu.vector_load_idx %arg11[%add3A_1485, %add3A_1913] : memref<112x128xf32, #tpu.memory_space<vmem>>[vector<16xi32>, vector<16xi32>], vector<16xf32>,
        %get3A_1918 = arith.index_cast %scan3A_1915 : i32 to index
        %get3A_1919 = memref.load %arg16[%get3A_1918] : memref<128xf32, #tpu.memory_space<smem>>
        %mul3A_1920 = arith.mulf %gather3A_1916, %gather3A_1917 : vector<16xf32>
        %add3A_1921 = arith.addf %add3A_1907, %mul3A_1920 : vector<16xf32>
        %mul3A_1922 = vector.broadcast %get3A_1919 : f32 to vector<16xf32>
        %mul3A_1923 = arith.mulf %gather3A_1916, %mul3A_1922 : vector<16xf32>
        %add3A_1924 = arith.addf %add3A_1910, %mul3A_1923 : vector<16xf32>
        %add3A_1925 = arith.constant 1 : i32
        %add3A_1926 = vector.broadcast %add3A_1925 : i32 to vector<16xi32>
        %add3A_1927 = arith.addi %add3A_1913, %add3A_1926 : vector<16xi32>
        %scan3A_1928 = arith.constant 5 : i32
        %scan3A_1929 = arith.addi %scan3A_1857, %scan3A_1928 : i32
        %gather3A_1930 = tpu.vector_load_idx %arg10[%add3A_1485, %add3A_1927] : memref<112x128xf32, #tpu.memory_space<vmem>>[vector<16xi32>, vector<16xi32>], vector<16xf32>,
        %gather3A_1931 = tpu.vector_load_idx %arg11[%add3A_1485, %add3A_1927] : memref<112x128xf32, #tpu.memory_space<vmem>>[vector<16xi32>, vector<16xi32>], vector<16xf32>,
        %get3A_1932 = arith.index_cast %scan3A_1929 : i32 to index
        %get3A_1933 = memref.load %arg16[%get3A_1932] : memref<128xf32, #tpu.memory_space<smem>>
        %mul3A_1934 = arith.mulf %gather3A_1930, %gather3A_1931 : vector<16xf32>
        %add3A_1935 = arith.addf %add3A_1921, %mul3A_1934 : vector<16xf32>
        %mul3A_1936 = vector.broadcast %get3A_1933 : f32 to vector<16xf32>
        %mul3A_1937 = arith.mulf %gather3A_1930, %mul3A_1936 : vector<16xf32>
        %add3A_1938 = arith.addf %add3A_1924, %mul3A_1937 : vector<16xf32>
        %add3A_1939 = arith.constant 1 : i32
        %add3A_1940 = vector.broadcast %add3A_1939 : i32 to vector<16xi32>
        %add3A_1941 = arith.addi %add3A_1927, %add3A_1940 : vector<16xi32>
        %scan3A_1942 = arith.constant 6 : i32
        %scan3A_1943 = arith.addi %scan3A_1857, %scan3A_1942 : i32
        %gather3A_1944 = tpu.vector_load_idx %arg10[%add3A_1485, %add3A_1941] : memref<112x128xf32, #tpu.memory_space<vmem>>[vector<16xi32>, vector<16xi32>], vector<16xf32>,
        %gather3A_1945 = tpu.vector_load_idx %arg11[%add3A_1485, %add3A_1941] : memref<112x128xf32, #tpu.memory_space<vmem>>[vector<16xi32>, vector<16xi32>], vector<16xf32>,
        %get3A_1946 = arith.index_cast %scan3A_1943 : i32 to index
        %get3A_1947 = memref.load %arg16[%get3A_1946] : memref<128xf32, #tpu.memory_space<smem>>
        %mul3A_1948 = arith.mulf %gather3A_1944, %gather3A_1945 : vector<16xf32>
        %add3A_1949 = arith.addf %add3A_1935, %mul3A_1948 : vector<16xf32>
        %mul3A_1950 = vector.broadcast %get3A_1947 : f32 to vector<16xf32>
        %mul3A_1951 = arith.mulf %gather3A_1944, %mul3A_1950 : vector<16xf32>
        %add3A_1952 = arith.addf %add3A_1938, %mul3A_1951 : vector<16xf32>
        %add3A_1953 = arith.constant 1 : i32
        %add3A_1954 = vector.broadcast %add3A_1953 : i32 to vector<16xi32>
        %add3A_1955 = arith.addi %add3A_1941, %add3A_1954 : vector<16xi32>
        %scan3A_1956 = arith.constant 7 : i32
        %scan3A_1957 = arith.addi %scan3A_1857, %scan3A_1956 : i32
        %gather3A_1958 = tpu.vector_load_idx %arg10[%add3A_1485, %add3A_1955] : memref<112x128xf32, #tpu.memory_space<vmem>>[vector<16xi32>, vector<16xi32>], vector<16xf32>,
        %gather3A_1959 = tpu.vector_load_idx %arg11[%add3A_1485, %add3A_1955] : memref<112x128xf32, #tpu.memory_space<vmem>>[vector<16xi32>, vector<16xi32>], vector<16xf32>,
        %get3A_1960 = arith.index_cast %scan3A_1957 : i32 to index
        %get3A_1961 = memref.load %arg16[%get3A_1960] : memref<128xf32, #tpu.memory_space<smem>>
        %mul3A_1962 = arith.mulf %gather3A_1958, %gather3A_1959 : vector<16xf32>
        %add3A_1963 = arith.addf %add3A_1949, %mul3A_1962 : vector<16xf32>
        %mul3A_1964 = vector.broadcast %get3A_1961 : f32 to vector<16xf32>
        %mul3A_1965 = arith.mulf %gather3A_1958, %mul3A_1964 : vector<16xf32>
        %add3A_1966 = arith.addf %add3A_1952, %mul3A_1965 : vector<16xf32>
        %add3A_1967 = arith.constant 1 : i32
        %add3A_1968 = vector.broadcast %add3A_1967 : i32 to vector<16xi32>
        %add3A_1969 = arith.addi %add3A_1955, %add3A_1968 : vector<16xi32>
        scf.yield %add3A_1969, %add3A_1963, %add3A_1966 : vector<16xi32>, vector<16xf32>, vector<16xf32>
      }
      %scan3A_1494 = arith.constant 128 : i32
      %mul3A_1495 = arith.constant 112 : i32
      %mul3A_1496 = arith.muli %add3A_1472, %mul3A_1495 : i32
      %add3A_1497 = arith.constant 0 : i32
      %add3A_1498 = arith.addi %mul3A_1496, %add3A_1497 : i32
      %swap3A_1499 = arith.index_cast %add3A_1498 : i32 to index
      %swap3A_1500 = tpu.vector_load %arg17[%swap3A_1499] {strides = array<i32>} : memref<6272xf32, #tpu.memory_space<vmem>>, vector<16xf32>,
      tpu.vector_store %arg17[%swap3A_1499], %scan3A_1493#1 {strides = array<i32>} : memref<6272xf32, #tpu.memory_space<vmem>>, vector<16xf32>,
      %mul3A_1501 = arith.constant 112 : i32
      %mul3A_1502 = arith.muli %add3A_1472, %mul3A_1501 : i32
      %add3A_1503 = arith.constant 0 : i32
      %add3A_1504 = arith.addi %mul3A_1502, %add3A_1503 : i32
      %swap3A_1505 = arith.index_cast %add3A_1504 : i32 to index
      %swap3A_1506 = tpu.vector_load %arg18[%swap3A_1505] {strides = array<i32>} : memref<6272xf32, #tpu.memory_space<vmem>>, vector<16xf32>,
      tpu.vector_store %arg18[%swap3A_1505], %scan3A_1493#2 {strides = array<i32>} : memref<6272xf32, #tpu.memory_space<vmem>>, vector<16xf32>,
      %add3A_1507 = arith.constant 16 : i32
      %add3A_1508 = vector.broadcast %add3A_1507 : i32 to vector<16xi32>
      %add3A_1509 = arith.addi %iota3A, %add3A_1508 : vector<16xi32>
      %broadcast_in_dim3A_1510 = arith.constant 0.000000e+00 : f32
      %broadcast_in_dim3A_1511 = vector.broadcast %broadcast_in_dim3A_1510 : f32 to vector<16xf32>
      %broadcast_in_dim3A_1512 = arith.constant 0 : i32
      %broadcast_in_dim3A_1513 = vector.broadcast %broadcast_in_dim3A_1512 : i32 to vector<16xi32>
      %scan3A_1514 = arith.constant 0 : i32
      %scan3A_1515 = arith.constant 128 : i32
      %scan3A_1516 = arith.addi %scan3A_1514, %scan3A_1515 : i32
      %scan3A_1517 = arith.constant 8 : i32
      %scan3A_1518:3 = scf.for %scan3A_1857 = %scan3A_1514 to %scan3A_1516 step %scan3A_1517 iter_args(%scan3A_1858 = %broadcast_in_dim3A_1513, %scan3A_1859 = %broadcast_in_dim3A_1511, %scan3A_1860 = %broadcast_in_dim3A_1511) -> (vector<16xi32>, vector<16xf32>, vector<16xf32>)  : i32 {
        %gather3A = tpu.vector_load_idx %arg10[%add3A_1509, %scan3A_1858] : memref<112x128xf32, #tpu.memory_space<vmem>>[vector<16xi32>, vector<16xi32>], vector<16xf32>,
        %gather3A_1861 = tpu.vector_load_idx %arg11[%add3A_1509, %scan3A_1858] : memref<112x128xf32, #tpu.memory_space<vmem>>[vector<16xi32>, vector<16xi32>], vector<16xf32>,
        %get3A_1862 = arith.index_cast %scan3A_1857 : i32 to index
        %get3A_1863 = memref.load %arg16[%get3A_1862] : memref<128xf32, #tpu.memory_space<smem>>
        %mul3A_1864 = arith.mulf %gather3A, %gather3A_1861 : vector<16xf32>
        %add3A_1865 = arith.addf %scan3A_1859, %mul3A_1864 : vector<16xf32>
        %mul3A_1866 = vector.broadcast %get3A_1863 : f32 to vector<16xf32>
        %mul3A_1867 = arith.mulf %gather3A, %mul3A_1866 : vector<16xf32>
        %add3A_1868 = arith.addf %scan3A_1860, %mul3A_1867 : vector<16xf32>
        %add3A_1869 = arith.constant 1 : i32
        %add3A_1870 = vector.broadcast %add3A_1869 : i32 to vector<16xi32>
        %add3A_1871 = arith.addi %scan3A_1858, %add3A_1870 : vector<16xi32>
        %scan3A_1872 = arith.constant 1 : i32
        %scan3A_1873 = arith.addi %scan3A_1857, %scan3A_1872 : i32
        %gather3A_1874 = tpu.vector_load_idx %arg10[%add3A_1509, %add3A_1871] : memref<112x128xf32, #tpu.memory_space<vmem>>[vector<16xi32>, vector<16xi32>], vector<16xf32>,
        %gather3A_1875 = tpu.vector_load_idx %arg11[%add3A_1509, %add3A_1871] : memref<112x128xf32, #tpu.memory_space<vmem>>[vector<16xi32>, vector<16xi32>], vector<16xf32>,
        %get3A_1876 = arith.index_cast %scan3A_1873 : i32 to index
        %get3A_1877 = memref.load %arg16[%get3A_1876] : memref<128xf32, #tpu.memory_space<smem>>
        %mul3A_1878 = arith.mulf %gather3A_1874, %gather3A_1875 : vector<16xf32>
        %add3A_1879 = arith.addf %add3A_1865, %mul3A_1878 : vector<16xf32>
        %mul3A_1880 = vector.broadcast %get3A_1877 : f32 to vector<16xf32>
        %mul3A_1881 = arith.mulf %gather3A_1874, %mul3A_1880 : vector<16xf32>
        %add3A_1882 = arith.addf %add3A_1868, %mul3A_1881 : vector<16xf32>
        %add3A_1883 = arith.constant 1 : i32
        %add3A_1884 = vector.broadcast %add3A_1883 : i32 to vector<16xi32>
        %add3A_1885 = arith.addi %add3A_1871, %add3A_1884 : vector<16xi32>
        %scan3A_1886 = arith.constant 2 : i32
        %scan3A_1887 = arith.addi %scan3A_1857, %scan3A_1886 : i32
        %gather3A_1888 = tpu.vector_load_idx %arg10[%add3A_1509, %add3A_1885] : memref<112x128xf32, #tpu.memory_space<vmem>>[vector<16xi32>, vector<16xi32>], vector<16xf32>,
        %gather3A_1889 = tpu.vector_load_idx %arg11[%add3A_1509, %add3A_1885] : memref<112x128xf32, #tpu.memory_space<vmem>>[vector<16xi32>, vector<16xi32>], vector<16xf32>,
        %get3A_1890 = arith.index_cast %scan3A_1887 : i32 to index
        %get3A_1891 = memref.load %arg16[%get3A_1890] : memref<128xf32, #tpu.memory_space<smem>>
        %mul3A_1892 = arith.mulf %gather3A_1888, %gather3A_1889 : vector<16xf32>
        %add3A_1893 = arith.addf %add3A_1879, %mul3A_1892 : vector<16xf32>
        %mul3A_1894 = vector.broadcast %get3A_1891 : f32 to vector<16xf32>
        %mul3A_1895 = arith.mulf %gather3A_1888, %mul3A_1894 : vector<16xf32>
        %add3A_1896 = arith.addf %add3A_1882, %mul3A_1895 : vector<16xf32>
        %add3A_1897 = arith.constant 1 : i32
        %add3A_1898 = vector.broadcast %add3A_1897 : i32 to vector<16xi32>
        %add3A_1899 = arith.addi %add3A_1885, %add3A_1898 : vector<16xi32>
        %scan3A_1900 = arith.constant 3 : i32
        %scan3A_1901 = arith.addi %scan3A_1857, %scan3A_1900 : i32
        %gather3A_1902 = tpu.vector_load_idx %arg10[%add3A_1509, %add3A_1899] : memref<112x128xf32, #tpu.memory_space<vmem>>[vector<16xi32>, vector<16xi32>], vector<16xf32>,
        %gather3A_1903 = tpu.vector_load_idx %arg11[%add3A_1509, %add3A_1899] : memref<112x128xf32, #tpu.memory_space<vmem>>[vector<16xi32>, vector<16xi32>], vector<16xf32>,
        %get3A_1904 = arith.index_cast %scan3A_1901 : i32 to index
        %get3A_1905 = memref.load %arg16[%get3A_1904] : memref<128xf32, #tpu.memory_space<smem>>
        %mul3A_1906 = arith.mulf %gather3A_1902, %gather3A_1903 : vector<16xf32>
        %add3A_1907 = arith.addf %add3A_1893, %mul3A_1906 : vector<16xf32>
        %mul3A_1908 = vector.broadcast %get3A_1905 : f32 to vector<16xf32>
        %mul3A_1909 = arith.mulf %gather3A_1902, %mul3A_1908 : vector<16xf32>
        %add3A_1910 = arith.addf %add3A_1896, %mul3A_1909 : vector<16xf32>
        %add3A_1911 = arith.constant 1 : i32
        %add3A_1912 = vector.broadcast %add3A_1911 : i32 to vector<16xi32>
        %add3A_1913 = arith.addi %add3A_1899, %add3A_1912 : vector<16xi32>
        %scan3A_1914 = arith.constant 4 : i32
        %scan3A_1915 = arith.addi %scan3A_1857, %scan3A_1914 : i32
        %gather3A_1916 = tpu.vector_load_idx %arg10[%add3A_1509, %add3A_1913] : memref<112x128xf32, #tpu.memory_space<vmem>>[vector<16xi32>, vector<16xi32>], vector<16xf32>,
        %gather3A_1917 = tpu.vector_load_idx %arg11[%add3A_1509, %add3A_1913] : memref<112x128xf32, #tpu.memory_space<vmem>>[vector<16xi32>, vector<16xi32>], vector<16xf32>,
        %get3A_1918 = arith.index_cast %scan3A_1915 : i32 to index
        %get3A_1919 = memref.load %arg16[%get3A_1918] : memref<128xf32, #tpu.memory_space<smem>>
        %mul3A_1920 = arith.mulf %gather3A_1916, %gather3A_1917 : vector<16xf32>
        %add3A_1921 = arith.addf %add3A_1907, %mul3A_1920 : vector<16xf32>
        %mul3A_1922 = vector.broadcast %get3A_1919 : f32 to vector<16xf32>
        %mul3A_1923 = arith.mulf %gather3A_1916, %mul3A_1922 : vector<16xf32>
        %add3A_1924 = arith.addf %add3A_1910, %mul3A_1923 : vector<16xf32>
        %add3A_1925 = arith.constant 1 : i32
        %add3A_1926 = vector.broadcast %add3A_1925 : i32 to vector<16xi32>
        %add3A_1927 = arith.addi %add3A_1913, %add3A_1926 : vector<16xi32>
        %scan3A_1928 = arith.constant 5 : i32
        %scan3A_1929 = arith.addi %scan3A_1857, %scan3A_1928 : i32
        %gather3A_1930 = tpu.vector_load_idx %arg10[%add3A_1509, %add3A_1927] : memref<112x128xf32, #tpu.memory_space<vmem>>[vector<16xi32>, vector<16xi32>], vector<16xf32>,
        %gather3A_1931 = tpu.vector_load_idx %arg11[%add3A_1509, %add3A_1927] : memref<112x128xf32, #tpu.memory_space<vmem>>[vector<16xi32>, vector<16xi32>], vector<16xf32>,
        %get3A_1932 = arith.index_cast %scan3A_1929 : i32 to index
        %get3A_1933 = memref.load %arg16[%get3A_1932] : memref<128xf32, #tpu.memory_space<smem>>
        %mul3A_1934 = arith.mulf %gather3A_1930, %gather3A_1931 : vector<16xf32>
        %add3A_1935 = arith.addf %add3A_1921, %mul3A_1934 : vector<16xf32>
        %mul3A_1936 = vector.broadcast %get3A_1933 : f32 to vector<16xf32>
        %mul3A_1937 = arith.mulf %gather3A_1930, %mul3A_1936 : vector<16xf32>
        %add3A_1938 = arith.addf %add3A_1924, %mul3A_1937 : vector<16xf32>
        %add3A_1939 = arith.constant 1 : i32
        %add3A_1940 = vector.broadcast %add3A_1939 : i32 to vector<16xi32>
        %add3A_1941 = arith.addi %add3A_1927, %add3A_1940 : vector<16xi32>
        %scan3A_1942 = arith.constant 6 : i32
        %scan3A_1943 = arith.addi %scan3A_1857, %scan3A_1942 : i32
        %gather3A_1944 = tpu.vector_load_idx %arg10[%add3A_1509, %add3A_1941] : memref<112x128xf32, #tpu.memory_space<vmem>>[vector<16xi32>, vector<16xi32>], vector<16xf32>,
        %gather3A_1945 = tpu.vector_load_idx %arg11[%add3A_1509, %add3A_1941] : memref<112x128xf32, #tpu.memory_space<vmem>>[vector<16xi32>, vector<16xi32>], vector<16xf32>,
        %get3A_1946 = arith.index_cast %scan3A_1943 : i32 to index
        %get3A_1947 = memref.load %arg16[%get3A_1946] : memref<128xf32, #tpu.memory_space<smem>>
        %mul3A_1948 = arith.mulf %gather3A_1944, %gather3A_1945 : vector<16xf32>
        %add3A_1949 = arith.addf %add3A_1935, %mul3A_1948 : vector<16xf32>
        %mul3A_1950 = vector.broadcast %get3A_1947 : f32 to vector<16xf32>
        %mul3A_1951 = arith.mulf %gather3A_1944, %mul3A_1950 : vector<16xf32>
        %add3A_1952 = arith.addf %add3A_1938, %mul3A_1951 : vector<16xf32>
        %add3A_1953 = arith.constant 1 : i32
        %add3A_1954 = vector.broadcast %add3A_1953 : i32 to vector<16xi32>
        %add3A_1955 = arith.addi %add3A_1941, %add3A_1954 : vector<16xi32>
        %scan3A_1956 = arith.constant 7 : i32
        %scan3A_1957 = arith.addi %scan3A_1857, %scan3A_1956 : i32
        %gather3A_1958 = tpu.vector_load_idx %arg10[%add3A_1509, %add3A_1955] : memref<112x128xf32, #tpu.memory_space<vmem>>[vector<16xi32>, vector<16xi32>], vector<16xf32>,
        %gather3A_1959 = tpu.vector_load_idx %arg11[%add3A_1509, %add3A_1955] : memref<112x128xf32, #tpu.memory_space<vmem>>[vector<16xi32>, vector<16xi32>], vector<16xf32>,
        %get3A_1960 = arith.index_cast %scan3A_1957 : i32 to index
        %get3A_1961 = memref.load %arg16[%get3A_1960] : memref<128xf32, #tpu.memory_space<smem>>
        %mul3A_1962 = arith.mulf %gather3A_1958, %gather3A_1959 : vector<16xf32>
        %add3A_1963 = arith.addf %add3A_1949, %mul3A_1962 : vector<16xf32>
        %mul3A_1964 = vector.broadcast %get3A_1961 : f32 to vector<16xf32>
        %mul3A_1965 = arith.mulf %gather3A_1958, %mul3A_1964 : vector<16xf32>
        %add3A_1966 = arith.addf %add3A_1952, %mul3A_1965 : vector<16xf32>
        %add3A_1967 = arith.constant 1 : i32
        %add3A_1968 = vector.broadcast %add3A_1967 : i32 to vector<16xi32>
        %add3A_1969 = arith.addi %add3A_1955, %add3A_1968 : vector<16xi32>
        scf.yield %add3A_1969, %add3A_1963, %add3A_1966 : vector<16xi32>, vector<16xf32>, vector<16xf32>
      }
      %scan3A_1519 = arith.constant 128 : i32
      %mul3A_1520 = arith.constant 112 : i32
      %mul3A_1521 = arith.muli %add3A_1472, %mul3A_1520 : i32
      %add3A_1522 = arith.constant 16 : i32
      %add3A_1523 = arith.addi %mul3A_1521, %add3A_1522 : i32
      %swap3A_1524 = arith.index_cast %add3A_1523 : i32 to index
      %swap3A_1525 = tpu.vector_load %arg17[%swap3A_1524] {strides = array<i32>} : memref<6272xf32, #tpu.memory_space<vmem>>, vector<16xf32>,
      tpu.vector_store %arg17[%swap3A_1524], %scan3A_1518#1 {strides = array<i32>} : memref<6272xf32, #tpu.memory_space<vmem>>, vector<16xf32>,
      %mul3A_1526 = arith.constant 112 : i32
      %mul3A_1527 = arith.muli %add3A_1472, %mul3A_1526 : i32
      %add3A_1528 = arith.constant 16 : i32
      %add3A_1529 = arith.addi %mul3A_1527, %add3A_1528 : i32
      %swap3A_1530 = arith.index_cast %add3A_1529 : i32 to index
      %swap3A_1531 = tpu.vector_load %arg18[%swap3A_1530] {strides = array<i32>} : memref<6272xf32, #tpu.memory_space<vmem>>, vector<16xf32>,
      tpu.vector_store %arg18[%swap3A_1530], %scan3A_1518#2 {strides = array<i32>} : memref<6272xf32, #tpu.memory_space<vmem>>, vector<16xf32>,
      %add3A_1532 = arith.constant 32 : i32
      %add3A_1533 = vector.broadcast %add3A_1532 : i32 to vector<16xi32>
      %add3A_1534 = arith.addi %iota3A, %add3A_1533 : vector<16xi32>
      %broadcast_in_dim3A_1535 = arith.constant 0.000000e+00 : f32
      %broadcast_in_dim3A_1536 = vector.broadcast %broadcast_in_dim3A_1535 : f32 to vector<16xf32>
      %broadcast_in_dim3A_1537 = arith.constant 0 : i32
      %broadcast_in_dim3A_1538 = vector.broadcast %broadcast_in_dim3A_1537 : i32 to vector<16xi32>
      %scan3A_1539 = arith.constant 0 : i32
      %scan3A_1540 = arith.constant 128 : i32
      %scan3A_1541 = arith.addi %scan3A_1539, %scan3A_1540 : i32
      %scan3A_1542 = arith.constant 8 : i32
      %scan3A_1543:3 = scf.for %scan3A_1857 = %scan3A_1539 to %scan3A_1541 step %scan3A_1542 iter_args(%scan3A_1858 = %broadcast_in_dim3A_1538, %scan3A_1859 = %broadcast_in_dim3A_1536, %scan3A_1860 = %broadcast_in_dim3A_1536) -> (vector<16xi32>, vector<16xf32>, vector<16xf32>)  : i32 {
        %gather3A = tpu.vector_load_idx %arg10[%add3A_1534, %scan3A_1858] : memref<112x128xf32, #tpu.memory_space<vmem>>[vector<16xi32>, vector<16xi32>], vector<16xf32>,
        %gather3A_1861 = tpu.vector_load_idx %arg11[%add3A_1534, %scan3A_1858] : memref<112x128xf32, #tpu.memory_space<vmem>>[vector<16xi32>, vector<16xi32>], vector<16xf32>,
        %get3A_1862 = arith.index_cast %scan3A_1857 : i32 to index
        %get3A_1863 = memref.load %arg16[%get3A_1862] : memref<128xf32, #tpu.memory_space<smem>>
        %mul3A_1864 = arith.mulf %gather3A, %gather3A_1861 : vector<16xf32>
        %add3A_1865 = arith.addf %scan3A_1859, %mul3A_1864 : vector<16xf32>
        %mul3A_1866 = vector.broadcast %get3A_1863 : f32 to vector<16xf32>
        %mul3A_1867 = arith.mulf %gather3A, %mul3A_1866 : vector<16xf32>
        %add3A_1868 = arith.addf %scan3A_1860, %mul3A_1867 : vector<16xf32>
        %add3A_1869 = arith.constant 1 : i32
        %add3A_1870 = vector.broadcast %add3A_1869 : i32 to vector<16xi32>
        %add3A_1871 = arith.addi %scan3A_1858, %add3A_1870 : vector<16xi32>
        %scan3A_1872 = arith.constant 1 : i32
        %scan3A_1873 = arith.addi %scan3A_1857, %scan3A_1872 : i32
        %gather3A_1874 = tpu.vector_load_idx %arg10[%add3A_1534, %add3A_1871] : memref<112x128xf32, #tpu.memory_space<vmem>>[vector<16xi32>, vector<16xi32>], vector<16xf32>,
        %gather3A_1875 = tpu.vector_load_idx %arg11[%add3A_1534, %add3A_1871] : memref<112x128xf32, #tpu.memory_space<vmem>>[vector<16xi32>, vector<16xi32>], vector<16xf32>,
        %get3A_1876 = arith.index_cast %scan3A_1873 : i32 to index
        %get3A_1877 = memref.load %arg16[%get3A_1876] : memref<128xf32, #tpu.memory_space<smem>>
        %mul3A_1878 = arith.mulf %gather3A_1874, %gather3A_1875 : vector<16xf32>
        %add3A_1879 = arith.addf %add3A_1865, %mul3A_1878 : vector<16xf32>
        %mul3A_1880 = vector.broadcast %get3A_1877 : f32 to vector<16xf32>
        %mul3A_1881 = arith.mulf %gather3A_1874, %mul3A_1880 : vector<16xf32>
        %add3A_1882 = arith.addf %add3A_1868, %mul3A_1881 : vector<16xf32>
        %add3A_1883 = arith.constant 1 : i32
        %add3A_1884 = vector.broadcast %add3A_1883 : i32 to vector<16xi32>
        %add3A_1885 = arith.addi %add3A_1871, %add3A_1884 : vector<16xi32>
        %scan3A_1886 = arith.constant 2 : i32
        %scan3A_1887 = arith.addi %scan3A_1857, %scan3A_1886 : i32
        %gather3A_1888 = tpu.vector_load_idx %arg10[%add3A_1534, %add3A_1885] : memref<112x128xf32, #tpu.memory_space<vmem>>[vector<16xi32>, vector<16xi32>], vector<16xf32>,
        %gather3A_1889 = tpu.vector_load_idx %arg11[%add3A_1534, %add3A_1885] : memref<112x128xf32, #tpu.memory_space<vmem>>[vector<16xi32>, vector<16xi32>], vector<16xf32>,
        %get3A_1890 = arith.index_cast %scan3A_1887 : i32 to index
        %get3A_1891 = memref.load %arg16[%get3A_1890] : memref<128xf32, #tpu.memory_space<smem>>
        %mul3A_1892 = arith.mulf %gather3A_1888, %gather3A_1889 : vector<16xf32>
        %add3A_1893 = arith.addf %add3A_1879, %mul3A_1892 : vector<16xf32>
        %mul3A_1894 = vector.broadcast %get3A_1891 : f32 to vector<16xf32>
        %mul3A_1895 = arith.mulf %gather3A_1888, %mul3A_1894 : vector<16xf32>
        %add3A_1896 = arith.addf %add3A_1882, %mul3A_1895 : vector<16xf32>
        %add3A_1897 = arith.constant 1 : i32
        %add3A_1898 = vector.broadcast %add3A_1897 : i32 to vector<16xi32>
        %add3A_1899 = arith.addi %add3A_1885, %add3A_1898 : vector<16xi32>
        %scan3A_1900 = arith.constant 3 : i32
        %scan3A_1901 = arith.addi %scan3A_1857, %scan3A_1900 : i32
        %gather3A_1902 = tpu.vector_load_idx %arg10[%add3A_1534, %add3A_1899] : memref<112x128xf32, #tpu.memory_space<vmem>>[vector<16xi32>, vector<16xi32>], vector<16xf32>,
        %gather3A_1903 = tpu.vector_load_idx %arg11[%add3A_1534, %add3A_1899] : memref<112x128xf32, #tpu.memory_space<vmem>>[vector<16xi32>, vector<16xi32>], vector<16xf32>,
        %get3A_1904 = arith.index_cast %scan3A_1901 : i32 to index
        %get3A_1905 = memref.load %arg16[%get3A_1904] : memref<128xf32, #tpu.memory_space<smem>>
        %mul3A_1906 = arith.mulf %gather3A_1902, %gather3A_1903 : vector<16xf32>
        %add3A_1907 = arith.addf %add3A_1893, %mul3A_1906 : vector<16xf32>
        %mul3A_1908 = vector.broadcast %get3A_1905 : f32 to vector<16xf32>
        %mul3A_1909 = arith.mulf %gather3A_1902, %mul3A_1908 : vector<16xf32>
        %add3A_1910 = arith.addf %add3A_1896, %mul3A_1909 : vector<16xf32>
        %add3A_1911 = arith.constant 1 : i32
        %add3A_1912 = vector.broadcast %add3A_1911 : i32 to vector<16xi32>
        %add3A_1913 = arith.addi %add3A_1899, %add3A_1912 : vector<16xi32>
        %scan3A_1914 = arith.constant 4 : i32
        %scan3A_1915 = arith.addi %scan3A_1857, %scan3A_1914 : i32
        %gather3A_1916 = tpu.vector_load_idx %arg10[%add3A_1534, %add3A_1913] : memref<112x128xf32, #tpu.memory_space<vmem>>[vector<16xi32>, vector<16xi32>], vector<16xf32>,
        %gather3A_1917 = tpu.vector_load_idx %arg11[%add3A_1534, %add3A_1913] : memref<112x128xf32, #tpu.memory_space<vmem>>[vector<16xi32>, vector<16xi32>], vector<16xf32>,
        %get3A_1918 = arith.index_cast %scan3A_1915 : i32 to index
        %get3A_1919 = memref.load %arg16[%get3A_1918] : memref<128xf32, #tpu.memory_space<smem>>
        %mul3A_1920 = arith.mulf %gather3A_1916, %gather3A_1917 : vector<16xf32>
        %add3A_1921 = arith.addf %add3A_1907, %mul3A_1920 : vector<16xf32>
        %mul3A_1922 = vector.broadcast %get3A_1919 : f32 to vector<16xf32>
        %mul3A_1923 = arith.mulf %gather3A_1916, %mul3A_1922 : vector<16xf32>
        %add3A_1924 = arith.addf %add3A_1910, %mul3A_1923 : vector<16xf32>
        %add3A_1925 = arith.constant 1 : i32
        %add3A_1926 = vector.broadcast %add3A_1925 : i32 to vector<16xi32>
        %add3A_1927 = arith.addi %add3A_1913, %add3A_1926 : vector<16xi32>
        %scan3A_1928 = arith.constant 5 : i32
        %scan3A_1929 = arith.addi %scan3A_1857, %scan3A_1928 : i32
        %gather3A_1930 = tpu.vector_load_idx %arg10[%add3A_1534, %add3A_1927] : memref<112x128xf32, #tpu.memory_space<vmem>>[vector<16xi32>, vector<16xi32>], vector<16xf32>,
        %gather3A_1931 = tpu.vector_load_idx %arg11[%add3A_1534, %add3A_1927] : memref<112x128xf32, #tpu.memory_space<vmem>>[vector<16xi32>, vector<16xi32>], vector<16xf32>,
        %get3A_1932 = arith.index_cast %scan3A_1929 : i32 to index
        %get3A_1933 = memref.load %arg16[%get3A_1932] : memref<128xf32, #tpu.memory_space<smem>>
        %mul3A_1934 = arith.mulf %gather3A_1930, %gather3A_1931 : vector<16xf32>
        %add3A_1935 = arith.addf %add3A_1921, %mul3A_1934 : vector<16xf32>
        %mul3A_1936 = vector.broadcast %get3A_1933 : f32 to vector<16xf32>
        %mul3A_1937 = arith.mulf %gather3A_1930, %mul3A_1936 : vector<16xf32>
        %add3A_1938 = arith.addf %add3A_1924, %mul3A_1937 : vector<16xf32>
        %add3A_1939 = arith.constant 1 : i32
        %add3A_1940 = vector.broadcast %add3A_1939 : i32 to vector<16xi32>
        %add3A_1941 = arith.addi %add3A_1927, %add3A_1940 : vector<16xi32>
        %scan3A_1942 = arith.constant 6 : i32
        %scan3A_1943 = arith.addi %scan3A_1857, %scan3A_1942 : i32
        %gather3A_1944 = tpu.vector_load_idx %arg10[%add3A_1534, %add3A_1941] : memref<112x128xf32, #tpu.memory_space<vmem>>[vector<16xi32>, vector<16xi32>], vector<16xf32>,
        %gather3A_1945 = tpu.vector_load_idx %arg11[%add3A_1534, %add3A_1941] : memref<112x128xf32, #tpu.memory_space<vmem>>[vector<16xi32>, vector<16xi32>], vector<16xf32>,
        %get3A_1946 = arith.index_cast %scan3A_1943 : i32 to index
        %get3A_1947 = memref.load %arg16[%get3A_1946] : memref<128xf32, #tpu.memory_space<smem>>
        %mul3A_1948 = arith.mulf %gather3A_1944, %gather3A_1945 : vector<16xf32>
        %add3A_1949 = arith.addf %add3A_1935, %mul3A_1948 : vector<16xf32>
        %mul3A_1950 = vector.broadcast %get3A_1947 : f32 to vector<16xf32>
        %mul3A_1951 = arith.mulf %gather3A_1944, %mul3A_1950 : vector<16xf32>
        %add3A_1952 = arith.addf %add3A_1938, %mul3A_1951 : vector<16xf32>
        %add3A_1953 = arith.constant 1 : i32
        %add3A_1954 = vector.broadcast %add3A_1953 : i32 to vector<16xi32>
        %add3A_1955 = arith.addi %add3A_1941, %add3A_1954 : vector<16xi32>
        %scan3A_1956 = arith.constant 7 : i32
        %scan3A_1957 = arith.addi %scan3A_1857, %scan3A_1956 : i32
        %gather3A_1958 = tpu.vector_load_idx %arg10[%add3A_1534, %add3A_1955] : memref<112x128xf32, #tpu.memory_space<vmem>>[vector<16xi32>, vector<16xi32>], vector<16xf32>,
        %gather3A_1959 = tpu.vector_load_idx %arg11[%add3A_1534, %add3A_1955] : memref<112x128xf32, #tpu.memory_space<vmem>>[vector<16xi32>, vector<16xi32>], vector<16xf32>,
        %get3A_1960 = arith.index_cast %scan3A_1957 : i32 to index
        %get3A_1961 = memref.load %arg16[%get3A_1960] : memref<128xf32, #tpu.memory_space<smem>>
        %mul3A_1962 = arith.mulf %gather3A_1958, %gather3A_1959 : vector<16xf32>
        %add3A_1963 = arith.addf %add3A_1949, %mul3A_1962 : vector<16xf32>
        %mul3A_1964 = vector.broadcast %get3A_1961 : f32 to vector<16xf32>
        %mul3A_1965 = arith.mulf %gather3A_1958, %mul3A_1964 : vector<16xf32>
        %add3A_1966 = arith.addf %add3A_1952, %mul3A_1965 : vector<16xf32>
        %add3A_1967 = arith.constant 1 : i32
        %add3A_1968 = vector.broadcast %add3A_1967 : i32 to vector<16xi32>
        %add3A_1969 = arith.addi %add3A_1955, %add3A_1968 : vector<16xi32>
        scf.yield %add3A_1969, %add3A_1963, %add3A_1966 : vector<16xi32>, vector<16xf32>, vector<16xf32>
      }
      %scan3A_1544 = arith.constant 128 : i32
      %mul3A_1545 = arith.constant 112 : i32
      %mul3A_1546 = arith.muli %add3A_1472, %mul3A_1545 : i32
      %add3A_1547 = arith.constant 32 : i32
      %add3A_1548 = arith.addi %mul3A_1546, %add3A_1547 : i32
      %swap3A_1549 = arith.index_cast %add3A_1548 : i32 to index
      %swap3A_1550 = tpu.vector_load %arg17[%swap3A_1549] {strides = array<i32>} : memref<6272xf32, #tpu.memory_space<vmem>>, vector<16xf32>,
      tpu.vector_store %arg17[%swap3A_1549], %scan3A_1543#1 {strides = array<i32>} : memref<6272xf32, #tpu.memory_space<vmem>>, vector<16xf32>,
      %mul3A_1551 = arith.constant 112 : i32
      %mul3A_1552 = arith.muli %add3A_1472, %mul3A_1551 : i32
      %add3A_1553 = arith.constant 32 : i32
      %add3A_1554 = arith.addi %mul3A_1552, %add3A_1553 : i32
      %swap3A_1555 = arith.index_cast %add3A_1554 : i32 to index
      %swap3A_1556 = tpu.vector_load %arg18[%swap3A_1555] {strides = array<i32>} : memref<6272xf32, #tpu.memory_space<vmem>>, vector<16xf32>,
      tpu.vector_store %arg18[%swap3A_1555], %scan3A_1543#2 {strides = array<i32>} : memref<6272xf32, #tpu.memory_space<vmem>>, vector<16xf32>,
      %add3A_1557 = arith.constant 48 : i32
      %add3A_1558 = vector.broadcast %add3A_1557 : i32 to vector<16xi32>
      %add3A_1559 = arith.addi %iota3A, %add3A_1558 : vector<16xi32>
      %broadcast_in_dim3A_1560 = arith.constant 0.000000e+00 : f32
      %broadcast_in_dim3A_1561 = vector.broadcast %broadcast_in_dim3A_1560 : f32 to vector<16xf32>
      %broadcast_in_dim3A_1562 = arith.constant 0 : i32
      %broadcast_in_dim3A_1563 = vector.broadcast %broadcast_in_dim3A_1562 : i32 to vector<16xi32>
      %scan3A_1564 = arith.constant 0 : i32
      %scan3A_1565 = arith.constant 128 : i32
      %scan3A_1566 = arith.addi %scan3A_1564, %scan3A_1565 : i32
      %scan3A_1567 = arith.constant 8 : i32
      %scan3A_1568:3 = scf.for %scan3A_1857 = %scan3A_1564 to %scan3A_1566 step %scan3A_1567 iter_args(%scan3A_1858 = %broadcast_in_dim3A_1563, %scan3A_1859 = %broadcast_in_dim3A_1561, %scan3A_1860 = %broadcast_in_dim3A_1561) -> (vector<16xi32>, vector<16xf32>, vector<16xf32>)  : i32 {
        %gather3A = tpu.vector_load_idx %arg10[%add3A_1559, %scan3A_1858] : memref<112x128xf32, #tpu.memory_space<vmem>>[vector<16xi32>, vector<16xi32>], vector<16xf32>,
        %gather3A_1861 = tpu.vector_load_idx %arg11[%add3A_1559, %scan3A_1858] : memref<112x128xf32, #tpu.memory_space<vmem>>[vector<16xi32>, vector<16xi32>], vector<16xf32>,
        %get3A_1862 = arith.index_cast %scan3A_1857 : i32 to index
        %get3A_1863 = memref.load %arg16[%get3A_1862] : memref<128xf32, #tpu.memory_space<smem>>
        %mul3A_1864 = arith.mulf %gather3A, %gather3A_1861 : vector<16xf32>
        %add3A_1865 = arith.addf %scan3A_1859, %mul3A_1864 : vector<16xf32>
        %mul3A_1866 = vector.broadcast %get3A_1863 : f32 to vector<16xf32>
        %mul3A_1867 = arith.mulf %gather3A, %mul3A_1866 : vector<16xf32>
        %add3A_1868 = arith.addf %scan3A_1860, %mul3A_1867 : vector<16xf32>
        %add3A_1869 = arith.constant 1 : i32
        %add3A_1870 = vector.broadcast %add3A_1869 : i32 to vector<16xi32>
        %add3A_1871 = arith.addi %scan3A_1858, %add3A_1870 : vector<16xi32>
        %scan3A_1872 = arith.constant 1 : i32
        %scan3A_1873 = arith.addi %scan3A_1857, %scan3A_1872 : i32
        %gather3A_1874 = tpu.vector_load_idx %arg10[%add3A_1559, %add3A_1871] : memref<112x128xf32, #tpu.memory_space<vmem>>[vector<16xi32>, vector<16xi32>], vector<16xf32>,
        %gather3A_1875 = tpu.vector_load_idx %arg11[%add3A_1559, %add3A_1871] : memref<112x128xf32, #tpu.memory_space<vmem>>[vector<16xi32>, vector<16xi32>], vector<16xf32>,
        %get3A_1876 = arith.index_cast %scan3A_1873 : i32 to index
        %get3A_1877 = memref.load %arg16[%get3A_1876] : memref<128xf32, #tpu.memory_space<smem>>
        %mul3A_1878 = arith.mulf %gather3A_1874, %gather3A_1875 : vector<16xf32>
        %add3A_1879 = arith.addf %add3A_1865, %mul3A_1878 : vector<16xf32>
        %mul3A_1880 = vector.broadcast %get3A_1877 : f32 to vector<16xf32>
        %mul3A_1881 = arith.mulf %gather3A_1874, %mul3A_1880 : vector<16xf32>
        %add3A_1882 = arith.addf %add3A_1868, %mul3A_1881 : vector<16xf32>
        %add3A_1883 = arith.constant 1 : i32
        %add3A_1884 = vector.broadcast %add3A_1883 : i32 to vector<16xi32>
        %add3A_1885 = arith.addi %add3A_1871, %add3A_1884 : vector<16xi32>
        %scan3A_1886 = arith.constant 2 : i32
        %scan3A_1887 = arith.addi %scan3A_1857, %scan3A_1886 : i32
        %gather3A_1888 = tpu.vector_load_idx %arg10[%add3A_1559, %add3A_1885] : memref<112x128xf32, #tpu.memory_space<vmem>>[vector<16xi32>, vector<16xi32>], vector<16xf32>,
        %gather3A_1889 = tpu.vector_load_idx %arg11[%add3A_1559, %add3A_1885] : memref<112x128xf32, #tpu.memory_space<vmem>>[vector<16xi32>, vector<16xi32>], vector<16xf32>,
        %get3A_1890 = arith.index_cast %scan3A_1887 : i32 to index
        %get3A_1891 = memref.load %arg16[%get3A_1890] : memref<128xf32, #tpu.memory_space<smem>>
        %mul3A_1892 = arith.mulf %gather3A_1888, %gather3A_1889 : vector<16xf32>
        %add3A_1893 = arith.addf %add3A_1879, %mul3A_1892 : vector<16xf32>
        %mul3A_1894 = vector.broadcast %get3A_1891 : f32 to vector<16xf32>
        %mul3A_1895 = arith.mulf %gather3A_1888, %mul3A_1894 : vector<16xf32>
        %add3A_1896 = arith.addf %add3A_1882, %mul3A_1895 : vector<16xf32>
        %add3A_1897 = arith.constant 1 : i32
        %add3A_1898 = vector.broadcast %add3A_1897 : i32 to vector<16xi32>
        %add3A_1899 = arith.addi %add3A_1885, %add3A_1898 : vector<16xi32>
        %scan3A_1900 = arith.constant 3 : i32
        %scan3A_1901 = arith.addi %scan3A_1857, %scan3A_1900 : i32
        %gather3A_1902 = tpu.vector_load_idx %arg10[%add3A_1559, %add3A_1899] : memref<112x128xf32, #tpu.memory_space<vmem>>[vector<16xi32>, vector<16xi32>], vector<16xf32>,
        %gather3A_1903 = tpu.vector_load_idx %arg11[%add3A_1559, %add3A_1899] : memref<112x128xf32, #tpu.memory_space<vmem>>[vector<16xi32>, vector<16xi32>], vector<16xf32>,
        %get3A_1904 = arith.index_cast %scan3A_1901 : i32 to index
        %get3A_1905 = memref.load %arg16[%get3A_1904] : memref<128xf32, #tpu.memory_space<smem>>
        %mul3A_1906 = arith.mulf %gather3A_1902, %gather3A_1903 : vector<16xf32>
        %add3A_1907 = arith.addf %add3A_1893, %mul3A_1906 : vector<16xf32>
        %mul3A_1908 = vector.broadcast %get3A_1905 : f32 to vector<16xf32>
        %mul3A_1909 = arith.mulf %gather3A_1902, %mul3A_1908 : vector<16xf32>
        %add3A_1910 = arith.addf %add3A_1896, %mul3A_1909 : vector<16xf32>
        %add3A_1911 = arith.constant 1 : i32
        %add3A_1912 = vector.broadcast %add3A_1911 : i32 to vector<16xi32>
        %add3A_1913 = arith.addi %add3A_1899, %add3A_1912 : vector<16xi32>
        %scan3A_1914 = arith.constant 4 : i32
        %scan3A_1915 = arith.addi %scan3A_1857, %scan3A_1914 : i32
        %gather3A_1916 = tpu.vector_load_idx %arg10[%add3A_1559, %add3A_1913] : memref<112x128xf32, #tpu.memory_space<vmem>>[vector<16xi32>, vector<16xi32>], vector<16xf32>,
        %gather3A_1917 = tpu.vector_load_idx %arg11[%add3A_1559, %add3A_1913] : memref<112x128xf32, #tpu.memory_space<vmem>>[vector<16xi32>, vector<16xi32>], vector<16xf32>,
        %get3A_1918 = arith.index_cast %scan3A_1915 : i32 to index
        %get3A_1919 = memref.load %arg16[%get3A_1918] : memref<128xf32, #tpu.memory_space<smem>>
        %mul3A_1920 = arith.mulf %gather3A_1916, %gather3A_1917 : vector<16xf32>
        %add3A_1921 = arith.addf %add3A_1907, %mul3A_1920 : vector<16xf32>
        %mul3A_1922 = vector.broadcast %get3A_1919 : f32 to vector<16xf32>
        %mul3A_1923 = arith.mulf %gather3A_1916, %mul3A_1922 : vector<16xf32>
        %add3A_1924 = arith.addf %add3A_1910, %mul3A_1923 : vector<16xf32>
        %add3A_1925 = arith.constant 1 : i32
        %add3A_1926 = vector.broadcast %add3A_1925 : i32 to vector<16xi32>
        %add3A_1927 = arith.addi %add3A_1913, %add3A_1926 : vector<16xi32>
        %scan3A_1928 = arith.constant 5 : i32
        %scan3A_1929 = arith.addi %scan3A_1857, %scan3A_1928 : i32
        %gather3A_1930 = tpu.vector_load_idx %arg10[%add3A_1559, %add3A_1927] : memref<112x128xf32, #tpu.memory_space<vmem>>[vector<16xi32>, vector<16xi32>], vector<16xf32>,
        %gather3A_1931 = tpu.vector_load_idx %arg11[%add3A_1559, %add3A_1927] : memref<112x128xf32, #tpu.memory_space<vmem>>[vector<16xi32>, vector<16xi32>], vector<16xf32>,
        %get3A_1932 = arith.index_cast %scan3A_1929 : i32 to index
        %get3A_1933 = memref.load %arg16[%get3A_1932] : memref<128xf32, #tpu.memory_space<smem>>
        %mul3A_1934 = arith.mulf %gather3A_1930, %gather3A_1931 : vector<16xf32>
        %add3A_1935 = arith.addf %add3A_1921, %mul3A_1934 : vector<16xf32>
        %mul3A_1936 = vector.broadcast %get3A_1933 : f32 to vector<16xf32>
        %mul3A_1937 = arith.mulf %gather3A_1930, %mul3A_1936 : vector<16xf32>
        %add3A_1938 = arith.addf %add3A_1924, %mul3A_1937 : vector<16xf32>
        %add3A_1939 = arith.constant 1 : i32
        %add3A_1940 = vector.broadcast %add3A_1939 : i32 to vector<16xi32>
        %add3A_1941 = arith.addi %add3A_1927, %add3A_1940 : vector<16xi32>
        %scan3A_1942 = arith.constant 6 : i32
        %scan3A_1943 = arith.addi %scan3A_1857, %scan3A_1942 : i32
        %gather3A_1944 = tpu.vector_load_idx %arg10[%add3A_1559, %add3A_1941] : memref<112x128xf32, #tpu.memory_space<vmem>>[vector<16xi32>, vector<16xi32>], vector<16xf32>,
        %gather3A_1945 = tpu.vector_load_idx %arg11[%add3A_1559, %add3A_1941] : memref<112x128xf32, #tpu.memory_space<vmem>>[vector<16xi32>, vector<16xi32>], vector<16xf32>,
        %get3A_1946 = arith.index_cast %scan3A_1943 : i32 to index
        %get3A_1947 = memref.load %arg16[%get3A_1946] : memref<128xf32, #tpu.memory_space<smem>>
        %mul3A_1948 = arith.mulf %gather3A_1944, %gather3A_1945 : vector<16xf32>
        %add3A_1949 = arith.addf %add3A_1935, %mul3A_1948 : vector<16xf32>
        %mul3A_1950 = vector.broadcast %get3A_1947 : f32 to vector<16xf32>
        %mul3A_1951 = arith.mulf %gather3A_1944, %mul3A_1950 : vector<16xf32>
        %add3A_1952 = arith.addf %add3A_1938, %mul3A_1951 : vector<16xf32>
        %add3A_1953 = arith.constant 1 : i32
        %add3A_1954 = vector.broadcast %add3A_1953 : i32 to vector<16xi32>
        %add3A_1955 = arith.addi %add3A_1941, %add3A_1954 : vector<16xi32>
        %scan3A_1956 = arith.constant 7 : i32
        %scan3A_1957 = arith.addi %scan3A_1857, %scan3A_1956 : i32
        %gather3A_1958 = tpu.vector_load_idx %arg10[%add3A_1559, %add3A_1955] : memref<112x128xf32, #tpu.memory_space<vmem>>[vector<16xi32>, vector<16xi32>], vector<16xf32>,
        %gather3A_1959 = tpu.vector_load_idx %arg11[%add3A_1559, %add3A_1955] : memref<112x128xf32, #tpu.memory_space<vmem>>[vector<16xi32>, vector<16xi32>], vector<16xf32>,
        %get3A_1960 = arith.index_cast %scan3A_1957 : i32 to index
        %get3A_1961 = memref.load %arg16[%get3A_1960] : memref<128xf32, #tpu.memory_space<smem>>
        %mul3A_1962 = arith.mulf %gather3A_1958, %gather3A_1959 : vector<16xf32>
        %add3A_1963 = arith.addf %add3A_1949, %mul3A_1962 : vector<16xf32>
        %mul3A_1964 = vector.broadcast %get3A_1961 : f32 to vector<16xf32>
        %mul3A_1965 = arith.mulf %gather3A_1958, %mul3A_1964 : vector<16xf32>
        %add3A_1966 = arith.addf %add3A_1952, %mul3A_1965 : vector<16xf32>
        %add3A_1967 = arith.constant 1 : i32
        %add3A_1968 = vector.broadcast %add3A_1967 : i32 to vector<16xi32>
        %add3A_1969 = arith.addi %add3A_1955, %add3A_1968 : vector<16xi32>
        scf.yield %add3A_1969, %add3A_1963, %add3A_1966 : vector<16xi32>, vector<16xf32>, vector<16xf32>
      }
      %scan3A_1569 = arith.constant 128 : i32
      %mul3A_1570 = arith.constant 112 : i32
      %mul3A_1571 = arith.muli %add3A_1472, %mul3A_1570 : i32
      %add3A_1572 = arith.constant 48 : i32
      %add3A_1573 = arith.addi %mul3A_1571, %add3A_1572 : i32
      %swap3A_1574 = arith.index_cast %add3A_1573 : i32 to index
      %swap3A_1575 = tpu.vector_load %arg17[%swap3A_1574] {strides = array<i32>} : memref<6272xf32, #tpu.memory_space<vmem>>, vector<16xf32>,
      tpu.vector_store %arg17[%swap3A_1574], %scan3A_1568#1 {strides = array<i32>} : memref<6272xf32, #tpu.memory_space<vmem>>, vector<16xf32>,
      %mul3A_1576 = arith.constant 112 : i32
      %mul3A_1577 = arith.muli %add3A_1472, %mul3A_1576 : i32
      %add3A_1578 = arith.constant 48 : i32
      %add3A_1579 = arith.addi %mul3A_1577, %add3A_1578 : i32
      %swap3A_1580 = arith.index_cast %add3A_1579 : i32 to index
      %swap3A_1581 = tpu.vector_load %arg18[%swap3A_1580] {strides = array<i32>} : memref<6272xf32, #tpu.memory_space<vmem>>, vector<16xf32>,
      tpu.vector_store %arg18[%swap3A_1580], %scan3A_1568#2 {strides = array<i32>} : memref<6272xf32, #tpu.memory_space<vmem>>, vector<16xf32>,
      %add3A_1582 = arith.constant 64 : i32
      %add3A_1583 = vector.broadcast %add3A_1582 : i32 to vector<16xi32>
      %add3A_1584 = arith.addi %iota3A, %add3A_1583 : vector<16xi32>
      %broadcast_in_dim3A_1585 = arith.constant 0.000000e+00 : f32
      %broadcast_in_dim3A_1586 = vector.broadcast %broadcast_in_dim3A_1585 : f32 to vector<16xf32>
      %broadcast_in_dim3A_1587 = arith.constant 0 : i32
      %broadcast_in_dim3A_1588 = vector.broadcast %broadcast_in_dim3A_1587 : i32 to vector<16xi32>
      %scan3A_1589 = arith.constant 0 : i32
      %scan3A_1590 = arith.constant 128 : i32
      %scan3A_1591 = arith.addi %scan3A_1589, %scan3A_1590 : i32
      %scan3A_1592 = arith.constant 8 : i32
      %scan3A_1593:3 = scf.for %scan3A_1857 = %scan3A_1589 to %scan3A_1591 step %scan3A_1592 iter_args(%scan3A_1858 = %broadcast_in_dim3A_1588, %scan3A_1859 = %broadcast_in_dim3A_1586, %scan3A_1860 = %broadcast_in_dim3A_1586) -> (vector<16xi32>, vector<16xf32>, vector<16xf32>)  : i32 {
        %gather3A = tpu.vector_load_idx %arg10[%add3A_1584, %scan3A_1858] : memref<112x128xf32, #tpu.memory_space<vmem>>[vector<16xi32>, vector<16xi32>], vector<16xf32>,
        %gather3A_1861 = tpu.vector_load_idx %arg11[%add3A_1584, %scan3A_1858] : memref<112x128xf32, #tpu.memory_space<vmem>>[vector<16xi32>, vector<16xi32>], vector<16xf32>,
        %get3A_1862 = arith.index_cast %scan3A_1857 : i32 to index
        %get3A_1863 = memref.load %arg16[%get3A_1862] : memref<128xf32, #tpu.memory_space<smem>>
        %mul3A_1864 = arith.mulf %gather3A, %gather3A_1861 : vector<16xf32>
        %add3A_1865 = arith.addf %scan3A_1859, %mul3A_1864 : vector<16xf32>
        %mul3A_1866 = vector.broadcast %get3A_1863 : f32 to vector<16xf32>
        %mul3A_1867 = arith.mulf %gather3A, %mul3A_1866 : vector<16xf32>
        %add3A_1868 = arith.addf %scan3A_1860, %mul3A_1867 : vector<16xf32>
        %add3A_1869 = arith.constant 1 : i32
        %add3A_1870 = vector.broadcast %add3A_1869 : i32 to vector<16xi32>
        %add3A_1871 = arith.addi %scan3A_1858, %add3A_1870 : vector<16xi32>
        %scan3A_1872 = arith.constant 1 : i32
        %scan3A_1873 = arith.addi %scan3A_1857, %scan3A_1872 : i32
        %gather3A_1874 = tpu.vector_load_idx %arg10[%add3A_1584, %add3A_1871] : memref<112x128xf32, #tpu.memory_space<vmem>>[vector<16xi32>, vector<16xi32>], vector<16xf32>,
        %gather3A_1875 = tpu.vector_load_idx %arg11[%add3A_1584, %add3A_1871] : memref<112x128xf32, #tpu.memory_space<vmem>>[vector<16xi32>, vector<16xi32>], vector<16xf32>,
        %get3A_1876 = arith.index_cast %scan3A_1873 : i32 to index
        %get3A_1877 = memref.load %arg16[%get3A_1876] : memref<128xf32, #tpu.memory_space<smem>>
        %mul3A_1878 = arith.mulf %gather3A_1874, %gather3A_1875 : vector<16xf32>
        %add3A_1879 = arith.addf %add3A_1865, %mul3A_1878 : vector<16xf32>
        %mul3A_1880 = vector.broadcast %get3A_1877 : f32 to vector<16xf32>
        %mul3A_1881 = arith.mulf %gather3A_1874, %mul3A_1880 : vector<16xf32>
        %add3A_1882 = arith.addf %add3A_1868, %mul3A_1881 : vector<16xf32>
        %add3A_1883 = arith.constant 1 : i32
        %add3A_1884 = vector.broadcast %add3A_1883 : i32 to vector<16xi32>
        %add3A_1885 = arith.addi %add3A_1871, %add3A_1884 : vector<16xi32>
        %scan3A_1886 = arith.constant 2 : i32
        %scan3A_1887 = arith.addi %scan3A_1857, %scan3A_1886 : i32
        %gather3A_1888 = tpu.vector_load_idx %arg10[%add3A_1584, %add3A_1885] : memref<112x128xf32, #tpu.memory_space<vmem>>[vector<16xi32>, vector<16xi32>], vector<16xf32>,
        %gather3A_1889 = tpu.vector_load_idx %arg11[%add3A_1584, %add3A_1885] : memref<112x128xf32, #tpu.memory_space<vmem>>[vector<16xi32>, vector<16xi32>], vector<16xf32>,
        %get3A_1890 = arith.index_cast %scan3A_1887 : i32 to index
        %get3A_1891 = memref.load %arg16[%get3A_1890] : memref<128xf32, #tpu.memory_space<smem>>
        %mul3A_1892 = arith.mulf %gather3A_1888, %gather3A_1889 : vector<16xf32>
        %add3A_1893 = arith.addf %add3A_1879, %mul3A_1892 : vector<16xf32>
        %mul3A_1894 = vector.broadcast %get3A_1891 : f32 to vector<16xf32>
        %mul3A_1895 = arith.mulf %gather3A_1888, %mul3A_1894 : vector<16xf32>
        %add3A_1896 = arith.addf %add3A_1882, %mul3A_1895 : vector<16xf32>
        %add3A_1897 = arith.constant 1 : i32
        %add3A_1898 = vector.broadcast %add3A_1897 : i32 to vector<16xi32>
        %add3A_1899 = arith.addi %add3A_1885, %add3A_1898 : vector<16xi32>
        %scan3A_1900 = arith.constant 3 : i32
        %scan3A_1901 = arith.addi %scan3A_1857, %scan3A_1900 : i32
        %gather3A_1902 = tpu.vector_load_idx %arg10[%add3A_1584, %add3A_1899] : memref<112x128xf32, #tpu.memory_space<vmem>>[vector<16xi32>, vector<16xi32>], vector<16xf32>,
        %gather3A_1903 = tpu.vector_load_idx %arg11[%add3A_1584, %add3A_1899] : memref<112x128xf32, #tpu.memory_space<vmem>>[vector<16xi32>, vector<16xi32>], vector<16xf32>,
        %get3A_1904 = arith.index_cast %scan3A_1901 : i32 to index
        %get3A_1905 = memref.load %arg16[%get3A_1904] : memref<128xf32, #tpu.memory_space<smem>>
        %mul3A_1906 = arith.mulf %gather3A_1902, %gather3A_1903 : vector<16xf32>
        %add3A_1907 = arith.addf %add3A_1893, %mul3A_1906 : vector<16xf32>
        %mul3A_1908 = vector.broadcast %get3A_1905 : f32 to vector<16xf32>
        %mul3A_1909 = arith.mulf %gather3A_1902, %mul3A_1908 : vector<16xf32>
        %add3A_1910 = arith.addf %add3A_1896, %mul3A_1909 : vector<16xf32>
        %add3A_1911 = arith.constant 1 : i32
        %add3A_1912 = vector.broadcast %add3A_1911 : i32 to vector<16xi32>
        %add3A_1913 = arith.addi %add3A_1899, %add3A_1912 : vector<16xi32>
        %scan3A_1914 = arith.constant 4 : i32
        %scan3A_1915 = arith.addi %scan3A_1857, %scan3A_1914 : i32
        %gather3A_1916 = tpu.vector_load_idx %arg10[%add3A_1584, %add3A_1913] : memref<112x128xf32, #tpu.memory_space<vmem>>[vector<16xi32>, vector<16xi32>], vector<16xf32>,
        %gather3A_1917 = tpu.vector_load_idx %arg11[%add3A_1584, %add3A_1913] : memref<112x128xf32, #tpu.memory_space<vmem>>[vector<16xi32>, vector<16xi32>], vector<16xf32>,
        %get3A_1918 = arith.index_cast %scan3A_1915 : i32 to index
        %get3A_1919 = memref.load %arg16[%get3A_1918] : memref<128xf32, #tpu.memory_space<smem>>
        %mul3A_1920 = arith.mulf %gather3A_1916, %gather3A_1917 : vector<16xf32>
        %add3A_1921 = arith.addf %add3A_1907, %mul3A_1920 : vector<16xf32>
        %mul3A_1922 = vector.broadcast %get3A_1919 : f32 to vector<16xf32>
        %mul3A_1923 = arith.mulf %gather3A_1916, %mul3A_1922 : vector<16xf32>
        %add3A_1924 = arith.addf %add3A_1910, %mul3A_1923 : vector<16xf32>
        %add3A_1925 = arith.constant 1 : i32
        %add3A_1926 = vector.broadcast %add3A_1925 : i32 to vector<16xi32>
        %add3A_1927 = arith.addi %add3A_1913, %add3A_1926 : vector<16xi32>
        %scan3A_1928 = arith.constant 5 : i32
        %scan3A_1929 = arith.addi %scan3A_1857, %scan3A_1928 : i32
        %gather3A_1930 = tpu.vector_load_idx %arg10[%add3A_1584, %add3A_1927] : memref<112x128xf32, #tpu.memory_space<vmem>>[vector<16xi32>, vector<16xi32>], vector<16xf32>,
        %gather3A_1931 = tpu.vector_load_idx %arg11[%add3A_1584, %add3A_1927] : memref<112x128xf32, #tpu.memory_space<vmem>>[vector<16xi32>, vector<16xi32>], vector<16xf32>,
        %get3A_1932 = arith.index_cast %scan3A_1929 : i32 to index
        %get3A_1933 = memref.load %arg16[%get3A_1932] : memref<128xf32, #tpu.memory_space<smem>>
        %mul3A_1934 = arith.mulf %gather3A_1930, %gather3A_1931 : vector<16xf32>
        %add3A_1935 = arith.addf %add3A_1921, %mul3A_1934 : vector<16xf32>
        %mul3A_1936 = vector.broadcast %get3A_1933 : f32 to vector<16xf32>
        %mul3A_1937 = arith.mulf %gather3A_1930, %mul3A_1936 : vector<16xf32>
        %add3A_1938 = arith.addf %add3A_1924, %mul3A_1937 : vector<16xf32>
        %add3A_1939 = arith.constant 1 : i32
        %add3A_1940 = vector.broadcast %add3A_1939 : i32 to vector<16xi32>
        %add3A_1941 = arith.addi %add3A_1927, %add3A_1940 : vector<16xi32>
        %scan3A_1942 = arith.constant 6 : i32
        %scan3A_1943 = arith.addi %scan3A_1857, %scan3A_1942 : i32
        %gather3A_1944 = tpu.vector_load_idx %arg10[%add3A_1584, %add3A_1941] : memref<112x128xf32, #tpu.memory_space<vmem>>[vector<16xi32>, vector<16xi32>], vector<16xf32>,
        %gather3A_1945 = tpu.vector_load_idx %arg11[%add3A_1584, %add3A_1941] : memref<112x128xf32, #tpu.memory_space<vmem>>[vector<16xi32>, vector<16xi32>], vector<16xf32>,
        %get3A_1946 = arith.index_cast %scan3A_1943 : i32 to index
        %get3A_1947 = memref.load %arg16[%get3A_1946] : memref<128xf32, #tpu.memory_space<smem>>
        %mul3A_1948 = arith.mulf %gather3A_1944, %gather3A_1945 : vector<16xf32>
        %add3A_1949 = arith.addf %add3A_1935, %mul3A_1948 : vector<16xf32>
        %mul3A_1950 = vector.broadcast %get3A_1947 : f32 to vector<16xf32>
        %mul3A_1951 = arith.mulf %gather3A_1944, %mul3A_1950 : vector<16xf32>
        %add3A_1952 = arith.addf %add3A_1938, %mul3A_1951 : vector<16xf32>
        %add3A_1953 = arith.constant 1 : i32
        %add3A_1954 = vector.broadcast %add3A_1953 : i32 to vector<16xi32>
        %add3A_1955 = arith.addi %add3A_1941, %add3A_1954 : vector<16xi32>
        %scan3A_1956 = arith.constant 7 : i32
        %scan3A_1957 = arith.addi %scan3A_1857, %scan3A_1956 : i32
        %gather3A_1958 = tpu.vector_load_idx %arg10[%add3A_1584, %add3A_1955] : memref<112x128xf32, #tpu.memory_space<vmem>>[vector<16xi32>, vector<16xi32>], vector<16xf32>,
        %gather3A_1959 = tpu.vector_load_idx %arg11[%add3A_1584, %add3A_1955] : memref<112x128xf32, #tpu.memory_space<vmem>>[vector<16xi32>, vector<16xi32>], vector<16xf32>,
        %get3A_1960 = arith.index_cast %scan3A_1957 : i32 to index
        %get3A_1961 = memref.load %arg16[%get3A_1960] : memref<128xf32, #tpu.memory_space<smem>>
        %mul3A_1962 = arith.mulf %gather3A_1958, %gather3A_1959 : vector<16xf32>
        %add3A_1963 = arith.addf %add3A_1949, %mul3A_1962 : vector<16xf32>
        %mul3A_1964 = vector.broadcast %get3A_1961 : f32 to vector<16xf32>
        %mul3A_1965 = arith.mulf %gather3A_1958, %mul3A_1964 : vector<16xf32>
        %add3A_1966 = arith.addf %add3A_1952, %mul3A_1965 : vector<16xf32>
        %add3A_1967 = arith.constant 1 : i32
        %add3A_1968 = vector.broadcast %add3A_1967 : i32 to vector<16xi32>
        %add3A_1969 = arith.addi %add3A_1955, %add3A_1968 : vector<16xi32>
        scf.yield %add3A_1969, %add3A_1963, %add3A_1966 : vector<16xi32>, vector<16xf32>, vector<16xf32>
      }
      %scan3A_1594 = arith.constant 128 : i32
      %mul3A_1595 = arith.constant 112 : i32
      %mul3A_1596 = arith.muli %add3A_1472, %mul3A_1595 : i32
      %add3A_1597 = arith.constant 64 : i32
      %add3A_1598 = arith.addi %mul3A_1596, %add3A_1597 : i32
      %swap3A_1599 = arith.index_cast %add3A_1598 : i32 to index
      %swap3A_1600 = tpu.vector_load %arg17[%swap3A_1599] {strides = array<i32>} : memref<6272xf32, #tpu.memory_space<vmem>>, vector<16xf32>,
      tpu.vector_store %arg17[%swap3A_1599], %scan3A_1593#1 {strides = array<i32>} : memref<6272xf32, #tpu.memory_space<vmem>>, vector<16xf32>,
      %mul3A_1601 = arith.constant 112 : i32
      %mul3A_1602 = arith.muli %add3A_1472, %mul3A_1601 : i32
      %add3A_1603 = arith.constant 64 : i32
      %add3A_1604 = arith.addi %mul3A_1602, %add3A_1603 : i32
      %swap3A_1605 = arith.index_cast %add3A_1604 : i32 to index
      %swap3A_1606 = tpu.vector_load %arg18[%swap3A_1605] {strides = array<i32>} : memref<6272xf32, #tpu.memory_space<vmem>>, vector<16xf32>,
      tpu.vector_store %arg18[%swap3A_1605], %scan3A_1593#2 {strides = array<i32>} : memref<6272xf32, #tpu.memory_space<vmem>>, vector<16xf32>,
      %add3A_1607 = arith.constant 80 : i32
      %add3A_1608 = vector.broadcast %add3A_1607 : i32 to vector<16xi32>
      %add3A_1609 = arith.addi %iota3A, %add3A_1608 : vector<16xi32>
      %broadcast_in_dim3A_1610 = arith.constant 0.000000e+00 : f32
      %broadcast_in_dim3A_1611 = vector.broadcast %broadcast_in_dim3A_1610 : f32 to vector<16xf32>
      %broadcast_in_dim3A_1612 = arith.constant 0 : i32
      %broadcast_in_dim3A_1613 = vector.broadcast %broadcast_in_dim3A_1612 : i32 to vector<16xi32>
      %scan3A_1614 = arith.constant 0 : i32
      %scan3A_1615 = arith.constant 128 : i32
      %scan3A_1616 = arith.addi %scan3A_1614, %scan3A_1615 : i32
      %scan3A_1617 = arith.constant 8 : i32
      %scan3A_1618:3 = scf.for %scan3A_1857 = %scan3A_1614 to %scan3A_1616 step %scan3A_1617 iter_args(%scan3A_1858 = %broadcast_in_dim3A_1613, %scan3A_1859 = %broadcast_in_dim3A_1611, %scan3A_1860 = %broadcast_in_dim3A_1611) -> (vector<16xi32>, vector<16xf32>, vector<16xf32>)  : i32 {
        %gather3A = tpu.vector_load_idx %arg10[%add3A_1609, %scan3A_1858] : memref<112x128xf32, #tpu.memory_space<vmem>>[vector<16xi32>, vector<16xi32>], vector<16xf32>,
        %gather3A_1861 = tpu.vector_load_idx %arg11[%add3A_1609, %scan3A_1858] : memref<112x128xf32, #tpu.memory_space<vmem>>[vector<16xi32>, vector<16xi32>], vector<16xf32>,
        %get3A_1862 = arith.index_cast %scan3A_1857 : i32 to index
        %get3A_1863 = memref.load %arg16[%get3A_1862] : memref<128xf32, #tpu.memory_space<smem>>
        %mul3A_1864 = arith.mulf %gather3A, %gather3A_1861 : vector<16xf32>
        %add3A_1865 = arith.addf %scan3A_1859, %mul3A_1864 : vector<16xf32>
        %mul3A_1866 = vector.broadcast %get3A_1863 : f32 to vector<16xf32>
        %mul3A_1867 = arith.mulf %gather3A, %mul3A_1866 : vector<16xf32>
        %add3A_1868 = arith.addf %scan3A_1860, %mul3A_1867 : vector<16xf32>
        %add3A_1869 = arith.constant 1 : i32
        %add3A_1870 = vector.broadcast %add3A_1869 : i32 to vector<16xi32>
        %add3A_1871 = arith.addi %scan3A_1858, %add3A_1870 : vector<16xi32>
        %scan3A_1872 = arith.constant 1 : i32
        %scan3A_1873 = arith.addi %scan3A_1857, %scan3A_1872 : i32
        %gather3A_1874 = tpu.vector_load_idx %arg10[%add3A_1609, %add3A_1871] : memref<112x128xf32, #tpu.memory_space<vmem>>[vector<16xi32>, vector<16xi32>], vector<16xf32>,
        %gather3A_1875 = tpu.vector_load_idx %arg11[%add3A_1609, %add3A_1871] : memref<112x128xf32, #tpu.memory_space<vmem>>[vector<16xi32>, vector<16xi32>], vector<16xf32>,
        %get3A_1876 = arith.index_cast %scan3A_1873 : i32 to index
        %get3A_1877 = memref.load %arg16[%get3A_1876] : memref<128xf32, #tpu.memory_space<smem>>
        %mul3A_1878 = arith.mulf %gather3A_1874, %gather3A_1875 : vector<16xf32>
        %add3A_1879 = arith.addf %add3A_1865, %mul3A_1878 : vector<16xf32>
        %mul3A_1880 = vector.broadcast %get3A_1877 : f32 to vector<16xf32>
        %mul3A_1881 = arith.mulf %gather3A_1874, %mul3A_1880 : vector<16xf32>
        %add3A_1882 = arith.addf %add3A_1868, %mul3A_1881 : vector<16xf32>
        %add3A_1883 = arith.constant 1 : i32
        %add3A_1884 = vector.broadcast %add3A_1883 : i32 to vector<16xi32>
        %add3A_1885 = arith.addi %add3A_1871, %add3A_1884 : vector<16xi32>
        %scan3A_1886 = arith.constant 2 : i32
        %scan3A_1887 = arith.addi %scan3A_1857, %scan3A_1886 : i32
        %gather3A_1888 = tpu.vector_load_idx %arg10[%add3A_1609, %add3A_1885] : memref<112x128xf32, #tpu.memory_space<vmem>>[vector<16xi32>, vector<16xi32>], vector<16xf32>,
        %gather3A_1889 = tpu.vector_load_idx %arg11[%add3A_1609, %add3A_1885] : memref<112x128xf32, #tpu.memory_space<vmem>>[vector<16xi32>, vector<16xi32>], vector<16xf32>,
        %get3A_1890 = arith.index_cast %scan3A_1887 : i32 to index
        %get3A_1891 = memref.load %arg16[%get3A_1890] : memref<128xf32, #tpu.memory_space<smem>>
        %mul3A_1892 = arith.mulf %gather3A_1888, %gather3A_1889 : vector<16xf32>
        %add3A_1893 = arith.addf %add3A_1879, %mul3A_1892 : vector<16xf32>
        %mul3A_1894 = vector.broadcast %get3A_1891 : f32 to vector<16xf32>
        %mul3A_1895 = arith.mulf %gather3A_1888, %mul3A_1894 : vector<16xf32>
        %add3A_1896 = arith.addf %add3A_1882, %mul3A_1895 : vector<16xf32>
        %add3A_1897 = arith.constant 1 : i32
        %add3A_1898 = vector.broadcast %add3A_1897 : i32 to vector<16xi32>
        %add3A_1899 = arith.addi %add3A_1885, %add3A_1898 : vector<16xi32>
        %scan3A_1900 = arith.constant 3 : i32
        %scan3A_1901 = arith.addi %scan3A_1857, %scan3A_1900 : i32
        %gather3A_1902 = tpu.vector_load_idx %arg10[%add3A_1609, %add3A_1899] : memref<112x128xf32, #tpu.memory_space<vmem>>[vector<16xi32>, vector<16xi32>], vector<16xf32>,
        %gather3A_1903 = tpu.vector_load_idx %arg11[%add3A_1609, %add3A_1899] : memref<112x128xf32, #tpu.memory_space<vmem>>[vector<16xi32>, vector<16xi32>], vector<16xf32>,
        %get3A_1904 = arith.index_cast %scan3A_1901 : i32 to index
        %get3A_1905 = memref.load %arg16[%get3A_1904] : memref<128xf32, #tpu.memory_space<smem>>
        %mul3A_1906 = arith.mulf %gather3A_1902, %gather3A_1903 : vector<16xf32>
        %add3A_1907 = arith.addf %add3A_1893, %mul3A_1906 : vector<16xf32>
        %mul3A_1908 = vector.broadcast %get3A_1905 : f32 to vector<16xf32>
        %mul3A_1909 = arith.mulf %gather3A_1902, %mul3A_1908 : vector<16xf32>
        %add3A_1910 = arith.addf %add3A_1896, %mul3A_1909 : vector<16xf32>
        %add3A_1911 = arith.constant 1 : i32
        %add3A_1912 = vector.broadcast %add3A_1911 : i32 to vector<16xi32>
        %add3A_1913 = arith.addi %add3A_1899, %add3A_1912 : vector<16xi32>
        %scan3A_1914 = arith.constant 4 : i32
        %scan3A_1915 = arith.addi %scan3A_1857, %scan3A_1914 : i32
        %gather3A_1916 = tpu.vector_load_idx %arg10[%add3A_1609, %add3A_1913] : memref<112x128xf32, #tpu.memory_space<vmem>>[vector<16xi32>, vector<16xi32>], vector<16xf32>,
        %gather3A_1917 = tpu.vector_load_idx %arg11[%add3A_1609, %add3A_1913] : memref<112x128xf32, #tpu.memory_space<vmem>>[vector<16xi32>, vector<16xi32>], vector<16xf32>,
        %get3A_1918 = arith.index_cast %scan3A_1915 : i32 to index
        %get3A_1919 = memref.load %arg16[%get3A_1918] : memref<128xf32, #tpu.memory_space<smem>>
        %mul3A_1920 = arith.mulf %gather3A_1916, %gather3A_1917 : vector<16xf32>
        %add3A_1921 = arith.addf %add3A_1907, %mul3A_1920 : vector<16xf32>
        %mul3A_1922 = vector.broadcast %get3A_1919 : f32 to vector<16xf32>
        %mul3A_1923 = arith.mulf %gather3A_1916, %mul3A_1922 : vector<16xf32>
        %add3A_1924 = arith.addf %add3A_1910, %mul3A_1923 : vector<16xf32>
        %add3A_1925 = arith.constant 1 : i32
        %add3A_1926 = vector.broadcast %add3A_1925 : i32 to vector<16xi32>
        %add3A_1927 = arith.addi %add3A_1913, %add3A_1926 : vector<16xi32>
        %scan3A_1928 = arith.constant 5 : i32
        %scan3A_1929 = arith.addi %scan3A_1857, %scan3A_1928 : i32
        %gather3A_1930 = tpu.vector_load_idx %arg10[%add3A_1609, %add3A_1927] : memref<112x128xf32, #tpu.memory_space<vmem>>[vector<16xi32>, vector<16xi32>], vector<16xf32>,
        %gather3A_1931 = tpu.vector_load_idx %arg11[%add3A_1609, %add3A_1927] : memref<112x128xf32, #tpu.memory_space<vmem>>[vector<16xi32>, vector<16xi32>], vector<16xf32>,
        %get3A_1932 = arith.index_cast %scan3A_1929 : i32 to index
        %get3A_1933 = memref.load %arg16[%get3A_1932] : memref<128xf32, #tpu.memory_space<smem>>
        %mul3A_1934 = arith.mulf %gather3A_1930, %gather3A_1931 : vector<16xf32>
        %add3A_1935 = arith.addf %add3A_1921, %mul3A_1934 : vector<16xf32>
        %mul3A_1936 = vector.broadcast %get3A_1933 : f32 to vector<16xf32>
        %mul3A_1937 = arith.mulf %gather3A_1930, %mul3A_1936 : vector<16xf32>
        %add3A_1938 = arith.addf %add3A_1924, %mul3A_1937 : vector<16xf32>
        %add3A_1939 = arith.constant 1 : i32
        %add3A_1940 = vector.broadcast %add3A_1939 : i32 to vector<16xi32>
        %add3A_1941 = arith.addi %add3A_1927, %add3A_1940 : vector<16xi32>
        %scan3A_1942 = arith.constant 6 : i32
        %scan3A_1943 = arith.addi %scan3A_1857, %scan3A_1942 : i32
        %gather3A_1944 = tpu.vector_load_idx %arg10[%add3A_1609, %add3A_1941] : memref<112x128xf32, #tpu.memory_space<vmem>>[vector<16xi32>, vector<16xi32>], vector<16xf32>,
        %gather3A_1945 = tpu.vector_load_idx %arg11[%add3A_1609, %add3A_1941] : memref<112x128xf32, #tpu.memory_space<vmem>>[vector<16xi32>, vector<16xi32>], vector<16xf32>,
        %get3A_1946 = arith.index_cast %scan3A_1943 : i32 to index
        %get3A_1947 = memref.load %arg16[%get3A_1946] : memref<128xf32, #tpu.memory_space<smem>>
        %mul3A_1948 = arith.mulf %gather3A_1944, %gather3A_1945 : vector<16xf32>
        %add3A_1949 = arith.addf %add3A_1935, %mul3A_1948 : vector<16xf32>
        %mul3A_1950 = vector.broadcast %get3A_1947 : f32 to vector<16xf32>
        %mul3A_1951 = arith.mulf %gather3A_1944, %mul3A_1950 : vector<16xf32>
        %add3A_1952 = arith.addf %add3A_1938, %mul3A_1951 : vector<16xf32>
        %add3A_1953 = arith.constant 1 : i32
        %add3A_1954 = vector.broadcast %add3A_1953 : i32 to vector<16xi32>
        %add3A_1955 = arith.addi %add3A_1941, %add3A_1954 : vector<16xi32>
        %scan3A_1956 = arith.constant 7 : i32
        %scan3A_1957 = arith.addi %scan3A_1857, %scan3A_1956 : i32
        %gather3A_1958 = tpu.vector_load_idx %arg10[%add3A_1609, %add3A_1955] : memref<112x128xf32, #tpu.memory_space<vmem>>[vector<16xi32>, vector<16xi32>], vector<16xf32>,
        %gather3A_1959 = tpu.vector_load_idx %arg11[%add3A_1609, %add3A_1955] : memref<112x128xf32, #tpu.memory_space<vmem>>[vector<16xi32>, vector<16xi32>], vector<16xf32>,
        %get3A_1960 = arith.index_cast %scan3A_1957 : i32 to index
        %get3A_1961 = memref.load %arg16[%get3A_1960] : memref<128xf32, #tpu.memory_space<smem>>
        %mul3A_1962 = arith.mulf %gather3A_1958, %gather3A_1959 : vector<16xf32>
        %add3A_1963 = arith.addf %add3A_1949, %mul3A_1962 : vector<16xf32>
        %mul3A_1964 = vector.broadcast %get3A_1961 : f32 to vector<16xf32>
        %mul3A_1965 = arith.mulf %gather3A_1958, %mul3A_1964 : vector<16xf32>
        %add3A_1966 = arith.addf %add3A_1952, %mul3A_1965 : vector<16xf32>
        %add3A_1967 = arith.constant 1 : i32
        %add3A_1968 = vector.broadcast %add3A_1967 : i32 to vector<16xi32>
        %add3A_1969 = arith.addi %add3A_1955, %add3A_1968 : vector<16xi32>
        scf.yield %add3A_1969, %add3A_1963, %add3A_1966 : vector<16xi32>, vector<16xf32>, vector<16xf32>
      }
      %scan3A_1619 = arith.constant 128 : i32
      %mul3A_1620 = arith.constant 112 : i32
      %mul3A_1621 = arith.muli %add3A_1472, %mul3A_1620 : i32
      %add3A_1622 = arith.constant 80 : i32
      %add3A_1623 = arith.addi %mul3A_1621, %add3A_1622 : i32
      %swap3A_1624 = arith.index_cast %add3A_1623 : i32 to index
      %swap3A_1625 = tpu.vector_load %arg17[%swap3A_1624] {strides = array<i32>} : memref<6272xf32, #tpu.memory_space<vmem>>, vector<16xf32>,
      tpu.vector_store %arg17[%swap3A_1624], %scan3A_1618#1 {strides = array<i32>} : memref<6272xf32, #tpu.memory_space<vmem>>, vector<16xf32>,
      %mul3A_1626 = arith.constant 112 : i32
      %mul3A_1627 = arith.muli %add3A_1472, %mul3A_1626 : i32
      %add3A_1628 = arith.constant 80 : i32
      %add3A_1629 = arith.addi %mul3A_1627, %add3A_1628 : i32
      %swap3A_1630 = arith.index_cast %add3A_1629 : i32 to index
      %swap3A_1631 = tpu.vector_load %arg18[%swap3A_1630] {strides = array<i32>} : memref<6272xf32, #tpu.memory_space<vmem>>, vector<16xf32>,
      tpu.vector_store %arg18[%swap3A_1630], %scan3A_1618#2 {strides = array<i32>} : memref<6272xf32, #tpu.memory_space<vmem>>, vector<16xf32>,
      %add3A_1632 = arith.constant 96 : i32
      %add3A_1633 = vector.broadcast %add3A_1632 : i32 to vector<16xi32>
      %add3A_1634 = arith.addi %iota3A, %add3A_1633 : vector<16xi32>
      %broadcast_in_dim3A_1635 = arith.constant 0.000000e+00 : f32
      %broadcast_in_dim3A_1636 = vector.broadcast %broadcast_in_dim3A_1635 : f32 to vector<16xf32>
      %broadcast_in_dim3A_1637 = arith.constant 0 : i32
      %broadcast_in_dim3A_1638 = vector.broadcast %broadcast_in_dim3A_1637 : i32 to vector<16xi32>
      %scan3A_1639 = arith.constant 0 : i32
      %scan3A_1640 = arith.constant 128 : i32
      %scan3A_1641 = arith.addi %scan3A_1639, %scan3A_1640 : i32
      %scan3A_1642 = arith.constant 8 : i32
      %scan3A_1643:3 = scf.for %scan3A_1857 = %scan3A_1639 to %scan3A_1641 step %scan3A_1642 iter_args(%scan3A_1858 = %broadcast_in_dim3A_1638, %scan3A_1859 = %broadcast_in_dim3A_1636, %scan3A_1860 = %broadcast_in_dim3A_1636) -> (vector<16xi32>, vector<16xf32>, vector<16xf32>)  : i32 {
        %gather3A = tpu.vector_load_idx %arg10[%add3A_1634, %scan3A_1858] : memref<112x128xf32, #tpu.memory_space<vmem>>[vector<16xi32>, vector<16xi32>], vector<16xf32>,
        %gather3A_1861 = tpu.vector_load_idx %arg11[%add3A_1634, %scan3A_1858] : memref<112x128xf32, #tpu.memory_space<vmem>>[vector<16xi32>, vector<16xi32>], vector<16xf32>,
        %get3A_1862 = arith.index_cast %scan3A_1857 : i32 to index
        %get3A_1863 = memref.load %arg16[%get3A_1862] : memref<128xf32, #tpu.memory_space<smem>>
        %mul3A_1864 = arith.mulf %gather3A, %gather3A_1861 : vector<16xf32>
        %add3A_1865 = arith.addf %scan3A_1859, %mul3A_1864 : vector<16xf32>
        %mul3A_1866 = vector.broadcast %get3A_1863 : f32 to vector<16xf32>
        %mul3A_1867 = arith.mulf %gather3A, %mul3A_1866 : vector<16xf32>
        %add3A_1868 = arith.addf %scan3A_1860, %mul3A_1867 : vector<16xf32>
        %add3A_1869 = arith.constant 1 : i32
        %add3A_1870 = vector.broadcast %add3A_1869 : i32 to vector<16xi32>
        %add3A_1871 = arith.addi %scan3A_1858, %add3A_1870 : vector<16xi32>
        %scan3A_1872 = arith.constant 1 : i32
        %scan3A_1873 = arith.addi %scan3A_1857, %scan3A_1872 : i32
        %gather3A_1874 = tpu.vector_load_idx %arg10[%add3A_1634, %add3A_1871] : memref<112x128xf32, #tpu.memory_space<vmem>>[vector<16xi32>, vector<16xi32>], vector<16xf32>,
        %gather3A_1875 = tpu.vector_load_idx %arg11[%add3A_1634, %add3A_1871] : memref<112x128xf32, #tpu.memory_space<vmem>>[vector<16xi32>, vector<16xi32>], vector<16xf32>,
        %get3A_1876 = arith.index_cast %scan3A_1873 : i32 to index
        %get3A_1877 = memref.load %arg16[%get3A_1876] : memref<128xf32, #tpu.memory_space<smem>>
        %mul3A_1878 = arith.mulf %gather3A_1874, %gather3A_1875 : vector<16xf32>
        %add3A_1879 = arith.addf %add3A_1865, %mul3A_1878 : vector<16xf32>
        %mul3A_1880 = vector.broadcast %get3A_1877 : f32 to vector<16xf32>
        %mul3A_1881 = arith.mulf %gather3A_1874, %mul3A_1880 : vector<16xf32>
        %add3A_1882 = arith.addf %add3A_1868, %mul3A_1881 : vector<16xf32>
        %add3A_1883 = arith.constant 1 : i32
        %add3A_1884 = vector.broadcast %add3A_1883 : i32 to vector<16xi32>
        %add3A_1885 = arith.addi %add3A_1871, %add3A_1884 : vector<16xi32>
        %scan3A_1886 = arith.constant 2 : i32
        %scan3A_1887 = arith.addi %scan3A_1857, %scan3A_1886 : i32
        %gather3A_1888 = tpu.vector_load_idx %arg10[%add3A_1634, %add3A_1885] : memref<112x128xf32, #tpu.memory_space<vmem>>[vector<16xi32>, vector<16xi32>], vector<16xf32>,
        %gather3A_1889 = tpu.vector_load_idx %arg11[%add3A_1634, %add3A_1885] : memref<112x128xf32, #tpu.memory_space<vmem>>[vector<16xi32>, vector<16xi32>], vector<16xf32>,
        %get3A_1890 = arith.index_cast %scan3A_1887 : i32 to index
        %get3A_1891 = memref.load %arg16[%get3A_1890] : memref<128xf32, #tpu.memory_space<smem>>
        %mul3A_1892 = arith.mulf %gather3A_1888, %gather3A_1889 : vector<16xf32>
        %add3A_1893 = arith.addf %add3A_1879, %mul3A_1892 : vector<16xf32>
        %mul3A_1894 = vector.broadcast %get3A_1891 : f32 to vector<16xf32>
        %mul3A_1895 = arith.mulf %gather3A_1888, %mul3A_1894 : vector<16xf32>
        %add3A_1896 = arith.addf %add3A_1882, %mul3A_1895 : vector<16xf32>
        %add3A_1897 = arith.constant 1 : i32
        %add3A_1898 = vector.broadcast %add3A_1897 : i32 to vector<16xi32>
        %add3A_1899 = arith.addi %add3A_1885, %add3A_1898 : vector<16xi32>
        %scan3A_1900 = arith.constant 3 : i32
        %scan3A_1901 = arith.addi %scan3A_1857, %scan3A_1900 : i32
        %gather3A_1902 = tpu.vector_load_idx %arg10[%add3A_1634, %add3A_1899] : memref<112x128xf32, #tpu.memory_space<vmem>>[vector<16xi32>, vector<16xi32>], vector<16xf32>,
        %gather3A_1903 = tpu.vector_load_idx %arg11[%add3A_1634, %add3A_1899] : memref<112x128xf32, #tpu.memory_space<vmem>>[vector<16xi32>, vector<16xi32>], vector<16xf32>,
        %get3A_1904 = arith.index_cast %scan3A_1901 : i32 to index
        %get3A_1905 = memref.load %arg16[%get3A_1904] : memref<128xf32, #tpu.memory_space<smem>>
        %mul3A_1906 = arith.mulf %gather3A_1902, %gather3A_1903 : vector<16xf32>
        %add3A_1907 = arith.addf %add3A_1893, %mul3A_1906 : vector<16xf32>
        %mul3A_1908 = vector.broadcast %get3A_1905 : f32 to vector<16xf32>
        %mul3A_1909 = arith.mulf %gather3A_1902, %mul3A_1908 : vector<16xf32>
        %add3A_1910 = arith.addf %add3A_1896, %mul3A_1909 : vector<16xf32>
        %add3A_1911 = arith.constant 1 : i32
        %add3A_1912 = vector.broadcast %add3A_1911 : i32 to vector<16xi32>
        %add3A_1913 = arith.addi %add3A_1899, %add3A_1912 : vector<16xi32>
        %scan3A_1914 = arith.constant 4 : i32
        %scan3A_1915 = arith.addi %scan3A_1857, %scan3A_1914 : i32
        %gather3A_1916 = tpu.vector_load_idx %arg10[%add3A_1634, %add3A_1913] : memref<112x128xf32, #tpu.memory_space<vmem>>[vector<16xi32>, vector<16xi32>], vector<16xf32>,
        %gather3A_1917 = tpu.vector_load_idx %arg11[%add3A_1634, %add3A_1913] : memref<112x128xf32, #tpu.memory_space<vmem>>[vector<16xi32>, vector<16xi32>], vector<16xf32>,
        %get3A_1918 = arith.index_cast %scan3A_1915 : i32 to index
        %get3A_1919 = memref.load %arg16[%get3A_1918] : memref<128xf32, #tpu.memory_space<smem>>
        %mul3A_1920 = arith.mulf %gather3A_1916, %gather3A_1917 : vector<16xf32>
        %add3A_1921 = arith.addf %add3A_1907, %mul3A_1920 : vector<16xf32>
        %mul3A_1922 = vector.broadcast %get3A_1919 : f32 to vector<16xf32>
        %mul3A_1923 = arith.mulf %gather3A_1916, %mul3A_1922 : vector<16xf32>
        %add3A_1924 = arith.addf %add3A_1910, %mul3A_1923 : vector<16xf32>
        %add3A_1925 = arith.constant 1 : i32
        %add3A_1926 = vector.broadcast %add3A_1925 : i32 to vector<16xi32>
        %add3A_1927 = arith.addi %add3A_1913, %add3A_1926 : vector<16xi32>
        %scan3A_1928 = arith.constant 5 : i32
        %scan3A_1929 = arith.addi %scan3A_1857, %scan3A_1928 : i32
        %gather3A_1930 = tpu.vector_load_idx %arg10[%add3A_1634, %add3A_1927] : memref<112x128xf32, #tpu.memory_space<vmem>>[vector<16xi32>, vector<16xi32>], vector<16xf32>,
        %gather3A_1931 = tpu.vector_load_idx %arg11[%add3A_1634, %add3A_1927] : memref<112x128xf32, #tpu.memory_space<vmem>>[vector<16xi32>, vector<16xi32>], vector<16xf32>,
        %get3A_1932 = arith.index_cast %scan3A_1929 : i32 to index
        %get3A_1933 = memref.load %arg16[%get3A_1932] : memref<128xf32, #tpu.memory_space<smem>>
        %mul3A_1934 = arith.mulf %gather3A_1930, %gather3A_1931 : vector<16xf32>
        %add3A_1935 = arith.addf %add3A_1921, %mul3A_1934 : vector<16xf32>
        %mul3A_1936 = vector.broadcast %get3A_1933 : f32 to vector<16xf32>
        %mul3A_1937 = arith.mulf %gather3A_1930, %mul3A_1936 : vector<16xf32>
        %add3A_1938 = arith.addf %add3A_1924, %mul3A_1937 : vector<16xf32>
        %add3A_1939 = arith.constant 1 : i32
        %add3A_1940 = vector.broadcast %add3A_1939 : i32 to vector<16xi32>
        %add3A_1941 = arith.addi %add3A_1927, %add3A_1940 : vector<16xi32>
        %scan3A_1942 = arith.constant 6 : i32
        %scan3A_1943 = arith.addi %scan3A_1857, %scan3A_1942 : i32
        %gather3A_1944 = tpu.vector_load_idx %arg10[%add3A_1634, %add3A_1941] : memref<112x128xf32, #tpu.memory_space<vmem>>[vector<16xi32>, vector<16xi32>], vector<16xf32>,
        %gather3A_1945 = tpu.vector_load_idx %arg11[%add3A_1634, %add3A_1941] : memref<112x128xf32, #tpu.memory_space<vmem>>[vector<16xi32>, vector<16xi32>], vector<16xf32>,
        %get3A_1946 = arith.index_cast %scan3A_1943 : i32 to index
        %get3A_1947 = memref.load %arg16[%get3A_1946] : memref<128xf32, #tpu.memory_space<smem>>
        %mul3A_1948 = arith.mulf %gather3A_1944, %gather3A_1945 : vector<16xf32>
        %add3A_1949 = arith.addf %add3A_1935, %mul3A_1948 : vector<16xf32>
        %mul3A_1950 = vector.broadcast %get3A_1947 : f32 to vector<16xf32>
        %mul3A_1951 = arith.mulf %gather3A_1944, %mul3A_1950 : vector<16xf32>
        %add3A_1952 = arith.addf %add3A_1938, %mul3A_1951 : vector<16xf32>
        %add3A_1953 = arith.constant 1 : i32
        %add3A_1954 = vector.broadcast %add3A_1953 : i32 to vector<16xi32>
        %add3A_1955 = arith.addi %add3A_1941, %add3A_1954 : vector<16xi32>
        %scan3A_1956 = arith.constant 7 : i32
        %scan3A_1957 = arith.addi %scan3A_1857, %scan3A_1956 : i32
        %gather3A_1958 = tpu.vector_load_idx %arg10[%add3A_1634, %add3A_1955] : memref<112x128xf32, #tpu.memory_space<vmem>>[vector<16xi32>, vector<16xi32>], vector<16xf32>,
        %gather3A_1959 = tpu.vector_load_idx %arg11[%add3A_1634, %add3A_1955] : memref<112x128xf32, #tpu.memory_space<vmem>>[vector<16xi32>, vector<16xi32>], vector<16xf32>,
        %get3A_1960 = arith.index_cast %scan3A_1957 : i32 to index
        %get3A_1961 = memref.load %arg16[%get3A_1960] : memref<128xf32, #tpu.memory_space<smem>>
        %mul3A_1962 = arith.mulf %gather3A_1958, %gather3A_1959 : vector<16xf32>
        %add3A_1963 = arith.addf %add3A_1949, %mul3A_1962 : vector<16xf32>
        %mul3A_1964 = vector.broadcast %get3A_1961 : f32 to vector<16xf32>
        %mul3A_1965 = arith.mulf %gather3A_1958, %mul3A_1964 : vector<16xf32>
        %add3A_1966 = arith.addf %add3A_1952, %mul3A_1965 : vector<16xf32>
        %add3A_1967 = arith.constant 1 : i32
        %add3A_1968 = vector.broadcast %add3A_1967 : i32 to vector<16xi32>
        %add3A_1969 = arith.addi %add3A_1955, %add3A_1968 : vector<16xi32>
        scf.yield %add3A_1969, %add3A_1963, %add3A_1966 : vector<16xi32>, vector<16xf32>, vector<16xf32>
      }
      %scan3A_1644 = arith.constant 128 : i32
      %mul3A_1645 = arith.constant 112 : i32
      %mul3A_1646 = arith.muli %add3A_1472, %mul3A_1645 : i32
      %add3A_1647 = arith.constant 96 : i32
      %add3A_1648 = arith.addi %mul3A_1646, %add3A_1647 : i32
      %swap3A_1649 = arith.index_cast %add3A_1648 : i32 to index
      %swap3A_1650 = tpu.vector_load %arg17[%swap3A_1649] {strides = array<i32>} : memref<6272xf32, #tpu.memory_space<vmem>>, vector<16xf32>,
      tpu.vector_store %arg17[%swap3A_1649], %scan3A_1643#1 {strides = array<i32>} : memref<6272xf32, #tpu.memory_space<vmem>>, vector<16xf32>,
      %mul3A_1651 = arith.constant 112 : i32
      %mul3A_1652 = arith.muli %add3A_1472, %mul3A_1651 : i32
      %add3A_1653 = arith.constant 96 : i32
      %add3A_1654 = arith.addi %mul3A_1652, %add3A_1653 : i32
      %swap3A_1655 = arith.index_cast %add3A_1654 : i32 to index
      %swap3A_1656 = tpu.vector_load %arg18[%swap3A_1655] {strides = array<i32>} : memref<6272xf32, #tpu.memory_space<vmem>>, vector<16xf32>,
      tpu.vector_store %arg18[%swap3A_1655], %scan3A_1643#2 {strides = array<i32>} : memref<6272xf32, #tpu.memory_space<vmem>>, vector<16xf32>,
      %add3A_1657 = arith.constant 2 : i32
      %add3A_1658 = arith.addi %add3A_1472, %add3A_1657 : i32
      %lt3A = arith.constant 56 : i32
      %lt3A_1659 = arith.cmpi slt, %add3A_1658, %lt3A : i32
      %convert_element_type3A = arith.extui %lt3A_1659 : i1 to i32
      %cond3A = arith.constant 0 : i32
      %cond3A_1660 = arith.cmpi ne, %convert_element_type3A, %cond3A : i32
      scf.if %cond3A_1660 {
        %add3A_1857 = arith.constant 2 : i32
        %add3A_1858 = arith.addi %add3A_1472, %add3A_1857 : i32
        %mul3A_1859 = arith.constant 112 : i32
        %mul3A_1860 = arith.muli %add3A_1858, %mul3A_1859 : i32
        %dma_start3A_1861 = tpu.memref_slice %arg8[%mul3A_1860] : memref<6272xi32, #tpu.memory_space<vmem>> -> memref<112xi32, #tpu.memory_space<vmem>>
        %dma_start3A_1862 = arith.constant 0 : i32
        %dma_start3A_1863 = arith.constant 0 : i32
        %dma_start3A_1864 = tpu.memref_slice %arg2[%dma_start3A_1862, %dma_start3A_1863] : memref<100000x128xf32, #tpu.memory_space<hbm>> -> memref<100000x128xf32, #tpu.memory_space<hbm>>
        tpu.enqueue_indirect_dma source(%dma_start3A_1864 : memref<100000x128xf32, #tpu.memory_space<hbm>>) target(%arg10 : memref<112x128xf32, #tpu.memory_space<vmem>>) offsets(%dma_start3A_1861 : memref<112xi32, #tpu.memory_space<vmem>>) semaphore(%arg19 : memref<!tpu.dma_semaphore, #tpu.memory_space<semaphore_mem>>)
        %dma_start3A_1865 = tpu.memref_slice %arg9[%mul3A_1860] : memref<6272xi32, #tpu.memory_space<vmem>> -> memref<112xi32, #tpu.memory_space<vmem>>
        %dma_start3A_1866 = arith.constant 0 : i32
        %dma_start3A_1867 = arith.constant 0 : i32
        %dma_start3A_1868 = tpu.memref_slice %arg2[%dma_start3A_1866, %dma_start3A_1867] : memref<100000x128xf32, #tpu.memory_space<hbm>> -> memref<100000x128xf32, #tpu.memory_space<hbm>>
        tpu.enqueue_indirect_dma source(%dma_start3A_1868 : memref<100000x128xf32, #tpu.memory_space<hbm>>) target(%arg11 : memref<112x128xf32, #tpu.memory_space<vmem>>) offsets(%dma_start3A_1865 : memref<112xi32, #tpu.memory_space<vmem>>) semaphore(%arg20 : memref<!tpu.dma_semaphore, #tpu.memory_space<semaphore_mem>>)
      } else {
      }
      %mul3A_1661 = arith.constant 2 : i32
      %mul3A_1662 = arith.muli %scan3A_1468, %mul3A_1661 : i32
      %add3A_1663 = arith.constant 1 : i32
      %add3A_1664 = arith.addi %mul3A_1662, %add3A_1663 : i32
      %dma_wait3A_1665 = arith.constant 0 : i32
      %dma_wait3A_1666 = tpu.memref_slice %arg8[%dma_wait3A_1665] : memref<6272xi32, #tpu.memory_space<vmem>> -> memref<112xi32, #tpu.memory_space<vmem>>
      %dma_wait3A_1667 = arith.constant 0 : i32
      %dma_wait3A_1668 = arith.constant 0 : i32
      %dma_wait3A_1669 = tpu.memref_slice %arg2[%dma_wait3A_1667, %dma_wait3A_1668] : memref<100000x128xf32, #tpu.memory_space<hbm>> -> memref<100000x128xf32, #tpu.memory_space<hbm>>
      tpu.wait_indirect_dma semaphore(%arg21 : memref<!tpu.dma_semaphore, #tpu.memory_space<semaphore_mem>>) src(%dma_wait3A_1669 : memref<100000x128xf32, #tpu.memory_space<hbm>>) dst(%arg12 : memref<112x128xf32, #tpu.memory_space<vmem>>)
      %dma_wait3A_1670 = arith.constant 0 : i32
      %dma_wait3A_1671 = tpu.memref_slice %arg9[%dma_wait3A_1670] : memref<6272xi32, #tpu.memory_space<vmem>> -> memref<112xi32, #tpu.memory_space<vmem>>
      %dma_wait3A_1672 = arith.constant 0 : i32
      %dma_wait3A_1673 = arith.constant 0 : i32
      %dma_wait3A_1674 = tpu.memref_slice %arg2[%dma_wait3A_1672, %dma_wait3A_1673] : memref<100000x128xf32, #tpu.memory_space<hbm>> -> memref<100000x128xf32, #tpu.memory_space<hbm>>
      tpu.wait_indirect_dma semaphore(%arg22 : memref<!tpu.dma_semaphore, #tpu.memory_space<semaphore_mem>>) src(%dma_wait3A_1674 : memref<100000x128xf32, #tpu.memory_space<hbm>>) dst(%arg13 : memref<112x128xf32, #tpu.memory_space<vmem>>)
      %add3A_1675 = arith.constant 0 : i32
      %add3A_1676 = vector.broadcast %add3A_1675 : i32 to vector<16xi32>
      %add3A_1677 = arith.addi %iota3A, %add3A_1676 : vector<16xi32>
      %broadcast_in_dim3A_1678 = arith.constant 0.000000e+00 : f32
      %broadcast_in_dim3A_1679 = vector.broadcast %broadcast_in_dim3A_1678 : f32 to vector<16xf32>
      %broadcast_in_dim3A_1680 = arith.constant 0 : i32
      %broadcast_in_dim3A_1681 = vector.broadcast %broadcast_in_dim3A_1680 : i32 to vector<16xi32>
      %scan3A_1682 = arith.constant 0 : i32
      %scan3A_1683 = arith.constant 128 : i32
      %scan3A_1684 = arith.addi %scan3A_1682, %scan3A_1683 : i32
      %scan3A_1685 = arith.constant 8 : i32
      %scan3A_1686:3 = scf.for %scan3A_1857 = %scan3A_1682 to %scan3A_1684 step %scan3A_1685 iter_args(%scan3A_1858 = %broadcast_in_dim3A_1681, %scan3A_1859 = %broadcast_in_dim3A_1679, %scan3A_1860 = %broadcast_in_dim3A_1679) -> (vector<16xi32>, vector<16xf32>, vector<16xf32>)  : i32 {
        %gather3A = tpu.vector_load_idx %arg12[%add3A_1677, %scan3A_1858] : memref<112x128xf32, #tpu.memory_space<vmem>>[vector<16xi32>, vector<16xi32>], vector<16xf32>,
        %gather3A_1861 = tpu.vector_load_idx %arg13[%add3A_1677, %scan3A_1858] : memref<112x128xf32, #tpu.memory_space<vmem>>[vector<16xi32>, vector<16xi32>], vector<16xf32>,
        %get3A_1862 = arith.index_cast %scan3A_1857 : i32 to index
        %get3A_1863 = memref.load %arg16[%get3A_1862] : memref<128xf32, #tpu.memory_space<smem>>
        %mul3A_1864 = arith.mulf %gather3A, %gather3A_1861 : vector<16xf32>
        %add3A_1865 = arith.addf %scan3A_1859, %mul3A_1864 : vector<16xf32>
        %mul3A_1866 = vector.broadcast %get3A_1863 : f32 to vector<16xf32>
        %mul3A_1867 = arith.mulf %gather3A, %mul3A_1866 : vector<16xf32>
        %add3A_1868 = arith.addf %scan3A_1860, %mul3A_1867 : vector<16xf32>
        %add3A_1869 = arith.constant 1 : i32
        %add3A_1870 = vector.broadcast %add3A_1869 : i32 to vector<16xi32>
        %add3A_1871 = arith.addi %scan3A_1858, %add3A_1870 : vector<16xi32>
        %scan3A_1872 = arith.constant 1 : i32
        %scan3A_1873 = arith.addi %scan3A_1857, %scan3A_1872 : i32
        %gather3A_1874 = tpu.vector_load_idx %arg12[%add3A_1677, %add3A_1871] : memref<112x128xf32, #tpu.memory_space<vmem>>[vector<16xi32>, vector<16xi32>], vector<16xf32>,
        %gather3A_1875 = tpu.vector_load_idx %arg13[%add3A_1677, %add3A_1871] : memref<112x128xf32, #tpu.memory_space<vmem>>[vector<16xi32>, vector<16xi32>], vector<16xf32>,
        %get3A_1876 = arith.index_cast %scan3A_1873 : i32 to index
        %get3A_1877 = memref.load %arg16[%get3A_1876] : memref<128xf32, #tpu.memory_space<smem>>
        %mul3A_1878 = arith.mulf %gather3A_1874, %gather3A_1875 : vector<16xf32>
        %add3A_1879 = arith.addf %add3A_1865, %mul3A_1878 : vector<16xf32>
        %mul3A_1880 = vector.broadcast %get3A_1877 : f32 to vector<16xf32>
        %mul3A_1881 = arith.mulf %gather3A_1874, %mul3A_1880 : vector<16xf32>
        %add3A_1882 = arith.addf %add3A_1868, %mul3A_1881 : vector<16xf32>
        %add3A_1883 = arith.constant 1 : i32
        %add3A_1884 = vector.broadcast %add3A_1883 : i32 to vector<16xi32>
        %add3A_1885 = arith.addi %add3A_1871, %add3A_1884 : vector<16xi32>
        %scan3A_1886 = arith.constant 2 : i32
        %scan3A_1887 = arith.addi %scan3A_1857, %scan3A_1886 : i32
        %gather3A_1888 = tpu.vector_load_idx %arg12[%add3A_1677, %add3A_1885] : memref<112x128xf32, #tpu.memory_space<vmem>>[vector<16xi32>, vector<16xi32>], vector<16xf32>,
        %gather3A_1889 = tpu.vector_load_idx %arg13[%add3A_1677, %add3A_1885] : memref<112x128xf32, #tpu.memory_space<vmem>>[vector<16xi32>, vector<16xi32>], vector<16xf32>,
        %get3A_1890 = arith.index_cast %scan3A_1887 : i32 to index
        %get3A_1891 = memref.load %arg16[%get3A_1890] : memref<128xf32, #tpu.memory_space<smem>>
        %mul3A_1892 = arith.mulf %gather3A_1888, %gather3A_1889 : vector<16xf32>
        %add3A_1893 = arith.addf %add3A_1879, %mul3A_1892 : vector<16xf32>
        %mul3A_1894 = vector.broadcast %get3A_1891 : f32 to vector<16xf32>
        %mul3A_1895 = arith.mulf %gather3A_1888, %mul3A_1894 : vector<16xf32>
        %add3A_1896 = arith.addf %add3A_1882, %mul3A_1895 : vector<16xf32>
        %add3A_1897 = arith.constant 1 : i32
        %add3A_1898 = vector.broadcast %add3A_1897 : i32 to vector<16xi32>
        %add3A_1899 = arith.addi %add3A_1885, %add3A_1898 : vector<16xi32>
        %scan3A_1900 = arith.constant 3 : i32
        %scan3A_1901 = arith.addi %scan3A_1857, %scan3A_1900 : i32
        %gather3A_1902 = tpu.vector_load_idx %arg12[%add3A_1677, %add3A_1899] : memref<112x128xf32, #tpu.memory_space<vmem>>[vector<16xi32>, vector<16xi32>], vector<16xf32>,
        %gather3A_1903 = tpu.vector_load_idx %arg13[%add3A_1677, %add3A_1899] : memref<112x128xf32, #tpu.memory_space<vmem>>[vector<16xi32>, vector<16xi32>], vector<16xf32>,
        %get3A_1904 = arith.index_cast %scan3A_1901 : i32 to index
        %get3A_1905 = memref.load %arg16[%get3A_1904] : memref<128xf32, #tpu.memory_space<smem>>
        %mul3A_1906 = arith.mulf %gather3A_1902, %gather3A_1903 : vector<16xf32>
        %add3A_1907 = arith.addf %add3A_1893, %mul3A_1906 : vector<16xf32>
        %mul3A_1908 = vector.broadcast %get3A_1905 : f32 to vector<16xf32>
        %mul3A_1909 = arith.mulf %gather3A_1902, %mul3A_1908 : vector<16xf32>
        %add3A_1910 = arith.addf %add3A_1896, %mul3A_1909 : vector<16xf32>
        %add3A_1911 = arith.constant 1 : i32
        %add3A_1912 = vector.broadcast %add3A_1911 : i32 to vector<16xi32>
        %add3A_1913 = arith.addi %add3A_1899, %add3A_1912 : vector<16xi32>
        %scan3A_1914 = arith.constant 4 : i32
        %scan3A_1915 = arith.addi %scan3A_1857, %scan3A_1914 : i32
        %gather3A_1916 = tpu.vector_load_idx %arg12[%add3A_1677, %add3A_1913] : memref<112x128xf32, #tpu.memory_space<vmem>>[vector<16xi32>, vector<16xi32>], vector<16xf32>,
        %gather3A_1917 = tpu.vector_load_idx %arg13[%add3A_1677, %add3A_1913] : memref<112x128xf32, #tpu.memory_space<vmem>>[vector<16xi32>, vector<16xi32>], vector<16xf32>,
        %get3A_1918 = arith.index_cast %scan3A_1915 : i32 to index
        %get3A_1919 = memref.load %arg16[%get3A_1918] : memref<128xf32, #tpu.memory_space<smem>>
        %mul3A_1920 = arith.mulf %gather3A_1916, %gather3A_1917 : vector<16xf32>
        %add3A_1921 = arith.addf %add3A_1907, %mul3A_1920 : vector<16xf32>
        %mul3A_1922 = vector.broadcast %get3A_1919 : f32 to vector<16xf32>
        %mul3A_1923 = arith.mulf %gather3A_1916, %mul3A_1922 : vector<16xf32>
        %add3A_1924 = arith.addf %add3A_1910, %mul3A_1923 : vector<16xf32>
        %add3A_1925 = arith.constant 1 : i32
        %add3A_1926 = vector.broadcast %add3A_1925 : i32 to vector<16xi32>
        %add3A_1927 = arith.addi %add3A_1913, %add3A_1926 : vector<16xi32>
        %scan3A_1928 = arith.constant 5 : i32
        %scan3A_1929 = arith.addi %scan3A_1857, %scan3A_1928 : i32
        %gather3A_1930 = tpu.vector_load_idx %arg12[%add3A_1677, %add3A_1927] : memref<112x128xf32, #tpu.memory_space<vmem>>[vector<16xi32>, vector<16xi32>], vector<16xf32>,
        %gather3A_1931 = tpu.vector_load_idx %arg13[%add3A_1677, %add3A_1927] : memref<112x128xf32, #tpu.memory_space<vmem>>[vector<16xi32>, vector<16xi32>], vector<16xf32>,
        %get3A_1932 = arith.index_cast %scan3A_1929 : i32 to index
        %get3A_1933 = memref.load %arg16[%get3A_1932] : memref<128xf32, #tpu.memory_space<smem>>
        %mul3A_1934 = arith.mulf %gather3A_1930, %gather3A_1931 : vector<16xf32>
        %add3A_1935 = arith.addf %add3A_1921, %mul3A_1934 : vector<16xf32>
        %mul3A_1936 = vector.broadcast %get3A_1933 : f32 to vector<16xf32>
        %mul3A_1937 = arith.mulf %gather3A_1930, %mul3A_1936 : vector<16xf32>
        %add3A_1938 = arith.addf %add3A_1924, %mul3A_1937 : vector<16xf32>
        %add3A_1939 = arith.constant 1 : i32
        %add3A_1940 = vector.broadcast %add3A_1939 : i32 to vector<16xi32>
        %add3A_1941 = arith.addi %add3A_1927, %add3A_1940 : vector<16xi32>
        %scan3A_1942 = arith.constant 6 : i32
        %scan3A_1943 = arith.addi %scan3A_1857, %scan3A_1942 : i32
        %gather3A_1944 = tpu.vector_load_idx %arg12[%add3A_1677, %add3A_1941] : memref<112x128xf32, #tpu.memory_space<vmem>>[vector<16xi32>, vector<16xi32>], vector<16xf32>,
        %gather3A_1945 = tpu.vector_load_idx %arg13[%add3A_1677, %add3A_1941] : memref<112x128xf32, #tpu.memory_space<vmem>>[vector<16xi32>, vector<16xi32>], vector<16xf32>,
        %get3A_1946 = arith.index_cast %scan3A_1943 : i32 to index
        %get3A_1947 = memref.load %arg16[%get3A_1946] : memref<128xf32, #tpu.memory_space<smem>>
        %mul3A_1948 = arith.mulf %gather3A_1944, %gather3A_1945 : vector<16xf32>
        %add3A_1949 = arith.addf %add3A_1935, %mul3A_1948 : vector<16xf32>
        %mul3A_1950 = vector.broadcast %get3A_1947 : f32 to vector<16xf32>
        %mul3A_1951 = arith.mulf %gather3A_1944, %mul3A_1950 : vector<16xf32>
        %add3A_1952 = arith.addf %add3A_1938, %mul3A_1951 : vector<16xf32>
        %add3A_1953 = arith.constant 1 : i32
        %add3A_1954 = vector.broadcast %add3A_1953 : i32 to vector<16xi32>
        %add3A_1955 = arith.addi %add3A_1941, %add3A_1954 : vector<16xi32>
        %scan3A_1956 = arith.constant 7 : i32
        %scan3A_1957 = arith.addi %scan3A_1857, %scan3A_1956 : i32
        %gather3A_1958 = tpu.vector_load_idx %arg12[%add3A_1677, %add3A_1955] : memref<112x128xf32, #tpu.memory_space<vmem>>[vector<16xi32>, vector<16xi32>], vector<16xf32>,
        %gather3A_1959 = tpu.vector_load_idx %arg13[%add3A_1677, %add3A_1955] : memref<112x128xf32, #tpu.memory_space<vmem>>[vector<16xi32>, vector<16xi32>], vector<16xf32>,
        %get3A_1960 = arith.index_cast %scan3A_1957 : i32 to index
        %get3A_1961 = memref.load %arg16[%get3A_1960] : memref<128xf32, #tpu.memory_space<smem>>
        %mul3A_1962 = arith.mulf %gather3A_1958, %gather3A_1959 : vector<16xf32>
        %add3A_1963 = arith.addf %add3A_1949, %mul3A_1962 : vector<16xf32>
        %mul3A_1964 = vector.broadcast %get3A_1961 : f32 to vector<16xf32>
        %mul3A_1965 = arith.mulf %gather3A_1958, %mul3A_1964 : vector<16xf32>
        %add3A_1966 = arith.addf %add3A_1952, %mul3A_1965 : vector<16xf32>
        %add3A_1967 = arith.constant 1 : i32
        %add3A_1968 = vector.broadcast %add3A_1967 : i32 to vector<16xi32>
        %add3A_1969 = arith.addi %add3A_1955, %add3A_1968 : vector<16xi32>
        scf.yield %add3A_1969, %add3A_1963, %add3A_1966 : vector<16xi32>, vector<16xf32>, vector<16xf32>
      }
      %scan3A_1687 = arith.constant 128 : i32
      %mul3A_1688 = arith.constant 112 : i32
      %mul3A_1689 = arith.muli %add3A_1664, %mul3A_1688 : i32
      %add3A_1690 = arith.constant 0 : i32
      %add3A_1691 = arith.addi %mul3A_1689, %add3A_1690 : i32
      %swap3A_1692 = arith.index_cast %add3A_1691 : i32 to index
      %swap3A_1693 = tpu.vector_load %arg17[%swap3A_1692] {strides = array<i32>} : memref<6272xf32, #tpu.memory_space<vmem>>, vector<16xf32>,
      tpu.vector_store %arg17[%swap3A_1692], %scan3A_1686#1 {strides = array<i32>} : memref<6272xf32, #tpu.memory_space<vmem>>, vector<16xf32>,
      %mul3A_1694 = arith.constant 112 : i32
      %mul3A_1695 = arith.muli %add3A_1664, %mul3A_1694 : i32
      %add3A_1696 = arith.constant 0 : i32
      %add3A_1697 = arith.addi %mul3A_1695, %add3A_1696 : i32
      %swap3A_1698 = arith.index_cast %add3A_1697 : i32 to index
      %swap3A_1699 = tpu.vector_load %arg18[%swap3A_1698] {strides = array<i32>} : memref<6272xf32, #tpu.memory_space<vmem>>, vector<16xf32>,
      tpu.vector_store %arg18[%swap3A_1698], %scan3A_1686#2 {strides = array<i32>} : memref<6272xf32, #tpu.memory_space<vmem>>, vector<16xf32>,
      %add3A_1700 = arith.constant 16 : i32
      %add3A_1701 = vector.broadcast %add3A_1700 : i32 to vector<16xi32>
      %add3A_1702 = arith.addi %iota3A, %add3A_1701 : vector<16xi32>
      %broadcast_in_dim3A_1703 = arith.constant 0.000000e+00 : f32
      %broadcast_in_dim3A_1704 = vector.broadcast %broadcast_in_dim3A_1703 : f32 to vector<16xf32>
      %broadcast_in_dim3A_1705 = arith.constant 0 : i32
      %broadcast_in_dim3A_1706 = vector.broadcast %broadcast_in_dim3A_1705 : i32 to vector<16xi32>
      %scan3A_1707 = arith.constant 0 : i32
      %scan3A_1708 = arith.constant 128 : i32
      %scan3A_1709 = arith.addi %scan3A_1707, %scan3A_1708 : i32
      %scan3A_1710 = arith.constant 8 : i32
      %scan3A_1711:3 = scf.for %scan3A_1857 = %scan3A_1707 to %scan3A_1709 step %scan3A_1710 iter_args(%scan3A_1858 = %broadcast_in_dim3A_1706, %scan3A_1859 = %broadcast_in_dim3A_1704, %scan3A_1860 = %broadcast_in_dim3A_1704) -> (vector<16xi32>, vector<16xf32>, vector<16xf32>)  : i32 {
        %gather3A = tpu.vector_load_idx %arg12[%add3A_1702, %scan3A_1858] : memref<112x128xf32, #tpu.memory_space<vmem>>[vector<16xi32>, vector<16xi32>], vector<16xf32>,
        %gather3A_1861 = tpu.vector_load_idx %arg13[%add3A_1702, %scan3A_1858] : memref<112x128xf32, #tpu.memory_space<vmem>>[vector<16xi32>, vector<16xi32>], vector<16xf32>,
        %get3A_1862 = arith.index_cast %scan3A_1857 : i32 to index
        %get3A_1863 = memref.load %arg16[%get3A_1862] : memref<128xf32, #tpu.memory_space<smem>>
        %mul3A_1864 = arith.mulf %gather3A, %gather3A_1861 : vector<16xf32>
        %add3A_1865 = arith.addf %scan3A_1859, %mul3A_1864 : vector<16xf32>
        %mul3A_1866 = vector.broadcast %get3A_1863 : f32 to vector<16xf32>
        %mul3A_1867 = arith.mulf %gather3A, %mul3A_1866 : vector<16xf32>
        %add3A_1868 = arith.addf %scan3A_1860, %mul3A_1867 : vector<16xf32>
        %add3A_1869 = arith.constant 1 : i32
        %add3A_1870 = vector.broadcast %add3A_1869 : i32 to vector<16xi32>
        %add3A_1871 = arith.addi %scan3A_1858, %add3A_1870 : vector<16xi32>
        %scan3A_1872 = arith.constant 1 : i32
        %scan3A_1873 = arith.addi %scan3A_1857, %scan3A_1872 : i32
        %gather3A_1874 = tpu.vector_load_idx %arg12[%add3A_1702, %add3A_1871] : memref<112x128xf32, #tpu.memory_space<vmem>>[vector<16xi32>, vector<16xi32>], vector<16xf32>,
        %gather3A_1875 = tpu.vector_load_idx %arg13[%add3A_1702, %add3A_1871] : memref<112x128xf32, #tpu.memory_space<vmem>>[vector<16xi32>, vector<16xi32>], vector<16xf32>,
        %get3A_1876 = arith.index_cast %scan3A_1873 : i32 to index
        %get3A_1877 = memref.load %arg16[%get3A_1876] : memref<128xf32, #tpu.memory_space<smem>>
        %mul3A_1878 = arith.mulf %gather3A_1874, %gather3A_1875 : vector<16xf32>
        %add3A_1879 = arith.addf %add3A_1865, %mul3A_1878 : vector<16xf32>
        %mul3A_1880 = vector.broadcast %get3A_1877 : f32 to vector<16xf32>
        %mul3A_1881 = arith.mulf %gather3A_1874, %mul3A_1880 : vector<16xf32>
        %add3A_1882 = arith.addf %add3A_1868, %mul3A_1881 : vector<16xf32>
        %add3A_1883 = arith.constant 1 : i32
        %add3A_1884 = vector.broadcast %add3A_1883 : i32 to vector<16xi32>
        %add3A_1885 = arith.addi %add3A_1871, %add3A_1884 : vector<16xi32>
        %scan3A_1886 = arith.constant 2 : i32
        %scan3A_1887 = arith.addi %scan3A_1857, %scan3A_1886 : i32
        %gather3A_1888 = tpu.vector_load_idx %arg12[%add3A_1702, %add3A_1885] : memref<112x128xf32, #tpu.memory_space<vmem>>[vector<16xi32>, vector<16xi32>], vector<16xf32>,
        %gather3A_1889 = tpu.vector_load_idx %arg13[%add3A_1702, %add3A_1885] : memref<112x128xf32, #tpu.memory_space<vmem>>[vector<16xi32>, vector<16xi32>], vector<16xf32>,
        %get3A_1890 = arith.index_cast %scan3A_1887 : i32 to index
        %get3A_1891 = memref.load %arg16[%get3A_1890] : memref<128xf32, #tpu.memory_space<smem>>
        %mul3A_1892 = arith.mulf %gather3A_1888, %gather3A_1889 : vector<16xf32>
        %add3A_1893 = arith.addf %add3A_1879, %mul3A_1892 : vector<16xf32>
        %mul3A_1894 = vector.broadcast %get3A_1891 : f32 to vector<16xf32>
        %mul3A_1895 = arith.mulf %gather3A_1888, %mul3A_1894 : vector<16xf32>
        %add3A_1896 = arith.addf %add3A_1882, %mul3A_1895 : vector<16xf32>
        %add3A_1897 = arith.constant 1 : i32
        %add3A_1898 = vector.broadcast %add3A_1897 : i32 to vector<16xi32>
        %add3A_1899 = arith.addi %add3A_1885, %add3A_1898 : vector<16xi32>
        %scan3A_1900 = arith.constant 3 : i32
        %scan3A_1901 = arith.addi %scan3A_1857, %scan3A_1900 : i32
        %gather3A_1902 = tpu.vector_load_idx %arg12[%add3A_1702, %add3A_1899] : memref<112x128xf32, #tpu.memory_space<vmem>>[vector<16xi32>, vector<16xi32>], vector<16xf32>,
        %gather3A_1903 = tpu.vector_load_idx %arg13[%add3A_1702, %add3A_1899] : memref<112x128xf32, #tpu.memory_space<vmem>>[vector<16xi32>, vector<16xi32>], vector<16xf32>,
        %get3A_1904 = arith.index_cast %scan3A_1901 : i32 to index
        %get3A_1905 = memref.load %arg16[%get3A_1904] : memref<128xf32, #tpu.memory_space<smem>>
        %mul3A_1906 = arith.mulf %gather3A_1902, %gather3A_1903 : vector<16xf32>
        %add3A_1907 = arith.addf %add3A_1893, %mul3A_1906 : vector<16xf32>
        %mul3A_1908 = vector.broadcast %get3A_1905 : f32 to vector<16xf32>
        %mul3A_1909 = arith.mulf %gather3A_1902, %mul3A_1908 : vector<16xf32>
        %add3A_1910 = arith.addf %add3A_1896, %mul3A_1909 : vector<16xf32>
        %add3A_1911 = arith.constant 1 : i32
        %add3A_1912 = vector.broadcast %add3A_1911 : i32 to vector<16xi32>
        %add3A_1913 = arith.addi %add3A_1899, %add3A_1912 : vector<16xi32>
        %scan3A_1914 = arith.constant 4 : i32
        %scan3A_1915 = arith.addi %scan3A_1857, %scan3A_1914 : i32
        %gather3A_1916 = tpu.vector_load_idx %arg12[%add3A_1702, %add3A_1913] : memref<112x128xf32, #tpu.memory_space<vmem>>[vector<16xi32>, vector<16xi32>], vector<16xf32>,
        %gather3A_1917 = tpu.vector_load_idx %arg13[%add3A_1702, %add3A_1913] : memref<112x128xf32, #tpu.memory_space<vmem>>[vector<16xi32>, vector<16xi32>], vector<16xf32>,
        %get3A_1918 = arith.index_cast %scan3A_1915 : i32 to index
        %get3A_1919 = memref.load %arg16[%get3A_1918] : memref<128xf32, #tpu.memory_space<smem>>
        %mul3A_1920 = arith.mulf %gather3A_1916, %gather3A_1917 : vector<16xf32>
        %add3A_1921 = arith.addf %add3A_1907, %mul3A_1920 : vector<16xf32>
        %mul3A_1922 = vector.broadcast %get3A_1919 : f32 to vector<16xf32>
        %mul3A_1923 = arith.mulf %gather3A_1916, %mul3A_1922 : vector<16xf32>
        %add3A_1924 = arith.addf %add3A_1910, %mul3A_1923 : vector<16xf32>
        %add3A_1925 = arith.constant 1 : i32
        %add3A_1926 = vector.broadcast %add3A_1925 : i32 to vector<16xi32>
        %add3A_1927 = arith.addi %add3A_1913, %add3A_1926 : vector<16xi32>
        %scan3A_1928 = arith.constant 5 : i32
        %scan3A_1929 = arith.addi %scan3A_1857, %scan3A_1928 : i32
        %gather3A_1930 = tpu.vector_load_idx %arg12[%add3A_1702, %add3A_1927] : memref<112x128xf32, #tpu.memory_space<vmem>>[vector<16xi32>, vector<16xi32>], vector<16xf32>,
        %gather3A_1931 = tpu.vector_load_idx %arg13[%add3A_1702, %add3A_1927] : memref<112x128xf32, #tpu.memory_space<vmem>>[vector<16xi32>, vector<16xi32>], vector<16xf32>,
        %get3A_1932 = arith.index_cast %scan3A_1929 : i32 to index
        %get3A_1933 = memref.load %arg16[%get3A_1932] : memref<128xf32, #tpu.memory_space<smem>>
        %mul3A_1934 = arith.mulf %gather3A_1930, %gather3A_1931 : vector<16xf32>
        %add3A_1935 = arith.addf %add3A_1921, %mul3A_1934 : vector<16xf32>
        %mul3A_1936 = vector.broadcast %get3A_1933 : f32 to vector<16xf32>
        %mul3A_1937 = arith.mulf %gather3A_1930, %mul3A_1936 : vector<16xf32>
        %add3A_1938 = arith.addf %add3A_1924, %mul3A_1937 : vector<16xf32>
        %add3A_1939 = arith.constant 1 : i32
        %add3A_1940 = vector.broadcast %add3A_1939 : i32 to vector<16xi32>
        %add3A_1941 = arith.addi %add3A_1927, %add3A_1940 : vector<16xi32>
        %scan3A_1942 = arith.constant 6 : i32
        %scan3A_1943 = arith.addi %scan3A_1857, %scan3A_1942 : i32
        %gather3A_1944 = tpu.vector_load_idx %arg12[%add3A_1702, %add3A_1941] : memref<112x128xf32, #tpu.memory_space<vmem>>[vector<16xi32>, vector<16xi32>], vector<16xf32>,
        %gather3A_1945 = tpu.vector_load_idx %arg13[%add3A_1702, %add3A_1941] : memref<112x128xf32, #tpu.memory_space<vmem>>[vector<16xi32>, vector<16xi32>], vector<16xf32>,
        %get3A_1946 = arith.index_cast %scan3A_1943 : i32 to index
        %get3A_1947 = memref.load %arg16[%get3A_1946] : memref<128xf32, #tpu.memory_space<smem>>
        %mul3A_1948 = arith.mulf %gather3A_1944, %gather3A_1945 : vector<16xf32>
        %add3A_1949 = arith.addf %add3A_1935, %mul3A_1948 : vector<16xf32>
        %mul3A_1950 = vector.broadcast %get3A_1947 : f32 to vector<16xf32>
        %mul3A_1951 = arith.mulf %gather3A_1944, %mul3A_1950 : vector<16xf32>
        %add3A_1952 = arith.addf %add3A_1938, %mul3A_1951 : vector<16xf32>
        %add3A_1953 = arith.constant 1 : i32
        %add3A_1954 = vector.broadcast %add3A_1953 : i32 to vector<16xi32>
        %add3A_1955 = arith.addi %add3A_1941, %add3A_1954 : vector<16xi32>
        %scan3A_1956 = arith.constant 7 : i32
        %scan3A_1957 = arith.addi %scan3A_1857, %scan3A_1956 : i32
        %gather3A_1958 = tpu.vector_load_idx %arg12[%add3A_1702, %add3A_1955] : memref<112x128xf32, #tpu.memory_space<vmem>>[vector<16xi32>, vector<16xi32>], vector<16xf32>,
        %gather3A_1959 = tpu.vector_load_idx %arg13[%add3A_1702, %add3A_1955] : memref<112x128xf32, #tpu.memory_space<vmem>>[vector<16xi32>, vector<16xi32>], vector<16xf32>,
        %get3A_1960 = arith.index_cast %scan3A_1957 : i32 to index
        %get3A_1961 = memref.load %arg16[%get3A_1960] : memref<128xf32, #tpu.memory_space<smem>>
        %mul3A_1962 = arith.mulf %gather3A_1958, %gather3A_1959 : vector<16xf32>
        %add3A_1963 = arith.addf %add3A_1949, %mul3A_1962 : vector<16xf32>
        %mul3A_1964 = vector.broadcast %get3A_1961 : f32 to vector<16xf32>
        %mul3A_1965 = arith.mulf %gather3A_1958, %mul3A_1964 : vector<16xf32>
        %add3A_1966 = arith.addf %add3A_1952, %mul3A_1965 : vector<16xf32>
        %add3A_1967 = arith.constant 1 : i32
        %add3A_1968 = vector.broadcast %add3A_1967 : i32 to vector<16xi32>
        %add3A_1969 = arith.addi %add3A_1955, %add3A_1968 : vector<16xi32>
        scf.yield %add3A_1969, %add3A_1963, %add3A_1966 : vector<16xi32>, vector<16xf32>, vector<16xf32>
      }
      %scan3A_1712 = arith.constant 128 : i32
      %mul3A_1713 = arith.constant 112 : i32
      %mul3A_1714 = arith.muli %add3A_1664, %mul3A_1713 : i32
      %add3A_1715 = arith.constant 16 : i32
      %add3A_1716 = arith.addi %mul3A_1714, %add3A_1715 : i32
      %swap3A_1717 = arith.index_cast %add3A_1716 : i32 to index
      %swap3A_1718 = tpu.vector_load %arg17[%swap3A_1717] {strides = array<i32>} : memref<6272xf32, #tpu.memory_space<vmem>>, vector<16xf32>,
      tpu.vector_store %arg17[%swap3A_1717], %scan3A_1711#1 {strides = array<i32>} : memref<6272xf32, #tpu.memory_space<vmem>>, vector<16xf32>,
      %mul3A_1719 = arith.constant 112 : i32
      %mul3A_1720 = arith.muli %add3A_1664, %mul3A_1719 : i32
      %add3A_1721 = arith.constant 16 : i32
      %add3A_1722 = arith.addi %mul3A_1720, %add3A_1721 : i32
      %swap3A_1723 = arith.index_cast %add3A_1722 : i32 to index
      %swap3A_1724 = tpu.vector_load %arg18[%swap3A_1723] {strides = array<i32>} : memref<6272xf32, #tpu.memory_space<vmem>>, vector<16xf32>,
      tpu.vector_store %arg18[%swap3A_1723], %scan3A_1711#2 {strides = array<i32>} : memref<6272xf32, #tpu.memory_space<vmem>>, vector<16xf32>,
      %add3A_1725 = arith.constant 32 : i32
      %add3A_1726 = vector.broadcast %add3A_1725 : i32 to vector<16xi32>
      %add3A_1727 = arith.addi %iota3A, %add3A_1726 : vector<16xi32>
      %broadcast_in_dim3A_1728 = arith.constant 0.000000e+00 : f32
      %broadcast_in_dim3A_1729 = vector.broadcast %broadcast_in_dim3A_1728 : f32 to vector<16xf32>
      %broadcast_in_dim3A_1730 = arith.constant 0 : i32
      %broadcast_in_dim3A_1731 = vector.broadcast %broadcast_in_dim3A_1730 : i32 to vector<16xi32>
      %scan3A_1732 = arith.constant 0 : i32
      %scan3A_1733 = arith.constant 128 : i32
      %scan3A_1734 = arith.addi %scan3A_1732, %scan3A_1733 : i32
      %scan3A_1735 = arith.constant 8 : i32
      %scan3A_1736:3 = scf.for %scan3A_1857 = %scan3A_1732 to %scan3A_1734 step %scan3A_1735 iter_args(%scan3A_1858 = %broadcast_in_dim3A_1731, %scan3A_1859 = %broadcast_in_dim3A_1729, %scan3A_1860 = %broadcast_in_dim3A_1729) -> (vector<16xi32>, vector<16xf32>, vector<16xf32>)  : i32 {
        %gather3A = tpu.vector_load_idx %arg12[%add3A_1727, %scan3A_1858] : memref<112x128xf32, #tpu.memory_space<vmem>>[vector<16xi32>, vector<16xi32>], vector<16xf32>,
        %gather3A_1861 = tpu.vector_load_idx %arg13[%add3A_1727, %scan3A_1858] : memref<112x128xf32, #tpu.memory_space<vmem>>[vector<16xi32>, vector<16xi32>], vector<16xf32>,
        %get3A_1862 = arith.index_cast %scan3A_1857 : i32 to index
        %get3A_1863 = memref.load %arg16[%get3A_1862] : memref<128xf32, #tpu.memory_space<smem>>
        %mul3A_1864 = arith.mulf %gather3A, %gather3A_1861 : vector<16xf32>
        %add3A_1865 = arith.addf %scan3A_1859, %mul3A_1864 : vector<16xf32>
        %mul3A_1866 = vector.broadcast %get3A_1863 : f32 to vector<16xf32>
        %mul3A_1867 = arith.mulf %gather3A, %mul3A_1866 : vector<16xf32>
        %add3A_1868 = arith.addf %scan3A_1860, %mul3A_1867 : vector<16xf32>
        %add3A_1869 = arith.constant 1 : i32
        %add3A_1870 = vector.broadcast %add3A_1869 : i32 to vector<16xi32>
        %add3A_1871 = arith.addi %scan3A_1858, %add3A_1870 : vector<16xi32>
        %scan3A_1872 = arith.constant 1 : i32
        %scan3A_1873 = arith.addi %scan3A_1857, %scan3A_1872 : i32
        %gather3A_1874 = tpu.vector_load_idx %arg12[%add3A_1727, %add3A_1871] : memref<112x128xf32, #tpu.memory_space<vmem>>[vector<16xi32>, vector<16xi32>], vector<16xf32>,
        %gather3A_1875 = tpu.vector_load_idx %arg13[%add3A_1727, %add3A_1871] : memref<112x128xf32, #tpu.memory_space<vmem>>[vector<16xi32>, vector<16xi32>], vector<16xf32>,
        %get3A_1876 = arith.index_cast %scan3A_1873 : i32 to index
        %get3A_1877 = memref.load %arg16[%get3A_1876] : memref<128xf32, #tpu.memory_space<smem>>
        %mul3A_1878 = arith.mulf %gather3A_1874, %gather3A_1875 : vector<16xf32>
        %add3A_1879 = arith.addf %add3A_1865, %mul3A_1878 : vector<16xf32>
        %mul3A_1880 = vector.broadcast %get3A_1877 : f32 to vector<16xf32>
        %mul3A_1881 = arith.mulf %gather3A_1874, %mul3A_1880 : vector<16xf32>
        %add3A_1882 = arith.addf %add3A_1868, %mul3A_1881 : vector<16xf32>
        %add3A_1883 = arith.constant 1 : i32
        %add3A_1884 = vector.broadcast %add3A_1883 : i32 to vector<16xi32>
        %add3A_1885 = arith.addi %add3A_1871, %add3A_1884 : vector<16xi32>
        %scan3A_1886 = arith.constant 2 : i32
        %scan3A_1887 = arith.addi %scan3A_1857, %scan3A_1886 : i32
        %gather3A_1888 = tpu.vector_load_idx %arg12[%add3A_1727, %add3A_1885] : memref<112x128xf32, #tpu.memory_space<vmem>>[vector<16xi32>, vector<16xi32>], vector<16xf32>,
        %gather3A_1889 = tpu.vector_load_idx %arg13[%add3A_1727, %add3A_1885] : memref<112x128xf32, #tpu.memory_space<vmem>>[vector<16xi32>, vector<16xi32>], vector<16xf32>,
        %get3A_1890 = arith.index_cast %scan3A_1887 : i32 to index
        %get3A_1891 = memref.load %arg16[%get3A_1890] : memref<128xf32, #tpu.memory_space<smem>>
        %mul3A_1892 = arith.mulf %gather3A_1888, %gather3A_1889 : vector<16xf32>
        %add3A_1893 = arith.addf %add3A_1879, %mul3A_1892 : vector<16xf32>
        %mul3A_1894 = vector.broadcast %get3A_1891 : f32 to vector<16xf32>
        %mul3A_1895 = arith.mulf %gather3A_1888, %mul3A_1894 : vector<16xf32>
        %add3A_1896 = arith.addf %add3A_1882, %mul3A_1895 : vector<16xf32>
        %add3A_1897 = arith.constant 1 : i32
        %add3A_1898 = vector.broadcast %add3A_1897 : i32 to vector<16xi32>
        %add3A_1899 = arith.addi %add3A_1885, %add3A_1898 : vector<16xi32>
        %scan3A_1900 = arith.constant 3 : i32
        %scan3A_1901 = arith.addi %scan3A_1857, %scan3A_1900 : i32
        %gather3A_1902 = tpu.vector_load_idx %arg12[%add3A_1727, %add3A_1899] : memref<112x128xf32, #tpu.memory_space<vmem>>[vector<16xi32>, vector<16xi32>], vector<16xf32>,
        %gather3A_1903 = tpu.vector_load_idx %arg13[%add3A_1727, %add3A_1899] : memref<112x128xf32, #tpu.memory_space<vmem>>[vector<16xi32>, vector<16xi32>], vector<16xf32>,
        %get3A_1904 = arith.index_cast %scan3A_1901 : i32 to index
        %get3A_1905 = memref.load %arg16[%get3A_1904] : memref<128xf32, #tpu.memory_space<smem>>
        %mul3A_1906 = arith.mulf %gather3A_1902, %gather3A_1903 : vector<16xf32>
        %add3A_1907 = arith.addf %add3A_1893, %mul3A_1906 : vector<16xf32>
        %mul3A_1908 = vector.broadcast %get3A_1905 : f32 to vector<16xf32>
        %mul3A_1909 = arith.mulf %gather3A_1902, %mul3A_1908 : vector<16xf32>
        %add3A_1910 = arith.addf %add3A_1896, %mul3A_1909 : vector<16xf32>
        %add3A_1911 = arith.constant 1 : i32
        %add3A_1912 = vector.broadcast %add3A_1911 : i32 to vector<16xi32>
        %add3A_1913 = arith.addi %add3A_1899, %add3A_1912 : vector<16xi32>
        %scan3A_1914 = arith.constant 4 : i32
        %scan3A_1915 = arith.addi %scan3A_1857, %scan3A_1914 : i32
        %gather3A_1916 = tpu.vector_load_idx %arg12[%add3A_1727, %add3A_1913] : memref<112x128xf32, #tpu.memory_space<vmem>>[vector<16xi32>, vector<16xi32>], vector<16xf32>,
        %gather3A_1917 = tpu.vector_load_idx %arg13[%add3A_1727, %add3A_1913] : memref<112x128xf32, #tpu.memory_space<vmem>>[vector<16xi32>, vector<16xi32>], vector<16xf32>,
        %get3A_1918 = arith.index_cast %scan3A_1915 : i32 to index
        %get3A_1919 = memref.load %arg16[%get3A_1918] : memref<128xf32, #tpu.memory_space<smem>>
        %mul3A_1920 = arith.mulf %gather3A_1916, %gather3A_1917 : vector<16xf32>
        %add3A_1921 = arith.addf %add3A_1907, %mul3A_1920 : vector<16xf32>
        %mul3A_1922 = vector.broadcast %get3A_1919 : f32 to vector<16xf32>
        %mul3A_1923 = arith.mulf %gather3A_1916, %mul3A_1922 : vector<16xf32>
        %add3A_1924 = arith.addf %add3A_1910, %mul3A_1923 : vector<16xf32>
        %add3A_1925 = arith.constant 1 : i32
        %add3A_1926 = vector.broadcast %add3A_1925 : i32 to vector<16xi32>
        %add3A_1927 = arith.addi %add3A_1913, %add3A_1926 : vector<16xi32>
        %scan3A_1928 = arith.constant 5 : i32
        %scan3A_1929 = arith.addi %scan3A_1857, %scan3A_1928 : i32
        %gather3A_1930 = tpu.vector_load_idx %arg12[%add3A_1727, %add3A_1927] : memref<112x128xf32, #tpu.memory_space<vmem>>[vector<16xi32>, vector<16xi32>], vector<16xf32>,
        %gather3A_1931 = tpu.vector_load_idx %arg13[%add3A_1727, %add3A_1927] : memref<112x128xf32, #tpu.memory_space<vmem>>[vector<16xi32>, vector<16xi32>], vector<16xf32>,
        %get3A_1932 = arith.index_cast %scan3A_1929 : i32 to index
        %get3A_1933 = memref.load %arg16[%get3A_1932] : memref<128xf32, #tpu.memory_space<smem>>
        %mul3A_1934 = arith.mulf %gather3A_1930, %gather3A_1931 : vector<16xf32>
        %add3A_1935 = arith.addf %add3A_1921, %mul3A_1934 : vector<16xf32>
        %mul3A_1936 = vector.broadcast %get3A_1933 : f32 to vector<16xf32>
        %mul3A_1937 = arith.mulf %gather3A_1930, %mul3A_1936 : vector<16xf32>
        %add3A_1938 = arith.addf %add3A_1924, %mul3A_1937 : vector<16xf32>
        %add3A_1939 = arith.constant 1 : i32
        %add3A_1940 = vector.broadcast %add3A_1939 : i32 to vector<16xi32>
        %add3A_1941 = arith.addi %add3A_1927, %add3A_1940 : vector<16xi32>
        %scan3A_1942 = arith.constant 6 : i32
        %scan3A_1943 = arith.addi %scan3A_1857, %scan3A_1942 : i32
        %gather3A_1944 = tpu.vector_load_idx %arg12[%add3A_1727, %add3A_1941] : memref<112x128xf32, #tpu.memory_space<vmem>>[vector<16xi32>, vector<16xi32>], vector<16xf32>,
        %gather3A_1945 = tpu.vector_load_idx %arg13[%add3A_1727, %add3A_1941] : memref<112x128xf32, #tpu.memory_space<vmem>>[vector<16xi32>, vector<16xi32>], vector<16xf32>,
        %get3A_1946 = arith.index_cast %scan3A_1943 : i32 to index
        %get3A_1947 = memref.load %arg16[%get3A_1946] : memref<128xf32, #tpu.memory_space<smem>>
        %mul3A_1948 = arith.mulf %gather3A_1944, %gather3A_1945 : vector<16xf32>
        %add3A_1949 = arith.addf %add3A_1935, %mul3A_1948 : vector<16xf32>
        %mul3A_1950 = vector.broadcast %get3A_1947 : f32 to vector<16xf32>
        %mul3A_1951 = arith.mulf %gather3A_1944, %mul3A_1950 : vector<16xf32>
        %add3A_1952 = arith.addf %add3A_1938, %mul3A_1951 : vector<16xf32>
        %add3A_1953 = arith.constant 1 : i32
        %add3A_1954 = vector.broadcast %add3A_1953 : i32 to vector<16xi32>
        %add3A_1955 = arith.addi %add3A_1941, %add3A_1954 : vector<16xi32>
        %scan3A_1956 = arith.constant 7 : i32
        %scan3A_1957 = arith.addi %scan3A_1857, %scan3A_1956 : i32
        %gather3A_1958 = tpu.vector_load_idx %arg12[%add3A_1727, %add3A_1955] : memref<112x128xf32, #tpu.memory_space<vmem>>[vector<16xi32>, vector<16xi32>], vector<16xf32>,
        %gather3A_1959 = tpu.vector_load_idx %arg13[%add3A_1727, %add3A_1955] : memref<112x128xf32, #tpu.memory_space<vmem>>[vector<16xi32>, vector<16xi32>], vector<16xf32>,
        %get3A_1960 = arith.index_cast %scan3A_1957 : i32 to index
        %get3A_1961 = memref.load %arg16[%get3A_1960] : memref<128xf32, #tpu.memory_space<smem>>
        %mul3A_1962 = arith.mulf %gather3A_1958, %gather3A_1959 : vector<16xf32>
        %add3A_1963 = arith.addf %add3A_1949, %mul3A_1962 : vector<16xf32>
        %mul3A_1964 = vector.broadcast %get3A_1961 : f32 to vector<16xf32>
        %mul3A_1965 = arith.mulf %gather3A_1958, %mul3A_1964 : vector<16xf32>
        %add3A_1966 = arith.addf %add3A_1952, %mul3A_1965 : vector<16xf32>
        %add3A_1967 = arith.constant 1 : i32
        %add3A_1968 = vector.broadcast %add3A_1967 : i32 to vector<16xi32>
        %add3A_1969 = arith.addi %add3A_1955, %add3A_1968 : vector<16xi32>
        scf.yield %add3A_1969, %add3A_1963, %add3A_1966 : vector<16xi32>, vector<16xf32>, vector<16xf32>
      }
      %scan3A_1737 = arith.constant 128 : i32
      %mul3A_1738 = arith.constant 112 : i32
      %mul3A_1739 = arith.muli %add3A_1664, %mul3A_1738 : i32
      %add3A_1740 = arith.constant 32 : i32
      %add3A_1741 = arith.addi %mul3A_1739, %add3A_1740 : i32
      %swap3A_1742 = arith.index_cast %add3A_1741 : i32 to index
      %swap3A_1743 = tpu.vector_load %arg17[%swap3A_1742] {strides = array<i32>} : memref<6272xf32, #tpu.memory_space<vmem>>, vector<16xf32>,
      tpu.vector_store %arg17[%swap3A_1742], %scan3A_1736#1 {strides = array<i32>} : memref<6272xf32, #tpu.memory_space<vmem>>, vector<16xf32>,
      %mul3A_1744 = arith.constant 112 : i32
      %mul3A_1745 = arith.muli %add3A_1664, %mul3A_1744 : i32
      %add3A_1746 = arith.constant 32 : i32
      %add3A_1747 = arith.addi %mul3A_1745, %add3A_1746 : i32
      %swap3A_1748 = arith.index_cast %add3A_1747 : i32 to index
      %swap3A_1749 = tpu.vector_load %arg18[%swap3A_1748] {strides = array<i32>} : memref<6272xf32, #tpu.memory_space<vmem>>, vector<16xf32>,
      tpu.vector_store %arg18[%swap3A_1748], %scan3A_1736#2 {strides = array<i32>} : memref<6272xf32, #tpu.memory_space<vmem>>, vector<16xf32>,
      %add3A_1750 = arith.constant 48 : i32
      %add3A_1751 = vector.broadcast %add3A_1750 : i32 to vector<16xi32>
      %add3A_1752 = arith.addi %iota3A, %add3A_1751 : vector<16xi32>
      %broadcast_in_dim3A_1753 = arith.constant 0.000000e+00 : f32
      %broadcast_in_dim3A_1754 = vector.broadcast %broadcast_in_dim3A_1753 : f32 to vector<16xf32>
      %broadcast_in_dim3A_1755 = arith.constant 0 : i32
      %broadcast_in_dim3A_1756 = vector.broadcast %broadcast_in_dim3A_1755 : i32 to vector<16xi32>
      %scan3A_1757 = arith.constant 0 : i32
      %scan3A_1758 = arith.constant 128 : i32
      %scan3A_1759 = arith.addi %scan3A_1757, %scan3A_1758 : i32
      %scan3A_1760 = arith.constant 8 : i32
      %scan3A_1761:3 = scf.for %scan3A_1857 = %scan3A_1757 to %scan3A_1759 step %scan3A_1760 iter_args(%scan3A_1858 = %broadcast_in_dim3A_1756, %scan3A_1859 = %broadcast_in_dim3A_1754, %scan3A_1860 = %broadcast_in_dim3A_1754) -> (vector<16xi32>, vector<16xf32>, vector<16xf32>)  : i32 {
        %gather3A = tpu.vector_load_idx %arg12[%add3A_1752, %scan3A_1858] : memref<112x128xf32, #tpu.memory_space<vmem>>[vector<16xi32>, vector<16xi32>], vector<16xf32>,
        %gather3A_1861 = tpu.vector_load_idx %arg13[%add3A_1752, %scan3A_1858] : memref<112x128xf32, #tpu.memory_space<vmem>>[vector<16xi32>, vector<16xi32>], vector<16xf32>,
        %get3A_1862 = arith.index_cast %scan3A_1857 : i32 to index
        %get3A_1863 = memref.load %arg16[%get3A_1862] : memref<128xf32, #tpu.memory_space<smem>>
        %mul3A_1864 = arith.mulf %gather3A, %gather3A_1861 : vector<16xf32>
        %add3A_1865 = arith.addf %scan3A_1859, %mul3A_1864 : vector<16xf32>
        %mul3A_1866 = vector.broadcast %get3A_1863 : f32 to vector<16xf32>
        %mul3A_1867 = arith.mulf %gather3A, %mul3A_1866 : vector<16xf32>
        %add3A_1868 = arith.addf %scan3A_1860, %mul3A_1867 : vector<16xf32>
        %add3A_1869 = arith.constant 1 : i32
        %add3A_1870 = vector.broadcast %add3A_1869 : i32 to vector<16xi32>
        %add3A_1871 = arith.addi %scan3A_1858, %add3A_1870 : vector<16xi32>
        %scan3A_1872 = arith.constant 1 : i32
        %scan3A_1873 = arith.addi %scan3A_1857, %scan3A_1872 : i32
        %gather3A_1874 = tpu.vector_load_idx %arg12[%add3A_1752, %add3A_1871] : memref<112x128xf32, #tpu.memory_space<vmem>>[vector<16xi32>, vector<16xi32>], vector<16xf32>,
        %gather3A_1875 = tpu.vector_load_idx %arg13[%add3A_1752, %add3A_1871] : memref<112x128xf32, #tpu.memory_space<vmem>>[vector<16xi32>, vector<16xi32>], vector<16xf32>,
        %get3A_1876 = arith.index_cast %scan3A_1873 : i32 to index
        %get3A_1877 = memref.load %arg16[%get3A_1876] : memref<128xf32, #tpu.memory_space<smem>>
        %mul3A_1878 = arith.mulf %gather3A_1874, %gather3A_1875 : vector<16xf32>
        %add3A_1879 = arith.addf %add3A_1865, %mul3A_1878 : vector<16xf32>
        %mul3A_1880 = vector.broadcast %get3A_1877 : f32 to vector<16xf32>
        %mul3A_1881 = arith.mulf %gather3A_1874, %mul3A_1880 : vector<16xf32>
        %add3A_1882 = arith.addf %add3A_1868, %mul3A_1881 : vector<16xf32>
        %add3A_1883 = arith.constant 1 : i32
        %add3A_1884 = vector.broadcast %add3A_1883 : i32 to vector<16xi32>
        %add3A_1885 = arith.addi %add3A_1871, %add3A_1884 : vector<16xi32>
        %scan3A_1886 = arith.constant 2 : i32
        %scan3A_1887 = arith.addi %scan3A_1857, %scan3A_1886 : i32
        %gather3A_1888 = tpu.vector_load_idx %arg12[%add3A_1752, %add3A_1885] : memref<112x128xf32, #tpu.memory_space<vmem>>[vector<16xi32>, vector<16xi32>], vector<16xf32>,
        %gather3A_1889 = tpu.vector_load_idx %arg13[%add3A_1752, %add3A_1885] : memref<112x128xf32, #tpu.memory_space<vmem>>[vector<16xi32>, vector<16xi32>], vector<16xf32>,
        %get3A_1890 = arith.index_cast %scan3A_1887 : i32 to index
        %get3A_1891 = memref.load %arg16[%get3A_1890] : memref<128xf32, #tpu.memory_space<smem>>
        %mul3A_1892 = arith.mulf %gather3A_1888, %gather3A_1889 : vector<16xf32>
        %add3A_1893 = arith.addf %add3A_1879, %mul3A_1892 : vector<16xf32>
        %mul3A_1894 = vector.broadcast %get3A_1891 : f32 to vector<16xf32>
        %mul3A_1895 = arith.mulf %gather3A_1888, %mul3A_1894 : vector<16xf32>
        %add3A_1896 = arith.addf %add3A_1882, %mul3A_1895 : vector<16xf32>
        %add3A_1897 = arith.constant 1 : i32
        %add3A_1898 = vector.broadcast %add3A_1897 : i32 to vector<16xi32>
        %add3A_1899 = arith.addi %add3A_1885, %add3A_1898 : vector<16xi32>
        %scan3A_1900 = arith.constant 3 : i32
        %scan3A_1901 = arith.addi %scan3A_1857, %scan3A_1900 : i32
        %gather3A_1902 = tpu.vector_load_idx %arg12[%add3A_1752, %add3A_1899] : memref<112x128xf32, #tpu.memory_space<vmem>>[vector<16xi32>, vector<16xi32>], vector<16xf32>,
        %gather3A_1903 = tpu.vector_load_idx %arg13[%add3A_1752, %add3A_1899] : memref<112x128xf32, #tpu.memory_space<vmem>>[vector<16xi32>, vector<16xi32>], vector<16xf32>,
        %get3A_1904 = arith.index_cast %scan3A_1901 : i32 to index
        %get3A_1905 = memref.load %arg16[%get3A_1904] : memref<128xf32, #tpu.memory_space<smem>>
        %mul3A_1906 = arith.mulf %gather3A_1902, %gather3A_1903 : vector<16xf32>
        %add3A_1907 = arith.addf %add3A_1893, %mul3A_1906 : vector<16xf32>
        %mul3A_1908 = vector.broadcast %get3A_1905 : f32 to vector<16xf32>
        %mul3A_1909 = arith.mulf %gather3A_1902, %mul3A_1908 : vector<16xf32>
        %add3A_1910 = arith.addf %add3A_1896, %mul3A_1909 : vector<16xf32>
        %add3A_1911 = arith.constant 1 : i32
        %add3A_1912 = vector.broadcast %add3A_1911 : i32 to vector<16xi32>
        %add3A_1913 = arith.addi %add3A_1899, %add3A_1912 : vector<16xi32>
        %scan3A_1914 = arith.constant 4 : i32
        %scan3A_1915 = arith.addi %scan3A_1857, %scan3A_1914 : i32
        %gather3A_1916 = tpu.vector_load_idx %arg12[%add3A_1752, %add3A_1913] : memref<112x128xf32, #tpu.memory_space<vmem>>[vector<16xi32>, vector<16xi32>], vector<16xf32>,
        %gather3A_1917 = tpu.vector_load_idx %arg13[%add3A_1752, %add3A_1913] : memref<112x128xf32, #tpu.memory_space<vmem>>[vector<16xi32>, vector<16xi32>], vector<16xf32>,
        %get3A_1918 = arith.index_cast %scan3A_1915 : i32 to index
        %get3A_1919 = memref.load %arg16[%get3A_1918] : memref<128xf32, #tpu.memory_space<smem>>
        %mul3A_1920 = arith.mulf %gather3A_1916, %gather3A_1917 : vector<16xf32>
        %add3A_1921 = arith.addf %add3A_1907, %mul3A_1920 : vector<16xf32>
        %mul3A_1922 = vector.broadcast %get3A_1919 : f32 to vector<16xf32>
        %mul3A_1923 = arith.mulf %gather3A_1916, %mul3A_1922 : vector<16xf32>
        %add3A_1924 = arith.addf %add3A_1910, %mul3A_1923 : vector<16xf32>
        %add3A_1925 = arith.constant 1 : i32
        %add3A_1926 = vector.broadcast %add3A_1925 : i32 to vector<16xi32>
        %add3A_1927 = arith.addi %add3A_1913, %add3A_1926 : vector<16xi32>
        %scan3A_1928 = arith.constant 5 : i32
        %scan3A_1929 = arith.addi %scan3A_1857, %scan3A_1928 : i32
        %gather3A_1930 = tpu.vector_load_idx %arg12[%add3A_1752, %add3A_1927] : memref<112x128xf32, #tpu.memory_space<vmem>>[vector<16xi32>, vector<16xi32>], vector<16xf32>,
        %gather3A_1931 = tpu.vector_load_idx %arg13[%add3A_1752, %add3A_1927] : memref<112x128xf32, #tpu.memory_space<vmem>>[vector<16xi32>, vector<16xi32>], vector<16xf32>,
        %get3A_1932 = arith.index_cast %scan3A_1929 : i32 to index
        %get3A_1933 = memref.load %arg16[%get3A_1932] : memref<128xf32, #tpu.memory_space<smem>>
        %mul3A_1934 = arith.mulf %gather3A_1930, %gather3A_1931 : vector<16xf32>
        %add3A_1935 = arith.addf %add3A_1921, %mul3A_1934 : vector<16xf32>
        %mul3A_1936 = vector.broadcast %get3A_1933 : f32 to vector<16xf32>
        %mul3A_1937 = arith.mulf %gather3A_1930, %mul3A_1936 : vector<16xf32>
        %add3A_1938 = arith.addf %add3A_1924, %mul3A_1937 : vector<16xf32>
        %add3A_1939 = arith.constant 1 : i32
        %add3A_1940 = vector.broadcast %add3A_1939 : i32 to vector<16xi32>
        %add3A_1941 = arith.addi %add3A_1927, %add3A_1940 : vector<16xi32>
        %scan3A_1942 = arith.constant 6 : i32
        %scan3A_1943 = arith.addi %scan3A_1857, %scan3A_1942 : i32
        %gather3A_1944 = tpu.vector_load_idx %arg12[%add3A_1752, %add3A_1941] : memref<112x128xf32, #tpu.memory_space<vmem>>[vector<16xi32>, vector<16xi32>], vector<16xf32>,
        %gather3A_1945 = tpu.vector_load_idx %arg13[%add3A_1752, %add3A_1941] : memref<112x128xf32, #tpu.memory_space<vmem>>[vector<16xi32>, vector<16xi32>], vector<16xf32>,
        %get3A_1946 = arith.index_cast %scan3A_1943 : i32 to index
        %get3A_1947 = memref.load %arg16[%get3A_1946] : memref<128xf32, #tpu.memory_space<smem>>
        %mul3A_1948 = arith.mulf %gather3A_1944, %gather3A_1945 : vector<16xf32>
        %add3A_1949 = arith.addf %add3A_1935, %mul3A_1948 : vector<16xf32>
        %mul3A_1950 = vector.broadcast %get3A_1947 : f32 to vector<16xf32>
        %mul3A_1951 = arith.mulf %gather3A_1944, %mul3A_1950 : vector<16xf32>
        %add3A_1952 = arith.addf %add3A_1938, %mul3A_1951 : vector<16xf32>
        %add3A_1953 = arith.constant 1 : i32
        %add3A_1954 = vector.broadcast %add3A_1953 : i32 to vector<16xi32>
        %add3A_1955 = arith.addi %add3A_1941, %add3A_1954 : vector<16xi32>
        %scan3A_1956 = arith.constant 7 : i32
        %scan3A_1957 = arith.addi %scan3A_1857, %scan3A_1956 : i32
        %gather3A_1958 = tpu.vector_load_idx %arg12[%add3A_1752, %add3A_1955] : memref<112x128xf32, #tpu.memory_space<vmem>>[vector<16xi32>, vector<16xi32>], vector<16xf32>,
        %gather3A_1959 = tpu.vector_load_idx %arg13[%add3A_1752, %add3A_1955] : memref<112x128xf32, #tpu.memory_space<vmem>>[vector<16xi32>, vector<16xi32>], vector<16xf32>,
        %get3A_1960 = arith.index_cast %scan3A_1957 : i32 to index
        %get3A_1961 = memref.load %arg16[%get3A_1960] : memref<128xf32, #tpu.memory_space<smem>>
        %mul3A_1962 = arith.mulf %gather3A_1958, %gather3A_1959 : vector<16xf32>
        %add3A_1963 = arith.addf %add3A_1949, %mul3A_1962 : vector<16xf32>
        %mul3A_1964 = vector.broadcast %get3A_1961 : f32 to vector<16xf32>
        %mul3A_1965 = arith.mulf %gather3A_1958, %mul3A_1964 : vector<16xf32>
        %add3A_1966 = arith.addf %add3A_1952, %mul3A_1965 : vector<16xf32>
        %add3A_1967 = arith.constant 1 : i32
        %add3A_1968 = vector.broadcast %add3A_1967 : i32 to vector<16xi32>
        %add3A_1969 = arith.addi %add3A_1955, %add3A_1968 : vector<16xi32>
        scf.yield %add3A_1969, %add3A_1963, %add3A_1966 : vector<16xi32>, vector<16xf32>, vector<16xf32>
      }
      %scan3A_1762 = arith.constant 128 : i32
      %mul3A_1763 = arith.constant 112 : i32
      %mul3A_1764 = arith.muli %add3A_1664, %mul3A_1763 : i32
      %add3A_1765 = arith.constant 48 : i32
      %add3A_1766 = arith.addi %mul3A_1764, %add3A_1765 : i32
      %swap3A_1767 = arith.index_cast %add3A_1766 : i32 to index
      %swap3A_1768 = tpu.vector_load %arg17[%swap3A_1767] {strides = array<i32>} : memref<6272xf32, #tpu.memory_space<vmem>>, vector<16xf32>,
      tpu.vector_store %arg17[%swap3A_1767], %scan3A_1761#1 {strides = array<i32>} : memref<6272xf32, #tpu.memory_space<vmem>>, vector<16xf32>,
      %mul3A_1769 = arith.constant 112 : i32
      %mul3A_1770 = arith.muli %add3A_1664, %mul3A_1769 : i32
      %add3A_1771 = arith.constant 48 : i32
      %add3A_1772 = arith.addi %mul3A_1770, %add3A_1771 : i32
      %swap3A_1773 = arith.index_cast %add3A_1772 : i32 to index
      %swap3A_1774 = tpu.vector_load %arg18[%swap3A_1773] {strides = array<i32>} : memref<6272xf32, #tpu.memory_space<vmem>>, vector<16xf32>,
      tpu.vector_store %arg18[%swap3A_1773], %scan3A_1761#2 {strides = array<i32>} : memref<6272xf32, #tpu.memory_space<vmem>>, vector<16xf32>,
      %add3A_1775 = arith.constant 64 : i32
      %add3A_1776 = vector.broadcast %add3A_1775 : i32 to vector<16xi32>
      %add3A_1777 = arith.addi %iota3A, %add3A_1776 : vector<16xi32>
      %broadcast_in_dim3A_1778 = arith.constant 0.000000e+00 : f32
      %broadcast_in_dim3A_1779 = vector.broadcast %broadcast_in_dim3A_1778 : f32 to vector<16xf32>
      %broadcast_in_dim3A_1780 = arith.constant 0 : i32
      %broadcast_in_dim3A_1781 = vector.broadcast %broadcast_in_dim3A_1780 : i32 to vector<16xi32>
      %scan3A_1782 = arith.constant 0 : i32
      %scan3A_1783 = arith.constant 128 : i32
      %scan3A_1784 = arith.addi %scan3A_1782, %scan3A_1783 : i32
      %scan3A_1785 = arith.constant 8 : i32
      %scan3A_1786:3 = scf.for %scan3A_1857 = %scan3A_1782 to %scan3A_1784 step %scan3A_1785 iter_args(%scan3A_1858 = %broadcast_in_dim3A_1781, %scan3A_1859 = %broadcast_in_dim3A_1779, %scan3A_1860 = %broadcast_in_dim3A_1779) -> (vector<16xi32>, vector<16xf32>, vector<16xf32>)  : i32 {
        %gather3A = tpu.vector_load_idx %arg12[%add3A_1777, %scan3A_1858] : memref<112x128xf32, #tpu.memory_space<vmem>>[vector<16xi32>, vector<16xi32>], vector<16xf32>,
        %gather3A_1861 = tpu.vector_load_idx %arg13[%add3A_1777, %scan3A_1858] : memref<112x128xf32, #tpu.memory_space<vmem>>[vector<16xi32>, vector<16xi32>], vector<16xf32>,
        %get3A_1862 = arith.index_cast %scan3A_1857 : i32 to index
        %get3A_1863 = memref.load %arg16[%get3A_1862] : memref<128xf32, #tpu.memory_space<smem>>
        %mul3A_1864 = arith.mulf %gather3A, %gather3A_1861 : vector<16xf32>
        %add3A_1865 = arith.addf %scan3A_1859, %mul3A_1864 : vector<16xf32>
        %mul3A_1866 = vector.broadcast %get3A_1863 : f32 to vector<16xf32>
        %mul3A_1867 = arith.mulf %gather3A, %mul3A_1866 : vector<16xf32>
        %add3A_1868 = arith.addf %scan3A_1860, %mul3A_1867 : vector<16xf32>
        %add3A_1869 = arith.constant 1 : i32
        %add3A_1870 = vector.broadcast %add3A_1869 : i32 to vector<16xi32>
        %add3A_1871 = arith.addi %scan3A_1858, %add3A_1870 : vector<16xi32>
        %scan3A_1872 = arith.constant 1 : i32
        %scan3A_1873 = arith.addi %scan3A_1857, %scan3A_1872 : i32
        %gather3A_1874 = tpu.vector_load_idx %arg12[%add3A_1777, %add3A_1871] : memref<112x128xf32, #tpu.memory_space<vmem>>[vector<16xi32>, vector<16xi32>], vector<16xf32>,
        %gather3A_1875 = tpu.vector_load_idx %arg13[%add3A_1777, %add3A_1871] : memref<112x128xf32, #tpu.memory_space<vmem>>[vector<16xi32>, vector<16xi32>], vector<16xf32>,
        %get3A_1876 = arith.index_cast %scan3A_1873 : i32 to index
        %get3A_1877 = memref.load %arg16[%get3A_1876] : memref<128xf32, #tpu.memory_space<smem>>
        %mul3A_1878 = arith.mulf %gather3A_1874, %gather3A_1875 : vector<16xf32>
        %add3A_1879 = arith.addf %add3A_1865, %mul3A_1878 : vector<16xf32>
        %mul3A_1880 = vector.broadcast %get3A_1877 : f32 to vector<16xf32>
        %mul3A_1881 = arith.mulf %gather3A_1874, %mul3A_1880 : vector<16xf32>
        %add3A_1882 = arith.addf %add3A_1868, %mul3A_1881 : vector<16xf32>
        %add3A_1883 = arith.constant 1 : i32
        %add3A_1884 = vector.broadcast %add3A_1883 : i32 to vector<16xi32>
        %add3A_1885 = arith.addi %add3A_1871, %add3A_1884 : vector<16xi32>
        %scan3A_1886 = arith.constant 2 : i32
        %scan3A_1887 = arith.addi %scan3A_1857, %scan3A_1886 : i32
        %gather3A_1888 = tpu.vector_load_idx %arg12[%add3A_1777, %add3A_1885] : memref<112x128xf32, #tpu.memory_space<vmem>>[vector<16xi32>, vector<16xi32>], vector<16xf32>,
        %gather3A_1889 = tpu.vector_load_idx %arg13[%add3A_1777, %add3A_1885] : memref<112x128xf32, #tpu.memory_space<vmem>>[vector<16xi32>, vector<16xi32>], vector<16xf32>,
        %get3A_1890 = arith.index_cast %scan3A_1887 : i32 to index
        %get3A_1891 = memref.load %arg16[%get3A_1890] : memref<128xf32, #tpu.memory_space<smem>>
        %mul3A_1892 = arith.mulf %gather3A_1888, %gather3A_1889 : vector<16xf32>
        %add3A_1893 = arith.addf %add3A_1879, %mul3A_1892 : vector<16xf32>
        %mul3A_1894 = vector.broadcast %get3A_1891 : f32 to vector<16xf32>
        %mul3A_1895 = arith.mulf %gather3A_1888, %mul3A_1894 : vector<16xf32>
        %add3A_1896 = arith.addf %add3A_1882, %mul3A_1895 : vector<16xf32>
        %add3A_1897 = arith.constant 1 : i32
        %add3A_1898 = vector.broadcast %add3A_1897 : i32 to vector<16xi32>
        %add3A_1899 = arith.addi %add3A_1885, %add3A_1898 : vector<16xi32>
        %scan3A_1900 = arith.constant 3 : i32
        %scan3A_1901 = arith.addi %scan3A_1857, %scan3A_1900 : i32
        %gather3A_1902 = tpu.vector_load_idx %arg12[%add3A_1777, %add3A_1899] : memref<112x128xf32, #tpu.memory_space<vmem>>[vector<16xi32>, vector<16xi32>], vector<16xf32>,
        %gather3A_1903 = tpu.vector_load_idx %arg13[%add3A_1777, %add3A_1899] : memref<112x128xf32, #tpu.memory_space<vmem>>[vector<16xi32>, vector<16xi32>], vector<16xf32>,
        %get3A_1904 = arith.index_cast %scan3A_1901 : i32 to index
        %get3A_1905 = memref.load %arg16[%get3A_1904] : memref<128xf32, #tpu.memory_space<smem>>
        %mul3A_1906 = arith.mulf %gather3A_1902, %gather3A_1903 : vector<16xf32>
        %add3A_1907 = arith.addf %add3A_1893, %mul3A_1906 : vector<16xf32>
        %mul3A_1908 = vector.broadcast %get3A_1905 : f32 to vector<16xf32>
        %mul3A_1909 = arith.mulf %gather3A_1902, %mul3A_1908 : vector<16xf32>
        %add3A_1910 = arith.addf %add3A_1896, %mul3A_1909 : vector<16xf32>
        %add3A_1911 = arith.constant 1 : i32
        %add3A_1912 = vector.broadcast %add3A_1911 : i32 to vector<16xi32>
        %add3A_1913 = arith.addi %add3A_1899, %add3A_1912 : vector<16xi32>
        %scan3A_1914 = arith.constant 4 : i32
        %scan3A_1915 = arith.addi %scan3A_1857, %scan3A_1914 : i32
        %gather3A_1916 = tpu.vector_load_idx %arg12[%add3A_1777, %add3A_1913] : memref<112x128xf32, #tpu.memory_space<vmem>>[vector<16xi32>, vector<16xi32>], vector<16xf32>,
        %gather3A_1917 = tpu.vector_load_idx %arg13[%add3A_1777, %add3A_1913] : memref<112x128xf32, #tpu.memory_space<vmem>>[vector<16xi32>, vector<16xi32>], vector<16xf32>,
        %get3A_1918 = arith.index_cast %scan3A_1915 : i32 to index
        %get3A_1919 = memref.load %arg16[%get3A_1918] : memref<128xf32, #tpu.memory_space<smem>>
        %mul3A_1920 = arith.mulf %gather3A_1916, %gather3A_1917 : vector<16xf32>
        %add3A_1921 = arith.addf %add3A_1907, %mul3A_1920 : vector<16xf32>
        %mul3A_1922 = vector.broadcast %get3A_1919 : f32 to vector<16xf32>
        %mul3A_1923 = arith.mulf %gather3A_1916, %mul3A_1922 : vector<16xf32>
        %add3A_1924 = arith.addf %add3A_1910, %mul3A_1923 : vector<16xf32>
        %add3A_1925 = arith.constant 1 : i32
        %add3A_1926 = vector.broadcast %add3A_1925 : i32 to vector<16xi32>
        %add3A_1927 = arith.addi %add3A_1913, %add3A_1926 : vector<16xi32>
        %scan3A_1928 = arith.constant 5 : i32
        %scan3A_1929 = arith.addi %scan3A_1857, %scan3A_1928 : i32
        %gather3A_1930 = tpu.vector_load_idx %arg12[%add3A_1777, %add3A_1927] : memref<112x128xf32, #tpu.memory_space<vmem>>[vector<16xi32>, vector<16xi32>], vector<16xf32>,
        %gather3A_1931 = tpu.vector_load_idx %arg13[%add3A_1777, %add3A_1927] : memref<112x128xf32, #tpu.memory_space<vmem>>[vector<16xi32>, vector<16xi32>], vector<16xf32>,
        %get3A_1932 = arith.index_cast %scan3A_1929 : i32 to index
        %get3A_1933 = memref.load %arg16[%get3A_1932] : memref<128xf32, #tpu.memory_space<smem>>
        %mul3A_1934 = arith.mulf %gather3A_1930, %gather3A_1931 : vector<16xf32>
        %add3A_1935 = arith.addf %add3A_1921, %mul3A_1934 : vector<16xf32>
        %mul3A_1936 = vector.broadcast %get3A_1933 : f32 to vector<16xf32>
        %mul3A_1937 = arith.mulf %gather3A_1930, %mul3A_1936 : vector<16xf32>
        %add3A_1938 = arith.addf %add3A_1924, %mul3A_1937 : vector<16xf32>
        %add3A_1939 = arith.constant 1 : i32
        %add3A_1940 = vector.broadcast %add3A_1939 : i32 to vector<16xi32>
        %add3A_1941 = arith.addi %add3A_1927, %add3A_1940 : vector<16xi32>
        %scan3A_1942 = arith.constant 6 : i32
        %scan3A_1943 = arith.addi %scan3A_1857, %scan3A_1942 : i32
        %gather3A_1944 = tpu.vector_load_idx %arg12[%add3A_1777, %add3A_1941] : memref<112x128xf32, #tpu.memory_space<vmem>>[vector<16xi32>, vector<16xi32>], vector<16xf32>,
        %gather3A_1945 = tpu.vector_load_idx %arg13[%add3A_1777, %add3A_1941] : memref<112x128xf32, #tpu.memory_space<vmem>>[vector<16xi32>, vector<16xi32>], vector<16xf32>,
        %get3A_1946 = arith.index_cast %scan3A_1943 : i32 to index
        %get3A_1947 = memref.load %arg16[%get3A_1946] : memref<128xf32, #tpu.memory_space<smem>>
        %mul3A_1948 = arith.mulf %gather3A_1944, %gather3A_1945 : vector<16xf32>
        %add3A_1949 = arith.addf %add3A_1935, %mul3A_1948 : vector<16xf32>
        %mul3A_1950 = vector.broadcast %get3A_1947 : f32 to vector<16xf32>
        %mul3A_1951 = arith.mulf %gather3A_1944, %mul3A_1950 : vector<16xf32>
        %add3A_1952 = arith.addf %add3A_1938, %mul3A_1951 : vector<16xf32>
        %add3A_1953 = arith.constant 1 : i32
        %add3A_1954 = vector.broadcast %add3A_1953 : i32 to vector<16xi32>
        %add3A_1955 = arith.addi %add3A_1941, %add3A_1954 : vector<16xi32>
        %scan3A_1956 = arith.constant 7 : i32
        %scan3A_1957 = arith.addi %scan3A_1857, %scan3A_1956 : i32
        %gather3A_1958 = tpu.vector_load_idx %arg12[%add3A_1777, %add3A_1955] : memref<112x128xf32, #tpu.memory_space<vmem>>[vector<16xi32>, vector<16xi32>], vector<16xf32>,
        %gather3A_1959 = tpu.vector_load_idx %arg13[%add3A_1777, %add3A_1955] : memref<112x128xf32, #tpu.memory_space<vmem>>[vector<16xi32>, vector<16xi32>], vector<16xf32>,
        %get3A_1960 = arith.index_cast %scan3A_1957 : i32 to index
        %get3A_1961 = memref.load %arg16[%get3A_1960] : memref<128xf32, #tpu.memory_space<smem>>
        %mul3A_1962 = arith.mulf %gather3A_1958, %gather3A_1959 : vector<16xf32>
        %add3A_1963 = arith.addf %add3A_1949, %mul3A_1962 : vector<16xf32>
        %mul3A_1964 = vector.broadcast %get3A_1961 : f32 to vector<16xf32>
        %mul3A_1965 = arith.mulf %gather3A_1958, %mul3A_1964 : vector<16xf32>
        %add3A_1966 = arith.addf %add3A_1952, %mul3A_1965 : vector<16xf32>
        %add3A_1967 = arith.constant 1 : i32
        %add3A_1968 = vector.broadcast %add3A_1967 : i32 to vector<16xi32>
        %add3A_1969 = arith.addi %add3A_1955, %add3A_1968 : vector<16xi32>
        scf.yield %add3A_1969, %add3A_1963, %add3A_1966 : vector<16xi32>, vector<16xf32>, vector<16xf32>
      }
      %scan3A_1787 = arith.constant 128 : i32
      %mul3A_1788 = arith.constant 112 : i32
      %mul3A_1789 = arith.muli %add3A_1664, %mul3A_1788 : i32
      %add3A_1790 = arith.constant 64 : i32
      %add3A_1791 = arith.addi %mul3A_1789, %add3A_1790 : i32
      %swap3A_1792 = arith.index_cast %add3A_1791 : i32 to index
      %swap3A_1793 = tpu.vector_load %arg17[%swap3A_1792] {strides = array<i32>} : memref<6272xf32, #tpu.memory_space<vmem>>, vector<16xf32>,
      tpu.vector_store %arg17[%swap3A_1792], %scan3A_1786#1 {strides = array<i32>} : memref<6272xf32, #tpu.memory_space<vmem>>, vector<16xf32>,
      %mul3A_1794 = arith.constant 112 : i32
      %mul3A_1795 = arith.muli %add3A_1664, %mul3A_1794 : i32
      %add3A_1796 = arith.constant 64 : i32
      %add3A_1797 = arith.addi %mul3A_1795, %add3A_1796 : i32
      %swap3A_1798 = arith.index_cast %add3A_1797 : i32 to index
      %swap3A_1799 = tpu.vector_load %arg18[%swap3A_1798] {strides = array<i32>} : memref<6272xf32, #tpu.memory_space<vmem>>, vector<16xf32>,
      tpu.vector_store %arg18[%swap3A_1798], %scan3A_1786#2 {strides = array<i32>} : memref<6272xf32, #tpu.memory_space<vmem>>, vector<16xf32>,
      %add3A_1800 = arith.constant 80 : i32
      %add3A_1801 = vector.broadcast %add3A_1800 : i32 to vector<16xi32>
      %add3A_1802 = arith.addi %iota3A, %add3A_1801 : vector<16xi32>
      %broadcast_in_dim3A_1803 = arith.constant 0.000000e+00 : f32
      %broadcast_in_dim3A_1804 = vector.broadcast %broadcast_in_dim3A_1803 : f32 to vector<16xf32>
      %broadcast_in_dim3A_1805 = arith.constant 0 : i32
      %broadcast_in_dim3A_1806 = vector.broadcast %broadcast_in_dim3A_1805 : i32 to vector<16xi32>
      %scan3A_1807 = arith.constant 0 : i32
      %scan3A_1808 = arith.constant 128 : i32
      %scan3A_1809 = arith.addi %scan3A_1807, %scan3A_1808 : i32
      %scan3A_1810 = arith.constant 8 : i32
      %scan3A_1811:3 = scf.for %scan3A_1857 = %scan3A_1807 to %scan3A_1809 step %scan3A_1810 iter_args(%scan3A_1858 = %broadcast_in_dim3A_1806, %scan3A_1859 = %broadcast_in_dim3A_1804, %scan3A_1860 = %broadcast_in_dim3A_1804) -> (vector<16xi32>, vector<16xf32>, vector<16xf32>)  : i32 {
        %gather3A = tpu.vector_load_idx %arg12[%add3A_1802, %scan3A_1858] : memref<112x128xf32, #tpu.memory_space<vmem>>[vector<16xi32>, vector<16xi32>], vector<16xf32>,
        %gather3A_1861 = tpu.vector_load_idx %arg13[%add3A_1802, %scan3A_1858] : memref<112x128xf32, #tpu.memory_space<vmem>>[vector<16xi32>, vector<16xi32>], vector<16xf32>,
        %get3A_1862 = arith.index_cast %scan3A_1857 : i32 to index
        %get3A_1863 = memref.load %arg16[%get3A_1862] : memref<128xf32, #tpu.memory_space<smem>>
        %mul3A_1864 = arith.mulf %gather3A, %gather3A_1861 : vector<16xf32>
        %add3A_1865 = arith.addf %scan3A_1859, %mul3A_1864 : vector<16xf32>
        %mul3A_1866 = vector.broadcast %get3A_1863 : f32 to vector<16xf32>
        %mul3A_1867 = arith.mulf %gather3A, %mul3A_1866 : vector<16xf32>
        %add3A_1868 = arith.addf %scan3A_1860, %mul3A_1867 : vector<16xf32>
        %add3A_1869 = arith.constant 1 : i32
        %add3A_1870 = vector.broadcast %add3A_1869 : i32 to vector<16xi32>
        %add3A_1871 = arith.addi %scan3A_1858, %add3A_1870 : vector<16xi32>
        %scan3A_1872 = arith.constant 1 : i32
        %scan3A_1873 = arith.addi %scan3A_1857, %scan3A_1872 : i32
        %gather3A_1874 = tpu.vector_load_idx %arg12[%add3A_1802, %add3A_1871] : memref<112x128xf32, #tpu.memory_space<vmem>>[vector<16xi32>, vector<16xi32>], vector<16xf32>,
        %gather3A_1875 = tpu.vector_load_idx %arg13[%add3A_1802, %add3A_1871] : memref<112x128xf32, #tpu.memory_space<vmem>>[vector<16xi32>, vector<16xi32>], vector<16xf32>,
        %get3A_1876 = arith.index_cast %scan3A_1873 : i32 to index
        %get3A_1877 = memref.load %arg16[%get3A_1876] : memref<128xf32, #tpu.memory_space<smem>>
        %mul3A_1878 = arith.mulf %gather3A_1874, %gather3A_1875 : vector<16xf32>
        %add3A_1879 = arith.addf %add3A_1865, %mul3A_1878 : vector<16xf32>
        %mul3A_1880 = vector.broadcast %get3A_1877 : f32 to vector<16xf32>
        %mul3A_1881 = arith.mulf %gather3A_1874, %mul3A_1880 : vector<16xf32>
        %add3A_1882 = arith.addf %add3A_1868, %mul3A_1881 : vector<16xf32>
        %add3A_1883 = arith.constant 1 : i32
        %add3A_1884 = vector.broadcast %add3A_1883 : i32 to vector<16xi32>
        %add3A_1885 = arith.addi %add3A_1871, %add3A_1884 : vector<16xi32>
        %scan3A_1886 = arith.constant 2 : i32
        %scan3A_1887 = arith.addi %scan3A_1857, %scan3A_1886 : i32
        %gather3A_1888 = tpu.vector_load_idx %arg12[%add3A_1802, %add3A_1885] : memref<112x128xf32, #tpu.memory_space<vmem>>[vector<16xi32>, vector<16xi32>], vector<16xf32>,
        %gather3A_1889 = tpu.vector_load_idx %arg13[%add3A_1802, %add3A_1885] : memref<112x128xf32, #tpu.memory_space<vmem>>[vector<16xi32>, vector<16xi32>], vector<16xf32>,
        %get3A_1890 = arith.index_cast %scan3A_1887 : i32 to index
        %get3A_1891 = memref.load %arg16[%get3A_1890] : memref<128xf32, #tpu.memory_space<smem>>
        %mul3A_1892 = arith.mulf %gather3A_1888, %gather3A_1889 : vector<16xf32>
        %add3A_1893 = arith.addf %add3A_1879, %mul3A_1892 : vector<16xf32>
        %mul3A_1894 = vector.broadcast %get3A_1891 : f32 to vector<16xf32>
        %mul3A_1895 = arith.mulf %gather3A_1888, %mul3A_1894 : vector<16xf32>
        %add3A_1896 = arith.addf %add3A_1882, %mul3A_1895 : vector<16xf32>
        %add3A_1897 = arith.constant 1 : i32
        %add3A_1898 = vector.broadcast %add3A_1897 : i32 to vector<16xi32>
        %add3A_1899 = arith.addi %add3A_1885, %add3A_1898 : vector<16xi32>
        %scan3A_1900 = arith.constant 3 : i32
        %scan3A_1901 = arith.addi %scan3A_1857, %scan3A_1900 : i32
        %gather3A_1902 = tpu.vector_load_idx %arg12[%add3A_1802, %add3A_1899] : memref<112x128xf32, #tpu.memory_space<vmem>>[vector<16xi32>, vector<16xi32>], vector<16xf32>,
        %gather3A_1903 = tpu.vector_load_idx %arg13[%add3A_1802, %add3A_1899] : memref<112x128xf32, #tpu.memory_space<vmem>>[vector<16xi32>, vector<16xi32>], vector<16xf32>,
        %get3A_1904 = arith.index_cast %scan3A_1901 : i32 to index
        %get3A_1905 = memref.load %arg16[%get3A_1904] : memref<128xf32, #tpu.memory_space<smem>>
        %mul3A_1906 = arith.mulf %gather3A_1902, %gather3A_1903 : vector<16xf32>
        %add3A_1907 = arith.addf %add3A_1893, %mul3A_1906 : vector<16xf32>
        %mul3A_1908 = vector.broadcast %get3A_1905 : f32 to vector<16xf32>
        %mul3A_1909 = arith.mulf %gather3A_1902, %mul3A_1908 : vector<16xf32>
        %add3A_1910 = arith.addf %add3A_1896, %mul3A_1909 : vector<16xf32>
        %add3A_1911 = arith.constant 1 : i32
        %add3A_1912 = vector.broadcast %add3A_1911 : i32 to vector<16xi32>
        %add3A_1913 = arith.addi %add3A_1899, %add3A_1912 : vector<16xi32>
        %scan3A_1914 = arith.constant 4 : i32
        %scan3A_1915 = arith.addi %scan3A_1857, %scan3A_1914 : i32
        %gather3A_1916 = tpu.vector_load_idx %arg12[%add3A_1802, %add3A_1913] : memref<112x128xf32, #tpu.memory_space<vmem>>[vector<16xi32>, vector<16xi32>], vector<16xf32>,
        %gather3A_1917 = tpu.vector_load_idx %arg13[%add3A_1802, %add3A_1913] : memref<112x128xf32, #tpu.memory_space<vmem>>[vector<16xi32>, vector<16xi32>], vector<16xf32>,
        %get3A_1918 = arith.index_cast %scan3A_1915 : i32 to index
        %get3A_1919 = memref.load %arg16[%get3A_1918] : memref<128xf32, #tpu.memory_space<smem>>
        %mul3A_1920 = arith.mulf %gather3A_1916, %gather3A_1917 : vector<16xf32>
        %add3A_1921 = arith.addf %add3A_1907, %mul3A_1920 : vector<16xf32>
        %mul3A_1922 = vector.broadcast %get3A_1919 : f32 to vector<16xf32>
        %mul3A_1923 = arith.mulf %gather3A_1916, %mul3A_1922 : vector<16xf32>
        %add3A_1924 = arith.addf %add3A_1910, %mul3A_1923 : vector<16xf32>
        %add3A_1925 = arith.constant 1 : i32
        %add3A_1926 = vector.broadcast %add3A_1925 : i32 to vector<16xi32>
        %add3A_1927 = arith.addi %add3A_1913, %add3A_1926 : vector<16xi32>
        %scan3A_1928 = arith.constant 5 : i32
        %scan3A_1929 = arith.addi %scan3A_1857, %scan3A_1928 : i32
        %gather3A_1930 = tpu.vector_load_idx %arg12[%add3A_1802, %add3A_1927] : memref<112x128xf32, #tpu.memory_space<vmem>>[vector<16xi32>, vector<16xi32>], vector<16xf32>,
        %gather3A_1931 = tpu.vector_load_idx %arg13[%add3A_1802, %add3A_1927] : memref<112x128xf32, #tpu.memory_space<vmem>>[vector<16xi32>, vector<16xi32>], vector<16xf32>,
        %get3A_1932 = arith.index_cast %scan3A_1929 : i32 to index
        %get3A_1933 = memref.load %arg16[%get3A_1932] : memref<128xf32, #tpu.memory_space<smem>>
        %mul3A_1934 = arith.mulf %gather3A_1930, %gather3A_1931 : vector<16xf32>
        %add3A_1935 = arith.addf %add3A_1921, %mul3A_1934 : vector<16xf32>
        %mul3A_1936 = vector.broadcast %get3A_1933 : f32 to vector<16xf32>
        %mul3A_1937 = arith.mulf %gather3A_1930, %mul3A_1936 : vector<16xf32>
        %add3A_1938 = arith.addf %add3A_1924, %mul3A_1937 : vector<16xf32>
        %add3A_1939 = arith.constant 1 : i32
        %add3A_1940 = vector.broadcast %add3A_1939 : i32 to vector<16xi32>
        %add3A_1941 = arith.addi %add3A_1927, %add3A_1940 : vector<16xi32>
        %scan3A_1942 = arith.constant 6 : i32
        %scan3A_1943 = arith.addi %scan3A_1857, %scan3A_1942 : i32
        %gather3A_1944 = tpu.vector_load_idx %arg12[%add3A_1802, %add3A_1941] : memref<112x128xf32, #tpu.memory_space<vmem>>[vector<16xi32>, vector<16xi32>], vector<16xf32>,
        %gather3A_1945 = tpu.vector_load_idx %arg13[%add3A_1802, %add3A_1941] : memref<112x128xf32, #tpu.memory_space<vmem>>[vector<16xi32>, vector<16xi32>], vector<16xf32>,
        %get3A_1946 = arith.index_cast %scan3A_1943 : i32 to index
        %get3A_1947 = memref.load %arg16[%get3A_1946] : memref<128xf32, #tpu.memory_space<smem>>
        %mul3A_1948 = arith.mulf %gather3A_1944, %gather3A_1945 : vector<16xf32>
        %add3A_1949 = arith.addf %add3A_1935, %mul3A_1948 : vector<16xf32>
        %mul3A_1950 = vector.broadcast %get3A_1947 : f32 to vector<16xf32>
        %mul3A_1951 = arith.mulf %gather3A_1944, %mul3A_1950 : vector<16xf32>
        %add3A_1952 = arith.addf %add3A_1938, %mul3A_1951 : vector<16xf32>
        %add3A_1953 = arith.constant 1 : i32
        %add3A_1954 = vector.broadcast %add3A_1953 : i32 to vector<16xi32>
        %add3A_1955 = arith.addi %add3A_1941, %add3A_1954 : vector<16xi32>
        %scan3A_1956 = arith.constant 7 : i32
        %scan3A_1957 = arith.addi %scan3A_1857, %scan3A_1956 : i32
        %gather3A_1958 = tpu.vector_load_idx %arg12[%add3A_1802, %add3A_1955] : memref<112x128xf32, #tpu.memory_space<vmem>>[vector<16xi32>, vector<16xi32>], vector<16xf32>,
        %gather3A_1959 = tpu.vector_load_idx %arg13[%add3A_1802, %add3A_1955] : memref<112x128xf32, #tpu.memory_space<vmem>>[vector<16xi32>, vector<16xi32>], vector<16xf32>,
        %get3A_1960 = arith.index_cast %scan3A_1957 : i32 to index
        %get3A_1961 = memref.load %arg16[%get3A_1960] : memref<128xf32, #tpu.memory_space<smem>>
        %mul3A_1962 = arith.mulf %gather3A_1958, %gather3A_1959 : vector<16xf32>
        %add3A_1963 = arith.addf %add3A_1949, %mul3A_1962 : vector<16xf32>
        %mul3A_1964 = vector.broadcast %get3A_1961 : f32 to vector<16xf32>
        %mul3A_1965 = arith.mulf %gather3A_1958, %mul3A_1964 : vector<16xf32>
        %add3A_1966 = arith.addf %add3A_1952, %mul3A_1965 : vector<16xf32>
        %add3A_1967 = arith.constant 1 : i32
        %add3A_1968 = vector.broadcast %add3A_1967 : i32 to vector<16xi32>
        %add3A_1969 = arith.addi %add3A_1955, %add3A_1968 : vector<16xi32>
        scf.yield %add3A_1969, %add3A_1963, %add3A_1966 : vector<16xi32>, vector<16xf32>, vector<16xf32>
      }
      %scan3A_1812 = arith.constant 128 : i32
      %mul3A_1813 = arith.constant 112 : i32
      %mul3A_1814 = arith.muli %add3A_1664, %mul3A_1813 : i32
      %add3A_1815 = arith.constant 80 : i32
      %add3A_1816 = arith.addi %mul3A_1814, %add3A_1815 : i32
      %swap3A_1817 = arith.index_cast %add3A_1816 : i32 to index
      %swap3A_1818 = tpu.vector_load %arg17[%swap3A_1817] {strides = array<i32>} : memref<6272xf32, #tpu.memory_space<vmem>>, vector<16xf32>,
      tpu.vector_store %arg17[%swap3A_1817], %scan3A_1811#1 {strides = array<i32>} : memref<6272xf32, #tpu.memory_space<vmem>>, vector<16xf32>,
      %mul3A_1819 = arith.constant 112 : i32
      %mul3A_1820 = arith.muli %add3A_1664, %mul3A_1819 : i32
      %add3A_1821 = arith.constant 80 : i32
      %add3A_1822 = arith.addi %mul3A_1820, %add3A_1821 : i32
      %swap3A_1823 = arith.index_cast %add3A_1822 : i32 to index
      %swap3A_1824 = tpu.vector_load %arg18[%swap3A_1823] {strides = array<i32>} : memref<6272xf32, #tpu.memory_space<vmem>>, vector<16xf32>,
      tpu.vector_store %arg18[%swap3A_1823], %scan3A_1811#2 {strides = array<i32>} : memref<6272xf32, #tpu.memory_space<vmem>>, vector<16xf32>,
      %add3A_1825 = arith.constant 96 : i32
      %add3A_1826 = vector.broadcast %add3A_1825 : i32 to vector<16xi32>
      %add3A_1827 = arith.addi %iota3A, %add3A_1826 : vector<16xi32>
      %broadcast_in_dim3A_1828 = arith.constant 0.000000e+00 : f32
      %broadcast_in_dim3A_1829 = vector.broadcast %broadcast_in_dim3A_1828 : f32 to vector<16xf32>
      %broadcast_in_dim3A_1830 = arith.constant 0 : i32
      %broadcast_in_dim3A_1831 = vector.broadcast %broadcast_in_dim3A_1830 : i32 to vector<16xi32>
      %scan3A_1832 = arith.constant 0 : i32
      %scan3A_1833 = arith.constant 128 : i32
      %scan3A_1834 = arith.addi %scan3A_1832, %scan3A_1833 : i32
      %scan3A_1835 = arith.constant 8 : i32
      %scan3A_1836:3 = scf.for %scan3A_1857 = %scan3A_1832 to %scan3A_1834 step %scan3A_1835 iter_args(%scan3A_1858 = %broadcast_in_dim3A_1831, %scan3A_1859 = %broadcast_in_dim3A_1829, %scan3A_1860 = %broadcast_in_dim3A_1829) -> (vector<16xi32>, vector<16xf32>, vector<16xf32>)  : i32 {
        %gather3A = tpu.vector_load_idx %arg12[%add3A_1827, %scan3A_1858] : memref<112x128xf32, #tpu.memory_space<vmem>>[vector<16xi32>, vector<16xi32>], vector<16xf32>,
        %gather3A_1861 = tpu.vector_load_idx %arg13[%add3A_1827, %scan3A_1858] : memref<112x128xf32, #tpu.memory_space<vmem>>[vector<16xi32>, vector<16xi32>], vector<16xf32>,
        %get3A_1862 = arith.index_cast %scan3A_1857 : i32 to index
        %get3A_1863 = memref.load %arg16[%get3A_1862] : memref<128xf32, #tpu.memory_space<smem>>
        %mul3A_1864 = arith.mulf %gather3A, %gather3A_1861 : vector<16xf32>
        %add3A_1865 = arith.addf %scan3A_1859, %mul3A_1864 : vector<16xf32>
        %mul3A_1866 = vector.broadcast %get3A_1863 : f32 to vector<16xf32>
        %mul3A_1867 = arith.mulf %gather3A, %mul3A_1866 : vector<16xf32>
        %add3A_1868 = arith.addf %scan3A_1860, %mul3A_1867 : vector<16xf32>
        %add3A_1869 = arith.constant 1 : i32
        %add3A_1870 = vector.broadcast %add3A_1869 : i32 to vector<16xi32>
        %add3A_1871 = arith.addi %scan3A_1858, %add3A_1870 : vector<16xi32>
        %scan3A_1872 = arith.constant 1 : i32
        %scan3A_1873 = arith.addi %scan3A_1857, %scan3A_1872 : i32
        %gather3A_1874 = tpu.vector_load_idx %arg12[%add3A_1827, %add3A_1871] : memref<112x128xf32, #tpu.memory_space<vmem>>[vector<16xi32>, vector<16xi32>], vector<16xf32>,
        %gather3A_1875 = tpu.vector_load_idx %arg13[%add3A_1827, %add3A_1871] : memref<112x128xf32, #tpu.memory_space<vmem>>[vector<16xi32>, vector<16xi32>], vector<16xf32>,
        %get3A_1876 = arith.index_cast %scan3A_1873 : i32 to index
        %get3A_1877 = memref.load %arg16[%get3A_1876] : memref<128xf32, #tpu.memory_space<smem>>
        %mul3A_1878 = arith.mulf %gather3A_1874, %gather3A_1875 : vector<16xf32>
        %add3A_1879 = arith.addf %add3A_1865, %mul3A_1878 : vector<16xf32>
        %mul3A_1880 = vector.broadcast %get3A_1877 : f32 to vector<16xf32>
        %mul3A_1881 = arith.mulf %gather3A_1874, %mul3A_1880 : vector<16xf32>
        %add3A_1882 = arith.addf %add3A_1868, %mul3A_1881 : vector<16xf32>
        %add3A_1883 = arith.constant 1 : i32
        %add3A_1884 = vector.broadcast %add3A_1883 : i32 to vector<16xi32>
        %add3A_1885 = arith.addi %add3A_1871, %add3A_1884 : vector<16xi32>
        %scan3A_1886 = arith.constant 2 : i32
        %scan3A_1887 = arith.addi %scan3A_1857, %scan3A_1886 : i32
        %gather3A_1888 = tpu.vector_load_idx %arg12[%add3A_1827, %add3A_1885] : memref<112x128xf32, #tpu.memory_space<vmem>>[vector<16xi32>, vector<16xi32>], vector<16xf32>,
        %gather3A_1889 = tpu.vector_load_idx %arg13[%add3A_1827, %add3A_1885] : memref<112x128xf32, #tpu.memory_space<vmem>>[vector<16xi32>, vector<16xi32>], vector<16xf32>,
        %get3A_1890 = arith.index_cast %scan3A_1887 : i32 to index
        %get3A_1891 = memref.load %arg16[%get3A_1890] : memref<128xf32, #tpu.memory_space<smem>>
        %mul3A_1892 = arith.mulf %gather3A_1888, %gather3A_1889 : vector<16xf32>
        %add3A_1893 = arith.addf %add3A_1879, %mul3A_1892 : vector<16xf32>
        %mul3A_1894 = vector.broadcast %get3A_1891 : f32 to vector<16xf32>
        %mul3A_1895 = arith.mulf %gather3A_1888, %mul3A_1894 : vector<16xf32>
        %add3A_1896 = arith.addf %add3A_1882, %mul3A_1895 : vector<16xf32>
        %add3A_1897 = arith.constant 1 : i32
        %add3A_1898 = vector.broadcast %add3A_1897 : i32 to vector<16xi32>
        %add3A_1899 = arith.addi %add3A_1885, %add3A_1898 : vector<16xi32>
        %scan3A_1900 = arith.constant 3 : i32
        %scan3A_1901 = arith.addi %scan3A_1857, %scan3A_1900 : i32
        %gather3A_1902 = tpu.vector_load_idx %arg12[%add3A_1827, %add3A_1899] : memref<112x128xf32, #tpu.memory_space<vmem>>[vector<16xi32>, vector<16xi32>], vector<16xf32>,
        %gather3A_1903 = tpu.vector_load_idx %arg13[%add3A_1827, %add3A_1899] : memref<112x128xf32, #tpu.memory_space<vmem>>[vector<16xi32>, vector<16xi32>], vector<16xf32>,
        %get3A_1904 = arith.index_cast %scan3A_1901 : i32 to index
        %get3A_1905 = memref.load %arg16[%get3A_1904] : memref<128xf32, #tpu.memory_space<smem>>
        %mul3A_1906 = arith.mulf %gather3A_1902, %gather3A_1903 : vector<16xf32>
        %add3A_1907 = arith.addf %add3A_1893, %mul3A_1906 : vector<16xf32>
        %mul3A_1908 = vector.broadcast %get3A_1905 : f32 to vector<16xf32>
        %mul3A_1909 = arith.mulf %gather3A_1902, %mul3A_1908 : vector<16xf32>
        %add3A_1910 = arith.addf %add3A_1896, %mul3A_1909 : vector<16xf32>
        %add3A_1911 = arith.constant 1 : i32
        %add3A_1912 = vector.broadcast %add3A_1911 : i32 to vector<16xi32>
        %add3A_1913 = arith.addi %add3A_1899, %add3A_1912 : vector<16xi32>
        %scan3A_1914 = arith.constant 4 : i32
        %scan3A_1915 = arith.addi %scan3A_1857, %scan3A_1914 : i32
        %gather3A_1916 = tpu.vector_load_idx %arg12[%add3A_1827, %add3A_1913] : memref<112x128xf32, #tpu.memory_space<vmem>>[vector<16xi32>, vector<16xi32>], vector<16xf32>,
        %gather3A_1917 = tpu.vector_load_idx %arg13[%add3A_1827, %add3A_1913] : memref<112x128xf32, #tpu.memory_space<vmem>>[vector<16xi32>, vector<16xi32>], vector<16xf32>,
        %get3A_1918 = arith.index_cast %scan3A_1915 : i32 to index
        %get3A_1919 = memref.load %arg16[%get3A_1918] : memref<128xf32, #tpu.memory_space<smem>>
        %mul3A_1920 = arith.mulf %gather3A_1916, %gather3A_1917 : vector<16xf32>
        %add3A_1921 = arith.addf %add3A_1907, %mul3A_1920 : vector<16xf32>
        %mul3A_1922 = vector.broadcast %get3A_1919 : f32 to vector<16xf32>
        %mul3A_1923 = arith.mulf %gather3A_1916, %mul3A_1922 : vector<16xf32>
        %add3A_1924 = arith.addf %add3A_1910, %mul3A_1923 : vector<16xf32>
        %add3A_1925 = arith.constant 1 : i32
        %add3A_1926 = vector.broadcast %add3A_1925 : i32 to vector<16xi32>
        %add3A_1927 = arith.addi %add3A_1913, %add3A_1926 : vector<16xi32>
        %scan3A_1928 = arith.constant 5 : i32
        %scan3A_1929 = arith.addi %scan3A_1857, %scan3A_1928 : i32
        %gather3A_1930 = tpu.vector_load_idx %arg12[%add3A_1827, %add3A_1927] : memref<112x128xf32, #tpu.memory_space<vmem>>[vector<16xi32>, vector<16xi32>], vector<16xf32>,
        %gather3A_1931 = tpu.vector_load_idx %arg13[%add3A_1827, %add3A_1927] : memref<112x128xf32, #tpu.memory_space<vmem>>[vector<16xi32>, vector<16xi32>], vector<16xf32>,
        %get3A_1932 = arith.index_cast %scan3A_1929 : i32 to index
        %get3A_1933 = memref.load %arg16[%get3A_1932] : memref<128xf32, #tpu.memory_space<smem>>
        %mul3A_1934 = arith.mulf %gather3A_1930, %gather3A_1931 : vector<16xf32>
        %add3A_1935 = arith.addf %add3A_1921, %mul3A_1934 : vector<16xf32>
        %mul3A_1936 = vector.broadcast %get3A_1933 : f32 to vector<16xf32>
        %mul3A_1937 = arith.mulf %gather3A_1930, %mul3A_1936 : vector<16xf32>
        %add3A_1938 = arith.addf %add3A_1924, %mul3A_1937 : vector<16xf32>
        %add3A_1939 = arith.constant 1 : i32
        %add3A_1940 = vector.broadcast %add3A_1939 : i32 to vector<16xi32>
        %add3A_1941 = arith.addi %add3A_1927, %add3A_1940 : vector<16xi32>
        %scan3A_1942 = arith.constant 6 : i32
        %scan3A_1943 = arith.addi %scan3A_1857, %scan3A_1942 : i32
        %gather3A_1944 = tpu.vector_load_idx %arg12[%add3A_1827, %add3A_1941] : memref<112x128xf32, #tpu.memory_space<vmem>>[vector<16xi32>, vector<16xi32>], vector<16xf32>,
        %gather3A_1945 = tpu.vector_load_idx %arg13[%add3A_1827, %add3A_1941] : memref<112x128xf32, #tpu.memory_space<vmem>>[vector<16xi32>, vector<16xi32>], vector<16xf32>,
        %get3A_1946 = arith.index_cast %scan3A_1943 : i32 to index
        %get3A_1947 = memref.load %arg16[%get3A_1946] : memref<128xf32, #tpu.memory_space<smem>>
        %mul3A_1948 = arith.mulf %gather3A_1944, %gather3A_1945 : vector<16xf32>
        %add3A_1949 = arith.addf %add3A_1935, %mul3A_1948 : vector<16xf32>
        %mul3A_1950 = vector.broadcast %get3A_1947 : f32 to vector<16xf32>
        %mul3A_1951 = arith.mulf %gather3A_1944, %mul3A_1950 : vector<16xf32>
        %add3A_1952 = arith.addf %add3A_1938, %mul3A_1951 : vector<16xf32>
        %add3A_1953 = arith.constant 1 : i32
        %add3A_1954 = vector.broadcast %add3A_1953 : i32 to vector<16xi32>
        %add3A_1955 = arith.addi %add3A_1941, %add3A_1954 : vector<16xi32>
        %scan3A_1956 = arith.constant 7 : i32
        %scan3A_1957 = arith.addi %scan3A_1857, %scan3A_1956 : i32
        %gather3A_1958 = tpu.vector_load_idx %arg12[%add3A_1827, %add3A_1955] : memref<112x128xf32, #tpu.memory_space<vmem>>[vector<16xi32>, vector<16xi32>], vector<16xf32>,
        %gather3A_1959 = tpu.vector_load_idx %arg13[%add3A_1827, %add3A_1955] : memref<112x128xf32, #tpu.memory_space<vmem>>[vector<16xi32>, vector<16xi32>], vector<16xf32>,
        %get3A_1960 = arith.index_cast %scan3A_1957 : i32 to index
        %get3A_1961 = memref.load %arg16[%get3A_1960] : memref<128xf32, #tpu.memory_space<smem>>
        %mul3A_1962 = arith.mulf %gather3A_1958, %gather3A_1959 : vector<16xf32>
        %add3A_1963 = arith.addf %add3A_1949, %mul3A_1962 : vector<16xf32>
        %mul3A_1964 = vector.broadcast %get3A_1961 : f32 to vector<16xf32>
        %mul3A_1965 = arith.mulf %gather3A_1958, %mul3A_1964 : vector<16xf32>
        %add3A_1966 = arith.addf %add3A_1952, %mul3A_1965 : vector<16xf32>
        %add3A_1967 = arith.constant 1 : i32
        %add3A_1968 = vector.broadcast %add3A_1967 : i32 to vector<16xi32>
        %add3A_1969 = arith.addi %add3A_1955, %add3A_1968 : vector<16xi32>
        scf.yield %add3A_1969, %add3A_1963, %add3A_1966 : vector<16xi32>, vector<16xf32>, vector<16xf32>
      }
      %scan3A_1837 = arith.constant 128 : i32
      %mul3A_1838 = arith.constant 112 : i32
      %mul3A_1839 = arith.muli %add3A_1664, %mul3A_1838 : i32
      %add3A_1840 = arith.constant 96 : i32
      %add3A_1841 = arith.addi %mul3A_1839, %add3A_1840 : i32
      %swap3A_1842 = arith.index_cast %add3A_1841 : i32 to index
      %swap3A_1843 = tpu.vector_load %arg17[%swap3A_1842] {strides = array<i32>} : memref<6272xf32, #tpu.memory_space<vmem>>, vector<16xf32>,
      tpu.vector_store %arg17[%swap3A_1842], %scan3A_1836#1 {strides = array<i32>} : memref<6272xf32, #tpu.memory_space<vmem>>, vector<16xf32>,
      %mul3A_1844 = arith.constant 112 : i32
      %mul3A_1845 = arith.muli %add3A_1664, %mul3A_1844 : i32
      %add3A_1846 = arith.constant 96 : i32
      %add3A_1847 = arith.addi %mul3A_1845, %add3A_1846 : i32
      %swap3A_1848 = arith.index_cast %add3A_1847 : i32 to index
      %swap3A_1849 = tpu.vector_load %arg18[%swap3A_1848] {strides = array<i32>} : memref<6272xf32, #tpu.memory_space<vmem>>, vector<16xf32>,
      tpu.vector_store %arg18[%swap3A_1848], %scan3A_1836#2 {strides = array<i32>} : memref<6272xf32, #tpu.memory_space<vmem>>, vector<16xf32>,
      %add3A_1850 = arith.constant 2 : i32
      %add3A_1851 = arith.addi %add3A_1664, %add3A_1850 : i32
      %lt3A_1852 = arith.constant 56 : i32
      %lt3A_1853 = arith.cmpi slt, %add3A_1851, %lt3A_1852 : i32
      %convert_element_type3A_1854 = arith.extui %lt3A_1853 : i1 to i32
      %cond3A_1855 = arith.constant 0 : i32
      %cond3A_1856 = arith.cmpi ne, %convert_element_type3A_1854, %cond3A_1855 : i32
      scf.if %cond3A_1856 {
        %add3A_1857 = arith.constant 2 : i32
        %add3A_1858 = arith.addi %add3A_1664, %add3A_1857 : i32
        %mul3A_1859 = arith.constant 112 : i32
        %mul3A_1860 = arith.muli %add3A_1858, %mul3A_1859 : i32
        %dma_start3A_1861 = tpu.memref_slice %arg8[%mul3A_1860] : memref<6272xi32, #tpu.memory_space<vmem>> -> memref<112xi32, #tpu.memory_space<vmem>>
        %dma_start3A_1862 = arith.constant 0 : i32
        %dma_start3A_1863 = arith.constant 0 : i32
        %dma_start3A_1864 = tpu.memref_slice %arg2[%dma_start3A_1862, %dma_start3A_1863] : memref<100000x128xf32, #tpu.memory_space<hbm>> -> memref<100000x128xf32, #tpu.memory_space<hbm>>
        tpu.enqueue_indirect_dma source(%dma_start3A_1864 : memref<100000x128xf32, #tpu.memory_space<hbm>>) target(%arg12 : memref<112x128xf32, #tpu.memory_space<vmem>>) offsets(%dma_start3A_1861 : memref<112xi32, #tpu.memory_space<vmem>>) semaphore(%arg21 : memref<!tpu.dma_semaphore, #tpu.memory_space<semaphore_mem>>)
        %dma_start3A_1865 = tpu.memref_slice %arg9[%mul3A_1860] : memref<6272xi32, #tpu.memory_space<vmem>> -> memref<112xi32, #tpu.memory_space<vmem>>
        %dma_start3A_1866 = arith.constant 0 : i32
        %dma_start3A_1867 = arith.constant 0 : i32
        %dma_start3A_1868 = tpu.memref_slice %arg2[%dma_start3A_1866, %dma_start3A_1867] : memref<100000x128xf32, #tpu.memory_space<hbm>> -> memref<100000x128xf32, #tpu.memory_space<hbm>>
        tpu.enqueue_indirect_dma source(%dma_start3A_1868 : memref<100000x128xf32, #tpu.memory_space<hbm>>) target(%arg13 : memref<112x128xf32, #tpu.memory_space<vmem>>) offsets(%dma_start3A_1865 : memref<112xi32, #tpu.memory_space<vmem>>) semaphore(%arg22 : memref<!tpu.dma_semaphore, #tpu.memory_space<semaphore_mem>>)
      } else {
      }
    }
    %scan3A_1467 = arith.constant 28 : i32
    "tpu.region"() ({
      %run_scoped3A = tpu.sem_alloc : memref<!tpu.dma_semaphore, #tpu.memory_space<semaphore_mem>>
      %dma_start3A_1468 = tpu.memref_slice %arg6[%mul3A_2] : memref<200704xf32, #tpu.memory_space<hbm>> -> memref<6272xf32, #tpu.memory_space<hbm>>
      %dma_start3A_1469 = tpu.memref_slice %arg6[%mul3A_2] : memref<200704xf32, #tpu.memory_space<hbm>> -> memref<6272xf32, #tpu.memory_space<hbm>>
      tpu.enqueue_dma source(%arg17 : memref<6272xf32, #tpu.memory_space<vmem>>) target(%dma_start3A_1469 : memref<6272xf32, #tpu.memory_space<hbm>>) target_semaphore(%run_scoped3A : memref<!tpu.dma_semaphore, #tpu.memory_space<semaphore_mem>>)
      %dma_wait3A_1470 = tpu.memref_slice %arg6[%mul3A_2] : memref<200704xf32, #tpu.memory_space<hbm>> -> memref<6272xf32, #tpu.memory_space<hbm>>
      %dma_wait3A_1471 = tpu.memref_slice %arg6[%mul3A_2] : memref<200704xf32, #tpu.memory_space<hbm>> -> memref<6272xf32, #tpu.memory_space<hbm>>
      tpu.wait_dma2 semaphore(%run_scoped3A : memref<!tpu.dma_semaphore, #tpu.memory_space<semaphore_mem>>) src(%arg17 : memref<6272xf32, #tpu.memory_space<vmem>>) dst(%dma_wait3A_1471 : memref<6272xf32, #tpu.memory_space<hbm>>)
      tpu.yield
    }) : () -> ()
    "tpu.region"() ({
      %run_scoped3A = tpu.sem_alloc : memref<!tpu.dma_semaphore, #tpu.memory_space<semaphore_mem>>
      %dma_start3A_1468 = tpu.memref_slice %arg7[%mul3A_2] : memref<200704xf32, #tpu.memory_space<hbm>> -> memref<6272xf32, #tpu.memory_space<hbm>>
      %dma_start3A_1469 = tpu.memref_slice %arg7[%mul3A_2] : memref<200704xf32, #tpu.memory_space<hbm>> -> memref<6272xf32, #tpu.memory_space<hbm>>
      tpu.enqueue_dma source(%arg18 : memref<6272xf32, #tpu.memory_space<vmem>>) target(%dma_start3A_1469 : memref<6272xf32, #tpu.memory_space<hbm>>) target_semaphore(%run_scoped3A : memref<!tpu.dma_semaphore, #tpu.memory_space<semaphore_mem>>)
      %dma_wait3A_1470 = tpu.memref_slice %arg7[%mul3A_2] : memref<200704xf32, #tpu.memory_space<hbm>> -> memref<6272xf32, #tpu.memory_space<hbm>>
      %dma_wait3A_1471 = tpu.memref_slice %arg7[%mul3A_2] : memref<200704xf32, #tpu.memory_space<hbm>> -> memref<6272xf32, #tpu.memory_space<hbm>>
      tpu.wait_dma2 semaphore(%run_scoped3A : memref<!tpu.dma_semaphore, #tpu.memory_space<semaphore_mem>>) src(%arg18 : memref<6272xf32, #tpu.memory_space<vmem>>) dst(%dma_wait3A_1471 : memref<6272xf32, #tpu.memory_space<hbm>>)
      tpu.yield
    }) : () -> ()
    return
  }
}

module attributes {stable_mosaic.version = 14 : i64} {
  func.func @_tc_loss_body(%arg0: memref<1568x128xf32, #tpu.memory_space<vmem>>, %arg1: memref<1568x128xf32, #tpu.memory_space<vmem>>, %arg2: memref<1x1xf32, #tpu.memory_space<smem>>) attributes {dimension_semantics = [], scalar_prefetch = 0 : i64, scratch_operands = 0 : i64, tpu.core_type = #tpu.core_type<tc>} {
    %get3A = arith.constant 0 : index
    %get3A_0 = arith.constant 0 : index
    %get3A_1 = vector.load %arg0[%get3A, %get3A_0] : memref<1568x128xf32, #tpu.memory_space<vmem>>, vector<1568x128xf32>
    %get3A_2 = arith.constant 0 : index
    %get3A_3 = arith.constant 0 : index
    %get3A_4 = vector.load %arg1[%get3A_2, %get3A_3] : memref<1568x128xf32, #tpu.memory_space<vmem>>, vector<1568x128xf32>
    %iota3A = tpu.iota {dimensions = array<i32: 0>} : vector<1568x128xi32>
    %iota3A_5 = tpu.iota {dimensions = array<i32: 1>} : vector<1568x128xi32>
    %mul3A = arith.constant 128 : i32
    %mul3A_6 = vector.broadcast %mul3A : i32 to vector<1568x128xi32>
    %mul3A_7 = arith.muli %iota3A, %mul3A_6 : vector<1568x128xi32>
    %add3A = arith.addi %mul3A_7, %iota3A_5 : vector<1568x128xi32>
    %lt3A = arith.constant 200000 : i32
    %lt3A_8 = vector.broadcast %lt3A : i32 to vector<1568x128xi32>
    %lt3A_9 = arith.cmpi slt, %add3A, %lt3A_8 : vector<1568x128xi32>
    %neg3A = arith.constant 0.000000e+00 : f32
    %neg3A_10 = vector.broadcast %neg3A : f32 to vector<1568x128xf32>
    %neg3A_11 = arith.subf %neg3A_10, %get3A_1 : vector<1568x128xf32>
    %max3A = arith.constant 0.000000e+00 : f32
    %max3A_12 = vector.broadcast %max3A : f32 to vector<1568x128xf32>
    %max3A_13 = arith.maximumf %neg3A_11, %max3A_12 : vector<1568x128xf32>
    %abs3A = math.absf %get3A_1 : vector<1568x128xf32>
    %neg3A_14 = arith.constant 0.000000e+00 : f32
    %neg3A_15 = vector.broadcast %neg3A_14 : f32 to vector<1568x128xf32>
    %neg3A_16 = arith.subf %neg3A_15, %abs3A : vector<1568x128xf32>
    %exp3A = math.exp %neg3A_16 : vector<1568x128xf32>
    %log1p3A = math.log1p %exp3A : vector<1568x128xf32>
    %add3A_17 = arith.addf %max3A_13, %log1p3A : vector<1568x128xf32>
    %jit3A = arith.constant 0.000000e+00 : f32
    %broadcast_in_dim3A = vector.broadcast %jit3A : f32 to vector<1568x128xf32>
    %select_n3A = arith.select %lt3A_9, %add3A_17, %broadcast_in_dim3A : vector<1568x128xi1>, vector<1568x128xf32>
    %neg3A_18 = arith.constant 0.000000e+00 : f32
    %neg3A_19 = vector.broadcast %neg3A_18 : f32 to vector<1568x128xf32>
    %neg3A_20 = arith.subf %neg3A_19, %get3A_4 : vector<1568x128xf32>
    %max3A_21 = arith.constant 0.000000e+00 : f32
    %max3A_22 = vector.broadcast %max3A_21 : f32 to vector<1568x128xf32>
    %max3A_23 = arith.maximumf %neg3A_20, %max3A_22 : vector<1568x128xf32>
    %abs3A_24 = math.absf %get3A_4 : vector<1568x128xf32>
    %neg3A_25 = arith.constant 0.000000e+00 : f32
    %neg3A_26 = vector.broadcast %neg3A_25 : f32 to vector<1568x128xf32>
    %neg3A_27 = arith.subf %neg3A_26, %abs3A_24 : vector<1568x128xf32>
    %exp3A_28 = math.exp %neg3A_27 : vector<1568x128xf32>
    %log1p3A_29 = math.log1p %exp3A_28 : vector<1568x128xf32>
    %add3A_30 = arith.addf %max3A_23, %log1p3A_29 : vector<1568x128xf32>
    %jit3A_31 = arith.constant 0.000000e+00 : f32
    %broadcast_in_dim3A_32 = vector.broadcast %jit3A_31 : f32 to vector<1568x128xf32>
    %select_n3A_33 = arith.select %lt3A_9, %add3A_30, %broadcast_in_dim3A_32 : vector<1568x128xi1>, vector<1568x128xf32>
    %reduce_sum3A = vector.shape_cast %select_n3A : vector<1568x128xf32> to vector<1x1568x128xf32>
    %reduce_sum3A_34 = arith.constant dense<0.000000e+00> : vector<1xf32>
    %reduce_sum3A_35 = vector.multi_reduction <add>, %reduce_sum3A, %reduce_sum3A_34 [1, 2] : vector<1x1568x128xf32> to vector<1xf32>
    %reduce_sum3A_36 = vector.shape_cast %reduce_sum3A_35 : vector<1xf32> to vector<1x1x1xf32>
    %reduce_sum3A_37 = vector.extract %reduce_sum3A_36[0, 0, 0] : f32 from vector<1x1x1xf32>
    %div3A = arith.constant 2.000000e+05 : f32
    %div3A_38 = arith.divf %reduce_sum3A_37, %div3A : f32
    %reduce_sum3A_39 = vector.shape_cast %select_n3A_33 : vector<1568x128xf32> to vector<1x1568x128xf32>
    %reduce_sum3A_40 = arith.constant dense<0.000000e+00> : vector<1xf32>
    %reduce_sum3A_41 = vector.multi_reduction <add>, %reduce_sum3A_39, %reduce_sum3A_40 [1, 2] : vector<1x1568x128xf32> to vector<1xf32>
    %reduce_sum3A_42 = vector.shape_cast %reduce_sum3A_41 : vector<1xf32> to vector<1x1x1xf32>
    %reduce_sum3A_43 = vector.extract %reduce_sum3A_42[0, 0, 0] : f32 from vector<1x1x1xf32>
    %div3A_44 = arith.constant 2.000000e+05 : f32
    %div3A_45 = arith.divf %reduce_sum3A_43, %div3A_44 : f32
    %mul3A_46 = arith.constant 1.000000e+01 : f32
    %mul3A_47 = arith.mulf %mul3A_46, %div3A_45 : f32
    %add3A_48 = arith.addf %div3A_38, %mul3A_47 : f32
    %swap3A = arith.constant 0 : index
    %swap3A_49 = arith.constant 0 : index
    %swap3A_50 = memref.load %arg2[%swap3A, %swap3A_49] : memref<1x1xf32, #tpu.memory_space<smem>>
    memref.store %add3A_48, %arg2[%swap3A, %swap3A_49] : memref<1x1xf32, #tpu.memory_space<smem>>
    return
  }
}

</mosaic_0001>

<sc_bundles>
// kernel: kernel.4.cloned.1.call-start
scs
__scs_entry_jumppad:
0x0: {  	(pc) =	sbr.rel $0x88, $3  }
0x1: {  	(tag) =	ssettag $0x0;
	lr =	simm.s32 $0x1  }
0x2: {  	[smem:$0x3F9D] =	sst lr;
	_ =	strace $0xD0000000  }
0x3: {  	_ = 	snop  }
0x4: {  	_ = 	snop  }
0x5: {  	_ = 	snop  }
0x6: {  	_ = 	snop  }
0x7: {  	_ = 	snop  }
__scs_overlays_trampoline_lowered:
0x8: {  	[smem:$0x3FAC] =	sst s0  }
0x9: {  	[smem:$0x3FAD] =	sst s1  }
0xa: {  	[smem:$0x3FAE] =	sst s2  }
0xb: {  	[smem:$0x3FAF] =	sst s3  }
0xc: {  	[smem:$0x3FB0] =	sst s4  }
0xd: {  	[smem:$0x3FB1] =	sst s5  }
0xe: {  	[smem:$0x3FB2] =	sst s6  }
0xf: {  	[smem:$0x3FB3] =	sst s7  }
0x10: {  	[smem:$0x3FB4] =	sst s8  }
0x11: {  	[smem:$0x3FB5] =	sst s9;
	s0 =	simm.s32 @!p0 $0x0  }
0x12: {  	s1 =	sld [smem:$0x3F9B];
	s0 =	simm.s32 @p0 $0x1  }
0x13: {  	[smem:$0x3FB6] =	sst s0;
	s0 =	simm.s32 @!p1 $0x0  }
0x14: {  	s2 =	sld [smem:$0x3F9A];
	s0 =	simm.s32 @p1 $0x1  }
0x15: {  	[smem:$0x3FB7] =	sst s0;
	s0 =	simm.s32 @!p2 $0x0  }
0x16: {  	s3 =	sld [smem:$0x3FDB];
	s0 =	simm.s32 @p2 $0x1  }
0x17: {  	s4 =	simm.s32 $0x1BF5;
	[smem:$0x3FB9] =	sst s0  }
0x18: {  	s0 =	sld [smem:$0x3F9C];
	_ =	swait.ge [sflag:s4], $0x0  }
0x19: {  	s7 =	sld [smem:$0x3F9D]  }
0x1a: {  	s8 =	sadd.s32 $0xFFFFE003, lr  }
0x1b: {  	s9 =	sadd.s32 $0xFFFFFEF7, lr;
	s5 =	simm.s32 $0xFFFFFFFF;
	p2 =	slt.u32 s8, $0xFFFFF086  }
0x1c: {  	p1 =	slt.u32 s9, $0xF7A;
	s5 =	simm.s32 @!p2 $0x0  }
0x1d: {  	s5 =	simm.s32 @p1 $0x1;
	p0 =	seq.s32 s7, s2  }
0x1e: {  	s7 =	smul.u32 @!p0 $0xF7A, s2;
	p2 =	seq.s32 @!p0 s5, $0x0  }
0x1f: {  	s9 =	smul.u32 $0xF7A, s1;
	s8 =	simm.s32 @!p0 $0x1BF5;
	p2 =	por !p2, p0  }
0x20: {  	[sflag:s8] =	ssyncset.s32 @!p0 $0xFFFFF086;
	s6 =	sadd.s32 @!p0 s3, s7;
	s7 =	simm.s32 @!p0 $0x108  }
0x21: {  	s3 =	sadd.s32 s3, s9;
	s6 =	sadd.s32 @!p0 $0x88, s6;
	s7 =	simm.s32 @p2 $0x1082  }
0x22: {  	[simem:s7], [sflag:s8] =	dma.local @!p0 [hbm:s6], $0xF7A  }
0x23: {  	s9 =	sor.u32 $0xD0000000, s2;
	s6 =	simm.s32 $0x108;
	_ =	swait.ge @!p0 [sflag:s8], $0x0  }
0x24: {  	s3 =	sadd.s32 $0x88, s3;
	s6 =	simm.s32 @!p1 $0x1082;
	[sflag:s4] =	ssyncset.s32 $0xFFFFF086  }
0x25: {  	[simem:s6], [sflag:s4] =	dma.local [hbm:s3], $0xF7A  }
0x26: {  	[smem:$0x3F9D] =	sst s1;
	(tag) =	ssettag s2;
	_ =	strace s9  }
0x27: {  	s1 =	sld [smem:$0x3FAD]  }
0x28: {  	s2 =	sld [smem:$0x3FAE]  }
0x29: {  	s4 =	sld [smem:$0x3FB0]  }
0x2a: {  	p0 =	seq.s32 s5, $0x0;
	s5 =	sld [smem:$0x3FB1]  }
0x2b: {  	s6 =	sld [smem:$0x3FB2]  }
0x2c: {  	s7 =	sld [smem:$0x3FB3]  }
0x2d: {  	s3 =	simm.s32 $0x108;
	s8 =	sld [smem:$0x3FB4]  }
0x2e: {  	s3 =	simm.s32 @!p0 $0x1082;
	s9 =	sld [smem:$0x3FB5]  }
0x2f: {  	lr =	sadd.s32 s0, s3;
	s0 =	sld [smem:$0x3FAC]  }
0x30: {  	s3 =	sld [smem:$0x3FAF]  }
0x31: {  	[smem:$0x3FB8] =	sst s10  }
0x32: {  	s10 =	sld [smem:$0x3FB6];
	_ =	sdelay $0x3  }
0x33: {  	p0 =	seq.s32 s10, $0x1;
	s10 =	sld [smem:$0x3FB8];
	_ =	sdelay $0x3  }
0x34: {  	[smem:$0x3FB8] =	sst s10  }
0x35: {  	s10 =	sld [smem:$0x3FB7];
	_ =	sdelay $0x3  }
0x36: {  	p1 =	seq.s32 s10, $0x1;
	s10 =	sld [smem:$0x3FB8];
	_ =	sdelay $0x3  }
0x37: {  	[smem:$0x3FB8] =	sst s10  }
0x38: {  	s10 =	sld [smem:$0x3FB9]  }
0x39: {  	_ = 	snop;
	(pc) =	sbr.ind lr, $3  }
0x3a: {  	_ = 	snop  }
0x3b: {  	_ = 	snop  }
0x3c: {  	p2 =	seq.s32 s10, $0x1;
	s10 =	sld [smem:$0x3FB8]  }
0x3d: {  	_ =	shalt  }
0x3e: {  	_ =	shalt  }
0x3f: {  	_ =	shalt  }
0x40: {  	_ =	shalt  }
0x41: {  	_ =	shalt  }
0x42: {  	_ =	shalt  }
0x43: {  	_ =	shalt  }
0x44: {  	_ =	shalt  }
0x45: {  	_ =	shalt  }
0x46: {  	_ =	shalt  }
0x47: {  	_ =	shalt  }
0x48: {  	_ =	shalt  }
0x49: {  	_ =	shalt  }
0x4a: {  	_ =	shalt  }
0x4b: {  	_ =	shalt  }
0x4c: {  	_ =	shalt  }
0x4d: {  	_ =	shalt  }
0x4e: {  	_ =	shalt  }
0x4f: {  	_ =	shalt  }
0x50: {  	_ =	shalt  }
0x51: {  	_ =	shalt  }
0x52: {  	_ =	shalt  }
0x53: {  	_ =	shalt  }
0x54: {  	_ =	shalt  }
0x55: {  	_ =	shalt  }
0x56: {  	_ =	shalt  }
0x57: {  	_ =	shalt  }
0x58: {  	_ =	shalt  }
0x59: {  	_ =	shalt  }
0x5a: {  	_ =	shalt  }
0x5b: {  	_ =	shalt  }
0x5c: {  	_ =	shalt  }
0x5d: {  	_ =	shalt  }
0x5e: {  	_ =	shalt  }
0x5f: {  	_ =	shalt  }
0x60: {  	_ =	shalt  }
0x61: {  	_ =	shalt  }
0x62: {  	_ =	shalt  }
0x63: {  	_ =	shalt  }
0x64: {  	_ =	shalt  }
0x65: {  	_ =	shalt  }
0x66: {  	_ =	shalt  }
0x67: {  	_ =	shalt  }
0x68: {  	_ =	shalt  }
0x69: {  	_ =	shalt  }
0x6a: {  	_ =	shalt  }
0x6b: {  	_ =	shalt  }
0x6c: {  	_ =	shalt  }
0x6d: {  	_ =	shalt  }
0x6e: {  	_ =	shalt  }
0x6f: {  	_ =	shalt  }
0x70: {  	_ =	shalt  }
0x71: {  	_ =	shalt  }
0x72: {  	_ =	shalt  }
0x73: {  	_ =	shalt  }
0x74: {  	_ =	shalt  }
0x75: {  	_ =	shalt  }
0x76: {  	_ =	shalt  }
0x77: {  	_ =	shalt  }
0x78: {  	_ =	shalt  }
0x79: {  	_ =	shalt  }
0x7a: {  	_ =	shalt  }
0x7b: {  	_ =	shalt  }
0x7c: {  	_ =	shalt  }
0x7d: {  	_ =	shalt  }
0x7e: {  	_ =	shalt  }
0x7f: {  	_ =	shalt  }
0x80: {  	_ =	shalt  }
0x81: {  	_ =	shalt  }
0x82: {  	_ =	shalt  }
0x83: {  	_ =	shalt  }
0x84: {  	_ =	shalt  }
0x85: {  	_ =	shalt  }
0x86: {  	_ =	shalt  }
0x87: {  	_ =	shalt  }
.Lfunc_end0:
.L_simem_size_0:
called_computation_lowered:
.L_overlay_start_0:
0x88: {  	s2 =	sld [smem:$0x3FD9]  }
0x89: {  	s3 =	sld [smem:$0x3FFE];
	_ =	sdelay $0x1  }
0x8a: {  	s1 =	srdreg.scid  }
0x8b: {  	s0 =	sand.u32 $0x1, s1  }
0x8c: {  	s17 =	sshll.u32 s0, $0xA;
	s2 =	sadd.s32 s3, s2  }
0x8d: {  	s2 =	sadd.s32 s2, s17  }
0x8e: {  	[smem:$0x3FC4] =	sst s2  }
0x8f: {  	_ = 	snop  }
0x90: {  	s2 =	sld [smem:$0x3FC9]  }
0x91: {  	s18 =	sld [smem:$0x3FD0];
	(tm) =	ssettm $0x1  }
0x92: {  	s4 =	sld [smem:$0x3FFB];
	_ =	sdelay $0x3  }
0x93: {  	_ =	strace s4  }
0x94: {  	s4 =	sld [smem:$0x3FFC];
	_ =	sdelay $0x3  }
0x95: {  	_ =	strace s4  }
0x96: {  	s4 =	sld [smem:$0x3FFD];
	_ =	sdelay $0x3  }
0x97: {  	_ =	strace s4  }
0x98: {  	_ =	strace $0x8FFFFFFF  }
0x99: {  	s19 =	sld [smem:$0x3FDB];
	_ =	sdelay $0x1  }
0x9a: {  	s5 =	simm.s32 $_scs_section_size  }
0x9b: {  	s6 =	simm.s32 $_size__tile_overlayer_lowered;
	s7 =	simm.s32 $_tile_overlayer_lowered  }
0x9c: {  	s22 =	simm.s32 $0x1BFF;
	s21 =	sshll.u32 s7, $0x1;
	s4 =	sadd.s32 s5, s19  }
0x9d: {  	s8 =	simm.s32 $0x0;
	s20 =	sshll.u32 s6, $0x1;
	s6 =	sadd.s32 s21, s4  }
0x9e: {  	[timem:s8], [sflag:s22] =	dma.local [hbm:s6], s20  }
0x9f: {  	_ =	swait.ge [sflag:s22], s20  }
0xa0: {  	s5 =	ssub.s32 $0x0, s20;
	[sflag:s22] =	ssyncset.done $0x0  }
0xa1: {  	[sflag:s22] =	ssyncadd.s32 s5;
	_ =	sdelay $0x1  }
0xa2: {  	s23 =	simm.s32 $0x1B8B  }
0xa3: {  	_ =	swait.ge [sflag:s23], $0x1  }
0xa4: {  	[sflag:s23] =	ssyncset.done $0x0  }
0xa5: {  	s25 =	simm.s32 $0x1B8E;
	s24 =	sld [smem:$0x3FFE];
	[sflag:s23] =	ssyncadd.s32 $0xFFFFFFFF  }
0xa6: {  	s26 =	simm.s32 $execute0_lowered;
	[smem:$0x3FD2] =	sst s25  }
0xa7: {  	s6 =	sshll.u32 s26, $0x1;
	_ =	strace $0x80000046;
	[dreg:$0x1] =	wrdreg $0xFFFFFFFF  }
0xa8: {  	s28 =	simm.s32 $_size_execute0_lowered;
	s4 =	sadd.s32 s4, s6;
	[dreg:$0x0] =	wrdreg $0x0  }
0xa9: {  	s6 =	sshll.u32 s28, $0x1;
	[dreg:$0x2] =	wrdreg s4  }
0xaa: {  	[dreg:$0x3] =	wrdreg s6  }
0xab: {  	[dreg:$0x4] =	wrdreg $0xC0  }
0xac: {  	_ =	task [dreg:s8], $0x5FFFF  }
0xad: {  	[dreg:$0x1] =	wrdreg $0xFFFFFFFF  }
0xae: {  	[dreg:$0x0] =	wrdreg $0x60  }
0xaf: {  	[dreg:$0x2] =	wrdreg s2  }
0xb0: {  	[dreg:$0x3] =	wrdreg s24  }
0xb1: {  	[dreg:$0x4] =	wrdreg s18  }
0xb2: {  	[dreg:$0x5] =	wrdreg $0x9  }
0xb3: {  	_ =	task.clear_ibuf [dreg:s8], $0x6FFFF;
	_ =	strace $0x90000046  }
0xb4: {  	s29 =	simm.s32 $0x9;
	_ =	strace $0x80000048  }
0xb5: {  	_ =	swait.ge [sflag:s29], $0x1  }
0xb6: {  	[sflag:s29] =	ssyncadd.s32 $0xFFFFFFFF  }
0xb7: {  	_ =	strace $0x90000048  }
0xb8: {  	_ =	sfence  }
0xb9: {  	s30 =	sld [smem:$0x0];
	_ =	sdelay $0x2  }
0xba: {  	s31 =	sshll.u32 s1, $0xD;
	s1 =	sshrl.u32 s1, $0x2  }
0xbb: {  	s3 =	sand.u32 $0x4000, s31;
	s1 =	sadd.s32 s1, s30  }
0xbc: {  	s0 =	sor.u32 s3, s0;
	s1 =	sshll.u32 s1, $0x11  }
0xbd: {  	s0 =	sor.u32 s1, s0  }
0xbe: {  	s0 =	sadd.s32 $0x8F2B, s0  }
0xbf: {  	[sflag:s0] =	ssyncadd.remote.s32 $0x1  }
0xc0: {  	_ =	sfence.sel $0xFFFF  }
0xc1: {  	[dreg:$0x0] =	wrdreg $0xFFFFFFFF;
	(pc) =	sbr.abs _section_cstart, $3  }
0xc2: {  	[dreg:$0x1] =	wrdreg $0xFFFFFFFF  }
0xc3: {  	_ =	task.clear_ibuf [dreg:s8], $0x2FFFF;
	_ =	strace $0x9FFFFFFF  }
0xc4: {  	(tm) =	ssettm $0x7FFFFFFF  }
0xc5: {  	_ =	shalt  }
tec
execute0_lowered:
.L_overlay_start_1:
0x0: {  	(tag) =	ssettag $0x1  }
0x1: {  	s1 =	rddreg [dreg:$0x0];
	s0 =	srdreg.scid  }
0x2: {  	s3 =	stileid.u32;
	s2 =	rddreg [dreg:$0x1];
	s10 =	simm.s32 $0x1880  }
0x3: {  	s11 =	simm.s32 $0x11100;
	s12 =	simm.s32 $0x6;
	s14 =	simm.s32 $0x11180  }
0x4: {  	s15 =	simm.s32 $0x5;
	s16 =	simm.s32 $0x1;
	s17 =	simm.s32 $0x2  }
0x5: {  	s18 =	simm.s32 $0x70;
	s19 =	simm.s32 $0x3100;
	s20 =	simm.s32 $0x6900  }
0x6: {  	s21 =	simm.s32 $0xA100;
	s0 =	sand.u32 $0x1, s0;
	s4 =	sshll.u32 s3, $0x1  }
0x7: {  	s22 =	simm.s32 $0x18F0;
	s23 =	simm.s32 $0xD900;
	s5 =	sor.u32 s0, s4  }
0x8: {  	s24 =	simm.s32 $0x3;
	s25 =	simm.s32 $0x12180;
	s5 =	smul.u32 $0x310, s5  }
.Ltmp0:
0x9: {  	s26 =	simm.s32 $0x13A00;
	s0 =	ssub.s32 $0x2, s0;
	(pc) =	sbr.rel .LBB2_1-.Ltmp0, $4  }
0xa: {  	v0 =	vlaneseq.u32;
	s28 =	simm.s32 $0x0;
	s4 =	simm.s32 $0x0;
	s31 =	sshrl.u32 s0, $0x1  }
0xb: {  	v0 =	vmul.u32 $0x80, v0;
	[smem:$0x7FF] =	sst s4;
	s0 =	ssub.s32 s0, s31;
	s2 =	sadd.s32 s5, s2  }
0xc: {  	_ =	strace $0x80000047;
	s9 =	smax.u32 s0, $0x1;
	s5 =	sadd.s32 $0xC00, s2  }
0xd: {  	v1 =	vor.u32 $0x800, v0;
	v2 =	vor.u32 $0x1000, v0;
	s6 =	sadd.s32 $0x6E00, s2;
	s7 =	sadd.s32 $0xD000, s2;
	s8 =	sadd.s32 $0x13200, s2  }
.LBB2_32:
0xe: {  	[hbm4b:s7+s4] =	stream.linear.scatter [tilespmem:s25], [sflag:$0x6], $0x1880, $0x38;
	[tilespmem:$0x15280] =	vst v63  }
0xf: {  	s28 =	sadd.s32 $0x1, s28;
	_ =	swait.ge [sflag:s12], $0x1880  }
0x10: {  	p0 =	sne.s32 s28, s9;
	[sflag:s12] =	ssyncset.done $0x0  }
.Ltmp1:
0x11: {  	[sflag:s12] =	ssyncadd.s32 $0xFFFFE780;
	(pc) =	sbr.rel @!p0 .LBB2_33-.Ltmp1, $4  }
0x12: {  	[hbm4b:s8+s4] =	stream.linear.scatter [tilespmem:s26], [sflag:$0x6], $0x1880, $0x38;
	[tilespmem:$0x15280] =	vst v63  }
0x13: {  	_ =	swait.ge [sflag:s12], $0x1880  }
0x14: {  	[sflag:s12] =	ssyncset.done $0x0  }
0x15: {  	[sflag:s12] =	ssyncadd.s32 $0xFFFFE780  }
.LBB2_1:
0x16: {  	[tilespmem:s4], [sflag:$0x1] =	stream.linear.gather [hbm4b:s5+s4], $0x1880, $0x38;
	[tilespmem:$0x15280] =	vst v63  }
0x17: {  	_ = 	snop  }
0x18: {  	[tilespmem:s10], [sflag:$0x2] =	stream.linear.gather [hbm4b:s6+s4], $0x1880, $0x38;
	[tilespmem:$0x15280] =	vst v63  }
0x19: {  	s0 =	rddreg [dreg:$0x2]  }
0x1a: {  	[tilespmem:s11], [sflag:$0x6] =	stream.linear.gather [hbm4b:s0+s4], $0x80, $0x38;
	[tilespmem:$0x15280] =	vst v63  }
0x1b: {  	_ =	swait.ge [sflag:s12], $0x80  }
0x1c: {  	[sflag:s12] =	ssyncset.done $0x0  }
0x1d: {  	s13 =	simm.s32 $0x20;
	[sflag:s12] =	ssyncadd.s32 $0xFFFFFF80  }
0x1e: {  	[tilespmem:s14], [sflag:$0x5] =	stream.indirect.gather [hbm4b:s1+s13], $0x80, s11, s13, $0xb8;
	[tilespmem:$0x15280] =	vst v63  }
0x1f: {  	_ =	swait.ge [sflag:s15], $0x1000  }
0x20: {  	[sflag:s15] =	ssyncset.done $0x0  }
0x21: {  	[sflag:s15] =	ssyncadd.s32 $0xFFFFF000  }
0x22: {  	v3 =	vld [tilespmem:$0x11180]  }
0x23: {  	v4 =	vld [tilespmem:$0x11200];
	_ =	sdelay $0x1  }
0x24: {  	v5 =	vld [tilespmem:$0x11280];
	_ =	sdelay $0x1  }
0x25: {  	v6 =	vld [tilespmem:$0x11300]  }
0x26: {  	v3 =	vadd.f32 v4, v3  }
0x27: {  	v10 =	vld [tilespmem:$0x11380]  }
0x28: {  	v3 =	vadd.f32 v5, v3  }
0x29: {  	v11 =	vld [tilespmem:$0x11400]  }
0x2a: {  	v3 =	vadd.f32 v6, v3  }
0x2b: {  	v12 =	vld [tilespmem:$0x11480]  }
0x2c: {  	v3 =	vadd.f32 v10, v3  }
0x2d: {  	v13 =	vld [tilespmem:$0x11500]  }
0x2e: {  	v3 =	vadd.f32 v11, v3  }
0x2f: {  	v14 =	vld [tilespmem:$0x11580]  }
0x30: {  	v3 =	vadd.f32 v12, v3  }
0x31: {  	v15 =	vld [tilespmem:$0x11600]  }
0x32: {  	v3 =	vadd.f32 v13, v3  }
0x33: {  	v16 =	vld [tilespmem:$0x11680]  }
0x34: {  	v3 =	vadd.f32 v14, v3  }
0x35: {  	v17 =	vld [tilespmem:$0x11700]  }
0x36: {  	v3 =	vadd.f32 v15, v3  }
0x37: {  	v18 =	vld [tilespmem:$0x11780]  }
0x38: {  	v3 =	vadd.f32 v16, v3  }
0x39: {  	v19 =	vld [tilespmem:$0x11800]  }
0x3a: {  	v3 =	vadd.f32 v17, v3  }
0x3b: {  	v20 =	vld [tilespmem:$0x11880]  }
0x3c: {  	v3 =	vadd.f32 v18, v3  }
0x3d: {  	v21 =	vld [tilespmem:$0x11900]  }
0x3e: {  	v3 =	vadd.f32 v19, v3  }
0x3f: {  	v22 =	vld [tilespmem:$0x11980]  }
0x40: {  	v3 =	vadd.f32 v20, v3  }
0x41: {  	v23 =	vld [tilespmem:$0x11A00]  }
0x42: {  	v3 =	vadd.f32 v21, v3  }
0x43: {  	v24 =	vld [tilespmem:$0x11A80]  }
0x44: {  	v3 =	vadd.f32 v22, v3  }
0x45: {  	v25 =	vld [tilespmem:$0x11B00]  }
0x46: {  	v3 =	vadd.f32 v23, v3;
	_ =	sdelay $0x1  }
0x47: {  	v3 =	vadd.f32 v24, v3;
	_ =	sdelay $0x1  }
0x48: {  	v3 =	vadd.f32 v25, v3;
	_ =	sdelay $0x1  }
0x49: {  	(v2sf) =	vpush v3, $0x0  }
0x4a: {  	(v2sf) =	vpush v3, $0x1  }
0x4b: {  	(v2sf) =	vpush v3, $0x2  }
0x4c: {  	(v2sf) =	vpush v3, $0x3  }
0x4d: {  	(v2sf) =	vpush v3, $0x4  }
0x4e: {  	(v2sf) =	vpush v3, $0x5  }
0x4f: {  	(v2sf) =	vpush v3, $0x6  }
0x50: {  	(v2sf) =	vpush v3, $0x7  }
0x51: {  	(v2sf) =	vpush v3, $0x8  }
0x52: {  	(v2sf) =	vpush v3, $0x9  }
0x53: {  	(v2sf) =	vpush v3, $0xA;
	_ =	sdelay $0x4  }
0x54: {  	s30 =	spop (v2sf)  }
0x55: {  	[smem:$0x0] =	sst s30;
	s31 =	spop (v2sf)  }
0x56: {  	[smem:$0x1] =	sst s31;
	s2 =	spop (v2sf)  }
0x57: {  	[smem:$0x2] =	sst s2;
	s3 =	spop (v2sf)  }
0x58: {  	[smem:$0x3] =	sst s3;
	s13 =	spop (v2sf)  }
0x59: {  	[smem:$0x4] =	sst s13;
	s30 =	spop (v2sf)  }
0x5a: {  	[smem:$0x5] =	sst s30;
	s31 =	spop (v2sf)  }
0x5b: {  	[smem:$0x6] =	sst s31;
	s2 =	spop (v2sf)  }
0x5c: {  	[smem:$0x7] =	sst s2;
	s3 =	spop (v2sf)  }
0x5d: {  	[smem:$0x8] =	sst s3;
	s13 =	spop (v2sf)  }
0x5e: {  	[smem:$0x9] =	sst s13;
	s30 =	spop (v2sf)  }
0x5f: {  	[smem:$0xA] =	sst s30  }
0x60: {  	v26 =	vld [tilespmem:$0x11190]  }
0x61: {  	v27 =	vld [tilespmem:$0x11210]  }
0x62: {  	v28 =	vld [tilespmem:$0x11290]  }
0x63: {  	v7 =	vld [tilespmem:$0x11310]  }
0x64: {  	v8 =	vld [tilespmem:$0x11390]  }
0x65: {  	v9 =	vld [tilespmem:$0x11410]  }
0x66: {  	v10 =	vld [tilespmem:$0x11490]  }
0x67: {  	v11 =	vld [tilespmem:$0x11510]  }
0x68: {  	v12 =	vld [tilespmem:$0x11590]  }
0x69: {  	v13 =	vld [tilespmem:$0x11610]  }
0x6a: {  	v14 =	vld [tilespmem:$0x11690]  }
0x6b: {  	v15 =	vld [tilespmem:$0x11710]  }
0x6c: {  	v16 =	vld [tilespmem:$0x11790]  }
0x6d: {  	v17 =	vld [tilespmem:$0x11810]  }
0x6e: {  	v18 =	vld [tilespmem:$0x11890]  }
0x6f: {  	v19 =	vld [tilespmem:$0x11910]  }
0x70: {  	v29 =	vld [tilespmem:$0x11990]  }
0x71: {  	v20 =	vld [tilespmem:$0x111A0]  }
0x72: {  	v30 =	vld [tilespmem:$0x11220]  }
0x73: {  	v21 =	vld [tilespmem:$0x11A10]  }
0x74: {  	v31 =	vld [tilespmem:$0x112A0];
	v4 =	vadd.f32 v27, v26  }
0x75: {  	v22 =	vld [tilespmem:$0x11A90]  }
0x76: {  	v32 =	vld [tilespmem:$0x11320];
	v4 =	vadd.f32 v28, v4  }
0x77: {  	v33 =	vld [tilespmem:$0x11B10]  }
0x78: {  	v34 =	vld [tilespmem:$0x113A0];
	v4 =	vadd.f32 v7, v4  }
0x79: {  	v35 =	vld [tilespmem:$0x11420];
	v6 =	vadd.f32 v30, v20  }
0x7a: {  	v36 =	vld [tilespmem:$0x114A0];
	v4 =	vadd.f32 v8, v4  }
0x7b: {  	v37 =	vld [tilespmem:$0x11520];
	v6 =	vadd.f32 v31, v6  }
0x7c: {  	v38 =	vld [tilespmem:$0x115A0];
	v4 =	vadd.f32 v9, v4  }
0x7d: {  	v39 =	vld [tilespmem:$0x11620];
	v6 =	vadd.f32 v32, v6  }
0x7e: {  	v40 =	vld [tilespmem:$0x116A0];
	v4 =	vadd.f32 v10, v4  }
0x7f: {  	v41 =	vld [tilespmem:$0x11720];
	v6 =	vadd.f32 v34, v6  }
0x80: {  	v42 =	vld [tilespmem:$0x117A0];
	v4 =	vadd.f32 v11, v4  }
0x81: {  	v43 =	vld [tilespmem:$0x11820];
	v6 =	vadd.f32 v35, v6  }
0x82: {  	v44 =	vld [tilespmem:$0x111B0];
	v4 =	vadd.f32 v12, v4  }
0x83: {  	v45 =	vld [tilespmem:$0x11230];
	v6 =	vadd.f32 v36, v6  }
0x84: {  	v46 =	vld [tilespmem:$0x118A0];
	v4 =	vadd.f32 v13, v4  }
0x85: {  	v47 =	vld [tilespmem:$0x112B0];
	v6 =	vadd.f32 v37, v6  }
0x86: {  	v48 =	vld [tilespmem:$0x11920];
	v4 =	vadd.f32 v14, v4  }
0x87: {  	v49 =	vld [tilespmem:$0x11330];
	v6 =	vadd.f32 v38, v6  }
0x88: {  	v50 =	vld [tilespmem:$0x119A0];
	v4 =	vadd.f32 v15, v4  }
0x89: {  	v51 =	vld [tilespmem:$0x113B0];
	v6 =	vadd.f32 v39, v6  }
0x8a: {  	v52 =	vld [tilespmem:$0x11A20];
	v4 =	vadd.f32 v16, v4  }
0x8b: {  	v53 =	vld [tilespmem:$0x11430];
	(v2sf) =	vpush v3, $0xB;
	v6 =	vadd.f32 v40, v6  }
0x8c: {  	v54 =	vld [tilespmem:$0x11AA0];
	v8 =	vadd.f32 v45, v44;
	v4 =	vadd.f32 v17, v4  }
0x8d: {  	v55 =	vld [tilespmem:$0x114B0];
	(v2sf) =	vpush v3, $0xC;
	v6 =	vadd.f32 v41, v6  }
0x8e: {  	v57 =	vld [tilespmem:$0x11B20];
	v8 =	vadd.f32 v47, v8;
	v4 =	vadd.f32 v18, v4  }
0x8f: {  	v24 =	vld [tilespmem:$0x111C0];
	(v2sf) =	vpush v3, $0xD;
	v6 =	vadd.f32 v42, v6  }
0x90: {  	v25 =	vld [tilespmem:$0x11240];
	v8 =	vadd.f32 v49, v8;
	v4 =	vadd.f32 v19, v4  }
0x91: {  	v58 =	vld [tilespmem:$0x11530];
	(v2sf) =	vpush v3, $0xE;
	v6 =	vadd.f32 v43, v6  }
0x92: {  	v28 =	vld [tilespmem:$0x112C0];
	v56 =	vadd.f32 v51, v8;
	v4 =	vadd.f32 v29, v4  }
0x93: {  	v59 =	vld [tilespmem:$0x115B0];
	(v2sf) =	vpush v3, $0xF;
	v6 =	vadd.f32 v46, v6  }
0x94: {  	v31 =	vld [tilespmem:$0x11340];
	v5 =	vadd.f32 v53, v56;
	v4 =	vadd.f32 v21, v4  }
0x95: {  	v60 =	vld [tilespmem:$0x11630];
	v11 =	vadd.f32 v25, v24;
	v6 =	vadd.f32 v48, v6  }
0x96: {  	v61 =	vld [tilespmem:$0x116B0];
	v5 =	vadd.f32 v55, v5;
	v4 =	vadd.f32 v22, v4  }
0x97: {  	v62 =	vld [tilespmem:$0x11730];
	v11 =	vadd.f32 v28, v11;
	v6 =	vadd.f32 v50, v6  }
0x98: {  	v23 =	vld [tilespmem:$0x118B0];
	v20 =	vadd.f32 v58, v5;
	v63 =	vadd.f32 v33, v4  }
0x99: {  	v44 =	vld [tilespmem:$0x11250];
	v9 =	vadd.f32 v31, v11;
	v6 =	vadd.f32 v52, v6  }
0x9a: {  	v4 =	vadd.f32 v59, v20;
	v33 =	vld [tilespmem:$0x113C0];
	(v2sf) =	vpush v63, $0x0  }
0x9b: {  	v43 =	vld [tilespmem:$0x111D0];
	v3 =	vadd.f32 v54, v6;
	(v2sf) =	vpush v63, $0x1  }
0x9c: {  	v26 =	vld [tilespmem:$0x11930];
	v4 =	vadd.f32 v60, v4;
	(v2sf) =	vpush v63, $0x2  }
0x9d: {  	v35 =	vld [tilespmem:$0x11440];
	v29 =	vadd.f32 v57, v3;
	(v2sf) =	vpush v63, $0x3  }
0x9e: {  	v21 =	vld [tilespmem:$0x117B0];
	v27 =	vadd.f32 v61, v4;
	(v2sf) =	vpush v63, $0x4  }
0x9f: {  	v37 =	vld [tilespmem:$0x114C0];
	v8 =	vadd.f32 v33, v9;
	(v2sf) =	vpush v63, $0x5  }
0xa0: {  	v22 =	vld [tilespmem:$0x11830];
	v9 =	vadd.f32 v44, v43;
	(v2sf) =	vpush v63, $0x6  }
0xa1: {  	v38 =	vld [tilespmem:$0x11540];
	v30 =	vadd.f32 v62, v27;
	(v2sf) =	vpush v63, $0x7  }
0xa2: {  	v32 =	vld [tilespmem:$0x11A30];
	v8 =	vadd.f32 v35, v8;
	(v2sf) =	vpush v63, $0x8  }
0xa3: {  	v39 =	vld [tilespmem:$0x115C0];
	v5 =	vadd.f32 v21, v30;
	(v2sf) =	vpush v63, $0x9  }
0xa4: {  	s0 =	spop (v2sf);
	v46 =	vld [tilespmem:$0x112D0];
	v7 =	vadd.f32 v37, v8;
	(v2sf) =	vpush v63, $0xA  }
0xa5: {  	v34 =	vld [tilespmem:$0x11AB0];
	[smem:$0xB] =	sst s0;
	s31 =	spop (v2sf);
	v5 =	vadd.f32 v22, v5;
	(v2sf) =	vpush v63, $0xB  }
0xa6: {  	[smem:$0xC] =	sst s31;
	s2 =	spop (v2sf);
	v40 =	vld [tilespmem:$0x11640];
	v7 =	vadd.f32 v38, v7;
	(v2sf) =	vpush v63, $0xC  }
0xa7: {  	[smem:$0xD] =	sst s2;
	s3 =	spop (v2sf);
	v48 =	vld [tilespmem:$0x11350];
	v5 =	vadd.f32 v23, v5;
	(v2sf) =	vpush v63, $0xD  }
0xa8: {  	[smem:$0xE] =	sst s3;
	s13 =	spop (v2sf);
	v3 =	vld [tilespmem:$0x119B0];
	v6 =	vadd.f32 v39, v7;
	(v2sf) =	vpush v63, $0xE  }
0xa9: {  	[smem:$0xF] =	sst s13;
	v41 =	vld [tilespmem:$0x116C0];
	v7 =	vadd.f32 v46, v9;
	(v2sf) =	vpush v63, $0xF;
	s30 =	spop (v2sf)  }
0xaa: {  	v50 =	vld [tilespmem:$0x113D0];
	v5 =	vadd.f32 v26, v5;
	[smem:$0x10] =	sst s30;
	s31 =	spop (v2sf);
	(v2sf) =	vpush v29, $0x0  }
0xab: {  	v45 =	vld [tilespmem:$0x117C0];
	v6 =	vadd.f32 v40, v6;
	[smem:$0x11] =	sst s31;
	s2 =	spop (v2sf);
	(v2sf) =	vpush v29, $0x1  }
0xac: {  	v42 =	vld [tilespmem:$0x11740];
	v7 =	vadd.f32 v48, v7;
	[smem:$0x12] =	sst s2;
	s3 =	spop (v2sf);
	(v2sf) =	vpush v29, $0x2  }
0xad: {  	v52 =	vld [tilespmem:$0x11450];
	v3 =	vadd.f32 v3, v5;
	[smem:$0x13] =	sst s3;
	s13 =	spop (v2sf);
	(v2sf) =	vpush v29, $0x3  }
0xae: {  	v47 =	vld [tilespmem:$0x11840];
	v5 =	vadd.f32 v41, v6;
	[smem:$0x14] =	sst s13;
	s30 =	spop (v2sf);
	(v2sf) =	vpush v29, $0x4  }
0xaf: {  	v36 =	vld [tilespmem:$0x11B30];
	v6 =	vadd.f32 v50, v7;
	[smem:$0x15] =	sst s30;
	s31 =	spop (v2sf);
	(v2sf) =	vpush v29, $0x5  }
0xb0: {  	v54 =	vld [tilespmem:$0x114D0];
	v3 =	vadd.f32 v32, v3;
	[smem:$0x16] =	sst s31;
	s2 =	spop (v2sf);
	(v2sf) =	vpush v29, $0x6  }
0xb1: {  	v49 =	vld [tilespmem:$0x118C0];
	v5 =	vadd.f32 v42, v5;
	[smem:$0x17] =	sst s2;
	s3 =	spop (v2sf);
	(v2sf) =	vpush v29, $0x7  }
0xb2: {  	v51 =	vld [tilespmem:$0x11940];
	v6 =	vadd.f32 v52, v6;
	[smem:$0x18] =	sst s3;
	s13 =	spop (v2sf);
	(v2sf) =	vpush v29, $0x8  }
0xb3: {  	v56 =	vld [tilespmem:$0x11550];
	v3 =	vadd.f32 v34, v3;
	[smem:$0x19] =	sst s13;
	s30 =	spop (v2sf);
	(v2sf) =	vpush v29, $0x9  }
0xb4: {  	v58 =	vld [tilespmem:$0x115D0];
	v5 =	vadd.f32 v45, v5;
	[smem:$0x1A] =	sst s30;
	s31 =	spop (v2sf);
	(v2sf) =	vpush v29, $0xA  }
0xb5: {  	v35 =	vld [tilespmem:$0x11270];
	v6 =	vadd.f32 v54, v6;
	[smem:$0x1B] =	sst s31;
	s2 =	spop (v2sf);
	(v2sf) =	vpush v29, $0xB  }
0xb6: {  	v34 =	vld [tilespmem:$0x111F0];
	v3 =	vadd.f32 v36, v3;
	[smem:$0x1C] =	sst s2;
	s3 =	spop (v2sf);
	(v2sf) =	vpush v29, $0xC  }
0xb7: {  	v17 =	vld [tilespmem:$0x111E0];
	v5 =	vadd.f32 v47, v5;
	[smem:$0x1D] =	sst s3;
	s13 =	spop (v2sf);
	(v2sf) =	vpush v29, $0xD  }
0xb8: {  	v61 =	vld [tilespmem:$0x11650];
	v6 =	vadd.f32 v56, v6;
	[smem:$0x1E] =	sst s13;
	s30 =	spop (v2sf);
	(v2sf) =	vpush v29, $0xE  }
0xb9: {  	v18 =	vld [tilespmem:$0x11260];
	v5 =	vadd.f32 v49, v5;
	(v2sf) =	vpush v29, $0xF;
	[smem:$0x1F] =	sst s30;
	s31 =	spop (v2sf)  }
0xba: {  	v37 =	vld [tilespmem:$0x112F0];
	v6 =	vadd.f32 v58, v6;
	[smem:$0x20] =	sst s31;
	s2 =	spop (v2sf);
	(v2sf) =	vpush v3, $0x0  }
0xbb: {  	v53 =	vld [tilespmem:$0x119C0];
	v7 =	vadd.f32 v35, v34;
	[smem:$0x21] =	sst s2;
	s3 =	spop (v2sf);
	(v2sf) =	vpush v3, $0x1  }
0xbc: {  	v62 =	vld [tilespmem:$0x116D0];
	v60 =	vadd.f32 v51, v5;
	[smem:$0x22] =	sst s3;
	s13 =	spop (v2sf);
	(v2sf) =	vpush v3, $0x2  }
0xbd: {  	v20 =	vld [tilespmem:$0x112E0];
	v5 =	vadd.f32 v61, v6;
	[smem:$0x23] =	sst s13;
	s30 =	spop (v2sf);
	(v2sf) =	vpush v3, $0x3  }
0xbe: {  	v39 =	vld [tilespmem:$0x11370];
	v6 =	vadd.f32 v18, v17;
	[smem:$0x24] =	sst s30;
	s31 =	spop (v2sf);
	(v2sf) =	vpush v3, $0x4  }
0xbf: {  	v55 =	vld [tilespmem:$0x11A40];
	v7 =	vadd.f32 v37, v7;
	[smem:$0x25] =	sst s31;
	s2 =	spop (v2sf);
	(v2sf) =	vpush v3, $0x5  }
0xc0: {  	v63 =	vld [tilespmem:$0x11750];
	v4 =	vadd.f32 v53, v60;
	[smem:$0x26] =	sst s2;
	s3 =	spop (v2sf);
	(v2sf) =	vpush v3, $0x6  }
0xc1: {  	v57 =	vld [tilespmem:$0x11AC0];
	v5 =	vadd.f32 v62, v5;
	[smem:$0x27] =	sst s3;
	s13 =	spop (v2sf);
	(v2sf) =	vpush v3, $0x7  }
0xc2: {  	v22 =	vld [tilespmem:$0x11360];
	v6 =	vadd.f32 v20, v6;
	[smem:$0x28] =	sst s13;
	s30 =	spop (v2sf);
	(v2sf) =	vpush v3, $0x8  }
0xc3: {  	v59 =	vld [tilespmem:$0x11B40];
	v7 =	vadd.f32 v39, v7;
	[smem:$0x29] =	sst s30;
	s31 =	spop (v2sf);
	(v2sf) =	vpush v3, $0x9  }
0xc4: {  	v16 =	vld [tilespmem:$0x117D0];
	v4 =	vadd.f32 v55, v4;
	[smem:$0x2A] =	sst s31;
	s2 =	spop (v2sf);
	(v2sf) =	vpush v3, $0xA  }
0xc5: {  	v24 =	vld [tilespmem:$0x113E0];
	v5 =	vadd.f32 v63, v5;
	[smem:$0x2B] =	sst s2;
	s3 =	spop (v2sf);
	(v2sf) =	vpush v3, $0xB  }
0xc6: {  	v19 =	vld [tilespmem:$0x11850];
	v4 =	vadd.f32 v57, v4;
	[smem:$0x2C] =	sst s3;
	s13 =	spop (v2sf);
	(v2sf) =	vpush v3, $0xC  }
0xc7: {  	v26 =	vld [tilespmem:$0x11460];
	v6 =	vadd.f32 v22, v6;
	[smem:$0x2D] =	sst s13;
	s30 =	spop (v2sf);
	(v2sf) =	vpush v3, $0xD  }
0xc8: {  	v21 =	vld [tilespmem:$0x118D0];
	v4 =	vadd.f32 v59, v4;
	[smem:$0x2E] =	sst s30;
	s31 =	spop (v2sf);
	(v2sf) =	vpush v3, $0xE  }
0xc9: {  	v28 =	vld [tilespmem:$0x114E0];
	v5 =	vadd.f32 v16, v5;
	(v2sf) =	vpush v3, $0xF;
	[smem:$0x2F] =	sst s31;
	s2 =	spop (v2sf)  }
0xca: {  	v23 =	vld [tilespmem:$0x11950];
	v3 =	vadd.f32 v24, v6;
	[smem:$0x30] =	sst s2;
	s3 =	spop (v2sf);
	(v2sf) =	vpush v4, $0x0  }
0xcb: {  	v30 =	vld [tilespmem:$0x11560];
	v5 =	vadd.f32 v19, v5;
	[smem:$0x31] =	sst s3;
	s13 =	spop (v2sf);
	(v2sf) =	vpush v4, $0x1  }
0xcc: {  	v25 =	vld [tilespmem:$0x119D0];
	v3 =	vadd.f32 v26, v3;
	[smem:$0x32] =	sst s13;
	s30 =	spop (v2sf);
	(v2sf) =	vpush v4, $0x2  }
0xcd: {  	v32 =	vld [tilespmem:$0x115E0];
	v5 =	vadd.f32 v21, v5;
	[smem:$0x33] =	sst s30;
	s31 =	spop (v2sf);
	(v2sf) =	vpush v4, $0x3  }
0xce: {  	v27 =	vld [tilespmem:$0x11A50];
	v3 =	vadd.f32 v28, v3;
	[smem:$0x34] =	sst s31;
	s2 =	spop (v2sf);
	(v2sf) =	vpush v4, $0x4  }
0xcf: {  	v33 =	vld [tilespmem:$0x11660];
	v5 =	vadd.f32 v23, v5;
	[smem:$0x35] =	sst s2;
	s3 =	spop (v2sf);
	(v2sf) =	vpush v4, $0x5  }
0xd0: {  	v29 =	vld [tilespmem:$0x11AD0];
	v3 =	vadd.f32 v30, v3;
	[smem:$0x36] =	sst s3;
	s13 =	spop (v2sf);
	(v2sf) =	vpush v4, $0x6  }
0xd1: {  	v36 =	vld [tilespmem:$0x116E0];
	v5 =	vadd.f32 v25, v5;
	[smem:$0x37] =	sst s13;
	s30 =	spop (v2sf);
	(v2sf) =	vpush v4, $0x7  }
0xd2: {  	v31 =	vld [tilespmem:$0x11B50];
	v3 =	vadd.f32 v32, v3;
	[smem:$0x38] =	sst s30;
	s31 =	spop (v2sf);
	(v2sf) =	vpush v4, $0x8  }
0xd3: {  	v38 =	vld [tilespmem:$0x11760];
	v5 =	vadd.f32 v27, v5;
	[smem:$0x39] =	sst s31;
	s2 =	spop (v2sf);
	(v2sf) =	vpush v4, $0x9  }
0xd4: {  	v41 =	vld [tilespmem:$0x113F0];
	v3 =	vadd.f32 v33, v3;
	[smem:$0x3A] =	sst s2;
	s3 =	spop (v2sf);
	(v2sf) =	vpush v4, $0xA  }
0xd5: {  	v40 =	vld [tilespmem:$0x117E0];
	v5 =	vadd.f32 v29, v5;
	[smem:$0x3B] =	sst s3;
	s13 =	spop (v2sf);
	(v2sf) =	vpush v4, $0xB  }
0xd6: {  	v43 =	vld [tilespmem:$0x11470];
	v3 =	vadd.f32 v36, v3;
	[smem:$0x3C] =	sst s13;
	s30 =	spop (v2sf);
	(v2sf) =	vpush v4, $0xC  }
0xd7: {  	v42 =	vld [tilespmem:$0x11860];
	v5 =	vadd.f32 v31, v5;
	[smem:$0x3D] =	sst s30;
	s31 =	spop (v2sf);
	(v2sf) =	vpush v4, $0xD  }
0xd8: {  	v45 =	vld [tilespmem:$0x114F0];
	v3 =	vadd.f32 v38, v3;
	[smem:$0x3E] =	sst s31;
	s2 =	spop (v2sf);
	(v2sf) =	vpush v4, $0xE  }
0xd9: {  	v44 =	vld [tilespmem:$0x118E0];
	v6 =	vadd.f32 v41, v7;
	(v2sf) =	vpush v4, $0xF;
	[smem:$0x3F] =	sst s2;
	s3 =	spop (v2sf)  }
0xda: {  	v47 =	vld [tilespmem:$0x11570];
	v3 =	vadd.f32 v40, v3;
	[smem:$0x40] =	sst s3;
	s13 =	spop (v2sf);
	(v2sf) =	vpush v5, $0x0  }
0xdb: {  	v46 =	vld [tilespmem:$0x11960];
	v6 =	vadd.f32 v43, v6;
	[smem:$0x41] =	sst s13;
	s30 =	spop (v2sf);
	(v2sf) =	vpush v5, $0x1  }
0xdc: {  	v49 =	vld [tilespmem:$0x115F0];
	v3 =	vadd.f32 v42, v3;
	[smem:$0x42] =	sst s30;
	s31 =	spop (v2sf);
	(v2sf) =	vpush v5, $0x2  }
0xdd: {  	v48 =	vld [tilespmem:$0x119E0];
	v4 =	vadd.f32 v45, v6;
	[smem:$0x43] =	sst s31;
	s2 =	spop (v2sf);
	(v2sf) =	vpush v5, $0x3  }
0xde: {  	v51 =	vld [tilespmem:$0x11670];
	v3 =	vadd.f32 v44, v3;
	[smem:$0x44] =	sst s2;
	s3 =	spop (v2sf);
	(v2sf) =	vpush v5, $0x4  }
0xdf: {  	v50 =	vld [tilespmem:$0x11A60];
	v4 =	vadd.f32 v47, v4;
	[smem:$0x45] =	sst s3;
	s13 =	spop (v2sf);
	(v2sf) =	vpush v5, $0x5  }
0xe0: {  	v53 =	vld [tilespmem:$0x116F0];
	v3 =	vadd.f32 v46, v3;
	[smem:$0x46] =	sst s13;
	s30 =	spop (v2sf);
	(v2sf) =	vpush v5, $0x6  }
0xe1: {  	v52 =	vld [tilespmem:$0x11AE0];
	v4 =	vadd.f32 v49, v4;
	[smem:$0x47] =	sst s30;
	s31 =	spop (v2sf);
	(v2sf) =	vpush v5, $0x7  }
0xe2: {  	v55 =	vld [tilespmem:$0x11770];
	v3 =	vadd.f32 v48, v3;
	[smem:$0x48] =	sst s31;
	s2 =	spop (v2sf);
	(v2sf) =	vpush v5, $0x8  }
0xe3: {  	v54 =	vld [tilespmem:$0x11B60];
	v4 =	vadd.f32 v51, v4;
	[smem:$0x49] =	sst s2;
	s3 =	spop (v2sf);
	(v2sf) =	vpush v5, $0x9  }
0xe4: {  	v3 =	vadd.f32 v50, v3;
	[smem:$0x4A] =	sst s3;
	s13 =	spop (v2sf);
	(v2sf) =	vpush v5, $0xA  }
0xe5: {  	v56 =	vld [tilespmem:$0x117F0];
	v4 =	vadd.f32 v53, v4;
	[smem:$0x4B] =	sst s13;
	s30 =	spop (v2sf);
	(v2sf) =	vpush v5, $0xB  }
0xe6: {  	v3 =	vadd.f32 v52, v3;
	[smem:$0x4C] =	sst s30;
	s31 =	spop (v2sf);
	(v2sf) =	vpush v5, $0xC  }
0xe7: {  	v57 =	vld [tilespmem:$0x11870];
	v4 =	vadd.f32 v55, v4;
	[smem:$0x4D] =	sst s31;
	s2 =	spop (v2sf);
	(v2sf) =	vpush v5, $0xD  }
0xe8: {  	v3 =	vadd.f32 v54, v3;
	[smem:$0x4E] =	sst s2;
	s3 =	spop (v2sf);
	(v2sf) =	vpush v5, $0xE  }
0xe9: {  	v58 =	vld [tilespmem:$0x118F0];
	[smem:$0x4F] =	sst s3;
	s13 =	spop (v2sf);
	(v2sf) =	vpush v5, $0xF  }
0xea: {  	v4 =	vadd.f32 v56, v4;
	[smem:$0x50] =	sst s13;
	s30 =	spop (v2sf);
	(v2sf) =	vpush v3, $0x0  }
0xeb: {  	v59 =	vld [tilespmem:$0x11970];
	[smem:$0x51] =	sst s30;
	s31 =	spop (v2sf);
	(v2sf) =	vpush v3, $0x1  }
0xec: {  	v4 =	vadd.f32 v57, v4;
	[smem:$0x52] =	sst s31;
	s2 =	spop (v2sf);
	(v2sf) =	vpush v3, $0x2  }
0xed: {  	v60 =	vld [tilespmem:$0x119F0];
	[smem:$0x53] =	sst s2;
	s3 =	spop (v2sf);
	(v2sf) =	vpush v3, $0x3  }
0xee: {  	v4 =	vadd.f32 v58, v4;
	[smem:$0x54] =	sst s3;
	s13 =	spop (v2sf);
	(v2sf) =	vpush v3, $0x4  }
0xef: {  	v61 =	vld [tilespmem:$0x11A70];
	[smem:$0x55] =	sst s13;
	s30 =	spop (v2sf);
	(v2sf) =	vpush v3, $0x5  }
0xf0: {  	v4 =	vadd.f32 v59, v4;
	[smem:$0x56] =	sst s30;
	s31 =	spop (v2sf);
	(v2sf) =	vpush v3, $0x6  }
0xf1: {  	v62 =	vld [tilespmem:$0x11AF0];
	[smem:$0x57] =	sst s31;
	s2 =	spop (v2sf);
	(v2sf) =	vpush v3, $0x7  }
0xf2: {  	v4 =	vadd.f32 v60, v4;
	[smem:$0x58] =	sst s2;
	s3 =	spop (v2sf);
	(v2sf) =	vpush v3, $0x8  }
0xf3: {  	v63 =	vld [tilespmem:$0x11B70];
	[smem:$0x59] =	sst s3;
	s13 =	spop (v2sf);
	(v2sf) =	vpush v3, $0x9  }
0xf4: {  	v4 =	vadd.f32 v61, v4;
	[smem:$0x5A] =	sst s13;
	s30 =	spop (v2sf);
	(v2sf) =	vpush v3, $0xA  }
0xf5: {  	[smem:$0x5B] =	sst s30;
	s31 =	spop (v2sf);
	(v2sf) =	vpush v3, $0xB  }
0xf6: {  	v4 =	vadd.f32 v62, v4;
	[smem:$0x5C] =	sst s31;
	s2 =	spop (v2sf);
	(v2sf) =	vpush v3, $0xC  }
0xf7: {  	[smem:$0x5D] =	sst s2;
	s3 =	spop (v2sf);
	(v2sf) =	vpush v3, $0xD  }
0xf8: {  	v4 =	vadd.f32 v63, v4;
	[smem:$0x5E] =	sst s3;
	s13 =	spop (v2sf);
	(v2sf) =	vpush v3, $0xE  }
0xf9: {  	[smem:$0x5F] =	sst s13;
	s30 =	spop (v2sf);
	(v2sf) =	vpush v3, $0xF  }
0xfa: {  	[smem:$0x60] =	sst s30;
	s31 =	spop (v2sf);
	(v2sf) =	vpush v4, $0x0  }
0xfb: {  	[smem:$0x61] =	sst s31;
	s2 =	spop (v2sf);
	(v2sf) =	vpush v4, $0x1  }
0xfc: {  	[smem:$0x62] =	sst s2;
	s3 =	spop (v2sf);
	(v2sf) =	vpush v4, $0x2  }
0xfd: {  	[smem:$0x63] =	sst s3;
	s13 =	spop (v2sf);
	(v2sf) =	vpush v4, $0x3  }
0xfe: {  	[smem:$0x64] =	sst s13;
	s30 =	spop (v2sf);
	(v2sf) =	vpush v4, $0x4  }
0xff: {  	[smem:$0x65] =	sst s30;
	s31 =	spop (v2sf);
	(v2sf) =	vpush v4, $0x5  }
0x100: {  	[smem:$0x66] =	sst s31;
	s2 =	spop (v2sf);
	(v2sf) =	vpush v4, $0x6  }
0x101: {  	[smem:$0x67] =	sst s2;
	s3 =	spop (v2sf);
	(v2sf) =	vpush v4, $0x7  }
0x102: {  	[smem:$0x68] =	sst s3;
	s13 =	spop (v2sf);
	(v2sf) =	vpush v4, $0x8  }
0x103: {  	[smem:$0x69] =	sst s13;
	s30 =	spop (v2sf);
	(v2sf) =	vpush v4, $0x9  }
0x104: {  	[smem:$0x6A] =	sst s30;
	s31 =	spop (v2sf);
	(v2sf) =	vpush v4, $0xA  }
0x105: {  	[smem:$0x6B] =	sst s31;
	s2 =	spop (v2sf);
	(v2sf) =	vpush v4, $0xB  }
0x106: {  	[smem:$0x6C] =	sst s2;
	s3 =	spop (v2sf);
	(v2sf) =	vpush v4, $0xC  }
0x107: {  	[smem:$0x6D] =	sst s3;
	s13 =	spop (v2sf);
	(v2sf) =	vpush v4, $0xD  }
0x108: {  	[smem:$0x6E] =	sst s13;
	s30 =	spop (v2sf);
	(v2sf) =	vpush v4, $0xE  }
0x109: {  	[smem:$0x6F] =	sst s30;
	s31 =	spop (v2sf);
	(v2sf) =	vpush v4, $0xF  }
0x10a: {  	[smem:$0x70] =	sst s31;
	s2 =	spop (v2sf)  }
0x10b: {  	[smem:$0x71] =	sst s2;
	s3 =	spop (v2sf)  }
0x10c: {  	[smem:$0x72] =	sst s3;
	s13 =	spop (v2sf)  }
0x10d: {  	[smem:$0x73] =	sst s13;
	s30 =	spop (v2sf)  }
0x10e: {  	[smem:$0x74] =	sst s30;
	s31 =	spop (v2sf)  }
0x10f: {  	[smem:$0x75] =	sst s31;
	s2 =	spop (v2sf)  }
0x110: {  	[smem:$0x76] =	sst s2;
	s3 =	spop (v2sf)  }
0x111: {  	[smem:$0x77] =	sst s3;
	s13 =	spop (v2sf)  }
0x112: {  	[smem:$0x78] =	sst s13;
	s30 =	spop (v2sf)  }
0x113: {  	[smem:$0x79] =	sst s30;
	s31 =	spop (v2sf)  }
0x114: {  	[smem:$0x7A] =	sst s31;
	s2 =	spop (v2sf)  }
0x115: {  	[smem:$0x7B] =	sst s2;
	s3 =	spop (v2sf)  }
0x116: {  	[smem:$0x7C] =	sst s3;
	s13 =	spop (v2sf)  }
0x117: {  	[smem:$0x7D] =	sst s13;
	s30 =	spop (v2sf)  }
0x118: {  	[smem:$0x7E] =	sst s30;
	s31 =	spop (v2sf)  }
0x119: {  	[smem:$0x7F] =	sst s31  }
0x11a: {  	_ =	swait.ge [sflag:s16], $0x1880  }
0x11b: {  	[sflag:s16] =	ssyncset.done $0x0  }
0x11c: {  	[sflag:s16] =	ssyncadd.s32 $0xFFFFE780  }
0x11d: {  	_ =	swait.ge [sflag:s17], $0x1880  }
0x11e: {  	[sflag:s17] =	ssyncset.done $0x0  }
0x11f: {  	[sflag:s17] =	ssyncadd.s32 $0xFFFFE780  }
0x120: {  	[tilespmem:s19], [sflag:$0x1] =	stream.indirect.gather [hbm4b:s1+s18], $0x80, s4, s18, $0xb8;
	[tilespmem:$0x15280] =	vst v63  }
0x121: {  	_ = 	snop  }
0x122: {  	[tilespmem:s20], [sflag:$0x2] =	stream.indirect.gather [hbm4b:s1+s18], $0x80, s10, s18, $0xb8;
	[tilespmem:$0x15280] =	vst v63  }
0x123: {  	_ = 	snop  }
0x124: {  	[tilespmem:s21], [sflag:$0x3] =	stream.indirect.gather [hbm4b:s1+s18], $0x80, s18, s18, $0xb8;
	[tilespmem:$0x15280] =	vst v63  }
0x125: {  	s29 =	simm.s32 $0x0  }
0x126: {  	[tilespmem:s23], [sflag:$0x4] =	stream.indirect.gather [hbm4b:s1+s18], $0x80, s22, s18, $0xb8;
	[tilespmem:$0x15280] =	vst v63  }
.LBB2_2:
0x127: {  	v4 =	vimm.s32 $0x0  }
0x128: {  	_ =	swait.ge [sflag:s16], $0x3800;
	v3 =	vand.u32 $0xFFFFFFF8, v4  }
0x129: {  	[sflag:s16] =	ssyncset.done $0x0;
	v3 =	vadd.s32 v0, v3  }
0x12a: {  	[sflag:s16] =	ssyncadd.s32 $0xFFFFC800  }
0x12b: {  	_ =	swait.ge [sflag:s17], $0x3800;
	v5 =	vor.u32 $0x1, v3  }
0x12c: {  	[sflag:s17] =	ssyncset.done $0x0  }
0x12d: {  	v7 =	vor.u32 $0x2, v3;
	[sflag:s17] =	ssyncadd.s32 $0xFFFFC800  }
0x12e: {  	v17 =	vld.idx.msk [tilespmem:v3+s19+$0x0], $0xffff  }
0x12f: {  	v10 =	vor.u32 $0x3, v3;
	v9 =	vld.idx.msk [tilespmem:v3+s20+$0x0], $0xffff  }
0x130: {  	v8 =	vld.idx.msk [tilespmem:v5+s19+$0x0], $0xffff  }
0x131: {  	v13 =	vor.u32 $0x4, v3;
	v14 =	vld.idx.msk [tilespmem:v5+s20+$0x0], $0xffff  }
0x132: {  	v6 =	vld.idx.msk [tilespmem:v7+s19+$0x0], $0xffff  }
0x133: {  	v11 =	vor.u32 $0x5, v3;
	s0 =	sld [smem:$0x0];
	v12 =	vld.idx.msk [tilespmem:v7+s20+$0x0], $0xffff  }
0x134: {  	v5 =	vld.idx.msk [tilespmem:v10+s19+$0x0], $0xffff  }
0x135: {  	v16 =	vimm.f32 $0.0e+00;
	s31 =	sld [smem:$0x1];
	v10 =	vld.idx.msk [tilespmem:v10+s20+$0x0], $0xffff;
	v15 =	vmul.f32 v9, v17;
	v9 =	vor.u32 $0x6, v3  }
0x136: {  	s30 =	simm.s32 $0x4;
	s2 =	simm.s32 $0x0;
	v18 =	vimm.f32 $0.0e+00;
	v4 =	vadd.s32 $0x8, v4;
	v7 =	vld.idx.msk [tilespmem:v13+s19+$0x0], $0xffff;
	v17 =	vmul.f32 s0, v17  }
.LBB2_3:
0x137: {  	v19 =	vand.u32 $0xFFFFFFF8, v4;
	v14 =	vmul.f32 v14, v8;
	s0 =	sld [smem:s30+$0xFFFFFFFE];
	v13 =	vld.idx.msk [tilespmem:v13+s20+$0x0], $0xffff;
	v20 =	vor.u32 $0x7, v3  }
0x138: {  	v15 =	vadd.f32 v15, v16;
	v16 =	vadd.f32 v17, v18;
	v8 =	vmul.f32 s31, v8;
	v17 =	vld.idx.msk [tilespmem:v11+s19+$0x0], $0xffff  }
0x139: {  	v3 =	vadd.s32 v0, v19;
	v12 =	vmul.f32 v12, v6;
	s31 =	sld [smem:s30+$0xFFFFFFFF];
	v11 =	vld.idx.msk [tilespmem:v11+s20+$0x0], $0xffff  }
0x13a: {  	s2 =	sadd.s32 $0x8, s2;
	v14 =	vadd.f32 v14, v15;
	v8 =	vadd.f32 v8, v16;
	v6 =	vmul.f32 s0, v6;
	v15 =	vld.idx.msk [tilespmem:v9+s19+$0x0], $0xffff  }
0x13b: {  	p0 =	slt.u32 s2, $0x78;
	v16 =	vor.u32 $0x1, v3;
	v10 =	vmul.f32 v10, v5;
	s0 =	sld [smem:s30+$0x0];
	v9 =	vld.idx.msk [tilespmem:v9+s20+$0x0], $0xffff  }
0x13c: {  	v12 =	vadd.f32 v12, v14;
	v6 =	vadd.f32 v6, v8;
	v5 =	vmul.f32 s31, v5;
	v18 =	vld.idx.msk [tilespmem:v20+s19+$0x0], $0xffff  }
0x13d: {  	v19 =	vor.u32 $0x2, v3;
	v13 =	vmul.f32 v13, v7;
	s31 =	sld [smem:s30+$0x1];
	v20 =	vld.idx.msk [tilespmem:v20+s20+$0x0], $0xffff  }
0x13e: {  	v21 =	vld.idx.msk [tilespmem:v3+s19+$0x0], $0xffff;
	v10 =	vadd.f32 v10, v12;
	v5 =	vadd.f32 v5, v6;
	v6 =	vmul.f32 s0, v7  }
0x13f: {  	v22 =	vor.u32 $0x3, v3;
	v11 =	vmul.f32 v11, v17;
	v7 =	vld.idx.msk [tilespmem:v3+s20+$0x0], $0xffff;
	s0 =	sld [smem:s30+$0x2]  }
0x140: {  	v8 =	vld.idx.msk [tilespmem:v16+s19+$0x0], $0xffff;
	v10 =	vadd.f32 v13, v10;
	v5 =	vadd.f32 v6, v5;
	v12 =	vmul.f32 s31, v17  }
0x141: {  	v13 =	vor.u32 $0x4, v3;
	v9 =	vmul.f32 v9, v15;
	v14 =	vld.idx.msk [tilespmem:v16+s20+$0x0], $0xffff;
	s31 =	sld [smem:s30+$0x3]  }
.Ltmp2:
0x142: {  	s30 =	sadd.s32 $0x8, s30;
	v6 =	vld.idx.msk [tilespmem:v19+s19+$0x0], $0xffff;
	v10 =	vadd.f32 v11, v10;
	v16 =	vadd.f32 v12, v5;
	v15 =	vmul.f32 s0, v15;
	(pc) =	sbr.rel @p0 .LBB2_3-.Ltmp2, $4  }
0x143: {  	v11 =	vor.u32 $0x5, v3;
	s0 =	sld [smem:s30+$0xFFFFFFFC];
	v12 =	vld.idx.msk [tilespmem:v19+s20+$0x0], $0xffff;
	v19 =	vmul.f32 v20, v18  }
0x144: {  	v5 =	vld.idx.msk [tilespmem:v22+s19+$0x0], $0xffff;
	v20 =	vadd.f32 v9, v10;
	v23 =	vadd.f32 v15, v16;
	v18 =	vmul.f32 s31, v18  }
0x145: {  	v4 =	vadd.s32 $0x8, v4;
	v15 =	vmul.f32 v7, v21;
	v9 =	vor.u32 $0x6, v3;
	s31 =	sld [smem:s30+$0xFFFFFFFD];
	v10 =	vld.idx.msk [tilespmem:v22+s20+$0x0], $0xffff  }
0x146: {  	v17 =	vmul.f32 s0, v21;
	v7 =	vld.idx.msk [tilespmem:v13+s19+$0x0], $0xffff;
	v16 =	vadd.f32 v19, v20;
	v18 =	vadd.f32 v18, v23  }
0x147: {  	_ =	sdelay $0x2  }
0x148: {  	v4 =	vmul.f32 v14, v8;
	s0 =	sld [smem:s30+$0xFFFFFFFE];
	v14 =	vadd.f32 v15, v16  }
0x149: {  	v13 =	vld.idx.msk [tilespmem:v13+s20+$0x0], $0xffff;
	v3 =	vor.u32 $0x7, v3;
	v15 =	vadd.f32 v17, v18;
	v8 =	vmul.f32 s31, v8  }
0x14a: {  	s2 =	sld [smem:s30+$0xFFFFFFFF];
	v16 =	vld.idx.msk [tilespmem:v11+s19+$0x0], $0xffff;
	v12 =	vmul.f32 v12, v6;
	v4 =	vadd.f32 v4, v14  }
0x14b: {  	v11 =	vld.idx.msk [tilespmem:v11+s20+$0x0], $0xffff;
	v8 =	vadd.f32 v8, v15;
	v6 =	vmul.f32 s0, v6  }
0x14c: {  	s3 =	sld [smem:s30+$0x0];
	v14 =	vld.idx.msk [tilespmem:v9+s19+$0x0], $0xffff;
	v10 =	vmul.f32 v10, v5;
	v4 =	vadd.f32 v12, v4  }
0x14d: {  	v9 =	vld.idx.msk [tilespmem:v9+s20+$0x0], $0xffff;
	v5 =	vmul.f32 s2, v5;
	v6 =	vadd.f32 v6, v8  }
0x14e: {  	s13 =	sld [smem:s30+$0x1];
	v8 =	vld.idx.msk [tilespmem:v3+s19+$0x0], $0xffff;
	v12 =	vmul.f32 v13, v7;
	v4 =	vadd.f32 v10, v4  }
0x14f: {  	v3 =	vld.idx.msk [tilespmem:v3+s20+$0x0], $0xffff;
	v5 =	vadd.f32 v5, v6;
	v6 =	vmul.f32 s3, v7  }
0x150: {  	v7 =	vmul.f32 v11, v16;
	s3 =	sld [smem:s30+$0x2];
	v4 =	vadd.f32 v12, v4  }
0x151: {  	v5 =	vadd.f32 v6, v5;
	v6 =	vmul.f32 s13, v16  }
0x152: {  	v9 =	vmul.f32 v9, v14;
	s13 =	sld [smem:s30+$0x3];
	v4 =	vadd.f32 v7, v4  }
0x153: {  	v5 =	vadd.f32 v6, v5;
	v6 =	vmul.f32 s3, v14;
	v7 =	vimm.s32 $0x0  }
0x154: {  	v10 =	vmul.f32 v3, v8;
	v3 =	vand.u32 $0xFFFFFFF8, v7;
	v4 =	vadd.f32 v9, v4  }
0x155: {  	v5 =	vadd.f32 v6, v5;
	v6 =	vmul.f32 s13, v8;
	v3 =	vadd.s32 v1, v3  }
0x156: {  	s30 =	smul.u32 $0xE0, s29;
	v4 =	vadd.f32 v10, v4  }
0x157: {  	v5 =	vadd.f32 v6, v5;
	v6 =	vor.u32 $0x1, v3  }
0x158: {  	[tilespmem:s30+$0x12180] =	vst v4  }
0x159: {  	[tilespmem:s30+$0x13A00] =	vst v5;
	v4 =	vor.u32 $0x2, v3  }
0x15a: {  	v17 =	vld.idx.msk [tilespmem:v3+s19+$0x0], $0xffff  }
0x15b: {  	v10 =	vor.u32 $0x3, v3;
	v9 =	vld.idx.msk [tilespmem:v3+s20+$0x0], $0xffff  }
0x15c: {  	v8 =	vld.idx.msk [tilespmem:v6+s19+$0x0], $0xffff  }
0x15d: {  	v13 =	vor.u32 $0x4, v3;
	v14 =	vld.idx.msk [tilespmem:v6+s20+$0x0], $0xffff  }
0x15e: {  	v6 =	vld.idx.msk [tilespmem:v4+s19+$0x0], $0xffff  }
0x15f: {  	v11 =	vor.u32 $0x5, v3;
	s3 =	sld [smem:$0x0];
	v12 =	vld.idx.msk [tilespmem:v4+s20+$0x0], $0xffff  }
0x160: {  	v5 =	vld.idx.msk [tilespmem:v10+s19+$0x0], $0xffff  }
0x161: {  	v18 =	vimm.f32 $0.0e+00;
	s0 =	sld [smem:$0x1];
	v15 =	vmul.f32 v9, v17;
	v10 =	vld.idx.msk [tilespmem:v10+s20+$0x0], $0xffff;
	v9 =	vor.u32 $0x6, v3  }
0x162: {  	s31 =	simm.s32 $0x4;
	s2 =	simm.s32 $0x0;
	v16 =	vimm.f32 $0.0e+00;
	v4 =	vadd.s32 $0x8, v7;
	v7 =	vld.idx.msk [tilespmem:v13+s19+$0x0], $0xffff;
	v17 =	vmul.f32 s3, v17  }
.LBB2_5:
0x163: {  	v19 =	vand.u32 $0xFFFFFFF8, v4;
	v14 =	vmul.f32 v14, v8;
	s3 =	sld [smem:s31+$0xFFFFFFFE];
	v13 =	vld.idx.msk [tilespmem:v13+s20+$0x0], $0xffff;
	v20 =	vor.u32 $0x7, v3  }
0x164: {  	v15 =	vadd.f32 v15, v16;
	v16 =	vadd.f32 v17, v18;
	v8 =	vmul.f32 s0, v8;
	v17 =	vld.idx.msk [tilespmem:v11+s19+$0x0], $0xffff  }
0x165: {  	v3 =	vadd.s32 v1, v19;
	v12 =	vmul.f32 v12, v6;
	s0 =	sld [smem:s31+$0xFFFFFFFF];
	v11 =	vld.idx.msk [tilespmem:v11+s20+$0x0], $0xffff  }
0x166: {  	s2 =	sadd.s32 $0x8, s2;
	v14 =	vadd.f32 v14, v15;
	v8 =	vadd.f32 v8, v16;
	v6 =	vmul.f32 s3, v6;
	v15 =	vld.idx.msk [tilespmem:v9+s19+$0x0], $0xffff  }
0x167: {  	p0 =	slt.u32 s2, $0x78;
	v16 =	vor.u32 $0x1, v3;
	v10 =	vmul.f32 v10, v5;
	s3 =	sld [smem:s31+$0x0];
	v9 =	vld.idx.msk [tilespmem:v9+s20+$0x0], $0xffff  }
0x168: {  	v12 =	vadd.f32 v12, v14;
	v6 =	vadd.f32 v6, v8;
	v5 =	vmul.f32 s0, v5;
	v18 =	vld.idx.msk [tilespmem:v20+s19+$0x0], $0xffff  }
0x169: {  	v19 =	vor.u32 $0x2, v3;
	v13 =	vmul.f32 v13, v7;
	s0 =	sld [smem:s31+$0x1];
	v20 =	vld.idx.msk [tilespmem:v20+s20+$0x0], $0xffff  }
0x16a: {  	v21 =	vld.idx.msk [tilespmem:v3+s19+$0x0], $0xffff;
	v10 =	vadd.f32 v10, v12;
	v5 =	vadd.f32 v5, v6;
	v6 =	vmul.f32 s3, v7  }
0x16b: {  	v22 =	vor.u32 $0x3, v3;
	v11 =	vmul.f32 v11, v17;
	v7 =	vld.idx.msk [tilespmem:v3+s20+$0x0], $0xffff;
	s3 =	sld [smem:s31+$0x2]  }
0x16c: {  	v8 =	vld.idx.msk [tilespmem:v16+s19+$0x0], $0xffff;
	v10 =	vadd.f32 v13, v10;
	v5 =	vadd.f32 v6, v5;
	v12 =	vmul.f32 s0, v17  }
0x16d: {  	v13 =	vor.u32 $0x4, v3;
	v9 =	vmul.f32 v9, v15;
	v14 =	vld.idx.msk [tilespmem:v16+s20+$0x0], $0xffff;
	s0 =	sld [smem:s31+$0x3]  }
.Ltmp3:
0x16e: {  	s31 =	sadd.s32 $0x8, s31;
	v6 =	vld.idx.msk [tilespmem:v19+s19+$0x0], $0xffff;
	v10 =	vadd.f32 v11, v10;
	v16 =	vadd.f32 v12, v5;
	v15 =	vmul.f32 s3, v15;
	(pc) =	sbr.rel @p0 .LBB2_5-.Ltmp3, $4  }
0x16f: {  	v11 =	vor.u32 $0x5, v3;
	s3 =	sld [smem:s31+$0xFFFFFFFC];
	v12 =	vld.idx.msk [tilespmem:v19+s20+$0x0], $0xffff;
	v19 =	vmul.f32 v20, v18  }
0x170: {  	v5 =	vld.idx.msk [tilespmem:v22+s19+$0x0], $0xffff;
	v20 =	vadd.f32 v9, v10;
	v23 =	vadd.f32 v15, v16;
	v18 =	vmul.f32 s0, v18  }
0x171: {  	v4 =	vadd.s32 $0x8, v4;
	v15 =	vmul.f32 v7, v21;
	v9 =	vor.u32 $0x6, v3;
	s0 =	sld [smem:s31+$0xFFFFFFFD];
	v10 =	vld.idx.msk [tilespmem:v22+s20+$0x0], $0xffff  }
0x172: {  	v17 =	vmul.f32 s3, v21;
	v7 =	vld.idx.msk [tilespmem:v13+s19+$0x0], $0xffff;
	v16 =	vadd.f32 v19, v20;
	v18 =	vadd.f32 v18, v23  }
0x173: {  	_ =	sdelay $0x2  }
0x174: {  	v4 =	vmul.f32 v14, v8;
	s2 =	sld [smem:s31+$0xFFFFFFFE];
	v14 =	vadd.f32 v15, v16  }
0x175: {  	v13 =	vld.idx.msk [tilespmem:v13+s20+$0x0], $0xffff;
	v3 =	vor.u32 $0x7, v3;
	v15 =	vadd.f32 v17, v18;
	v8 =	vmul.f32 s0, v8  }
0x176: {  	s13 =	sld [smem:s31+$0xFFFFFFFF];
	v16 =	vld.idx.msk [tilespmem:v11+s19+$0x0], $0xffff;
	v12 =	vmul.f32 v12, v6;
	v4 =	vadd.f32 v4, v14  }
0x177: {  	v11 =	vld.idx.msk [tilespmem:v11+s20+$0x0], $0xffff;
	v8 =	vadd.f32 v8, v15;
	v6 =	vmul.f32 s2, v6  }
0x178: {  	s3 =	sld [smem:s31+$0x0];
	v14 =	vld.idx.msk [tilespmem:v9+s19+$0x0], $0xffff;
	v10 =	vmul.f32 v10, v5;
	v4 =	vadd.f32 v12, v4  }
0x179: {  	v9 =	vld.idx.msk [tilespmem:v9+s20+$0x0], $0xffff;
	v5 =	vmul.f32 s13, v5;
	v6 =	vadd.f32 v6, v8  }
0x17a: {  	s13 =	sld [smem:s31+$0x1];
	v8 =	vld.idx.msk [tilespmem:v3+s19+$0x0], $0xffff;
	v12 =	vmul.f32 v13, v7;
	v4 =	vadd.f32 v10, v4  }
0x17b: {  	v3 =	vld.idx.msk [tilespmem:v3+s20+$0x0], $0xffff;
	v5 =	vadd.f32 v5, v6;
	v6 =	vmul.f32 s3, v7  }
0x17c: {  	v7 =	vmul.f32 v11, v16;
	s3 =	sld [smem:s31+$0x2];
	v4 =	vadd.f32 v12, v4  }
0x17d: {  	v5 =	vadd.f32 v6, v5;
	v6 =	vmul.f32 s13, v16  }
0x17e: {  	v9 =	vmul.f32 v9, v14;
	s13 =	sld [smem:s31+$0x3];
	v4 =	vadd.f32 v7, v4  }
0x17f: {  	v5 =	vadd.f32 v6, v5;
	v6 =	vmul.f32 s3, v14;
	v7 =	vimm.s32 $0x0  }
0x180: {  	v10 =	vmul.f32 v3, v8;
	v3 =	vand.u32 $0xFFFFFFF8, v7;
	v4 =	vadd.f32 v9, v4  }
0x181: {  	v5 =	vadd.f32 v6, v5;
	v6 =	vmul.f32 s13, v8;
	v3 =	vadd.s32 v2, v3  }
0x182: {  	v4 =	vadd.f32 v10, v4  }
0x183: {  	v5 =	vadd.f32 v6, v5;
	v6 =	vor.u32 $0x1, v3  }
0x184: {  	[tilespmem:s30+$0x12190] =	vst v4  }
0x185: {  	[tilespmem:s30+$0x13A10] =	vst v5;
	v4 =	vor.u32 $0x2, v3  }
0x186: {  	v17 =	vld.idx.msk [tilespmem:v3+s19+$0x0], $0xffff  }
0x187: {  	v10 =	vor.u32 $0x3, v3;
	v9 =	vld.idx.msk [tilespmem:v3+s20+$0x0], $0xffff  }
0x188: {  	v8 =	vld.idx.msk [tilespmem:v6+s19+$0x0], $0xffff  }
0x189: {  	v12 =	vor.u32 $0x4, v3;
	v14 =	vld.idx.msk [tilespmem:v6+s20+$0x0], $0xffff  }
0x18a: {  	v6 =	vld.idx.msk [tilespmem:v4+s19+$0x0], $0xffff  }
0x18b: {  	v13 =	vor.u32 $0x5, v3;
	s3 =	sld [smem:$0x0];
	v11 =	vld.idx.msk [tilespmem:v4+s20+$0x0], $0xffff  }
0x18c: {  	v5 =	vld.idx.msk [tilespmem:v10+s19+$0x0], $0xffff  }
0x18d: {  	v18 =	vimm.f32 $0.0e+00;
	s0 =	sld [smem:$0x1];
	v15 =	vmul.f32 v9, v17;
	v10 =	vld.idx.msk [tilespmem:v10+s20+$0x0], $0xffff;
	v9 =	vor.u32 $0x6, v3  }
0x18e: {  	s2 =	simm.s32 $0x0;
	v16 =	vimm.f32 $0.0e+00;
	s31 =	simm.s32 $0x4;
	v4 =	vadd.s32 $0x8, v7;
	v7 =	vld.idx.msk [tilespmem:v12+s19+$0x0], $0xffff;
	v17 =	vmul.f32 s3, v17  }
.LBB2_7:
0x18f: {  	v19 =	vand.u32 $0xFFFFFFF8, v4;
	v14 =	vmul.f32 v14, v8;
	s3 =	sld [smem:s31+$0xFFFFFFFE];
	v12 =	vld.idx.msk [tilespmem:v12+s20+$0x0], $0xffff;
	v20 =	vor.u32 $0x7, v3  }
0x190: {  	v15 =	vadd.f32 v15, v16;
	v16 =	vadd.f32 v17, v18;
	v8 =	vmul.f32 s0, v8;
	v17 =	vld.idx.msk [tilespmem:v13+s19+$0x0], $0xffff  }
0x191: {  	v3 =	vadd.s32 v2, v19;
	v11 =	vmul.f32 v11, v6;
	s0 =	sld [smem:s31+$0xFFFFFFFF];
	v13 =	vld.idx.msk [tilespmem:v13+s20+$0x0], $0xffff  }
0x192: {  	s2 =	sadd.s32 $0x8, s2;
	v14 =	vadd.f32 v14, v15;
	v8 =	vadd.f32 v8, v16;
	v6 =	vmul.f32 s3, v6;
	v15 =	vld.idx.msk [tilespmem:v9+s19+$0x0], $0xffff  }
0x193: {  	p0 =	slt.u32 s2, $0x78;
	v16 =	vor.u32 $0x1, v3;
	v10 =	vmul.f32 v10, v5;
	s3 =	sld [smem:s31+$0x0];
	v9 =	vld.idx.msk [tilespmem:v9+s20+$0x0], $0xffff  }
0x194: {  	v11 =	vadd.f32 v11, v14;
	v6 =	vadd.f32 v6, v8;
	v5 =	vmul.f32 s0, v5;
	v18 =	vld.idx.msk [tilespmem:v20+s19+$0x0], $0xffff  }
0x195: {  	v19 =	vor.u32 $0x2, v3;
	v12 =	vmul.f32 v12, v7;
	s0 =	sld [smem:s31+$0x1];
	v20 =	vld.idx.msk [tilespmem:v20+s20+$0x0], $0xffff  }
0x196: {  	v21 =	vld.idx.msk [tilespmem:v3+s19+$0x0], $0xffff;
	v10 =	vadd.f32 v10, v11;
	v5 =	vadd.f32 v5, v6;
	v6 =	vmul.f32 s3, v7  }
0x197: {  	v22 =	vor.u32 $0x3, v3;
	v11 =	vmul.f32 v13, v17;
	v7 =	vld.idx.msk [tilespmem:v3+s20+$0x0], $0xffff;
	s3 =	sld [smem:s31+$0x2]  }
0x198: {  	v8 =	vld.idx.msk [tilespmem:v16+s19+$0x0], $0xffff;
	v10 =	vadd.f32 v12, v10;
	v5 =	vadd.f32 v6, v5;
	v13 =	vmul.f32 s0, v17  }
0x199: {  	v12 =	vor.u32 $0x4, v3;
	v9 =	vmul.f32 v9, v15;
	v14 =	vld.idx.msk [tilespmem:v16+s20+$0x0], $0xffff;
	s0 =	sld [smem:s31+$0x3]  }
.Ltmp4:
0x19a: {  	s31 =	sadd.s32 $0x8, s31;
	v6 =	vld.idx.msk [tilespmem:v19+s19+$0x0], $0xffff;
	v10 =	vadd.f32 v11, v10;
	v16 =	vadd.f32 v13, v5;
	v15 =	vmul.f32 s3, v15;
	(pc) =	sbr.rel @p0 .LBB2_7-.Ltmp4, $4  }
0x19b: {  	v13 =	vor.u32 $0x5, v3;
	s3 =	sld [smem:s31+$0xFFFFFFFC];
	v11 =	vld.idx.msk [tilespmem:v19+s20+$0x0], $0xffff;
	v19 =	vmul.f32 v20, v18  }
0x19c: {  	v5 =	vld.idx.msk [tilespmem:v22+s19+$0x0], $0xffff;
	v20 =	vadd.f32 v9, v10;
	v23 =	vadd.f32 v15, v16;
	v18 =	vmul.f32 s0, v18  }
0x19d: {  	v4 =	vadd.s32 $0x8, v4;
	v15 =	vmul.f32 v7, v21;
	v9 =	vor.u32 $0x6, v3;
	s0 =	sld [smem:s31+$0xFFFFFFFD];
	v10 =	vld.idx.msk [tilespmem:v22+s20+$0x0], $0xffff  }
0x19e: {  	v17 =	vmul.f32 s3, v21;
	v7 =	vld.idx.msk [tilespmem:v12+s19+$0x0], $0xffff;
	v16 =	vadd.f32 v19, v20;
	v18 =	vadd.f32 v18, v23  }
0x19f: {  	_ =	sdelay $0x3  }
0x1a0: {  	v4 =	vmul.f32 v14, v8;
	s2 =	sld [smem:s31+$0xFFFFFFFE];
	v3 =	vor.u32 $0x7, v3;
	v12 =	vld.idx.msk [tilespmem:v12+s20+$0x0], $0xffff;
	v14 =	vadd.f32 v15, v16  }
0x1a1: {  	v15 =	vadd.f32 v17, v18;
	v8 =	vmul.f32 s0, v8;
	v16 =	vld.idx.msk [tilespmem:v13+s19+$0x0], $0xffff  }
0x1a2: {  	s13 =	sld [smem:s31+$0xFFFFFFFF];
	v11 =	vmul.f32 v11, v6;
	v13 =	vld.idx.msk [tilespmem:v13+s20+$0x0], $0xffff;
	v4 =	vadd.f32 v4, v14  }
0x1a3: {  	v8 =	vadd.f32 v8, v15;
	v6 =	vmul.f32 s2, v6;
	v14 =	vld.idx.msk [tilespmem:v9+s19+$0x0], $0xffff  }
0x1a4: {  	s3 =	sld [smem:s31+$0x0];
	v10 =	vmul.f32 v10, v5;
	v9 =	vld.idx.msk [tilespmem:v9+s20+$0x0], $0xffff;
	v4 =	vadd.f32 v11, v4  }
0x1a5: {  	v5 =	vmul.f32 s13, v5;
	v6 =	vadd.f32 v6, v8;
	v8 =	vld.idx.msk [tilespmem:v3+s19+$0x0], $0xffff  }
0x1a6: {  	s13 =	sld [smem:s31+$0x1];
	v11 =	vmul.f32 v12, v7;
	v3 =	vld.idx.msk [tilespmem:v3+s20+$0x0], $0xffff;
	v4 =	vadd.f32 v10, v4  }
0x1a7: {  	v5 =	vadd.f32 v5, v6;
	v6 =	vmul.f32 s3, v7  }
0x1a8: {  	v7 =	vmul.f32 v13, v16;
	s3 =	sld [smem:s31+$0x2];
	v4 =	vadd.f32 v11, v4  }
0x1a9: {  	v5 =	vadd.f32 v6, v5;
	v6 =	vmul.f32 s13, v16  }
0x1aa: {  	v10 =	vimm.s32 $0x0;
	v9 =	vmul.f32 v9, v14;
	s13 =	sld [smem:s31+$0x3];
	v4 =	vadd.f32 v7, v4  }
0x1ab: {  	v5 =	vadd.f32 v6, v5;
	v6 =	vmul.f32 s3, v14;
	v7 =	vmul.f32 v3, v8  }
0x1ac: {  	v3 =	vor.u32 $0x1800, v0;
	v4 =	vadd.f32 v9, v4;
	v9 =	vand.u32 $0xFFFFFFF8, v10  }
0x1ad: {  	v5 =	vadd.f32 v6, v5;
	v6 =	vmul.f32 s13, v8;
	v8 =	vadd.s32 v3, v9  }
0x1ae: {  	v4 =	vadd.f32 v7, v4  }
0x1af: {  	v5 =	vadd.f32 v6, v5;
	v6 =	vor.u32 $0x1, v8  }
0x1b0: {  	[tilespmem:s30+$0x121A0] =	vst v4  }
0x1b1: {  	[tilespmem:s30+$0x13A20] =	vst v5;
	v4 =	vor.u32 $0x2, v8  }
0x1b2: {  	v5 =	vld.idx.msk [tilespmem:v8+s19+$0x0], $0xffff  }
0x1b3: {  	v9 =	vor.u32 $0x3, v8;
	v7 =	vld.idx.msk [tilespmem:v8+s20+$0x0], $0xffff  }
0x1b4: {  	v11 =	vld.idx.msk [tilespmem:v6+s19+$0x0], $0xffff  }
0x1b5: {  	v13 =	vor.u32 $0x4, v8;
	v6 =	vld.idx.msk [tilespmem:v6+s20+$0x0], $0xffff  }
0x1b6: {  	v12 =	vld.idx.msk [tilespmem:v4+s19+$0x0], $0xffff  }
0x1b7: {  	s2 =	sld [smem:$0x0];
	v14 =	vld.idx.msk [tilespmem:v4+s20+$0x0], $0xffff;
	v4 =	vor.u32 $0x5, v8  }
0x1b8: {  	v15 =	vld.idx.msk [tilespmem:v9+s19+$0x0], $0xffff  }
0x1b9: {  	s13 =	sld [smem:$0x1];
	v9 =	vld.idx.msk [tilespmem:v9+s20+$0x0], $0xffff  }
0x1ba: {  	v17 =	vor.u32 $0x6, v8;
	v16 =	vld.idx.msk [tilespmem:v13+s19+$0x0], $0xffff;
	v7 =	vmul.f32 v7, v5  }
0x1bb: {  	v19 =	vadd.s32 $0x8, v10;
	v10 =	vimm.f32 $0.0e+00;
	s3 =	sld [smem:$0x2];
	v13 =	vld.idx.msk [tilespmem:v13+s20+$0x0], $0xffff;
	v5 =	vmul.f32 s2, v5  }
0x1bc: {  	v8 =	vor.u32 $0x7, v8;
	v6 =	vmul.f32 v6, v11;
	v7 =	vadd.f32 v7, v10;
	v18 =	vld.idx.msk [tilespmem:v4+s19+$0x0], $0xffff  }
0x1bd: {  	s31 =	sld [smem:$0x3];
	v20 =	vld.idx.msk [tilespmem:v4+s20+$0x0], $0xffff;
	v4 =	vand.u32 $0xFFFFFFF8, v19;
	v5 =	vadd.f32 v5, v10;
	v10 =	vmul.f32 s13, v11  }
0x1be: {  	v11 =	vmul.f32 v14, v12;
	v4 =	vadd.s32 v3, v4  }
0x1bf: {  	v21 =	vld.idx.msk [tilespmem:v17+s19+$0x0], $0xffff;
	v6 =	vadd.f32 v6, v7;
	v5 =	vadd.f32 v10, v5;
	v10 =	vmul.f32 s3, v12  }
0x1c0: {  	s0 =	sld [smem:$0x4];
	v17 =	vld.idx.msk [tilespmem:v17+s20+$0x0], $0xffff;
	v9 =	vmul.f32 v9, v15;
	v7 =	vor.u32 $0x1, v4  }
0x1c1: {  	v22 =	vld.idx.msk [tilespmem:v8+s19+$0x0], $0xffff;
	v6 =	vadd.f32 v11, v6;
	v11 =	vmul.f32 s31, v15;
	v5 =	vadd.f32 v10, v5  }
0x1c2: {  	s13 =	sld [smem:$0x5];
	v23 =	vld.idx.msk [tilespmem:v8+s20+$0x0], $0xffff;
	v14 =	vor.u32 $0x2, v4;
	v12 =	vmul.f32 v13, v16  }
0x1c3: {  	v15 =	vmul.f32 s0, v16;
	v9 =	vadd.f32 v9, v6;
	v8 =	vld.idx.msk [tilespmem:v4+s19+$0x0], $0xffff;
	v5 =	vadd.f32 v11, v5  }
0x1c4: {  	v13 =	vor.u32 $0x3, v4;
	v16 =	vmul.f32 v20, v18;
	v10 =	vld.idx.msk [tilespmem:v4+s20+$0x0], $0xffff;
	s3 =	sld [smem:$0x6]  }
0x1c5: {  	v6 =	vld.idx.msk [tilespmem:v7+s19+$0x0], $0xffff;
	v9 =	vadd.f32 v12, v9;
	v5 =	vadd.f32 v15, v5;
	v15 =	vmul.f32 s13, v18  }
0x1c6: {  	v17 =	vmul.f32 v17, v21;
	v11 =	vld.idx.msk [tilespmem:v7+s20+$0x0], $0xffff;
	v12 =	vor.u32 $0x4, v4;
	s13 =	sld [smem:$0x7]  }
0x1c7: {  	v7 =	vld.idx.msk [tilespmem:v14+s19+$0x0], $0xffff;
	v18 =	vadd.f32 v16, v9;
	v21 =	vmul.f32 s3, v21;
	v20 =	vadd.f32 v15, v5  }
0x1c8: {  	s0 =	sld [smem:$0x8];
	v16 =	vmul.f32 v23, v22;
	v15 =	vld.idx.msk [tilespmem:v14+s20+$0x0], $0xffff;
	v14 =	vor.u32 $0x5, v4;
	v5 =	vadd.s32 $0x8, v19  }
0x1c9: {  	s2 =	simm.s32 $0x8;
	s31 =	simm.s32 $0xC;
	v9 =	vld.idx.msk [tilespmem:v13+s19+$0x0], $0xffff;
	v17 =	vadd.f32 v17, v18;
	v19 =	vmul.f32 s13, v22;
	v18 =	vadd.f32 v21, v20  }
.LBB2_9:
0x1ca: {  	v10 =	vmul.f32 v10, v8;
	s3 =	sld [smem:s31+$0xFFFFFFFD];
	v13 =	vld.idx.msk [tilespmem:v13+s20+$0x0], $0xffff;
	v20 =	vor.u32 $0x6, v4  }
0x1cb: {  	v8 =	vmul.f32 s0, v8;
	v21 =	vld.idx.msk [tilespmem:v12+s19+$0x0], $0xffff;
	v16 =	vadd.f32 v16, v17;
	v17 =	vadd.f32 v19, v18  }
0x1cc: {  	v18 =	vand.u32 $0xFFFFFFF8, v5;
	v11 =	vmul.f32 v11, v6;
	v19 =	vor.u32 $0x7, v4;
	s0 =	sld [smem:s31+$0xFFFFFFFE];
	v12 =	vld.idx.msk [tilespmem:v12+s20+$0x0], $0xffff  }
0x1cd: {  	v10 =	vadd.f32 v10, v16;
	v8 =	vadd.f32 v8, v17;
	v6 =	vmul.f32 s3, v6;
	v16 =	vld.idx.msk [tilespmem:v14+s19+$0x0], $0xffff  }
0x1ce: {  	v4 =	vadd.s32 v3, v18;
	v15 =	vmul.f32 v15, v7;
	s3 =	sld [smem:s31+$0xFFFFFFFF];
	v14 =	vld.idx.msk [tilespmem:v14+s20+$0x0], $0xffff  }
0x1cf: {  	s2 =	sadd.s32 $0x8, s2;
	v10 =	vadd.f32 v11, v10;
	v6 =	vadd.f32 v6, v8;
	v7 =	vmul.f32 s0, v7;
	v17 =	vld.idx.msk [tilespmem:v20+s19+$0x0], $0xffff  }
0x1d0: {  	p0 =	slt.u32 s2, $0x78;
	v11 =	vor.u32 $0x1, v4;
	v13 =	vmul.f32 v13, v9;
	s0 =	sld [smem:s31+$0x0];
	v18 =	vld.idx.msk [tilespmem:v20+s20+$0x0], $0xffff  }
0x1d1: {  	v10 =	vadd.f32 v15, v10;
	v6 =	vadd.f32 v7, v6;
	v7 =	vmul.f32 s3, v9;
	v20 =	vld.idx.msk [tilespmem:v19+s19+$0x0], $0xffff  }
0x1d2: {  	v9 =	vor.u32 $0x2, v4;
	v12 =	vmul.f32 v12, v21;
	s3 =	sld [smem:s31+$0x1];
	v19 =	vld.idx.msk [tilespmem:v19+s20+$0x0], $0xffff  }
0x1d3: {  	v8 =	vld.idx.msk [tilespmem:v4+s19+$0x0], $0xffff;
	v15 =	vadd.f32 v13, v10;
	v7 =	vadd.f32 v7, v6;
	v21 =	vmul.f32 s0, v21  }
0x1d4: {  	v13 =	vor.u32 $0x3, v4;
	v14 =	vmul.f32 v14, v16;
	v10 =	vld.idx.msk [tilespmem:v4+s20+$0x0], $0xffff;
	s0 =	sld [smem:s31+$0x2]  }
.Ltmp5:
0x1d5: {  	v6 =	vld.idx.msk [tilespmem:v11+s19+$0x0], $0xffff;
	v15 =	vadd.f32 v12, v15;
	v21 =	vadd.f32 v21, v7;
	v16 =	vmul.f32 s3, v16;
	(pc) =	sbr.rel @p0 .LBB2_9-.Ltmp5, $4  }
0x1d6: {  	v12 =	vor.u32 $0x4, v4;
	v18 =	vmul.f32 v18, v17;
	v11 =	vld.idx.msk [tilespmem:v11+s20+$0x0], $0xffff;
	s3 =	sld [smem:s31+$0x3]  }
0x1d7: {  	s31 =	sadd.s32 $0x8, s31;
	v7 =	vld.idx.msk [tilespmem:v9+s19+$0x0], $0xffff;
	v22 =	vadd.f32 v14, v15;
	v21 =	vadd.f32 v16, v21;
	v23 =	vmul.f32 s0, v17  }
0x1d8: {  	v5 =	vadd.s32 $0x8, v5;
	v14 =	vor.u32 $0x5, v4;
	v16 =	vmul.f32 v19, v20;
	s0 =	sld [smem:s31+$0xFFFFFFFC];
	v15 =	vld.idx.msk [tilespmem:v9+s20+$0x0], $0xffff  }
0x1d9: {  	v9 =	vld.idx.msk [tilespmem:v13+s19+$0x0], $0xffff;
	v17 =	vadd.f32 v18, v22;
	v18 =	vadd.f32 v23, v21;
	v19 =	vmul.f32 s3, v20  }
0x1da: {  	_ =	sdelay $0x2  }
0x1db: {  	v5 =	vmul.f32 v10, v8;
	s2 =	sld [smem:s31+$0xFFFFFFFD];
	v10 =	vor.u32 $0x6, v4  }
0x1dc: {  	v13 =	vld.idx.msk [tilespmem:v13+s20+$0x0], $0xffff;
	v8 =	vmul.f32 s0, v8;
	v16 =	vadd.f32 v16, v17;
	v17 =	vadd.f32 v19, v18  }
0x1dd: {  	s3 =	sld [smem:s31+$0xFFFFFFFE];
	v4 =	vor.u32 $0x7, v4;
	v18 =	vld.idx.msk [tilespmem:v12+s19+$0x0], $0xffff;
	v11 =	vmul.f32 v11, v6  }
0x1de: {  	v12 =	vld.idx.msk [tilespmem:v12+s20+$0x0], $0xffff;
	v5 =	vadd.f32 v5, v16;
	v8 =	vadd.f32 v8, v17;
	v6 =	vmul.f32 s2, v6  }
0x1df: {  	s13 =	sld [smem:s31+$0xFFFFFFFF];
	v16 =	vld.idx.msk [tilespmem:v14+s19+$0x0], $0xffff;
	v15 =	vmul.f32 v15, v7  }
0x1e0: {  	v14 =	vld.idx.msk [tilespmem:v14+s20+$0x0], $0xffff;
	v7 =	vmul.f32 s3, v7;
	v5 =	vadd.f32 v11, v5;
	v6 =	vadd.f32 v6, v8  }
0x1e1: {  	s3 =	sld [smem:s31+$0x0];
	v8 =	vld.idx.msk [tilespmem:v10+s19+$0x0], $0xffff;
	v11 =	vmul.f32 v13, v9  }
0x1e2: {  	v10 =	vld.idx.msk [tilespmem:v10+s20+$0x0], $0xffff;
	v5 =	vadd.f32 v15, v5;
	v6 =	vadd.f32 v7, v6;
	v7 =	vmul.f32 s13, v9  }
0x1e3: {  	v12 =	vmul.f32 v12, v18;
	v9 =	vld.idx.msk [tilespmem:v4+s19+$0x0], $0xffff;
	s13 =	sld [smem:s31+$0x1]  }
0x1e4: {  	v4 =	vld.idx.msk [tilespmem:v4+s20+$0x0], $0xffff;
	v5 =	vadd.f32 v11, v5;
	v6 =	vadd.f32 v7, v6;
	v7 =	vmul.f32 s3, v18  }
0x1e5: {  	v11 =	vmul.f32 v14, v16  }
0x1e6: {  	s3 =	sld [smem:s31+$0x2];
	v5 =	vadd.f32 v12, v5;
	v6 =	vadd.f32 v7, v6;
	v7 =	vmul.f32 s13, v16;
	_ =	sdelay $0x1  }
0x1e7: {  	v10 =	vmul.f32 v10, v8;
	s13 =	sld [smem:s31+$0x3];
	v5 =	vadd.f32 v11, v5;
	v6 =	vadd.f32 v7, v6  }
0x1e8: {  	v7 =	vmul.f32 s3, v8;
	v8 =	vmul.f32 v4, v9;
	v11 =	vimm.s32 $0x0  }
0x1e9: {  	v4 =	vor.u32 $0x2000, v0;
	v5 =	vadd.f32 v10, v5;
	v10 =	vand.u32 $0xFFFFFFF8, v11  }
0x1ea: {  	v6 =	vadd.f32 v7, v6;
	v7 =	vmul.f32 s13, v9;
	v9 =	vadd.s32 v4, v10  }
0x1eb: {  	v5 =	vadd.f32 v8, v5  }
0x1ec: {  	v6 =	vadd.f32 v7, v6;
	v7 =	vor.u32 $0x1, v9  }
0x1ed: {  	[tilespmem:s30+$0x121B0] =	vst v5  }
0x1ee: {  	[tilespmem:s30+$0x13A30] =	vst v6;
	v5 =	vor.u32 $0x2, v9  }
0x1ef: {  	v6 =	vld.idx.msk [tilespmem:v9+s19+$0x0], $0xffff  }
0x1f0: {  	v10 =	vor.u32 $0x3, v9;
	v8 =	vld.idx.msk [tilespmem:v9+s20+$0x0], $0xffff  }
0x1f1: {  	v12 =	vld.idx.msk [tilespmem:v7+s19+$0x0], $0xffff  }
0x1f2: {  	v14 =	vor.u32 $0x4, v9;
	v7 =	vld.idx.msk [tilespmem:v7+s20+$0x0], $0xffff  }
0x1f3: {  	v13 =	vld.idx.msk [tilespmem:v5+s19+$0x0], $0xffff  }
0x1f4: {  	s0 =	sld [smem:$0x0];
	v15 =	vld.idx.msk [tilespmem:v5+s20+$0x0], $0xffff;
	v5 =	vor.u32 $0x5, v9  }
0x1f5: {  	v16 =	vld.idx.msk [tilespmem:v10+s19+$0x0], $0xffff  }
0x1f6: {  	s2 =	sld [smem:$0x1];
	v10 =	vld.idx.msk [tilespmem:v10+s20+$0x0], $0xffff  }
0x1f7: {  	v18 =	vor.u32 $0x6, v9;
	v17 =	vld.idx.msk [tilespmem:v14+s19+$0x0], $0xffff;
	v8 =	vmul.f32 v8, v6  }
0x1f8: {  	v20 =	vadd.s32 $0x8, v11;
	v11 =	vimm.f32 $0.0e+00;
	s3 =	sld [smem:$0x2];
	v14 =	vld.idx.msk [tilespmem:v14+s20+$0x0], $0xffff;
	v6 =	vmul.f32 s0, v6  }
0x1f9: {  	v9 =	vor.u32 $0x7, v9;
	v7 =	vmul.f32 v7, v12;
	v8 =	vadd.f32 v8, v11;
	v19 =	vld.idx.msk [tilespmem:v5+s19+$0x0], $0xffff  }
0x1fa: {  	s13 =	sld [smem:$0x3];
	v21 =	vld.idx.msk [tilespmem:v5+s20+$0x0], $0xffff;
	v5 =	vand.u32 $0xFFFFFFF8, v20;
	v6 =	vadd.f32 v6, v11;
	v11 =	vmul.f32 s2, v12  }
0x1fb: {  	v12 =	vmul.f32 v15, v13;
	v5 =	vadd.s32 v4, v5  }
0x1fc: {  	v22 =	vld.idx.msk [tilespmem:v18+s19+$0x0], $0xffff;
	v7 =	vadd.f32 v7, v8;
	v6 =	vadd.f32 v11, v6;
	v11 =	vmul.f32 s3, v13  }
0x1fd: {  	s0 =	sld [smem:$0x4];
	v18 =	vld.idx.msk [tilespmem:v18+s20+$0x0], $0xffff;
	v10 =	vmul.f32 v10, v16;
	v8 =	vor.u32 $0x1, v5  }
0x1fe: {  	v23 =	vld.idx.msk [tilespmem:v9+s19+$0x0], $0xffff;
	v7 =	vadd.f32 v12, v7;
	v12 =	vmul.f32 s13, v16;
	v6 =	vadd.f32 v11, v6  }
0x1ff: {  	s2 =	sld [smem:$0x5];
	v24 =	vld.idx.msk [tilespmem:v9+s20+$0x0], $0xffff;
	v15 =	vor.u32 $0x2, v5;
	v13 =	vmul.f32 v14, v17  }
0x200: {  	v16 =	vmul.f32 s0, v17;
	v10 =	vadd.f32 v10, v7;
	v9 =	vld.idx.msk [tilespmem:v5+s19+$0x0], $0xffff;
	v6 =	vadd.f32 v12, v6  }
0x201: {  	v14 =	vor.u32 $0x3, v5;
	v17 =	vmul.f32 v21, v19;
	v11 =	vld.idx.msk [tilespmem:v5+s20+$0x0], $0xffff;
	s3 =	sld [smem:$0x6]  }
0x202: {  	v7 =	vld.idx.msk [tilespmem:v8+s19+$0x0], $0xffff;
	v10 =	vadd.f32 v13, v10;
	v6 =	vadd.f32 v16, v6;
	v16 =	vmul.f32 s2, v19  }
0x203: {  	v18 =	vmul.f32 v18, v22;
	v12 =	vld.idx.msk [tilespmem:v8+s20+$0x0], $0xffff;
	s13 =	sld [smem:$0x7];
	v13 =	vor.u32 $0x4, v5  }
0x204: {  	v8 =	vld.idx.msk [tilespmem:v15+s19+$0x0], $0xffff;
	v19 =	vadd.f32 v17, v10;
	v22 =	vmul.f32 s3, v22;
	v21 =	vadd.f32 v16, v6  }
0x205: {  	s0 =	sld [smem:$0x8];
	v17 =	vmul.f32 v24, v23;
	v16 =	vld.idx.msk [tilespmem:v15+s20+$0x0], $0xffff;
	v15 =	vor.u32 $0x5, v5;
	v6 =	vadd.s32 $0x8, v20  }
0x206: {  	s31 =	simm.s32 $0xC;
	s2 =	simm.s32 $0x8;
	v10 =	vld.idx.msk [tilespmem:v14+s19+$0x0], $0xffff;
	v20 =	vmul.f32 s13, v23;
	v18 =	vadd.f32 v18, v19;
	v19 =	vadd.f32 v22, v21  }
.LBB2_11:
0x207: {  	v11 =	vmul.f32 v11, v9;
	s3 =	sld [smem:s31+$0xFFFFFFFD];
	v14 =	vld.idx.msk [tilespmem:v14+s20+$0x0], $0xffff;
	v21 =	vor.u32 $0x6, v5  }
0x208: {  	v9 =	vmul.f32 s0, v9;
	v22 =	vld.idx.msk [tilespmem:v13+s19+$0x0], $0xffff;
	v17 =	vadd.f32 v17, v18;
	v18 =	vadd.f32 v20, v19  }
0x209: {  	v19 =	vand.u32 $0xFFFFFFF8, v6;
	v12 =	vmul.f32 v12, v7;
	v20 =	vor.u32 $0x7, v5;
	s0 =	sld [smem:s31+$0xFFFFFFFE];
	v13 =	vld.idx.msk [tilespmem:v13+s20+$0x0], $0xffff  }
0x20a: {  	v11 =	vadd.f32 v11, v17;
	v9 =	vadd.f32 v9, v18;
	v7 =	vmul.f32 s3, v7;
	v17 =	vld.idx.msk [tilespmem:v15+s19+$0x0], $0xffff  }
0x20b: {  	v5 =	vadd.s32 v4, v19;
	v16 =	vmul.f32 v16, v8;
	s3 =	sld [smem:s31+$0xFFFFFFFF];
	v15 =	vld.idx.msk [tilespmem:v15+s20+$0x0], $0xffff  }
0x20c: {  	s2 =	sadd.s32 $0x8, s2;
	v11 =	vadd.f32 v12, v11;
	v7 =	vadd.f32 v7, v9;
	v8 =	vmul.f32 s0, v8;
	v18 =	vld.idx.msk [tilespmem:v21+s19+$0x0], $0xffff  }
0x20d: {  	p0 =	slt.u32 s2, $0x78;
	v12 =	vor.u32 $0x1, v5;
	v14 =	vmul.f32 v14, v10;
	s0 =	sld [smem:s31+$0x0];
	v19 =	vld.idx.msk [tilespmem:v21+s20+$0x0], $0xffff  }
0x20e: {  	v11 =	vadd.f32 v16, v11;
	v7 =	vadd.f32 v8, v7;
	v8 =	vmul.f32 s3, v10;
	v21 =	vld.idx.msk [tilespmem:v20+s19+$0x0], $0xffff  }
0x20f: {  	v10 =	vor.u32 $0x2, v5;
	v13 =	vmul.f32 v13, v22;
	s3 =	sld [smem:s31+$0x1];
	v20 =	vld.idx.msk [tilespmem:v20+s20+$0x0], $0xffff  }
0x210: {  	v9 =	vld.idx.msk [tilespmem:v5+s19+$0x0], $0xffff;
	v16 =	vadd.f32 v14, v11;
	v8 =	vadd.f32 v8, v7;
	v22 =	vmul.f32 s0, v22  }
0x211: {  	v14 =	vor.u32 $0x3, v5;
	v15 =	vmul.f32 v15, v17;
	v11 =	vld.idx.msk [tilespmem:v5+s20+$0x0], $0xffff;
	s0 =	sld [smem:s31+$0x2]  }
.Ltmp6:
0x212: {  	v7 =	vld.idx.msk [tilespmem:v12+s19+$0x0], $0xffff;
	v16 =	vadd.f32 v13, v16;
	v22 =	vadd.f32 v22, v8;
	v17 =	vmul.f32 s3, v17;
	(pc) =	sbr.rel @p0 .LBB2_11-.Ltmp6, $4  }
0x213: {  	v13 =	vor.u32 $0x4, v5;
	v19 =	vmul.f32 v19, v18;
	v12 =	vld.idx.msk [tilespmem:v12+s20+$0x0], $0xffff;
	s3 =	sld [smem:s31+$0x3]  }
0x214: {  	s31 =	sadd.s32 $0x8, s31;
	v8 =	vld.idx.msk [tilespmem:v10+s19+$0x0], $0xffff;
	v23 =	vadd.f32 v15, v16;
	v22 =	vadd.f32 v17, v22;
	v24 =	vmul.f32 s0, v18  }
0x215: {  	v6 =	vadd.s32 $0x8, v6;
	v15 =	vor.u32 $0x5, v5;
	v17 =	vmul.f32 v20, v21;
	s0 =	sld [smem:s31+$0xFFFFFFFC];
	v16 =	vld.idx.msk [tilespmem:v10+s20+$0x0], $0xffff  }
0x216: {  	v10 =	vld.idx.msk [tilespmem:v14+s19+$0x0], $0xffff;
	v18 =	vadd.f32 v19, v23;
	v19 =	vadd.f32 v24, v22;
	v20 =	vmul.f32 s3, v21  }
0x217: {  	_ =	sdelay $0x2  }
0x218: {  	v6 =	vmul.f32 v11, v9;
	s2 =	sld [smem:s31+$0xFFFFFFFD];
	v11 =	vor.u32 $0x6, v5  }
0x219: {  	v14 =	vld.idx.msk [tilespmem:v14+s20+$0x0], $0xffff;
	v9 =	vmul.f32 s0, v9;
	v17 =	vadd.f32 v17, v18;
	v18 =	vadd.f32 v20, v19  }
0x21a: {  	s3 =	sld [smem:s31+$0xFFFFFFFE];
	v5 =	vor.u32 $0x7, v5;
	v19 =	vld.idx.msk [tilespmem:v13+s19+$0x0], $0xffff;
	v12 =	vmul.f32 v12, v7  }
0x21b: {  	v13 =	vld.idx.msk [tilespmem:v13+s20+$0x0], $0xffff;
	v6 =	vadd.f32 v6, v17;
	v9 =	vadd.f32 v9, v18;
	v7 =	vmul.f32 s2, v7  }
0x21c: {  	s13 =	sld [smem:s31+$0xFFFFFFFF];
	v17 =	vld.idx.msk [tilespmem:v15+s19+$0x0], $0xffff;
	v16 =	vmul.f32 v16, v8  }
0x21d: {  	v15 =	vld.idx.msk [tilespmem:v15+s20+$0x0], $0xffff;
	v8 =	vmul.f32 s3, v8;
	v6 =	vadd.f32 v12, v6;
	v7 =	vadd.f32 v7, v9  }
0x21e: {  	s3 =	sld [smem:s31+$0x0];
	v9 =	vld.idx.msk [tilespmem:v11+s19+$0x0], $0xffff;
	v12 =	vmul.f32 v14, v10  }
0x21f: {  	v11 =	vld.idx.msk [tilespmem:v11+s20+$0x0], $0xffff;
	v6 =	vadd.f32 v16, v6;
	v7 =	vadd.f32 v8, v7;
	v8 =	vmul.f32 s13, v10  }
0x220: {  	v13 =	vmul.f32 v13, v19;
	v10 =	vld.idx.msk [tilespmem:v5+s19+$0x0], $0xffff;
	s13 =	sld [smem:s31+$0x1]  }
0x221: {  	v5 =	vld.idx.msk [tilespmem:v5+s20+$0x0], $0xffff;
	v6 =	vadd.f32 v12, v6;
	v7 =	vadd.f32 v8, v7;
	v8 =	vmul.f32 s3, v19  }
0x222: {  	v12 =	vmul.f32 v15, v17  }
0x223: {  	s3 =	sld [smem:s31+$0x2];
	v6 =	vadd.f32 v13, v6;
	v7 =	vadd.f32 v8, v7;
	v8 =	vmul.f32 s13, v17;
	_ =	sdelay $0x1  }
0x224: {  	v11 =	vmul.f32 v11, v9;
	s13 =	sld [smem:s31+$0x3];
	v6 =	vadd.f32 v12, v6;
	v7 =	vadd.f32 v8, v7  }
0x225: {  	v8 =	vmul.f32 s3, v9;
	v9 =	vmul.f32 v5, v10;
	v12 =	vimm.s32 $0x0  }
0x226: {  	v5 =	vor.u32 $0x2800, v0;
	v6 =	vadd.f32 v11, v6;
	v11 =	vand.u32 $0xFFFFFFF8, v12  }
0x227: {  	v7 =	vadd.f32 v8, v7;
	v8 =	vmul.f32 s13, v10;
	v10 =	vadd.s32 v5, v11  }
0x228: {  	v6 =	vadd.f32 v9, v6  }
0x229: {  	v7 =	vadd.f32 v8, v7;
	v8 =	vor.u32 $0x1, v10  }
0x22a: {  	[tilespmem:s30+$0x121C0] =	vst v6  }
0x22b: {  	[tilespmem:s30+$0x13A40] =	vst v7;
	v6 =	vor.u32 $0x2, v10  }
0x22c: {  	v7 =	vld.idx.msk [tilespmem:v10+s19+$0x0], $0xffff  }
0x22d: {  	v11 =	vor.u32 $0x3, v10;
	v9 =	vld.idx.msk [tilespmem:v10+s20+$0x0], $0xffff  }
0x22e: {  	v13 =	vld.idx.msk [tilespmem:v8+s19+$0x0], $0xffff  }
0x22f: {  	v15 =	vor.u32 $0x4, v10;
	v8 =	vld.idx.msk [tilespmem:v8+s20+$0x0], $0xffff  }
0x230: {  	v14 =	vld.idx.msk [tilespmem:v6+s19+$0x0], $0xffff  }
0x231: {  	s0 =	sld [smem:$0x0];
	v16 =	vld.idx.msk [tilespmem:v6+s20+$0x0], $0xffff;
	v6 =	vor.u32 $0x5, v10  }
0x232: {  	v17 =	vld.idx.msk [tilespmem:v11+s19+$0x0], $0xffff  }
0x233: {  	s2 =	sld [smem:$0x1];
	v11 =	vld.idx.msk [tilespmem:v11+s20+$0x0], $0xffff  }
0x234: {  	v19 =	vor.u32 $0x6, v10;
	v18 =	vld.idx.msk [tilespmem:v15+s19+$0x0], $0xffff;
	v9 =	vmul.f32 v9, v7  }
0x235: {  	v21 =	vadd.s32 $0x8, v12;
	v12 =	vimm.f32 $0.0e+00;
	s3 =	sld [smem:$0x2];
	v15 =	vld.idx.msk [tilespmem:v15+s20+$0x0], $0xffff;
	v7 =	vmul.f32 s0, v7  }
0x236: {  	v10 =	vor.u32 $0x7, v10;
	v8 =	vmul.f32 v8, v13;
	v9 =	vadd.f32 v9, v12;
	v20 =	vld.idx.msk [tilespmem:v6+s19+$0x0], $0xffff  }
0x237: {  	s13 =	sld [smem:$0x3];
	v22 =	vld.idx.msk [tilespmem:v6+s20+$0x0], $0xffff;
	v6 =	vand.u32 $0xFFFFFFF8, v21;
	v7 =	vadd.f32 v7, v12;
	v12 =	vmul.f32 s2, v13  }
0x238: {  	v13 =	vmul.f32 v16, v14;
	v6 =	vadd.s32 v5, v6  }
0x239: {  	v23 =	vld.idx.msk [tilespmem:v19+s19+$0x0], $0xffff;
	v8 =	vadd.f32 v8, v9;
	v7 =	vadd.f32 v12, v7;
	v12 =	vmul.f32 s3, v14  }
0x23a: {  	s0 =	sld [smem:$0x4];
	v19 =	vld.idx.msk [tilespmem:v19+s20+$0x0], $0xffff;
	v11 =	vmul.f32 v11, v17;
	v9 =	vor.u32 $0x1, v6  }
0x23b: {  	v24 =	vld.idx.msk [tilespmem:v10+s19+$0x0], $0xffff;
	v8 =	vadd.f32 v13, v8;
	v13 =	vmul.f32 s13, v17;
	v7 =	vadd.f32 v12, v7  }
0x23c: {  	s2 =	sld [smem:$0x5];
	v25 =	vld.idx.msk [tilespmem:v10+s20+$0x0], $0xffff;
	v16 =	vor.u32 $0x2, v6;
	v14 =	vmul.f32 v15, v18  }
0x23d: {  	v17 =	vmul.f32 s0, v18;
	v11 =	vadd.f32 v11, v8;
	v10 =	vld.idx.msk [tilespmem:v6+s19+$0x0], $0xffff;
	v7 =	vadd.f32 v13, v7  }
0x23e: {  	v15 =	vor.u32 $0x3, v6;
	v18 =	vmul.f32 v22, v20;
	v12 =	vld.idx.msk [tilespmem:v6+s20+$0x0], $0xffff;
	s3 =	sld [smem:$0x6]  }
0x23f: {  	v8 =	vld.idx.msk [tilespmem:v9+s19+$0x0], $0xffff;
	v11 =	vadd.f32 v14, v11;
	v7 =	vadd.f32 v17, v7;
	v17 =	vmul.f32 s2, v20  }
0x240: {  	v19 =	vmul.f32 v19, v23;
	v13 =	vld.idx.msk [tilespmem:v9+s20+$0x0], $0xffff;
	s13 =	sld [smem:$0x7];
	v14 =	vor.u32 $0x4, v6  }
0x241: {  	v9 =	vld.idx.msk [tilespmem:v16+s19+$0x0], $0xffff;
	v20 =	vadd.f32 v18, v11;
	v23 =	vmul.f32 s3, v23;
	v22 =	vadd.f32 v17, v7  }
0x242: {  	s0 =	sld [smem:$0x8];
	v18 =	vmul.f32 v25, v24;
	v17 =	vld.idx.msk [tilespmem:v16+s20+$0x0], $0xffff;
	v16 =	vor.u32 $0x5, v6;
	v7 =	vadd.s32 $0x8, v21  }
0x243: {  	s31 =	simm.s32 $0xC;
	s2 =	simm.s32 $0x8;
	v11 =	vld.idx.msk [tilespmem:v15+s19+$0x0], $0xffff;
	v21 =	vmul.f32 s13, v24;
	v19 =	vadd.f32 v19, v20;
	v20 =	vadd.f32 v23, v22  }
.LBB2_13:
0x244: {  	v12 =	vmul.f32 v12, v10;
	s3 =	sld [smem:s31+$0xFFFFFFFD];
	v15 =	vld.idx.msk [tilespmem:v15+s20+$0x0], $0xffff;
	v22 =	vor.u32 $0x6, v6  }
0x245: {  	v10 =	vmul.f32 s0, v10;
	v23 =	vld.idx.msk [tilespmem:v14+s19+$0x0], $0xffff;
	v18 =	vadd.f32 v18, v19;
	v19 =	vadd.f32 v21, v20  }
0x246: {  	v20 =	vand.u32 $0xFFFFFFF8, v7;
	v13 =	vmul.f32 v13, v8;
	v21 =	vor.u32 $0x7, v6;
	s0 =	sld [smem:s31+$0xFFFFFFFE];
	v14 =	vld.idx.msk [tilespmem:v14+s20+$0x0], $0xffff  }
0x247: {  	v12 =	vadd.f32 v12, v18;
	v10 =	vadd.f32 v10, v19;
	v8 =	vmul.f32 s3, v8;
	v18 =	vld.idx.msk [tilespmem:v16+s19+$0x0], $0xffff  }
0x248: {  	v6 =	vadd.s32 v5, v20;
	v17 =	vmul.f32 v17, v9;
	s3 =	sld [smem:s31+$0xFFFFFFFF];
	v16 =	vld.idx.msk [tilespmem:v16+s20+$0x0], $0xffff  }
0x249: {  	s2 =	sadd.s32 $0x8, s2;
	v12 =	vadd.f32 v13, v12;
	v8 =	vadd.f32 v8, v10;
	v9 =	vmul.f32 s0, v9;
	v19 =	vld.idx.msk [tilespmem:v22+s19+$0x0], $0xffff  }
0x24a: {  	p0 =	slt.u32 s2, $0x78;
	v13 =	vor.u32 $0x1, v6;
	v15 =	vmul.f32 v15, v11;
	s0 =	sld [smem:s31+$0x0];
	v20 =	vld.idx.msk [tilespmem:v22+s20+$0x0], $0xffff  }
0x24b: {  	v12 =	vadd.f32 v17, v12;
	v8 =	vadd.f32 v9, v8;
	v9 =	vmul.f32 s3, v11;
	v22 =	vld.idx.msk [tilespmem:v21+s19+$0x0], $0xffff  }
0x24c: {  	v11 =	vor.u32 $0x2, v6;
	v14 =	vmul.f32 v14, v23;
	s3 =	sld [smem:s31+$0x1];
	v21 =	vld.idx.msk [tilespmem:v21+s20+$0x0], $0xffff  }
0x24d: {  	v10 =	vld.idx.msk [tilespmem:v6+s19+$0x0], $0xffff;
	v17 =	vadd.f32 v15, v12;
	v9 =	vadd.f32 v9, v8;
	v23 =	vmul.f32 s0, v23  }
0x24e: {  	v15 =	vor.u32 $0x3, v6;
	v16 =	vmul.f32 v16, v18;
	v12 =	vld.idx.msk [tilespmem:v6+s20+$0x0], $0xffff;
	s0 =	sld [smem:s31+$0x2]  }
.Ltmp7:
0x24f: {  	v8 =	vld.idx.msk [tilespmem:v13+s19+$0x0], $0xffff;
	v17 =	vadd.f32 v14, v17;
	v23 =	vadd.f32 v23, v9;
	v18 =	vmul.f32 s3, v18;
	(pc) =	sbr.rel @p0 .LBB2_13-.Ltmp7, $4  }
0x250: {  	v14 =	vor.u32 $0x4, v6;
	v20 =	vmul.f32 v20, v19;
	v13 =	vld.idx.msk [tilespmem:v13+s20+$0x0], $0xffff;
	s3 =	sld [smem:s31+$0x3]  }
0x251: {  	s31 =	sadd.s32 $0x8, s31;
	v9 =	vld.idx.msk [tilespmem:v11+s19+$0x0], $0xffff;
	v24 =	vadd.f32 v16, v17;
	v23 =	vadd.f32 v18, v23;
	v25 =	vmul.f32 s0, v19  }
0x252: {  	v7 =	vadd.s32 $0x8, v7;
	v16 =	vor.u32 $0x5, v6;
	v18 =	vmul.f32 v21, v22;
	s0 =	sld [smem:s31+$0xFFFFFFFC];
	v17 =	vld.idx.msk [tilespmem:v11+s20+$0x0], $0xffff  }
0x253: {  	v11 =	vld.idx.msk [tilespmem:v15+s19+$0x0], $0xffff;
	v19 =	vadd.f32 v20, v24;
	v20 =	vadd.f32 v25, v23;
	v21 =	vmul.f32 s3, v22  }
0x254: {  	_ =	sdelay $0x2  }
0x255: {  	v7 =	vmul.f32 v12, v10;
	s2 =	sld [smem:s31+$0xFFFFFFFD];
	v12 =	vor.u32 $0x6, v6  }
0x256: {  	v15 =	vld.idx.msk [tilespmem:v15+s20+$0x0], $0xffff;
	v10 =	vmul.f32 s0, v10;
	v18 =	vadd.f32 v18, v19;
	v19 =	vadd.f32 v21, v20  }
0x257: {  	s3 =	sld [smem:s31+$0xFFFFFFFE];
	v6 =	vor.u32 $0x7, v6;
	v20 =	vld.idx.msk [tilespmem:v14+s19+$0x0], $0xffff;
	v13 =	vmul.f32 v13, v8  }
0x258: {  	v14 =	vld.idx.msk [tilespmem:v14+s20+$0x0], $0xffff;
	v7 =	vadd.f32 v7, v18;
	v10 =	vadd.f32 v10, v19;
	v8 =	vmul.f32 s2, v8  }
0x259: {  	s13 =	sld [smem:s31+$0xFFFFFFFF];
	v18 =	vld.idx.msk [tilespmem:v16+s19+$0x0], $0xffff;
	v17 =	vmul.f32 v17, v9  }
0x25a: {  	v16 =	vld.idx.msk [tilespmem:v16+s20+$0x0], $0xffff;
	v9 =	vmul.f32 s3, v9;
	v7 =	vadd.f32 v13, v7;
	v8 =	vadd.f32 v8, v10  }
0x25b: {  	s3 =	sld [smem:s31+$0x0];
	v10 =	vld.idx.msk [tilespmem:v12+s19+$0x0], $0xffff;
	v13 =	vmul.f32 v15, v11  }
0x25c: {  	v12 =	vld.idx.msk [tilespmem:v12+s20+$0x0], $0xffff;
	v7 =	vadd.f32 v17, v7;
	v8 =	vadd.f32 v9, v8;
	v9 =	vmul.f32 s13, v11  }
0x25d: {  	v14 =	vmul.f32 v14, v20;
	v11 =	vld.idx.msk [tilespmem:v6+s19+$0x0], $0xffff;
	s13 =	sld [smem:s31+$0x1]  }
0x25e: {  	v6 =	vld.idx.msk [tilespmem:v6+s20+$0x0], $0xffff;
	v7 =	vadd.f32 v13, v7;
	v8 =	vadd.f32 v9, v8;
	v9 =	vmul.f32 s3, v20  }
0x25f: {  	v13 =	vmul.f32 v16, v18  }
0x260: {  	s3 =	sld [smem:s31+$0x2];
	v7 =	vadd.f32 v14, v7;
	v8 =	vadd.f32 v9, v8;
	v9 =	vmul.f32 s13, v18;
	_ =	sdelay $0x1  }
0x261: {  	v12 =	vmul.f32 v12, v10;
	s13 =	sld [smem:s31+$0x3];
	v7 =	vadd.f32 v13, v7;
	v8 =	vadd.f32 v9, v8  }
0x262: {  	v9 =	vmul.f32 s3, v10;
	v10 =	vmul.f32 v6, v11;
	v13 =	vimm.s32 $0x0  }
0x263: {  	v6 =	vor.u32 $0x3000, v0;
	v7 =	vadd.f32 v12, v7;
	v12 =	vand.u32 $0xFFFFFFF8, v13  }
0x264: {  	v8 =	vadd.f32 v9, v8;
	v9 =	vmul.f32 s13, v11;
	v11 =	vadd.s32 v6, v12  }
0x265: {  	v7 =	vadd.f32 v10, v7  }
0x266: {  	v8 =	vadd.f32 v9, v8;
	v9 =	vor.u32 $0x1, v11  }
0x267: {  	[tilespmem:s30+$0x121D0] =	vst v7  }
0x268: {  	[tilespmem:s30+$0x13A50] =	vst v8;
	v7 =	vor.u32 $0x2, v11  }
0x269: {  	v8 =	vld.idx.msk [tilespmem:v11+s19+$0x0], $0xffff  }
0x26a: {  	v12 =	vor.u32 $0x3, v11;
	v10 =	vld.idx.msk [tilespmem:v11+s20+$0x0], $0xffff  }
0x26b: {  	v14 =	vld.idx.msk [tilespmem:v9+s19+$0x0], $0xffff  }
0x26c: {  	v16 =	vor.u32 $0x4, v11;
	v9 =	vld.idx.msk [tilespmem:v9+s20+$0x0], $0xffff  }
0x26d: {  	v15 =	vld.idx.msk [tilespmem:v7+s19+$0x0], $0xffff  }
0x26e: {  	s0 =	sld [smem:$0x0];
	v17 =	vld.idx.msk [tilespmem:v7+s20+$0x0], $0xffff;
	v7 =	vor.u32 $0x5, v11  }
0x26f: {  	v18 =	vld.idx.msk [tilespmem:v12+s19+$0x0], $0xffff  }
0x270: {  	v20 =	vor.u32 $0x6, v11;
	s2 =	sld [smem:$0x1];
	v12 =	vld.idx.msk [tilespmem:v12+s20+$0x0], $0xffff  }
0x271: {  	v19 =	vld.idx.msk [tilespmem:v16+s19+$0x0], $0xffff  }
0x272: {  	v11 =	vor.u32 $0x7, v11;
	s3 =	sld [smem:$0x2];
	v16 =	vld.idx.msk [tilespmem:v16+s20+$0x0], $0xffff;
	v10 =	vmul.f32 v10, v8  }
0x273: {  	v22 =	vadd.s32 $0x8, v13;
	v13 =	vimm.f32 $0.0e+00;
	v8 =	vmul.f32 s0, v8;
	v21 =	vld.idx.msk [tilespmem:v7+s19+$0x0], $0xffff  }
0x274: {  	v9 =	vmul.f32 v9, v14;
	v10 =	vadd.f32 v10, v13;
	s13 =	sld [smem:$0x3];
	v23 =	vld.idx.msk [tilespmem:v7+s20+$0x0], $0xffff  }
0x275: {  	v7 =	vand.u32 $0xFFFFFFF8, v22;
	v24 =	vld.idx.msk [tilespmem:v20+s19+$0x0], $0xffff;
	v8 =	vadd.f32 v8, v13;
	v13 =	vmul.f32 s2, v14  }
0x276: {  	v14 =	vmul.f32 v17, v15;
	v7 =	vadd.s32 v6, v7;
	s0 =	sld [smem:$0x4];
	v20 =	vld.idx.msk [tilespmem:v20+s20+$0x0], $0xffff  }
0x277: {  	v25 =	vld.idx.msk [tilespmem:v11+s19+$0x0], $0xffff;
	v9 =	vadd.f32 v9, v10;
	v8 =	vadd.f32 v13, v8;
	v13 =	vmul.f32 s3, v15  }
0x278: {  	v26 =	vor.u32 $0x1, v7;
	s2 =	sld [smem:$0x5];
	v27 =	vld.idx.msk [tilespmem:v11+s20+$0x0], $0xffff;
	v11 =	vmul.f32 v12, v18  }
0x279: {  	v9 =	vadd.f32 v14, v9;
	v12 =	vmul.f32 s13, v18;
	v8 =	vadd.f32 v13, v8  }
0x27a: {  	v15 =	vmul.f32 v16, v19;
	v18 =	vor.u32 $0x2, v7  }
0x27b: {  	v11 =	vadd.f32 v11, v9;
	v10 =	vld.idx.msk [tilespmem:v7+s19+$0x0], $0xffff;
	v8 =	vadd.f32 v12, v8;
	v12 =	vmul.f32 s0, v19  }
0x27c: {  	v17 =	vor.u32 $0x3, v7;
	v16 =	vmul.f32 v23, v21;
	v13 =	vld.idx.msk [tilespmem:v7+s20+$0x0], $0xffff;
	s3 =	sld [smem:$0x6]  }
0x27d: {  	v9 =	vld.idx.msk [tilespmem:v26+s19+$0x0], $0xffff;
	v19 =	vadd.f32 v15, v11;
	v8 =	vadd.f32 v12, v8;
	v12 =	vmul.f32 s2, v21  }
0x27e: {  	v20 =	vmul.f32 v20, v24;
	v14 =	vld.idx.msk [tilespmem:v26+s20+$0x0], $0xffff;
	s13 =	sld [smem:$0x7];
	v15 =	vor.u32 $0x4, v7  }
0x27f: {  	v11 =	vld.idx.msk [tilespmem:v18+s19+$0x0], $0xffff;
	v21 =	vadd.f32 v16, v19;
	v24 =	vmul.f32 s3, v24;
	v23 =	vadd.f32 v12, v8  }
0x280: {  	s0 =	sld [smem:$0x8];
	v18 =	vld.idx.msk [tilespmem:v18+s20+$0x0], $0xffff;
	v16 =	vor.u32 $0x5, v7;
	v19 =	vmul.f32 v27, v25;
	v8 =	vadd.s32 $0x8, v22  }
0x281: {  	s31 =	simm.s32 $0xC;
	s2 =	simm.s32 $0x8;
	v12 =	vld.idx.msk [tilespmem:v17+s19+$0x0], $0xffff;
	v22 =	vadd.f32 v20, v21;
	v21 =	vmul.f32 s13, v25;
	v20 =	vadd.f32 v24, v23  }
.LBB2_15:
0x282: {  	v13 =	vmul.f32 v13, v10;
	s3 =	sld [smem:s31+$0xFFFFFFFD];
	v17 =	vld.idx.msk [tilespmem:v17+s20+$0x0], $0xffff;
	v23 =	vor.u32 $0x6, v7  }
0x283: {  	v10 =	vmul.f32 s0, v10;
	v24 =	vld.idx.msk [tilespmem:v15+s19+$0x0], $0xffff;
	v19 =	vadd.f32 v19, v22;
	v20 =	vadd.f32 v21, v20  }
0x284: {  	v21 =	vand.u32 $0xFFFFFFF8, v8;
	v14 =	vmul.f32 v14, v9;
	v22 =	vor.u32 $0x7, v7;
	s0 =	sld [smem:s31+$0xFFFFFFFE];
	v15 =	vld.idx.msk [tilespmem:v15+s20+$0x0], $0xffff  }
0x285: {  	v13 =	vadd.f32 v13, v19;
	v10 =	vadd.f32 v10, v20;
	v9 =	vmul.f32 s3, v9;
	v19 =	vld.idx.msk [tilespmem:v16+s19+$0x0], $0xffff  }
0x286: {  	v7 =	vadd.s32 v6, v21;
	v18 =	vmul.f32 v18, v11;
	s3 =	sld [smem:s31+$0xFFFFFFFF];
	v16 =	vld.idx.msk [tilespmem:v16+s20+$0x0], $0xffff  }
0x287: {  	s2 =	sadd.s32 $0x8, s2;
	v13 =	vadd.f32 v14, v13;
	v9 =	vadd.f32 v9, v10;
	v10 =	vmul.f32 s0, v11;
	v20 =	vld.idx.msk [tilespmem:v23+s19+$0x0], $0xffff  }
0x288: {  	p0 =	slt.u32 s2, $0x78;
	v11 =	vor.u32 $0x1, v7;
	v14 =	vmul.f32 v17, v12;
	s0 =	sld [smem:s31+$0x0];
	v21 =	vld.idx.msk [tilespmem:v23+s20+$0x0], $0xffff  }
0x289: {  	v13 =	vadd.f32 v18, v13;
	v9 =	vadd.f32 v10, v9;
	v12 =	vmul.f32 s3, v12;
	v23 =	vld.idx.msk [tilespmem:v22+s19+$0x0], $0xffff  }
0x28a: {  	v18 =	vor.u32 $0x2, v7;
	v15 =	vmul.f32 v15, v24;
	s3 =	sld [smem:s31+$0x1];
	v22 =	vld.idx.msk [tilespmem:v22+s20+$0x0], $0xffff  }
0x28b: {  	v10 =	vld.idx.msk [tilespmem:v7+s19+$0x0], $0xffff;
	v14 =	vadd.f32 v14, v13;
	v12 =	vadd.f32 v12, v9;
	v24 =	vmul.f32 s0, v24  }
0x28c: {  	v17 =	vor.u32 $0x3, v7;
	v16 =	vmul.f32 v16, v19;
	v13 =	vld.idx.msk [tilespmem:v7+s20+$0x0], $0xffff;
	s0 =	sld [smem:s31+$0x2]  }
.Ltmp8:
0x28d: {  	v9 =	vld.idx.msk [tilespmem:v11+s19+$0x0], $0xffff;
	v25 =	vadd.f32 v15, v14;
	v12 =	vadd.f32 v24, v12;
	v19 =	vmul.f32 s3, v19;
	(pc) =	sbr.rel @p0 .LBB2_15-.Ltmp8, $4  }
0x28e: {  	v15 =	vor.u32 $0x4, v7;
	v21 =	vmul.f32 v21, v20;
	v14 =	vld.idx.msk [tilespmem:v11+s20+$0x0], $0xffff;
	s3 =	sld [smem:s31+$0x3]  }
0x28f: {  	s31 =	sadd.s32 $0x8, s31;
	v11 =	vld.idx.msk [tilespmem:v18+s19+$0x0], $0xffff;
	v24 =	vadd.f32 v16, v25;
	v25 =	vadd.f32 v19, v12;
	v20 =	vmul.f32 s0, v20  }
0x290: {  	v8 =	vadd.s32 $0x8, v8;
	v16 =	vor.u32 $0x5, v7;
	v19 =	vmul.f32 v22, v23;
	s0 =	sld [smem:s31+$0xFFFFFFFC];
	v18 =	vld.idx.msk [tilespmem:v18+s20+$0x0], $0xffff  }
0x291: {  	v12 =	vld.idx.msk [tilespmem:v17+s19+$0x0], $0xffff;
	v22 =	vadd.f32 v21, v24;
	v20 =	vadd.f32 v20, v25;
	v21 =	vmul.f32 s3, v23  }
0x292: {  	_ =	sdelay $0x2  }
0x293: {  	v8 =	vmul.f32 v13, v10;
	s2 =	sld [smem:s31+$0xFFFFFFFD];
	v13 =	vadd.f32 v19, v22  }
0x294: {  	v17 =	vld.idx.msk [tilespmem:v17+s20+$0x0], $0xffff;
	v19 =	vor.u32 $0x6, v7;
	v10 =	vmul.f32 s0, v10;
	v20 =	vadd.f32 v21, v20  }
0x295: {  	s13 =	sld [smem:s31+$0xFFFFFFFE];
	v21 =	vld.idx.msk [tilespmem:v15+s19+$0x0], $0xffff;
	v14 =	vmul.f32 v14, v9;
	v8 =	vadd.f32 v8, v13  }
0x296: {  	v7 =	vor.u32 $0x7, v7;
	v13 =	vld.idx.msk [tilespmem:v15+s20+$0x0], $0xffff;
	v10 =	vadd.f32 v10, v20;
	v9 =	vmul.f32 s2, v9  }
0x297: {  	s3 =	sld [smem:s31+$0xFFFFFFFF];
	v15 =	vld.idx.msk [tilespmem:v16+s19+$0x0], $0xffff;
	v18 =	vmul.f32 v18, v11;
	v8 =	vadd.f32 v14, v8  }
0x298: {  	v14 =	vld.idx.msk [tilespmem:v16+s20+$0x0], $0xffff;
	v9 =	vadd.f32 v9, v10;
	v10 =	vmul.f32 s13, v11  }
0x299: {  	v16 =	vmul.f32 v17, v12;
	s13 =	sld [smem:s31+$0x0];
	v11 =	vld.idx.msk [tilespmem:v19+s19+$0x0], $0xffff;
	v8 =	vadd.f32 v18, v8  }
0x29a: {  	v17 =	vld.idx.msk [tilespmem:v19+s20+$0x0], $0xffff;
	v9 =	vadd.f32 v10, v9;
	v10 =	vmul.f32 s3, v12  }
0x29b: {  	v12 =	vld.idx.msk [tilespmem:v7+s19+$0x0], $0xffff;
	s3 =	sld [smem:s31+$0x1];
	v13 =	vmul.f32 v13, v21;
	v8 =	vadd.f32 v16, v8  }
0x29c: {  	v7 =	vld.idx.msk [tilespmem:v7+s20+$0x0], $0xffff;
	v9 =	vadd.f32 v10, v9;
	v10 =	vmul.f32 s13, v21  }
0x29d: {  	s13 =	sld [smem:s31+$0x2];
	v14 =	vmul.f32 v14, v15;
	v8 =	vadd.f32 v13, v8  }
0x29e: {  	v9 =	vadd.f32 v10, v9;
	v10 =	vmul.f32 s3, v15  }
0x29f: {  	v13 =	vmul.f32 v17, v11;
	s3 =	sld [smem:s31+$0x3];
	v8 =	vadd.f32 v14, v8  }
0x2a0: {  	v9 =	vadd.f32 v10, v9;
	v10 =	vmul.f32 s13, v11  }
0x2a1: {  	v7 =	vmul.f32 v7, v12;
	v8 =	vadd.f32 v13, v8  }
0x2a2: {  	v9 =	vadd.f32 v10, v9;
	v10 =	vmul.f32 s3, v12  }
0x2a3: {  	v7 =	vadd.f32 v7, v8  }
0x2a4: {  	v8 =	vadd.f32 v10, v9  }
0x2a5: {  	p0 =	seq.s32 s29, $0x1B;
	[tilespmem:s30+$0x121E0] =	vst v7  }
0x2a6: {  	s0 =	sadd.s32 @!p0 $0xE0, s30;
	s2 =	simm.s32 @!p0 $0x70;
	s3 =	simm.s32 @!p0 $0x3100;
	[tilespmem:s30+$0x13A60] =	vst v8  }
0x2a7: {  	[tilespmem:s3], [sflag:$0x1] =	stream.indirect.gather @!p0 [hbm4b:s1+s2], $0x80, s0, s2, $0xb8;
	[tilespmem:$0x15280] =	vst v63  }
0x2a8: {  	s0 =	sadd.s32 @!p0 $0x1960, s30;
	s3 =	simm.s32 @!p0 $0x6900  }
0x2a9: {  	v8 =	vimm.s32 $0x0;
	[tilespmem:s3], [sflag:$0x2] =	stream.indirect.gather @!p0 [hbm4b:s1+s2], $0x80, s0, s2, $0xb8;
	[tilespmem:$0x15280] =	vst v63  }
0x2aa: {  	v7 =	vand.u32 $0xFFFFFFF8, v8;
	_ =	swait.ge [sflag:s24], $0x3800  }
0x2ab: {  	v7 =	vadd.s32 v0, v7;
	[sflag:s24] =	ssyncset.done $0x0  }
0x2ac: {  	s31 =	simm.s32 $0x4;
	[sflag:s24] =	ssyncadd.s32 $0xFFFFC800  }
0x2ad: {  	v9 =	vor.u32 $0x1, v7;
	_ =	swait.ge [sflag:s31], $0x3800  }
0x2ae: {  	[sflag:s31] =	ssyncset.done $0x0  }
0x2af: {  	v11 =	vor.u32 $0x2, v7;
	[sflag:s31] =	ssyncadd.s32 $0xFFFFC800  }
0x2b0: {  	v21 =	vld.idx.msk [tilespmem:v7+s21+$0x0], $0xffff  }
0x2b1: {  	v14 =	vor.u32 $0x3, v7;
	v13 =	vld.idx.msk [tilespmem:v7+s23+$0x0], $0xffff  }
0x2b2: {  	v12 =	vld.idx.msk [tilespmem:v9+s21+$0x0], $0xffff  }
0x2b3: {  	v17 =	vor.u32 $0x4, v7;
	v18 =	vld.idx.msk [tilespmem:v9+s23+$0x0], $0xffff  }
0x2b4: {  	v10 =	vld.idx.msk [tilespmem:v11+s21+$0x0], $0xffff  }
0x2b5: {  	v15 =	vor.u32 $0x5, v7;
	s13 =	sld [smem:$0x0];
	v16 =	vld.idx.msk [tilespmem:v11+s23+$0x0], $0xffff  }
0x2b6: {  	v9 =	vld.idx.msk [tilespmem:v14+s21+$0x0], $0xffff  }
0x2b7: {  	v22 =	vimm.f32 $0.0e+00;
	s0 =	sld [smem:$0x1];
	v14 =	vld.idx.msk [tilespmem:v14+s23+$0x0], $0xffff;
	v19 =	vmul.f32 v13, v21;
	v13 =	vor.u32 $0x6, v7  }
0x2b8: {  	v20 =	vimm.f32 $0.0e+00;
	v8 =	vadd.s32 $0x8, v8;
	s2 =	simm.s32 $0x0;
	v11 =	vld.idx.msk [tilespmem:v17+s21+$0x0], $0xffff;
	v21 =	vmul.f32 s13, v21  }
.LBB2_17:
0x2b9: {  	v23 =	vand.u32 $0xFFFFFFF8, v8;
	v18 =	vmul.f32 v18, v12;
	s3 =	sld [smem:s31+$0xFFFFFFFE];
	v17 =	vld.idx.msk [tilespmem:v17+s23+$0x0], $0xffff;
	v24 =	vor.u32 $0x7, v7  }
0x2ba: {  	v19 =	vadd.f32 v19, v20;
	v20 =	vadd.f32 v21, v22;
	v12 =	vmul.f32 s0, v12;
	v21 =	vld.idx.msk [tilespmem:v15+s21+$0x0], $0xffff  }
0x2bb: {  	v7 =	vadd.s32 v0, v23;
	v16 =	vmul.f32 v16, v10;
	s0 =	sld [smem:s31+$0xFFFFFFFF];
	v15 =	vld.idx.msk [tilespmem:v15+s23+$0x0], $0xffff  }
0x2bc: {  	s2 =	sadd.s32 $0x8, s2;
	v18 =	vadd.f32 v18, v19;
	v12 =	vadd.f32 v12, v20;
	v10 =	vmul.f32 s3, v10;
	v19 =	vld.idx.msk [tilespmem:v13+s21+$0x0], $0xffff  }
0x2bd: {  	p1 =	slt.u32 s2, $0x78;
	v20 =	vor.u32 $0x1, v7;
	v14 =	vmul.f32 v14, v9;
	s3 =	sld [smem:s31+$0x0];
	v13 =	vld.idx.msk [tilespmem:v13+s23+$0x0], $0xffff  }
0x2be: {  	v16 =	vadd.f32 v16, v18;
	v10 =	vadd.f32 v10, v12;
	v9 =	vmul.f32 s0, v9;
	v22 =	vld.idx.msk [tilespmem:v24+s21+$0x0], $0xffff  }
0x2bf: {  	v23 =	vor.u32 $0x2, v7;
	v17 =	vmul.f32 v17, v11;
	s0 =	sld [smem:s31+$0x1];
	v24 =	vld.idx.msk [tilespmem:v24+s23+$0x0], $0xffff  }
0x2c0: {  	v25 =	vld.idx.msk [tilespmem:v7+s21+$0x0], $0xffff;
	v14 =	vadd.f32 v14, v16;
	v9 =	vadd.f32 v9, v10;
	v10 =	vmul.f32 s3, v11  }
0x2c1: {  	v26 =	vor.u32 $0x3, v7;
	v15 =	vmul.f32 v15, v21;
	v11 =	vld.idx.msk [tilespmem:v7+s23+$0x0], $0xffff;
	s3 =	sld [smem:s31+$0x2]  }
0x2c2: {  	v12 =	vld.idx.msk [tilespmem:v20+s21+$0x0], $0xffff;
	v14 =	vadd.f32 v17, v14;
	v9 =	vadd.f32 v10, v9;
	v16 =	vmul.f32 s0, v21  }
0x2c3: {  	v17 =	vor.u32 $0x4, v7;
	v13 =	vmul.f32 v13, v19;
	v18 =	vld.idx.msk [tilespmem:v20+s23+$0x0], $0xffff;
	s0 =	sld [smem:s31+$0x3]  }
.Ltmp9:
0x2c4: {  	s31 =	sadd.s32 $0x8, s31;
	v10 =	vld.idx.msk [tilespmem:v23+s21+$0x0], $0xffff;
	v14 =	vadd.f32 v15, v14;
	v20 =	vadd.f32 v16, v9;
	v19 =	vmul.f32 s3, v19;
	(pc) =	sbr.rel @p1 .LBB2_17-.Ltmp9, $4  }
0x2c5: {  	v15 =	vor.u32 $0x5, v7;
	s3 =	sld [smem:s31+$0xFFFFFFFC];
	v16 =	vld.idx.msk [tilespmem:v23+s23+$0x0], $0xffff;
	v23 =	vmul.f32 v24, v22  }
0x2c6: {  	v9 =	vld.idx.msk [tilespmem:v26+s21+$0x0], $0xffff;
	v24 =	vadd.f32 v13, v14;
	v27 =	vadd.f32 v19, v20;
	v22 =	vmul.f32 s0, v22  }
0x2c7: {  	v8 =	vadd.s32 $0x8, v8;
	v19 =	vmul.f32 v11, v25;
	v13 =	vor.u32 $0x6, v7;
	s0 =	sld [smem:s31+$0xFFFFFFFD];
	v14 =	vld.idx.msk [tilespmem:v26+s23+$0x0], $0xffff  }
0x2c8: {  	v21 =	vmul.f32 s3, v25;
	v11 =	vld.idx.msk [tilespmem:v17+s21+$0x0], $0xffff;
	v20 =	vadd.f32 v23, v24;
	v22 =	vadd.f32 v22, v27  }
0x2c9: {  	_ =	sdelay $0x2  }
0x2ca: {  	v8 =	vmul.f32 v18, v12;
	s2 =	sld [smem:s31+$0xFFFFFFFE];
	v18 =	vadd.f32 v19, v20  }
0x2cb: {  	v17 =	vld.idx.msk [tilespmem:v17+s23+$0x0], $0xffff;
	v7 =	vor.u32 $0x7, v7;
	v19 =	vadd.f32 v21, v22;
	v12 =	vmul.f32 s0, v12  }
0x2cc: {  	s13 =	sld [smem:s31+$0xFFFFFFFF];
	v20 =	vld.idx.msk [tilespmem:v15+s21+$0x0], $0xffff;
	v16 =	vmul.f32 v16, v10;
	v8 =	vadd.f32 v8, v18  }
0x2cd: {  	v15 =	vld.idx.msk [tilespmem:v15+s23+$0x0], $0xffff;
	v12 =	vadd.f32 v12, v19;
	v10 =	vmul.f32 s2, v10  }
0x2ce: {  	s3 =	sld [smem:s31+$0x0];
	v18 =	vld.idx.msk [tilespmem:v13+s21+$0x0], $0xffff;
	v14 =	vmul.f32 v14, v9;
	v8 =	vadd.f32 v16, v8  }
0x2cf: {  	v13 =	vld.idx.msk [tilespmem:v13+s23+$0x0], $0xffff;
	v9 =	vmul.f32 s13, v9;
	v10 =	vadd.f32 v10, v12  }
0x2d0: {  	s13 =	sld [smem:s31+$0x1];
	v12 =	vld.idx.msk [tilespmem:v7+s21+$0x0], $0xffff;
	v16 =	vmul.f32 v17, v11;
	v8 =	vadd.f32 v14, v8  }
0x2d1: {  	v7 =	vld.idx.msk [tilespmem:v7+s23+$0x0], $0xffff;
	v9 =	vadd.f32 v9, v10;
	v10 =	vmul.f32 s3, v11  }
0x2d2: {  	v11 =	vmul.f32 v15, v20;
	s3 =	sld [smem:s31+$0x2];
	v8 =	vadd.f32 v16, v8  }
0x2d3: {  	v9 =	vadd.f32 v10, v9;
	v10 =	vmul.f32 s13, v20  }
0x2d4: {  	v13 =	vmul.f32 v13, v18;
	s13 =	sld [smem:s31+$0x3];
	v8 =	vadd.f32 v11, v8  }
0x2d5: {  	v9 =	vadd.f32 v10, v9;
	v10 =	vmul.f32 s3, v18;
	v11 =	vimm.s32 $0x0  }
0x2d6: {  	v14 =	vmul.f32 v7, v12;
	v7 =	vand.u32 $0xFFFFFFF8, v11;
	v8 =	vadd.f32 v13, v8  }
0x2d7: {  	v9 =	vadd.f32 v10, v9;
	v10 =	vmul.f32 s13, v12;
	v7 =	vadd.s32 v1, v7  }
0x2d8: {  	v8 =	vadd.f32 v14, v8  }
0x2d9: {  	v9 =	vadd.f32 v10, v9;
	v10 =	vor.u32 $0x1, v7  }
0x2da: {  	[tilespmem:s30+$0x121F0] =	vst v8  }
0x2db: {  	[tilespmem:s30+$0x13A70] =	vst v9;
	v8 =	vor.u32 $0x2, v7  }
0x2dc: {  	v21 =	vld.idx.msk [tilespmem:v7+s21+$0x0], $0xffff  }
0x2dd: {  	v14 =	vor.u32 $0x3, v7;
	v13 =	vld.idx.msk [tilespmem:v7+s23+$0x0], $0xffff  }
0x2de: {  	v12 =	vld.idx.msk [tilespmem:v10+s21+$0x0], $0xffff  }
0x2df: {  	v17 =	vor.u32 $0x4, v7;
	v18 =	vld.idx.msk [tilespmem:v10+s23+$0x0], $0xffff  }
0x2e0: {  	v10 =	vld.idx.msk [tilespmem:v8+s21+$0x0], $0xffff  }
0x2e1: {  	v15 =	vor.u32 $0x5, v7;
	s3 =	sld [smem:$0x0];
	v16 =	vld.idx.msk [tilespmem:v8+s23+$0x0], $0xffff  }
0x2e2: {  	v9 =	vld.idx.msk [tilespmem:v14+s21+$0x0], $0xffff  }
0x2e3: {  	v22 =	vimm.f32 $0.0e+00;
	s0 =	sld [smem:$0x1];
	v19 =	vmul.f32 v13, v21;
	v14 =	vld.idx.msk [tilespmem:v14+s23+$0x0], $0xffff;
	v13 =	vor.u32 $0x6, v7  }
0x2e4: {  	s2 =	simm.s32 $0x0;
	v20 =	vimm.f32 $0.0e+00;
	s31 =	simm.s32 $0x4;
	v8 =	vadd.s32 $0x8, v11;
	v11 =	vld.idx.msk [tilespmem:v17+s21+$0x0], $0xffff;
	v21 =	vmul.f32 s3, v21  }
.LBB2_19:
0x2e5: {  	v23 =	vand.u32 $0xFFFFFFF8, v8;
	v18 =	vmul.f32 v18, v12;
	s3 =	sld [smem:s31+$0xFFFFFFFE];
	v17 =	vld.idx.msk [tilespmem:v17+s23+$0x0], $0xffff;
	v24 =	vor.u32 $0x7, v7  }
0x2e6: {  	v19 =	vadd.f32 v19, v20;
	v20 =	vadd.f32 v21, v22;
	v12 =	vmul.f32 s0, v12;
	v21 =	vld.idx.msk [tilespmem:v15+s21+$0x0], $0xffff  }
0x2e7: {  	v7 =	vadd.s32 v1, v23;
	v16 =	vmul.f32 v16, v10;
	s0 =	sld [smem:s31+$0xFFFFFFFF];
	v15 =	vld.idx.msk [tilespmem:v15+s23+$0x0], $0xffff  }
0x2e8: {  	s2 =	sadd.s32 $0x8, s2;
	v18 =	vadd.f32 v18, v19;
	v12 =	vadd.f32 v12, v20;
	v10 =	vmul.f32 s3, v10;
	v19 =	vld.idx.msk [tilespmem:v13+s21+$0x0], $0xffff  }
0x2e9: {  	p1 =	slt.u32 s2, $0x78;
	v20 =	vor.u32 $0x1, v7;
	v14 =	vmul.f32 v14, v9;
	s3 =	sld [smem:s31+$0x0];
	v13 =	vld.idx.msk [tilespmem:v13+s23+$0x0], $0xffff  }
0x2ea: {  	v16 =	vadd.f32 v16, v18;
	v10 =	vadd.f32 v10, v12;
	v9 =	vmul.f32 s0, v9;
	v22 =	vld.idx.msk [tilespmem:v24+s21+$0x0], $0xffff  }
0x2eb: {  	v23 =	vor.u32 $0x2, v7;
	v17 =	vmul.f32 v17, v11;
	s0 =	sld [smem:s31+$0x1];
	v24 =	vld.idx.msk [tilespmem:v24+s23+$0x0], $0xffff  }
0x2ec: {  	v25 =	vld.idx.msk [tilespmem:v7+s21+$0x0], $0xffff;
	v14 =	vadd.f32 v14, v16;
	v9 =	vadd.f32 v9, v10;
	v10 =	vmul.f32 s3, v11  }
0x2ed: {  	v26 =	vor.u32 $0x3, v7;
	v15 =	vmul.f32 v15, v21;
	v11 =	vld.idx.msk [tilespmem:v7+s23+$0x0], $0xffff;
	s3 =	sld [smem:s31+$0x2]  }
0x2ee: {  	v12 =	vld.idx.msk [tilespmem:v20+s21+$0x0], $0xffff;
	v14 =	vadd.f32 v17, v14;
	v9 =	vadd.f32 v10, v9;
	v16 =	vmul.f32 s0, v21  }
0x2ef: {  	v17 =	vor.u32 $0x4, v7;
	v13 =	vmul.f32 v13, v19;
	v18 =	vld.idx.msk [tilespmem:v20+s23+$0x0], $0xffff;
	s0 =	sld [smem:s31+$0x3]  }
.Ltmp10:
0x2f0: {  	s31 =	sadd.s32 $0x8, s31;
	v10 =	vld.idx.msk [tilespmem:v23+s21+$0x0], $0xffff;
	v14 =	vadd.f32 v15, v14;
	v20 =	vadd.f32 v16, v9;
	v19 =	vmul.f32 s3, v19;
	(pc) =	sbr.rel @p1 .LBB2_19-.Ltmp10, $4  }
0x2f1: {  	v15 =	vor.u32 $0x5, v7;
	s3 =	sld [smem:s31+$0xFFFFFFFC];
	v16 =	vld.idx.msk [tilespmem:v23+s23+$0x0], $0xffff;
	v23 =	vmul.f32 v24, v22  }
0x2f2: {  	v9 =	vld.idx.msk [tilespmem:v26+s21+$0x0], $0xffff;
	v24 =	vadd.f32 v13, v14;
	v27 =	vadd.f32 v19, v20;
	v22 =	vmul.f32 s0, v22  }
0x2f3: {  	v8 =	vadd.s32 $0x8, v8;
	v19 =	vmul.f32 v11, v25;
	v13 =	vor.u32 $0x6, v7;
	s0 =	sld [smem:s31+$0xFFFFFFFD];
	v14 =	vld.idx.msk [tilespmem:v26+s23+$0x0], $0xffff  }
0x2f4: {  	v21 =	vmul.f32 s3, v25;
	v11 =	vld.idx.msk [tilespmem:v17+s21+$0x0], $0xffff;
	v20 =	vadd.f32 v23, v24;
	v22 =	vadd.f32 v22, v27  }
0x2f5: {  	_ =	sdelay $0x2  }
0x2f6: {  	v8 =	vmul.f32 v18, v12;
	s2 =	sld [smem:s31+$0xFFFFFFFE];
	v18 =	vadd.f32 v19, v20  }
0x2f7: {  	v17 =	vld.idx.msk [tilespmem:v17+s23+$0x0], $0xffff;
	v7 =	vor.u32 $0x7, v7;
	v19 =	vadd.f32 v21, v22;
	v12 =	vmul.f32 s0, v12  }
0x2f8: {  	s3 =	sld [smem:s31+$0xFFFFFFFF];
	v20 =	vld.idx.msk [tilespmem:v15+s21+$0x0], $0xffff;
	v16 =	vmul.f32 v16, v10;
	v8 =	vadd.f32 v8, v18  }
0x2f9: {  	v15 =	vld.idx.msk [tilespmem:v15+s23+$0x0], $0xffff;
	v12 =	vadd.f32 v12, v19;
	v10 =	vmul.f32 s2, v10  }
0x2fa: {  	s13 =	sld [smem:s31+$0x0];
	v18 =	vld.idx.msk [tilespmem:v13+s21+$0x0], $0xffff;
	v14 =	vmul.f32 v14, v9;
	v8 =	vadd.f32 v16, v8  }
0x2fb: {  	v13 =	vld.idx.msk [tilespmem:v13+s23+$0x0], $0xffff;
	v9 =	vmul.f32 s3, v9;
	v10 =	vadd.f32 v10, v12  }
0x2fc: {  	s3 =	sld [smem:s31+$0x1];
	v12 =	vld.idx.msk [tilespmem:v7+s21+$0x0], $0xffff;
	v16 =	vmul.f32 v17, v11;
	v8 =	vadd.f32 v14, v8  }
0x2fd: {  	v7 =	vld.idx.msk [tilespmem:v7+s23+$0x0], $0xffff;
	v9 =	vadd.f32 v9, v10;
	v10 =	vmul.f32 s13, v11  }
0x2fe: {  	v11 =	vmul.f32 v15, v20;
	s13 =	sld [smem:s31+$0x2];
	v8 =	vadd.f32 v16, v8  }
0x2ff: {  	v9 =	vadd.f32 v10, v9;
	v10 =	vmul.f32 s3, v20  }
0x300: {  	v13 =	vmul.f32 v13, v18;
	s3 =	sld [smem:s31+$0x3];
	v8 =	vadd.f32 v11, v8  }
0x301: {  	v9 =	vadd.f32 v10, v9;
	v10 =	vmul.f32 s13, v18;
	v11 =	vimm.s32 $0x0  }
0x302: {  	v14 =	vmul.f32 v7, v12;
	v7 =	vand.u32 $0xFFFFFFF8, v11;
	v8 =	vadd.f32 v13, v8  }
0x303: {  	v9 =	vadd.f32 v10, v9;
	v10 =	vmul.f32 s3, v12;
	v7 =	vadd.s32 v2, v7  }
0x304: {  	v8 =	vadd.f32 v14, v8  }
0x305: {  	s13 =	sand.u32 $0x1FE0, s30;
	v9 =	vadd.f32 v10, v9;
	v10 =	vor.u32 $0x1, v7  }
0x306: {  	[tilespmem:s13+$0x12200] =	vst v8  }
0x307: {  	[tilespmem:s13+$0x13A80] =	vst v9;
	v8 =	vor.u32 $0x2, v7  }
0x308: {  	v21 =	vld.idx.msk [tilespmem:v7+s21+$0x0], $0xffff  }
0x309: {  	v14 =	vor.u32 $0x3, v7;
	v13 =	vld.idx.msk [tilespmem:v7+s23+$0x0], $0xffff  }
0x30a: {  	v12 =	vld.idx.msk [tilespmem:v10+s21+$0x0], $0xffff  }
0x30b: {  	v17 =	vor.u32 $0x4, v7;
	v18 =	vld.idx.msk [tilespmem:v10+s23+$0x0], $0xffff  }
0x30c: {  	v10 =	vld.idx.msk [tilespmem:v8+s21+$0x0], $0xffff  }
0x30d: {  	v15 =	vor.u32 $0x5, v7;
	s3 =	sld [smem:$0x0];
	v16 =	vld.idx.msk [tilespmem:v8+s23+$0x0], $0xffff  }
0x30e: {  	v9 =	vld.idx.msk [tilespmem:v14+s21+$0x0], $0xffff  }
0x30f: {  	v22 =	vimm.f32 $0.0e+00;
	s0 =	sld [smem:$0x1];
	v19 =	vmul.f32 v13, v21;
	v14 =	vld.idx.msk [tilespmem:v14+s23+$0x0], $0xffff;
	v13 =	vor.u32 $0x6, v7  }
0x310: {  	s2 =	simm.s32 $0x0;
	v20 =	vimm.f32 $0.0e+00;
	s31 =	simm.s32 $0x4;
	v8 =	vadd.s32 $0x8, v11;
	v11 =	vld.idx.msk [tilespmem:v17+s21+$0x0], $0xffff;
	v21 =	vmul.f32 s3, v21  }
.LBB2_21:
0x311: {  	v23 =	vand.u32 $0xFFFFFFF8, v8;
	v18 =	vmul.f32 v18, v12;
	s3 =	sld [smem:s31+$0xFFFFFFFE];
	v17 =	vld.idx.msk [tilespmem:v17+s23+$0x0], $0xffff;
	v24 =	vor.u32 $0x7, v7  }
0x312: {  	v19 =	vadd.f32 v19, v20;
	v20 =	vadd.f32 v21, v22;
	v12 =	vmul.f32 s0, v12;
	v21 =	vld.idx.msk [tilespmem:v15+s21+$0x0], $0xffff  }
0x313: {  	v7 =	vadd.s32 v2, v23;
	v16 =	vmul.f32 v16, v10;
	s0 =	sld [smem:s31+$0xFFFFFFFF];
	v15 =	vld.idx.msk [tilespmem:v15+s23+$0x0], $0xffff  }
0x314: {  	s2 =	sadd.s32 $0x8, s2;
	v18 =	vadd.f32 v18, v19;
	v12 =	vadd.f32 v12, v20;
	v10 =	vmul.f32 s3, v10;
	v19 =	vld.idx.msk [tilespmem:v13+s21+$0x0], $0xffff  }
0x315: {  	p1 =	slt.u32 s2, $0x78;
	v20 =	vor.u32 $0x1, v7;
	v14 =	vmul.f32 v14, v9;
	s3 =	sld [smem:s31+$0x0];
	v13 =	vld.idx.msk [tilespmem:v13+s23+$0x0], $0xffff  }
0x316: {  	v16 =	vadd.f32 v16, v18;
	v10 =	vadd.f32 v10, v12;
	v9 =	vmul.f32 s0, v9;
	v22 =	vld.idx.msk [tilespmem:v24+s21+$0x0], $0xffff  }
0x317: {  	v23 =	vor.u32 $0x2, v7;
	v17 =	vmul.f32 v17, v11;
	s0 =	sld [smem:s31+$0x1];
	v24 =	vld.idx.msk [tilespmem:v24+s23+$0x0], $0xffff  }
0x318: {  	v25 =	vld.idx.msk [tilespmem:v7+s21+$0x0], $0xffff;
	v14 =	vadd.f32 v14, v16;
	v9 =	vadd.f32 v9, v10;
	v10 =	vmul.f32 s3, v11  }
0x319: {  	v26 =	vor.u32 $0x3, v7;
	v15 =	vmul.f32 v15, v21;
	v11 =	vld.idx.msk [tilespmem:v7+s23+$0x0], $0xffff;
	s3 =	sld [smem:s31+$0x2]  }
0x31a: {  	v12 =	vld.idx.msk [tilespmem:v20+s21+$0x0], $0xffff;
	v14 =	vadd.f32 v17, v14;
	v9 =	vadd.f32 v10, v9;
	v16 =	vmul.f32 s0, v21  }
0x31b: {  	v17 =	vor.u32 $0x4, v7;
	v13 =	vmul.f32 v13, v19;
	v18 =	vld.idx.msk [tilespmem:v20+s23+$0x0], $0xffff;
	s0 =	sld [smem:s31+$0x3]  }
.Ltmp11:
0x31c: {  	s31 =	sadd.s32 $0x8, s31;
	v10 =	vld.idx.msk [tilespmem:v23+s21+$0x0], $0xffff;
	v14 =	vadd.f32 v15, v14;
	v20 =	vadd.f32 v16, v9;
	v19 =	vmul.f32 s3, v19;
	(pc) =	sbr.rel @p1 .LBB2_21-.Ltmp11, $4  }
0x31d: {  	v15 =	vor.u32 $0x5, v7;
	s3 =	sld [smem:s31+$0xFFFFFFFC];
	v16 =	vld.idx.msk [tilespmem:v23+s23+$0x0], $0xffff;
	v23 =	vmul.f32 v24, v22  }
0x31e: {  	v9 =	vld.idx.msk [tilespmem:v26+s21+$0x0], $0xffff;
	v24 =	vadd.f32 v13, v14;
	v27 =	vadd.f32 v19, v20;
	v22 =	vmul.f32 s0, v22  }
0x31f: {  	v8 =	vadd.s32 $0x8, v8;
	v19 =	vmul.f32 v11, v25;
	v13 =	vor.u32 $0x6, v7;
	s0 =	sld [smem:s31+$0xFFFFFFFD];
	v14 =	vld.idx.msk [tilespmem:v26+s23+$0x0], $0xffff  }
0x320: {  	v21 =	vmul.f32 s3, v25;
	v11 =	vld.idx.msk [tilespmem:v17+s21+$0x0], $0xffff;
	v20 =	vadd.f32 v23, v24;
	v22 =	vadd.f32 v22, v27  }
0x321: {  	_ =	sdelay $0x2  }
0x322: {  	v8 =	vmul.f32 v18, v12;
	s2 =	sld [smem:s31+$0xFFFFFFFE];
	v18 =	vadd.f32 v19, v20  }
0x323: {  	v17 =	vld.idx.msk [tilespmem:v17+s23+$0x0], $0xffff;
	v7 =	vor.u32 $0x7, v7;
	v19 =	vadd.f32 v21, v22;
	v12 =	vmul.f32 s0, v12  }
0x324: {  	s13 =	sld [smem:s31+$0xFFFFFFFF];
	v20 =	vld.idx.msk [tilespmem:v15+s21+$0x0], $0xffff;
	v16 =	vmul.f32 v16, v10;
	v8 =	vadd.f32 v8, v18  }
0x325: {  	v15 =	vld.idx.msk [tilespmem:v15+s23+$0x0], $0xffff;
	v12 =	vadd.f32 v12, v19;
	v10 =	vmul.f32 s2, v10  }
0x326: {  	s3 =	sld [smem:s31+$0x0];
	v18 =	vld.idx.msk [tilespmem:v13+s21+$0x0], $0xffff;
	v14 =	vmul.f32 v14, v9;
	v8 =	vadd.f32 v16, v8  }
0x327: {  	v13 =	vld.idx.msk [tilespmem:v13+s23+$0x0], $0xffff;
	v9 =	vmul.f32 s13, v9;
	v10 =	vadd.f32 v10, v12  }
0x328: {  	s13 =	sld [smem:s31+$0x1];
	v12 =	vld.idx.msk [tilespmem:v7+s21+$0x0], $0xffff;
	v16 =	vmul.f32 v17, v11;
	v8 =	vadd.f32 v14, v8  }
0x329: {  	v7 =	vld.idx.msk [tilespmem:v7+s23+$0x0], $0xffff;
	v9 =	vadd.f32 v9, v10;
	v10 =	vmul.f32 s3, v11  }
0x32a: {  	v11 =	vmul.f32 v15, v20;
	s3 =	sld [smem:s31+$0x2];
	v8 =	vadd.f32 v16, v8  }
0x32b: {  	v9 =	vadd.f32 v10, v9;
	v10 =	vmul.f32 s13, v20  }
0x32c: {  	v13 =	vmul.f32 v13, v18;
	s13 =	sld [smem:s31+$0x3];
	v8 =	vadd.f32 v11, v8  }
0x32d: {  	v9 =	vadd.f32 v10, v9;
	v10 =	vmul.f32 s3, v18;
	v11 =	vimm.s32 $0x0  }
0x32e: {  	v14 =	vmul.f32 v7, v12;
	v7 =	vand.u32 $0xFFFFFFF8, v11;
	v8 =	vadd.f32 v13, v8  }
0x32f: {  	v9 =	vadd.f32 v10, v9;
	v10 =	vmul.f32 s13, v12;
	v7 =	vadd.s32 v3, v7  }
0x330: {  	v8 =	vadd.f32 v14, v8  }
0x331: {  	v9 =	vadd.f32 v10, v9;
	v10 =	vor.u32 $0x1, v7  }
0x332: {  	[tilespmem:s30+$0x12210] =	vst v8  }
0x333: {  	[tilespmem:s30+$0x13A90] =	vst v9;
	v8 =	vor.u32 $0x2, v7  }
0x334: {  	v21 =	vld.idx.msk [tilespmem:v7+s21+$0x0], $0xffff  }
0x335: {  	v14 =	vor.u32 $0x3, v7;
	v13 =	vld.idx.msk [tilespmem:v7+s23+$0x0], $0xffff  }
0x336: {  	v12 =	vld.idx.msk [tilespmem:v10+s21+$0x0], $0xffff  }
0x337: {  	v17 =	vor.u32 $0x4, v7;
	v18 =	vld.idx.msk [tilespmem:v10+s23+$0x0], $0xffff  }
0x338: {  	v10 =	vld.idx.msk [tilespmem:v8+s21+$0x0], $0xffff  }
0x339: {  	v15 =	vor.u32 $0x5, v7;
	s3 =	sld [smem:$0x0];
	v16 =	vld.idx.msk [tilespmem:v8+s23+$0x0], $0xffff  }
0x33a: {  	v9 =	vld.idx.msk [tilespmem:v14+s21+$0x0], $0xffff  }
0x33b: {  	v22 =	vimm.f32 $0.0e+00;
	s0 =	sld [smem:$0x1];
	v19 =	vmul.f32 v13, v21;
	v14 =	vld.idx.msk [tilespmem:v14+s23+$0x0], $0xffff;
	v13 =	vor.u32 $0x6, v7  }
0x33c: {  	s2 =	simm.s32 $0x0;
	v20 =	vimm.f32 $0.0e+00;
	s31 =	simm.s32 $0x4;
	v8 =	vadd.s32 $0x8, v11;
	v11 =	vld.idx.msk [tilespmem:v17+s21+$0x0], $0xffff;
	v21 =	vmul.f32 s3, v21  }
.LBB2_23:
0x33d: {  	v23 =	vand.u32 $0xFFFFFFF8, v8;
	v18 =	vmul.f32 v18, v12;
	s3 =	sld [smem:s31+$0xFFFFFFFE];
	v17 =	vld.idx.msk [tilespmem:v17+s23+$0x0], $0xffff;
	v24 =	vor.u32 $0x7, v7  }
0x33e: {  	v19 =	vadd.f32 v19, v20;
	v20 =	vadd.f32 v21, v22;
	v12 =	vmul.f32 s0, v12;
	v21 =	vld.idx.msk [tilespmem:v15+s21+$0x0], $0xffff  }
0x33f: {  	v7 =	vadd.s32 v3, v23;
	v16 =	vmul.f32 v16, v10;
	s0 =	sld [smem:s31+$0xFFFFFFFF];
	v15 =	vld.idx.msk [tilespmem:v15+s23+$0x0], $0xffff  }
0x340: {  	s2 =	sadd.s32 $0x8, s2;
	v18 =	vadd.f32 v18, v19;
	v12 =	vadd.f32 v12, v20;
	v10 =	vmul.f32 s3, v10;
	v19 =	vld.idx.msk [tilespmem:v13+s21+$0x0], $0xffff  }
0x341: {  	p1 =	slt.u32 s2, $0x78;
	v20 =	vor.u32 $0x1, v7;
	v14 =	vmul.f32 v14, v9;
	s3 =	sld [smem:s31+$0x0];
	v13 =	vld.idx.msk [tilespmem:v13+s23+$0x0], $0xffff  }
0x342: {  	v16 =	vadd.f32 v16, v18;
	v10 =	vadd.f32 v10, v12;
	v9 =	vmul.f32 s0, v9;
	v22 =	vld.idx.msk [tilespmem:v24+s21+$0x0], $0xffff  }
0x343: {  	v23 =	vor.u32 $0x2, v7;
	v17 =	vmul.f32 v17, v11;
	s0 =	sld [smem:s31+$0x1];
	v24 =	vld.idx.msk [tilespmem:v24+s23+$0x0], $0xffff  }
0x344: {  	v25 =	vld.idx.msk [tilespmem:v7+s21+$0x0], $0xffff;
	v14 =	vadd.f32 v14, v16;
	v9 =	vadd.f32 v9, v10;
	v10 =	vmul.f32 s3, v11  }
0x345: {  	v26 =	vor.u32 $0x3, v7;
	v15 =	vmul.f32 v15, v21;
	v11 =	vld.idx.msk [tilespmem:v7+s23+$0x0], $0xffff;
	s3 =	sld [smem:s31+$0x2]  }
0x346: {  	v12 =	vld.idx.msk [tilespmem:v20+s21+$0x0], $0xffff;
	v14 =	vadd.f32 v17, v14;
	v9 =	vadd.f32 v10, v9;
	v16 =	vmul.f32 s0, v21  }
0x347: {  	v17 =	vor.u32 $0x4, v7;
	v13 =	vmul.f32 v13, v19;
	v18 =	vld.idx.msk [tilespmem:v20+s23+$0x0], $0xffff;
	s0 =	sld [smem:s31+$0x3]  }
.Ltmp12:
0x348: {  	s31 =	sadd.s32 $0x8, s31;
	v10 =	vld.idx.msk [tilespmem:v23+s21+$0x0], $0xffff;
	v14 =	vadd.f32 v15, v14;
	v20 =	vadd.f32 v16, v9;
	v19 =	vmul.f32 s3, v19;
	(pc) =	sbr.rel @p1 .LBB2_23-.Ltmp12, $4  }
0x349: {  	v15 =	vor.u32 $0x5, v7;
	s3 =	sld [smem:s31+$0xFFFFFFFC];
	v16 =	vld.idx.msk [tilespmem:v23+s23+$0x0], $0xffff;
	v23 =	vmul.f32 v24, v22  }
0x34a: {  	v9 =	vld.idx.msk [tilespmem:v26+s21+$0x0], $0xffff;
	v24 =	vadd.f32 v13, v14;
	v27 =	vadd.f32 v19, v20;
	v22 =	vmul.f32 s0, v22  }
0x34b: {  	v8 =	vadd.s32 $0x8, v8;
	v19 =	vmul.f32 v11, v25;
	v13 =	vor.u32 $0x6, v7;
	s0 =	sld [smem:s31+$0xFFFFFFFD];
	v14 =	vld.idx.msk [tilespmem:v26+s23+$0x0], $0xffff  }
0x34c: {  	v21 =	vmul.f32 s3, v25;
	v11 =	vld.idx.msk [tilespmem:v17+s21+$0x0], $0xffff;
	v20 =	vadd.f32 v23, v24;
	v22 =	vadd.f32 v22, v27  }
0x34d: {  	_ =	sdelay $0x2  }
0x34e: {  	v3 =	vmul.f32 v18, v12;
	s2 =	sld [smem:s31+$0xFFFFFFFE];
	v8 =	vadd.f32 v19, v20  }
0x34f: {  	v17 =	vld.idx.msk [tilespmem:v17+s23+$0x0], $0xffff;
	v7 =	vor.u32 $0x7, v7;
	v18 =	vadd.f32 v21, v22;
	v12 =	vmul.f32 s0, v12  }
0x350: {  	s13 =	sld [smem:s31+$0xFFFFFFFF];
	v19 =	vld.idx.msk [tilespmem:v15+s21+$0x0], $0xffff;
	v16 =	vmul.f32 v16, v10;
	v3 =	vadd.f32 v3, v8  }
0x351: {  	v8 =	vld.idx.msk [tilespmem:v15+s23+$0x0], $0xffff;
	v12 =	vadd.f32 v12, v18;
	v10 =	vmul.f32 s2, v10  }
0x352: {  	s3 =	sld [smem:s31+$0x0];
	v15 =	vld.idx.msk [tilespmem:v13+s21+$0x0], $0xffff;
	v14 =	vmul.f32 v14, v9;
	v3 =	vadd.f32 v16, v3  }
0x353: {  	v13 =	vld.idx.msk [tilespmem:v13+s23+$0x0], $0xffff;
	v9 =	vmul.f32 s13, v9;
	v10 =	vadd.f32 v10, v12  }
0x354: {  	s13 =	sld [smem:s31+$0x1];
	v12 =	vld.idx.msk [tilespmem:v7+s21+$0x0], $0xffff;
	v16 =	vmul.f32 v17, v11;
	v3 =	vadd.f32 v14, v3  }
0x355: {  	v7 =	vld.idx.msk [tilespmem:v7+s23+$0x0], $0xffff;
	v9 =	vadd.f32 v9, v10;
	v10 =	vmul.f32 s3, v11  }
0x356: {  	s3 =	sld [smem:s31+$0x2];
	v8 =	vmul.f32 v8, v19;
	v3 =	vadd.f32 v16, v3  }
0x357: {  	v9 =	vadd.f32 v10, v9;
	v10 =	vmul.f32 s13, v19  }
0x358: {  	v11 =	vmul.f32 v13, v15;
	s13 =	sld [smem:s31+$0x3];
	v3 =	vadd.f32 v8, v3  }
0x359: {  	v8 =	vadd.f32 v10, v9;
	v9 =	vmul.f32 s3, v15;
	v10 =	vimm.s32 $0x0  }
0x35a: {  	v7 =	vmul.f32 v7, v12;
	v11 =	vadd.f32 v11, v3;
	v3 =	vand.u32 $0xFFFFFFF8, v10  }
0x35b: {  	v8 =	vadd.f32 v9, v8;
	v9 =	vmul.f32 s13, v12;
	v3 =	vadd.s32 v4, v3  }
0x35c: {  	v7 =	vadd.f32 v7, v11  }
0x35d: {  	v8 =	vadd.f32 v9, v8;
	v9 =	vor.u32 $0x1, v3  }
0x35e: {  	[tilespmem:s30+$0x12220] =	vst v7  }
0x35f: {  	[tilespmem:s30+$0x13AA0] =	vst v8;
	v7 =	vor.u32 $0x2, v3  }
0x360: {  	v20 =	vld.idx.msk [tilespmem:v3+s21+$0x0], $0xffff  }
0x361: {  	v13 =	vor.u32 $0x3, v3;
	v12 =	vld.idx.msk [tilespmem:v3+s23+$0x0], $0xffff  }
0x362: {  	v11 =	vld.idx.msk [tilespmem:v9+s21+$0x0], $0xffff  }
0x363: {  	v16 =	vor.u32 $0x4, v3;
	v17 =	vld.idx.msk [tilespmem:v9+s23+$0x0], $0xffff  }
0x364: {  	v9 =	vld.idx.msk [tilespmem:v7+s21+$0x0], $0xffff  }
0x365: {  	v14 =	vor.u32 $0x5, v3;
	s3 =	sld [smem:$0x0];
	v15 =	vld.idx.msk [tilespmem:v7+s23+$0x0], $0xffff  }
0x366: {  	v8 =	vld.idx.msk [tilespmem:v13+s21+$0x0], $0xffff  }
0x367: {  	v21 =	vimm.f32 $0.0e+00;
	s0 =	sld [smem:$0x1];
	v13 =	vld.idx.msk [tilespmem:v13+s23+$0x0], $0xffff;
	v18 =	vmul.f32 v12, v20;
	v12 =	vor.u32 $0x6, v3  }
0x368: {  	s2 =	simm.s32 $0x0;
	v19 =	vimm.f32 $0.0e+00;
	s31 =	simm.s32 $0x4;
	v7 =	vadd.s32 $0x8, v10;
	v10 =	vld.idx.msk [tilespmem:v16+s21+$0x0], $0xffff;
	v20 =	vmul.f32 s3, v20  }
.LBB2_25:
0x369: {  	v22 =	vand.u32 $0xFFFFFFF8, v7;
	v17 =	vmul.f32 v17, v11;
	s3 =	sld [smem:s31+$0xFFFFFFFE];
	v16 =	vld.idx.msk [tilespmem:v16+s23+$0x0], $0xffff;
	v23 =	vor.u32 $0x7, v3  }
0x36a: {  	v18 =	vadd.f32 v18, v19;
	v19 =	vadd.f32 v20, v21;
	v11 =	vmul.f32 s0, v11;
	v20 =	vld.idx.msk [tilespmem:v14+s21+$0x0], $0xffff  }
0x36b: {  	v3 =	vadd.s32 v4, v22;
	v15 =	vmul.f32 v15, v9;
	s0 =	sld [smem:s31+$0xFFFFFFFF];
	v14 =	vld.idx.msk [tilespmem:v14+s23+$0x0], $0xffff  }
0x36c: {  	s2 =	sadd.s32 $0x8, s2;
	v17 =	vadd.f32 v17, v18;
	v11 =	vadd.f32 v11, v19;
	v9 =	vmul.f32 s3, v9;
	v18 =	vld.idx.msk [tilespmem:v12+s21+$0x0], $0xffff  }
0x36d: {  	p1 =	slt.u32 s2, $0x78;
	v19 =	vor.u32 $0x1, v3;
	v13 =	vmul.f32 v13, v8;
	s3 =	sld [smem:s31+$0x0];
	v12 =	vld.idx.msk [tilespmem:v12+s23+$0x0], $0xffff  }
0x36e: {  	v15 =	vadd.f32 v15, v17;
	v9 =	vadd.f32 v9, v11;
	v8 =	vmul.f32 s0, v8;
	v21 =	vld.idx.msk [tilespmem:v23+s21+$0x0], $0xffff  }
0x36f: {  	v22 =	vor.u32 $0x2, v3;
	v16 =	vmul.f32 v16, v10;
	s0 =	sld [smem:s31+$0x1];
	v23 =	vld.idx.msk [tilespmem:v23+s23+$0x0], $0xffff  }
0x370: {  	v24 =	vld.idx.msk [tilespmem:v3+s21+$0x0], $0xffff;
	v13 =	vadd.f32 v13, v15;
	v8 =	vadd.f32 v8, v9;
	v9 =	vmul.f32 s3, v10  }
0x371: {  	v25 =	vor.u32 $0x3, v3;
	v14 =	vmul.f32 v14, v20;
	v10 =	vld.idx.msk [tilespmem:v3+s23+$0x0], $0xffff;
	s3 =	sld [smem:s31+$0x2]  }
0x372: {  	v11 =	vld.idx.msk [tilespmem:v19+s21+$0x0], $0xffff;
	v13 =	vadd.f32 v16, v13;
	v8 =	vadd.f32 v9, v8;
	v15 =	vmul.f32 s0, v20  }
0x373: {  	v16 =	vor.u32 $0x4, v3;
	v12 =	vmul.f32 v12, v18;
	v17 =	vld.idx.msk [tilespmem:v19+s23+$0x0], $0xffff;
	s0 =	sld [smem:s31+$0x3]  }
.Ltmp13:
0x374: {  	s31 =	sadd.s32 $0x8, s31;
	v9 =	vld.idx.msk [tilespmem:v22+s21+$0x0], $0xffff;
	v13 =	vadd.f32 v14, v13;
	v19 =	vadd.f32 v15, v8;
	v18 =	vmul.f32 s3, v18;
	(pc) =	sbr.rel @p1 .LBB2_25-.Ltmp13, $4  }
0x375: {  	v14 =	vor.u32 $0x5, v3;
	s3 =	sld [smem:s31+$0xFFFFFFFC];
	v15 =	vld.idx.msk [tilespmem:v22+s23+$0x0], $0xffff;
	v22 =	vmul.f32 v23, v21  }
0x376: {  	v8 =	vld.idx.msk [tilespmem:v25+s21+$0x0], $0xffff;
	v23 =	vadd.f32 v12, v13;
	v26 =	vadd.f32 v18, v19;
	v21 =	vmul.f32 s0, v21  }
0x377: {  	v7 =	vadd.s32 $0x8, v7;
	v18 =	vmul.f32 v10, v24;
	v12 =	vor.u32 $0x6, v3;
	s0 =	sld [smem:s31+$0xFFFFFFFD];
	v13 =	vld.idx.msk [tilespmem:v25+s23+$0x0], $0xffff  }
0x378: {  	v20 =	vmul.f32 s3, v24;
	v10 =	vld.idx.msk [tilespmem:v16+s21+$0x0], $0xffff;
	v19 =	vadd.f32 v22, v23;
	v21 =	vadd.f32 v21, v26  }
0x379: {  	_ =	sdelay $0x2  }
0x37a: {  	v4 =	vmul.f32 v17, v11;
	s2 =	sld [smem:s31+$0xFFFFFFFE];
	v7 =	vadd.f32 v18, v19  }
0x37b: {  	v16 =	vld.idx.msk [tilespmem:v16+s23+$0x0], $0xffff;
	v3 =	vor.u32 $0x7, v3;
	v17 =	vadd.f32 v20, v21;
	v11 =	vmul.f32 s0, v11  }
0x37c: {  	s13 =	sld [smem:s31+$0xFFFFFFFF];
	v18 =	vld.idx.msk [tilespmem:v14+s21+$0x0], $0xffff;
	v15 =	vmul.f32 v15, v9;
	v4 =	vadd.f32 v4, v7  }
0x37d: {  	v7 =	vld.idx.msk [tilespmem:v14+s23+$0x0], $0xffff;
	v11 =	vadd.f32 v11, v17;
	v9 =	vmul.f32 s2, v9  }
0x37e: {  	s3 =	sld [smem:s31+$0x0];
	v14 =	vld.idx.msk [tilespmem:v12+s21+$0x0], $0xffff;
	v13 =	vmul.f32 v13, v8;
	v4 =	vadd.f32 v15, v4  }
0x37f: {  	v12 =	vld.idx.msk [tilespmem:v12+s23+$0x0], $0xffff;
	v8 =	vmul.f32 s13, v8;
	v9 =	vadd.f32 v9, v11  }
0x380: {  	s13 =	sld [smem:s31+$0x1];
	v11 =	vld.idx.msk [tilespmem:v3+s21+$0x0], $0xffff;
	v15 =	vmul.f32 v16, v10;
	v4 =	vadd.f32 v13, v4  }
0x381: {  	v3 =	vld.idx.msk [tilespmem:v3+s23+$0x0], $0xffff;
	v8 =	vadd.f32 v8, v9;
	v9 =	vmul.f32 s3, v10  }
0x382: {  	s3 =	sld [smem:s31+$0x2];
	v7 =	vmul.f32 v7, v18;
	v4 =	vadd.f32 v15, v4  }
0x383: {  	v8 =	vadd.f32 v9, v8;
	v9 =	vmul.f32 s13, v18  }
0x384: {  	v10 =	vmul.f32 v12, v14;
	s13 =	sld [smem:s31+$0x3];
	v4 =	vadd.f32 v7, v4  }
0x385: {  	v7 =	vadd.f32 v9, v8;
	v8 =	vmul.f32 s3, v14;
	v9 =	vimm.s32 $0x0  }
0x386: {  	v12 =	vmul.f32 v3, v11;
	v3 =	vand.u32 $0xFFFFFFF8, v9;
	v4 =	vadd.f32 v10, v4  }
0x387: {  	v7 =	vadd.f32 v8, v7;
	v8 =	vmul.f32 s13, v11;
	v3 =	vadd.s32 v5, v3  }
0x388: {  	v4 =	vadd.f32 v12, v4  }
0x389: {  	v7 =	vadd.f32 v8, v7;
	v8 =	vor.u32 $0x1, v3  }
0x38a: {  	[tilespmem:s30+$0x12230] =	vst v4  }
0x38b: {  	[tilespmem:s30+$0x13AB0] =	vst v7;
	v4 =	vor.u32 $0x2, v3  }
0x38c: {  	v19 =	vld.idx.msk [tilespmem:v3+s21+$0x0], $0xffff  }
0x38d: {  	v12 =	vor.u32 $0x3, v3;
	v11 =	vld.idx.msk [tilespmem:v3+s23+$0x0], $0xffff  }
0x38e: {  	v10 =	vld.idx.msk [tilespmem:v8+s21+$0x0], $0xffff  }
0x38f: {  	v15 =	vor.u32 $0x4, v3;
	v16 =	vld.idx.msk [tilespmem:v8+s23+$0x0], $0xffff  }
0x390: {  	v8 =	vld.idx.msk [tilespmem:v4+s21+$0x0], $0xffff  }
0x391: {  	v13 =	vor.u32 $0x5, v3;
	s3 =	sld [smem:$0x0];
	v14 =	vld.idx.msk [tilespmem:v4+s23+$0x0], $0xffff  }
0x392: {  	v7 =	vld.idx.msk [tilespmem:v12+s21+$0x0], $0xffff  }
0x393: {  	v20 =	vimm.f32 $0.0e+00;
	s0 =	sld [smem:$0x1];
	v17 =	vmul.f32 v11, v19;
	v12 =	vld.idx.msk [tilespmem:v12+s23+$0x0], $0xffff;
	v11 =	vor.u32 $0x6, v3  }
0x394: {  	s2 =	simm.s32 $0x0;
	v18 =	vimm.f32 $0.0e+00;
	s31 =	simm.s32 $0x4;
	v4 =	vadd.s32 $0x8, v9;
	v9 =	vld.idx.msk [tilespmem:v15+s21+$0x0], $0xffff;
	v19 =	vmul.f32 s3, v19  }
.LBB2_27:
0x395: {  	v21 =	vand.u32 $0xFFFFFFF8, v4;
	v16 =	vmul.f32 v16, v10;
	s3 =	sld [smem:s31+$0xFFFFFFFE];
	v15 =	vld.idx.msk [tilespmem:v15+s23+$0x0], $0xffff;
	v22 =	vor.u32 $0x7, v3  }
0x396: {  	v17 =	vadd.f32 v17, v18;
	v18 =	vadd.f32 v19, v20;
	v10 =	vmul.f32 s0, v10;
	v19 =	vld.idx.msk [tilespmem:v13+s21+$0x0], $0xffff  }
0x397: {  	v3 =	vadd.s32 v5, v21;
	v14 =	vmul.f32 v14, v8;
	s0 =	sld [smem:s31+$0xFFFFFFFF];
	v13 =	vld.idx.msk [tilespmem:v13+s23+$0x0], $0xffff  }
0x398: {  	s2 =	sadd.s32 $0x8, s2;
	v16 =	vadd.f32 v16, v17;
	v10 =	vadd.f32 v10, v18;
	v8 =	vmul.f32 s3, v8;
	v17 =	vld.idx.msk [tilespmem:v11+s21+$0x0], $0xffff  }
0x399: {  	p1 =	slt.u32 s2, $0x78;
	v18 =	vor.u32 $0x1, v3;
	v12 =	vmul.f32 v12, v7;
	s3 =	sld [smem:s31+$0x0];
	v11 =	vld.idx.msk [tilespmem:v11+s23+$0x0], $0xffff  }
0x39a: {  	v14 =	vadd.f32 v14, v16;
	v8 =	vadd.f32 v8, v10;
	v7 =	vmul.f32 s0, v7;
	v20 =	vld.idx.msk [tilespmem:v22+s21+$0x0], $0xffff  }
0x39b: {  	v21 =	vor.u32 $0x2, v3;
	v15 =	vmul.f32 v15, v9;
	s0 =	sld [smem:s31+$0x1];
	v22 =	vld.idx.msk [tilespmem:v22+s23+$0x0], $0xffff  }
0x39c: {  	v23 =	vld.idx.msk [tilespmem:v3+s21+$0x0], $0xffff;
	v12 =	vadd.f32 v12, v14;
	v7 =	vadd.f32 v7, v8;
	v8 =	vmul.f32 s3, v9  }
0x39d: {  	v24 =	vor.u32 $0x3, v3;
	v13 =	vmul.f32 v13, v19;
	v9 =	vld.idx.msk [tilespmem:v3+s23+$0x0], $0xffff;
	s3 =	sld [smem:s31+$0x2]  }
0x39e: {  	v10 =	vld.idx.msk [tilespmem:v18+s21+$0x0], $0xffff;
	v12 =	vadd.f32 v15, v12;
	v7 =	vadd.f32 v8, v7;
	v14 =	vmul.f32 s0, v19  }
0x39f: {  	v15 =	vor.u32 $0x4, v3;
	v11 =	vmul.f32 v11, v17;
	v16 =	vld.idx.msk [tilespmem:v18+s23+$0x0], $0xffff;
	s0 =	sld [smem:s31+$0x3]  }
.Ltmp14:
0x3a0: {  	s31 =	sadd.s32 $0x8, s31;
	v8 =	vld.idx.msk [tilespmem:v21+s21+$0x0], $0xffff;
	v12 =	vadd.f32 v13, v12;
	v18 =	vadd.f32 v14, v7;
	v17 =	vmul.f32 s3, v17;
	(pc) =	sbr.rel @p1 .LBB2_27-.Ltmp14, $4  }
0x3a1: {  	v13 =	vor.u32 $0x5, v3;
	s3 =	sld [smem:s31+$0xFFFFFFFC];
	v14 =	vld.idx.msk [tilespmem:v21+s23+$0x0], $0xffff;
	v21 =	vmul.f32 v22, v20  }
0x3a2: {  	v7 =	vld.idx.msk [tilespmem:v24+s21+$0x0], $0xffff;
	v22 =	vadd.f32 v11, v12;
	v25 =	vadd.f32 v17, v18;
	v20 =	vmul.f32 s0, v20  }
0x3a3: {  	v4 =	vadd.s32 $0x8, v4;
	v17 =	vmul.f32 v9, v23;
	v11 =	vor.u32 $0x6, v3;
	s0 =	sld [smem:s31+$0xFFFFFFFD];
	v12 =	vld.idx.msk [tilespmem:v24+s23+$0x0], $0xffff  }
0x3a4: {  	v19 =	vmul.f32 s3, v23;
	v9 =	vld.idx.msk [tilespmem:v15+s21+$0x0], $0xffff;
	v18 =	vadd.f32 v21, v22;
	v20 =	vadd.f32 v20, v25  }
0x3a5: {  	_ =	sdelay $0x2  }
0x3a6: {  	v4 =	vmul.f32 v16, v10;
	s2 =	sld [smem:s31+$0xFFFFFFFE];
	v5 =	vadd.f32 v17, v18  }
0x3a7: {  	v15 =	vld.idx.msk [tilespmem:v15+s23+$0x0], $0xffff;
	v3 =	vor.u32 $0x7, v3;
	v16 =	vadd.f32 v19, v20;
	v10 =	vmul.f32 s0, v10  }
0x3a8: {  	s13 =	sld [smem:s31+$0xFFFFFFFF];
	v17 =	vld.idx.msk [tilespmem:v13+s21+$0x0], $0xffff;
	v14 =	vmul.f32 v14, v8;
	v4 =	vadd.f32 v4, v5  }
0x3a9: {  	v5 =	vld.idx.msk [tilespmem:v13+s23+$0x0], $0xffff;
	v10 =	vadd.f32 v10, v16;
	v8 =	vmul.f32 s2, v8  }
0x3aa: {  	s3 =	sld [smem:s31+$0x0];
	v13 =	vld.idx.msk [tilespmem:v11+s21+$0x0], $0xffff;
	v12 =	vmul.f32 v12, v7;
	v4 =	vadd.f32 v14, v4  }
0x3ab: {  	v11 =	vld.idx.msk [tilespmem:v11+s23+$0x0], $0xffff;
	v7 =	vmul.f32 s13, v7;
	v8 =	vadd.f32 v8, v10  }
0x3ac: {  	s13 =	sld [smem:s31+$0x1];
	v10 =	vld.idx.msk [tilespmem:v3+s21+$0x0], $0xffff;
	v14 =	vmul.f32 v15, v9;
	v4 =	vadd.f32 v12, v4  }
0x3ad: {  	v3 =	vld.idx.msk [tilespmem:v3+s23+$0x0], $0xffff;
	v7 =	vadd.f32 v7, v8;
	v8 =	vmul.f32 s3, v9  }
0x3ae: {  	s3 =	sld [smem:s31+$0x2];
	v5 =	vmul.f32 v5, v17;
	v4 =	vadd.f32 v14, v4  }
0x3af: {  	v7 =	vadd.f32 v8, v7;
	v8 =	vmul.f32 s13, v17  }
0x3b0: {  	v9 =	vmul.f32 v11, v13;
	s13 =	sld [smem:s31+$0x3];
	v4 =	vadd.f32 v5, v4  }
0x3b1: {  	v5 =	vadd.f32 v8, v7;
	v7 =	vmul.f32 s3, v13;
	v8 =	vimm.s32 $0x0  }
0x3b2: {  	v11 =	vmul.f32 v3, v10;
	v3 =	vand.u32 $0xFFFFFFF8, v8;
	v4 =	vadd.f32 v9, v4  }
0x3b3: {  	v5 =	vadd.f32 v7, v5;
	v7 =	vmul.f32 s13, v10;
	v3 =	vadd.s32 v6, v3  }
0x3b4: {  	v4 =	vadd.f32 v11, v4  }
0x3b5: {  	v5 =	vadd.f32 v7, v5;
	v7 =	vor.u32 $0x1, v3  }
0x3b6: {  	[tilespmem:s30+$0x12240] =	vst v4  }
0x3b7: {  	[tilespmem:s30+$0x13AC0] =	vst v5;
	v4 =	vor.u32 $0x2, v3  }
0x3b8: {  	v18 =	vld.idx.msk [tilespmem:v3+s21+$0x0], $0xffff  }
0x3b9: {  	v11 =	vor.u32 $0x3, v3;
	v10 =	vld.idx.msk [tilespmem:v3+s23+$0x0], $0xffff  }
0x3ba: {  	v9 =	vld.idx.msk [tilespmem:v7+s21+$0x0], $0xffff  }
0x3bb: {  	v14 =	vor.u32 $0x4, v3;
	v15 =	vld.idx.msk [tilespmem:v7+s23+$0x0], $0xffff  }
0x3bc: {  	v7 =	vld.idx.msk [tilespmem:v4+s21+$0x0], $0xffff  }
0x3bd: {  	v12 =	vor.u32 $0x5, v3;
	s3 =	sld [smem:$0x0];
	v13 =	vld.idx.msk [tilespmem:v4+s23+$0x0], $0xffff  }
0x3be: {  	v5 =	vld.idx.msk [tilespmem:v11+s21+$0x0], $0xffff  }
0x3bf: {  	v19 =	vimm.f32 $0.0e+00;
	s0 =	sld [smem:$0x1];
	v16 =	vmul.f32 v10, v18;
	v11 =	vld.idx.msk [tilespmem:v11+s23+$0x0], $0xffff;
	v10 =	vor.u32 $0x6, v3  }
0x3c0: {  	s2 =	simm.s32 $0x0;
	v17 =	vimm.f32 $0.0e+00;
	s31 =	simm.s32 $0x4;
	v4 =	vadd.s32 $0x8, v8;
	v8 =	vld.idx.msk [tilespmem:v14+s21+$0x0], $0xffff;
	v18 =	vmul.f32 s3, v18  }
.LBB2_29:
0x3c1: {  	v20 =	vand.u32 $0xFFFFFFF8, v4;
	v15 =	vmul.f32 v15, v9;
	s3 =	sld [smem:s31+$0xFFFFFFFE];
	v14 =	vld.idx.msk [tilespmem:v14+s23+$0x0], $0xffff;
	v21 =	vor.u32 $0x7, v3  }
0x3c2: {  	v16 =	vadd.f32 v16, v17;
	v17 =	vadd.f32 v18, v19;
	v9 =	vmul.f32 s0, v9;
	v18 =	vld.idx.msk [tilespmem:v12+s21+$0x0], $0xffff  }
0x3c3: {  	v3 =	vadd.s32 v6, v20;
	v13 =	vmul.f32 v13, v7;
	s0 =	sld [smem:s31+$0xFFFFFFFF];
	v12 =	vld.idx.msk [tilespmem:v12+s23+$0x0], $0xffff  }
0x3c4: {  	s2 =	sadd.s32 $0x8, s2;
	v15 =	vadd.f32 v15, v16;
	v9 =	vadd.f32 v9, v17;
	v7 =	vmul.f32 s3, v7;
	v16 =	vld.idx.msk [tilespmem:v10+s21+$0x0], $0xffff  }
0x3c5: {  	p1 =	slt.u32 s2, $0x78;
	v17 =	vor.u32 $0x1, v3;
	v11 =	vmul.f32 v11, v5;
	s3 =	sld [smem:s31+$0x0];
	v10 =	vld.idx.msk [tilespmem:v10+s23+$0x0], $0xffff  }
0x3c6: {  	v13 =	vadd.f32 v13, v15;
	v7 =	vadd.f32 v7, v9;
	v5 =	vmul.f32 s0, v5;
	v19 =	vld.idx.msk [tilespmem:v21+s21+$0x0], $0xffff  }
0x3c7: {  	v20 =	vor.u32 $0x2, v3;
	v14 =	vmul.f32 v14, v8;
	s0 =	sld [smem:s31+$0x1];
	v21 =	vld.idx.msk [tilespmem:v21+s23+$0x0], $0xffff  }
0x3c8: {  	v22 =	vld.idx.msk [tilespmem:v3+s21+$0x0], $0xffff;
	v11 =	vadd.f32 v11, v13;
	v5 =	vadd.f32 v5, v7;
	v7 =	vmul.f32 s3, v8  }
0x3c9: {  	v23 =	vor.u32 $0x3, v3;
	v12 =	vmul.f32 v12, v18;
	v8 =	vld.idx.msk [tilespmem:v3+s23+$0x0], $0xffff;
	s3 =	sld [smem:s31+$0x2]  }
0x3ca: {  	v9 =	vld.idx.msk [tilespmem:v17+s21+$0x0], $0xffff;
	v11 =	vadd.f32 v14, v11;
	v5 =	vadd.f32 v7, v5;
	v13 =	vmul.f32 s0, v18  }
0x3cb: {  	v14 =	vor.u32 $0x4, v3;
	v10 =	vmul.f32 v10, v16;
	v15 =	vld.idx.msk [tilespmem:v17+s23+$0x0], $0xffff;
	s0 =	sld [smem:s31+$0x3]  }
.Ltmp15:
0x3cc: {  	s31 =	sadd.s32 $0x8, s31;
	v7 =	vld.idx.msk [tilespmem:v20+s21+$0x0], $0xffff;
	v11 =	vadd.f32 v12, v11;
	v17 =	vadd.f32 v13, v5;
	v16 =	vmul.f32 s3, v16;
	(pc) =	sbr.rel @p1 .LBB2_29-.Ltmp15, $4  }
0x3cd: {  	v12 =	vor.u32 $0x5, v3;
	s3 =	sld [smem:s31+$0xFFFFFFFC];
	v13 =	vld.idx.msk [tilespmem:v20+s23+$0x0], $0xffff;
	v20 =	vmul.f32 v21, v19  }
0x3ce: {  	v5 =	vld.idx.msk [tilespmem:v23+s21+$0x0], $0xffff;
	v21 =	vadd.f32 v10, v11;
	v24 =	vadd.f32 v16, v17;
	v19 =	vmul.f32 s0, v19  }
0x3cf: {  	v4 =	vadd.s32 $0x8, v4;
	v16 =	vmul.f32 v8, v22;
	v10 =	vor.u32 $0x6, v3;
	s0 =	sld [smem:s31+$0xFFFFFFFD];
	v11 =	vld.idx.msk [tilespmem:v23+s23+$0x0], $0xffff  }
0x3d0: {  	v18 =	vmul.f32 s3, v22;
	v8 =	vld.idx.msk [tilespmem:v14+s21+$0x0], $0xffff;
	v17 =	vadd.f32 v20, v21;
	v19 =	vadd.f32 v19, v24  }
0x3d1: {  	_ =	sdelay $0x2  }
0x3d2: {  	v4 =	vmul.f32 v15, v9;
	s2 =	sld [smem:s31+$0xFFFFFFFE];
	v6 =	vadd.f32 v16, v17  }
0x3d3: {  	v14 =	vld.idx.msk [tilespmem:v14+s23+$0x0], $0xffff;
	v3 =	vor.u32 $0x7, v3;
	v48 =	vadd.f32 v18, v19;
	v49 =	vmul.f32 s0, v9  }
0x3d4: {  	v50 =	vld.idx.msk [tilespmem:v12+s21+$0x0], $0xffff;
	s3 =	sld [smem:s31+$0xFFFFFFFF];
	v13 =	vmul.f32 v13, v7;
	v4 =	vadd.f32 v4, v6  }
0x3d5: {  	v51 =	vld.idx.msk [tilespmem:v12+s23+$0x0], $0xffff;
	v9 =	vadd.f32 v49, v48;
	v52 =	vmul.f32 s2, v7  }
0x3d6: {  	v53 =	vld.idx.msk [tilespmem:v10+s21+$0x0], $0xffff;
	s13 =	sld [smem:s31+$0x0];
	v11 =	vmul.f32 v11, v5;
	v4 =	vadd.f32 v13, v4  }
0x3d7: {  	v54 =	vld.idx.msk [tilespmem:v10+s23+$0x0], $0xffff;
	v55 =	vmul.f32 s3, v5;
	v7 =	vadd.f32 v52, v9  }
0x3d8: {  	s3 =	sld [smem:s31+$0x1];
	v56 =	vld.idx.msk [tilespmem:v3+s21+$0x0], $0xffff;
	v57 =	vmul.f32 v14, v8;
	v4 =	vadd.f32 v11, v4  }
0x3d9: {  	v58 =	vmul.f32 s13, v8;
	v3 =	vld.idx.msk [tilespmem:v3+s23+$0x0], $0xffff;
	v5 =	vadd.f32 v55, v7  }
0x3da: {  	s13 =	sld [smem:s31+$0x2];
	v6 =	vmul.f32 v51, v50;
	v4 =	vadd.f32 v57, v4  }
0x3db: {  	v59 =	vmul.f32 s3, v50;
	v5 =	vadd.f32 v58, v5  }
0x3dc: {  	s31 =	sld [smem:s31+$0x3];
	v60 =	vmul.f32 v54, v53;
	v4 =	vadd.f32 v6, v4  }
0x3dd: {  	v61 =	vmul.f32 s13, v53;
	v5 =	vadd.f32 v59, v5  }
0x3de: {  	v3 =	vmul.f32 v3, v56;
	v4 =	vadd.f32 v60, v4  }
.Ltmp16:
0x3df: {  	v62 =	vmul.f32 s31, v56;
	v5 =	vadd.f32 v61, v5;
	(pc) =	sbr.rel @p0 .LBB2_32-.Ltmp16, $4  }
0x3e0: {  	v3 =	vadd.f32 v3, v4  }
0x3e1: {  	v63 =	vadd.f32 v62, v5  }
0x3e2: {  	[tilespmem:s30+$0x12250] =	vst v3  }
0x3e3: {  	[tilespmem:s30+$0x13AD0] =	vst v63  }
.Ltmp17:
0x3e4: {  	(pc) =	sbr.rel .LBB2_2-.Ltmp17, $4  }
0x3e5: {  	s0 =	sadd.s32 $0x150, s30  }
0x3e6: {  	[tilespmem:s21], [sflag:$0x3] =	stream.indirect.gather [hbm4b:s1+s18], $0x80, s0, s18, $0xb8;
	[tilespmem:$0x15280] =	vst v63  }
0x3e7: {  	s31 =	sadd.s32 $0x19D0, s30;
	s29 =	sadd.s32 $0x1, s29  }
0x3e8: {  	[tilespmem:s23], [sflag:$0x4] =	stream.indirect.gather [hbm4b:s1+s18], $0x80, s31, s18, $0xb8;
	[tilespmem:$0x15280] =	vst v63  }
.LBB2_33:
0x3e9: {  	_ =	sfence.sel $0x180000  }
0x3ea: {  	[bflag:$0x0] =	sbarrier.arrive $0xFFFF  }
0x3eb: {  	_ =	strace $0x90000047  }
0x3ec: {  	s0 =	stileid.u32;
	[bflag:$0x2] =	sbarrier.arrive $0xFFFF  }
0x3ed: {  	p0 =	sne.s32 s0, $0x0;
	s0 =	rddreg [dreg:$0x3]  }
0x3ee: {  	s0 =	sadd.s32 @!p0 $0x100000, s0  }
0x3ef: {  	[sflag:s0] =	ssyncadd.tile.s32 @!p0 $0x1;
	_ =	shalt  }
.Lfunc_end2:
_tile_overlayer_lowered:
.L_overlay_start_2:
0x3f0: {  	(tag) =	ssettag $0x2  }
0x3f1: {  	s0 =	rddreg [dreg:$0x0];
	s2 =	stileid.u32  }
0x3f2: {  	s1 =	rddreg [dreg:$0x1];
	p0 =	sne.s32 s2, $0x0  }
0x3f3: {  	s3 =	rddreg [dreg:$0x2];
	[bflag:$0x3] =	sbarrier.arrive $0xFFFF;
	s2 =	simm.s32 @!p0 $0x1C06  }
0x3f4: {  	[timem:s3], [sflag:s2] =	dma.local @!p0 [hbm:s0], s1  }
0x3f5: {  	s0 =	simm.s32 @!p0 $0x6  }
0x3f6: {  	_ =	swait.ge @!p0 [sflag:s0], s1  }
0x3f7: {  	s1 =	ssub.s32 @!p0 $0x0, s1;
	[sflag:s0] =	ssyncset.done @!p0 $0x0  }
0x3f8: {  	[sflag:s0] =	ssyncadd.s32 @!p0 s1  }
0x3f9: {  	[bflag:$0x3] =	sbarrier.arrive $0xFFFF  }
0x3fa: {  	_ =	shalt  }

</sc_bundles>
